<compile_context>
chip_gen: v7x
topology: tpu7x:2x2x1
jax: 0.10.2.dev20260603
libtpu: 0.0.44.dev20260713+nightly
codegen_flags: <defaults>
</compile_context>

<pallas_src>
import functools

import jax
import jax.numpy as jnp
from jax import lax
from jax.experimental import pallas as pl
from jax.experimental.pallas import tpu as pltpu
from jax.experimental.pallas import tpu_sc as plsc

N_NODES = 10000
D_FEAT = 128
N_EDGES = 320000

NC = 2
NS = 16

EDGES_PER_TILE = N_EDGES // NS
CHUNK = 80
NCHUNK = EDGES_PER_TILE // CHUNK
IDXB = 25
NBLK = NCHUNK // IDXB
NBUF = 4
ROWS_MAIN = 624
TAIL0 = NS * ROWS_MAIN
TAIL = N_NODES - TAIL0
ZCHUNKS = (80, 80, 80, 80, 80, 80, 80, 64)

_mesh = plsc.VectorSubcoreMesh(core_axis_name="c", subcore_axis_name="s")


@functools.partial(
    pl.kernel,
    mesh=_mesh,
    out_type=jax.ShapeDtypeStruct((N_NODES, NC * D_FEAT), jnp.float32),
    scratch_types=[
        pltpu.VMEM((IDXB, CHUNK), jnp.int32),
        pltpu.VMEM((IDXB, CHUNK), jnp.int32),
        pltpu.VMEM((NBUF, CHUNK, D_FEAT), jnp.float32),
        pltpu.VMEM_SHARED((N_NODES, D_FEAT), jnp.float32),
        pltpu.SemaphoreType.DMA((NBUF,)),
        pltpu.SemaphoreType.DMA((NBUF,)),
    ],
)
def _spmm2(x_hbm, adj1_hbm, adj2_hbm, out_hbm,
           src_v, dst_v, rows_v, acc_sh, gsem, ssem):
    c = lax.axis_index("c")
    s = lax.axis_index("s")

    row0 = s * ROWS_MAIN

    zvec = jnp.zeros((16,), jnp.float32)

    def zrow(r, carry):
        for i in range(D_FEAT // 16):
            rows_v[0, r, pl.ds(i * 16, 16)] = zvec
        return carry

    lax.fori_loop(0, CHUNK, zrow, 0)
    off = 0
    for zc in ZCHUNKS:
        pltpu.sync_copy(rows_v.at[0, pl.ds(0, zc)],
                        acc_sh.at[pl.ds(row0 + off, zc)])
        off += zc

    @pl.when(s == NS - 1)
    def _zero_tail():
        pltpu.sync_copy(rows_v.at[0, pl.ds(0, TAIL)],
                        acc_sh.at[pl.ds(TAIL0, TAIL)])

    plsc.subcore_barrier()

    def gather(j, k):
        pltpu.async_copy(x_hbm.at[src_v.at[j]], rows_v.at[k], gsem.at[k])

    def wait_gather(j, k):
        pltpu.make_async_copy(x_hbm.at[src_v.at[j]], rows_v.at[k],
                              gsem.at[k]).wait()

    def scatter(j, k):
        pltpu.async_copy(rows_v.at[k], acc_sh.at[dst_v.at[j]], ssem.at[k],
                         add=True)

    def wait_scatter(j, k):
        pltpu.make_async_copy(rows_v.at[k], acc_sh.at[dst_v.at[j]],
                              ssem.at[k]).wait()

    def block(b, carry):
        @pl.when(c == 0)
        def _stage1():
            pltpu.sync_copy(adj1_hbm.at[1, s, b], src_v)
            pltpu.sync_copy(adj1_hbm.at[0, s, b], dst_v)

        @pl.when(c == 1)
        def _stage2():
            pltpu.sync_copy(adj2_hbm.at[1, s, b], src_v)
            pltpu.sync_copy(adj2_hbm.at[0, s, b], dst_v)

        gather(0, 0)
        gather(1, 1)
        gather(2, 2)
        for j in range(IDXB):
            k = j % NBUF
            wait_gather(j, k)
            scatter(j, k)
            nj = j + 3
            if nj < IDXB:
                kn = nj % NBUF
                if nj >= NBUF:
                    wait_scatter(nj - NBUF, kn)
                gather(nj, kn)
        for j in range(IDXB - NBUF, IDXB):
            wait_scatter(j, j % NBUF)
        return carry

    lax.fori_loop(0, NBLK, block, 0)

    plsc.subcore_barrier()
    col0 = pl.multiple_of(c * D_FEAT, D_FEAT)
    pltpu.sync_copy(acc_sh.at[pl.ds(row0, ROWS_MAIN)],
                    out_hbm.at[pl.ds(row0, ROWS_MAIN), pl.ds(col0, D_FEAT)])

    @pl.when(s == NS - 1)
    def _out_tail():
        pltpu.sync_copy(acc_sh.at[pl.ds(TAIL0, TAIL)],
                        out_hbm.at[pl.ds(TAIL0, TAIL), pl.ds(col0, D_FEAT)])


def kernel(x, adj_t, adj_t2):
    adj1 = adj_t.reshape(2, NS, NBLK, IDXB, CHUNK)
    adj2 = adj_t2.reshape(2, NS, NBLK, IDXB, CHUNK)
    return _spmm2(x, adj1, adj2)

# --- scband reference (transcript-rebuilt; emitter-appended) ---
"""Pipeline reference for scband-h2-gcnconv-24438363914374 (READ-ONLY COPY).

The authoritative reference and input builder live on the scoring server;
editing this copy changes nothing except your own understanding.
"""

import jax, jax.numpy as jnp
import numpy as np

N_NODES = 10000
D_FEAT = 128
N_EDGES1 = 320000
N_EDGES2 = 320000


def setup_inputs(seed: int = 0) -> dict:
    key = jax.random.key(seed)
    k1, k2, k3 = jax.random.split(key, 3)
    x = jax.random.normal(k1, (N_NODES, D_FEAT), dtype=jnp.float32)
    adj_t = jax.random.randint(k2, (2, N_EDGES1), 0, N_NODES, dtype=jnp.int32)
    adj_t2 = jax.random.randint(k3, (2, N_EDGES2), 0, N_NODES, dtype=jnp.int32)
    return {"x": x, "adj_t": adj_t, "adj_t2": adj_t2}


def reference(x, adj_t, adj_t2):
    # adj_t / adj_t2 encode sparse adjacency as [2, E] = (dst_row, src_col)
    # matmul(adj_t, x): out[dst] += x[src] (binary / unweighted adjacency)
    n = x.shape[0]
    d = x.shape[1]
    dst1, src1 = adj_t[0], adj_t[1]
    dst2, src2 = adj_t2[0], adj_t2[1]
    x1 = jnp.zeros((n, d), dtype=x.dtype).at[dst1].add(jnp.take(x, src1, axis=0))
    x2 = jnp.zeros((n, d), dtype=x.dtype).at[dst2].add(jnp.take(x, src2, axis=0))
    return jnp.concatenate([x1, x2], axis=1)

if __name__ == "__main__":
    import jax
    _d = setup_inputs()
    print(jax.jit(kernel)(*tuple(_d.values())))

</pallas_src>

<mosaic_0001>
#map = affine_map<(d0, d1) -> (0, 0)>
#map1 = affine_map<(d0, d1) -> (0, 0, 0, 0, 0)>
module attributes {stable_mosaic.version = 14 : i64} {
  func.func @_spmm2(%arg0: i32, %arg1: i32, %arg2: memref<10000x128xf32, #tpu.memory_space<hbm>>, %arg3: memref<2x16x10x25x80xi32, #tpu.memory_space<hbm>>, %arg4: memref<2x16x10x25x80xi32, #tpu.memory_space<hbm>>, %arg5: memref<10000x256xf32, #tpu.memory_space<hbm>>, %arg6: memref<25x80xi32, #tpu.memory_space<vmem>>, %arg7: memref<25x80xi32, #tpu.memory_space<vmem>>, %arg8: memref<4x80x128xf32, #tpu.memory_space<vmem>>, %arg9: memref<10000x128xf32, #tpu.memory_space<vmem_shared>>, %arg10: memref<4x!tpu.dma_semaphore, #tpu.memory_space<semaphore_mem>>, %arg11: memref<4x!tpu.dma_semaphore, #tpu.memory_space<semaphore_mem>>) attributes {dimension_semantics = [#tpu.dimension_semantics<core_parallel>, #tpu.dimension_semantics<subcore_parallel>], iteration_bounds = array<i64: 2, 16>, scalar_prefetch = 0 : i64, scratch_operands = 6 : i64, tpu.core_type = #tpu.core_type<sc_vector_subcore>, window_params = [{transform_indices = #map}, {transform_indices = #map1}, {transform_indices = #map1}, {transform_indices = #map}]} {
    %mul3A = arith.constant 624 : i32
    %mul3A_0 = arith.muli %arg1, %mul3A : i32
    %broadcast_in_dim3A = arith.constant 0.000000e+00 : f32
    %broadcast_in_dim3A_1 = vector.broadcast %broadcast_in_dim3A : f32 to vector<16xf32>
    %scan3A = arith.constant 0 : i32
    %scan3A_2 = arith.constant 0 : i32
    %scan3A_3 = arith.constant 80 : i32
    %scan3A_4 = arith.addi %scan3A_2, %scan3A_3 : i32
    %scan3A_5 = arith.constant 1 : i32
    scf.for %scan3A_45 = %scan3A_2 to %scan3A_4 step %scan3A_5  : i32 {
      %swap3A = arith.constant 0 : i32
      %swap3A_46 = arith.index_cast %swap3A : i32 to index
      %swap3A_47 = arith.index_cast %scan3A_45 : i32 to index
      %swap3A_48 = arith.constant 0 : index
      %swap3A_49 = tpu.vector_load %arg8[%swap3A_46, %swap3A_47, %swap3A_48] {strides = array<i32>} : memref<4x80x128xf32, #tpu.memory_space<vmem>>, vector<1x1x16xf32>,
      %swap3A_50 = vector.shape_cast %swap3A_49 : vector<1x1x16xf32> to vector<16xf32>
      %swap3A_51 = vector.shape_cast %broadcast_in_dim3A_1 : vector<16xf32> to vector<1x1x16xf32>
      tpu.vector_store %arg8[%swap3A_46, %swap3A_47, %swap3A_48], %swap3A_51 {strides = array<i32>} : memref<4x80x128xf32, #tpu.memory_space<vmem>>, vector<1x1x16xf32>,
      %swap3A_52 = arith.constant 0 : i32
      %swap3A_53 = arith.index_cast %swap3A_52 : i32 to index
      %swap3A_54 = arith.index_cast %scan3A_45 : i32 to index
      %swap3A_55 = arith.constant 16 : index
      %swap3A_56 = tpu.vector_load %arg8[%swap3A_53, %swap3A_54, %swap3A_55] {strides = array<i32>} : memref<4x80x128xf32, #tpu.memory_space<vmem>>, vector<1x1x16xf32>,
      %swap3A_57 = vector.shape_cast %swap3A_56 : vector<1x1x16xf32> to vector<16xf32>
      %swap3A_58 = vector.shape_cast %broadcast_in_dim3A_1 : vector<16xf32> to vector<1x1x16xf32>
      tpu.vector_store %arg8[%swap3A_53, %swap3A_54, %swap3A_55], %swap3A_58 {strides = array<i32>} : memref<4x80x128xf32, #tpu.memory_space<vmem>>, vector<1x1x16xf32>,
      %swap3A_59 = arith.constant 0 : i32
      %swap3A_60 = arith.index_cast %swap3A_59 : i32 to index
      %swap3A_61 = arith.index_cast %scan3A_45 : i32 to index
      %swap3A_62 = arith.constant 32 : index
      %swap3A_63 = tpu.vector_load %arg8[%swap3A_60, %swap3A_61, %swap3A_62] {strides = array<i32>} : memref<4x80x128xf32, #tpu.memory_space<vmem>>, vector<1x1x16xf32>,
      %swap3A_64 = vector.shape_cast %swap3A_63 : vector<1x1x16xf32> to vector<16xf32>
      %swap3A_65 = vector.shape_cast %broadcast_in_dim3A_1 : vector<16xf32> to vector<1x1x16xf32>
      tpu.vector_store %arg8[%swap3A_60, %swap3A_61, %swap3A_62], %swap3A_65 {strides = array<i32>} : memref<4x80x128xf32, #tpu.memory_space<vmem>>, vector<1x1x16xf32>,
      %swap3A_66 = arith.constant 0 : i32
      %swap3A_67 = arith.index_cast %swap3A_66 : i32 to index
      %swap3A_68 = arith.index_cast %scan3A_45 : i32 to index
      %swap3A_69 = arith.constant 48 : index
      %swap3A_70 = tpu.vector_load %arg8[%swap3A_67, %swap3A_68, %swap3A_69] {strides = array<i32>} : memref<4x80x128xf32, #tpu.memory_space<vmem>>, vector<1x1x16xf32>,
      %swap3A_71 = vector.shape_cast %swap3A_70 : vector<1x1x16xf32> to vector<16xf32>
      %swap3A_72 = vector.shape_cast %broadcast_in_dim3A_1 : vector<16xf32> to vector<1x1x16xf32>
      tpu.vector_store %arg8[%swap3A_67, %swap3A_68, %swap3A_69], %swap3A_72 {strides = array<i32>} : memref<4x80x128xf32, #tpu.memory_space<vmem>>, vector<1x1x16xf32>,
      %swap3A_73 = arith.constant 0 : i32
      %swap3A_74 = arith.index_cast %swap3A_73 : i32 to index
      %swap3A_75 = arith.index_cast %scan3A_45 : i32 to index
      %swap3A_76 = arith.constant 64 : index
      %swap3A_77 = tpu.vector_load %arg8[%swap3A_74, %swap3A_75, %swap3A_76] {strides = array<i32>} : memref<4x80x128xf32, #tpu.memory_space<vmem>>, vector<1x1x16xf32>,
      %swap3A_78 = vector.shape_cast %swap3A_77 : vector<1x1x16xf32> to vector<16xf32>
      %swap3A_79 = vector.shape_cast %broadcast_in_dim3A_1 : vector<16xf32> to vector<1x1x16xf32>
      tpu.vector_store %arg8[%swap3A_74, %swap3A_75, %swap3A_76], %swap3A_79 {strides = array<i32>} : memref<4x80x128xf32, #tpu.memory_space<vmem>>, vector<1x1x16xf32>,
      %swap3A_80 = arith.constant 0 : i32
      %swap3A_81 = arith.index_cast %swap3A_80 : i32 to index
      %swap3A_82 = arith.index_cast %scan3A_45 : i32 to index
      %swap3A_83 = arith.constant 80 : index
      %swap3A_84 = tpu.vector_load %arg8[%swap3A_81, %swap3A_82, %swap3A_83] {strides = array<i32>} : memref<4x80x128xf32, #tpu.memory_space<vmem>>, vector<1x1x16xf32>,
      %swap3A_85 = vector.shape_cast %swap3A_84 : vector<1x1x16xf32> to vector<16xf32>
      %swap3A_86 = vector.shape_cast %broadcast_in_dim3A_1 : vector<16xf32> to vector<1x1x16xf32>
      tpu.vector_store %arg8[%swap3A_81, %swap3A_82, %swap3A_83], %swap3A_86 {strides = array<i32>} : memref<4x80x128xf32, #tpu.memory_space<vmem>>, vector<1x1x16xf32>,
      %swap3A_87 = arith.constant 0 : i32
      %swap3A_88 = arith.index_cast %swap3A_87 : i32 to index
      %swap3A_89 = arith.index_cast %scan3A_45 : i32 to index
      %swap3A_90 = arith.constant 96 : index
      %swap3A_91 = tpu.vector_load %arg8[%swap3A_88, %swap3A_89, %swap3A_90] {strides = array<i32>} : memref<4x80x128xf32, #tpu.memory_space<vmem>>, vector<1x1x16xf32>,
      %swap3A_92 = vector.shape_cast %swap3A_91 : vector<1x1x16xf32> to vector<16xf32>
      %swap3A_93 = vector.shape_cast %broadcast_in_dim3A_1 : vector<16xf32> to vector<1x1x16xf32>
      tpu.vector_store %arg8[%swap3A_88, %swap3A_89, %swap3A_90], %swap3A_93 {strides = array<i32>} : memref<4x80x128xf32, #tpu.memory_space<vmem>>, vector<1x1x16xf32>,
      %swap3A_94 = arith.constant 0 : i32
      %swap3A_95 = arith.index_cast %swap3A_94 : i32 to index
      %swap3A_96 = arith.index_cast %scan3A_45 : i32 to index
      %swap3A_97 = arith.constant 112 : index
      %swap3A_98 = tpu.vector_load %arg8[%swap3A_95, %swap3A_96, %swap3A_97] {strides = array<i32>} : memref<4x80x128xf32, #tpu.memory_space<vmem>>, vector<1x1x16xf32>,
      %swap3A_99 = vector.shape_cast %swap3A_98 : vector<1x1x16xf32> to vector<16xf32>
      %swap3A_100 = vector.shape_cast %broadcast_in_dim3A_1 : vector<16xf32> to vector<1x1x16xf32>
      tpu.vector_store %arg8[%swap3A_95, %swap3A_96, %swap3A_97], %swap3A_100 {strides = array<i32>} : memref<4x80x128xf32, #tpu.memory_space<vmem>>, vector<1x1x16xf32>,
    }
    %scan3A_6 = arith.constant 80 : i32
    %add3A = arith.constant 0 : i32
    %add3A_7 = arith.addi %mul3A_0, %add3A : i32
    %run_scoped3A = arith.constant 0 : i32
    "tpu.region"() ({
      %run_scoped3A_45 = tpu.sem_alloc : memref<!tpu.dma_semaphore, #tpu.memory_space<semaphore_mem>>
      %dma_start3A = arith.constant 0 : i32
      %dma_start3A_46 = arith.constant 0 : i32
      %dma_start3A_47 = tpu.memref_slice %arg8[%run_scoped3A, %dma_start3A, %dma_start3A_46] : memref<4x80x128xf32, #tpu.memory_space<vmem>> -> memref<1x80x128xf32, #tpu.memory_space<vmem>>
      %dma_start3A_48 = tpu.memref_squeeze %dma_start3A_47 : memref<1x80x128xf32, #tpu.memory_space<vmem>> -> memref<80x128xf32, #tpu.memory_space<vmem>>
      %dma_start3A_49 = arith.constant 0 : i32
      %dma_start3A_50 = tpu.memref_slice %arg9[%add3A_7, %dma_start3A_49] : memref<10000x128xf32, #tpu.memory_space<vmem_shared>> -> memref<80x128xf32, #tpu.memory_space<vmem_shared>>
      %dma_start3A_51 = arith.constant 0 : i32
      %dma_start3A_52 = tpu.memref_slice %arg9[%add3A_7, %dma_start3A_51] : memref<10000x128xf32, #tpu.memory_space<vmem_shared>> -> memref<80x128xf32, #tpu.memory_space<vmem_shared>>
      %dma_start3A_53 = arith.constant 0 : i32
      %dma_start3A_54 = arith.constant 0 : i32
      %dma_start3A_55 = tpu.memref_slice %arg8[%run_scoped3A, %dma_start3A_53, %dma_start3A_54] : memref<4x80x128xf32, #tpu.memory_space<vmem>> -> memref<1x80x128xf32, #tpu.memory_space<vmem>>
      %dma_start3A_56 = tpu.memref_squeeze %dma_start3A_55 : memref<1x80x128xf32, #tpu.memory_space<vmem>> -> memref<80x128xf32, #tpu.memory_space<vmem>>
      tpu.enqueue_dma source(%dma_start3A_56 : memref<80x128xf32, #tpu.memory_space<vmem>>) target(%dma_start3A_52 : memref<80x128xf32, #tpu.memory_space<vmem_shared>>) target_semaphore(%run_scoped3A_45 : memref<!tpu.dma_semaphore, #tpu.memory_space<semaphore_mem>>)
      %dma_wait3A = arith.constant 0 : i32
      %dma_wait3A_57 = arith.constant 0 : i32
      %dma_wait3A_58 = tpu.memref_slice %arg8[%run_scoped3A, %dma_wait3A, %dma_wait3A_57] : memref<4x80x128xf32, #tpu.memory_space<vmem>> -> memref<1x80x128xf32, #tpu.memory_space<vmem>>
      %dma_wait3A_59 = tpu.memref_squeeze %dma_wait3A_58 : memref<1x80x128xf32, #tpu.memory_space<vmem>> -> memref<80x128xf32, #tpu.memory_space<vmem>>
      %dma_wait3A_60 = arith.constant 0 : i32
      %dma_wait3A_61 = tpu.memref_slice %arg9[%add3A_7, %dma_wait3A_60] : memref<10000x128xf32, #tpu.memory_space<vmem_shared>> -> memref<80x128xf32, #tpu.memory_space<vmem_shared>>
      %dma_wait3A_62 = arith.constant 0 : i32
      %dma_wait3A_63 = tpu.memref_slice %arg9[%add3A_7, %dma_wait3A_62] : memref<10000x128xf32, #tpu.memory_space<vmem_shared>> -> memref<80x128xf32, #tpu.memory_space<vmem_shared>>
      %dma_wait3A_64 = arith.constant 0 : i32
      %dma_wait3A_65 = arith.constant 0 : i32
      %dma_wait3A_66 = tpu.memref_slice %arg8[%run_scoped3A, %dma_wait3A_64, %dma_wait3A_65] : memref<4x80x128xf32, #tpu.memory_space<vmem>> -> memref<1x80x128xf32, #tpu.memory_space<vmem>>
      %dma_wait3A_67 = tpu.memref_squeeze %dma_wait3A_66 : memref<1x80x128xf32, #tpu.memory_space<vmem>> -> memref<80x128xf32, #tpu.memory_space<vmem>>
      tpu.wait_dma2 semaphore(%run_scoped3A_45 : memref<!tpu.dma_semaphore, #tpu.memory_space<semaphore_mem>>) src(%dma_wait3A_67 : memref<80x128xf32, #tpu.memory_space<vmem>>) dst(%dma_wait3A_63 : memref<80x128xf32, #tpu.memory_space<vmem_shared>>)
      tpu.yield
    }) : () -> ()
    %add3A_8 = arith.constant 80 : i32
    %add3A_9 = arith.addi %mul3A_0, %add3A_8 : i32
    %run_scoped3A_10 = arith.constant 0 : i32
    "tpu.region"() ({
      %run_scoped3A_45 = tpu.sem_alloc : memref<!tpu.dma_semaphore, #tpu.memory_space<semaphore_mem>>
      %dma_start3A = arith.constant 0 : i32
      %dma_start3A_46 = arith.constant 0 : i32
      %dma_start3A_47 = tpu.memref_slice %arg8[%run_scoped3A_10, %dma_start3A, %dma_start3A_46] : memref<4x80x128xf32, #tpu.memory_space<vmem>> -> memref<1x80x128xf32, #tpu.memory_space<vmem>>
      %dma_start3A_48 = tpu.memref_squeeze %dma_start3A_47 : memref<1x80x128xf32, #tpu.memory_space<vmem>> -> memref<80x128xf32, #tpu.memory_space<vmem>>
      %dma_start3A_49 = arith.constant 0 : i32
      %dma_start3A_50 = tpu.memref_slice %arg9[%add3A_9, %dma_start3A_49] : memref<10000x128xf32, #tpu.memory_space<vmem_shared>> -> memref<80x128xf32, #tpu.memory_space<vmem_shared>>
      %dma_start3A_51 = arith.constant 0 : i32
      %dma_start3A_52 = tpu.memref_slice %arg9[%add3A_9, %dma_start3A_51] : memref<10000x128xf32, #tpu.memory_space<vmem_shared>> -> memref<80x128xf32, #tpu.memory_space<vmem_shared>>
      %dma_start3A_53 = arith.constant 0 : i32
      %dma_start3A_54 = arith.constant 0 : i32
      %dma_start3A_55 = tpu.memref_slice %arg8[%run_scoped3A_10, %dma_start3A_53, %dma_start3A_54] : memref<4x80x128xf32, #tpu.memory_space<vmem>> -> memref<1x80x128xf32, #tpu.memory_space<vmem>>
      %dma_start3A_56 = tpu.memref_squeeze %dma_start3A_55 : memref<1x80x128xf32, #tpu.memory_space<vmem>> -> memref<80x128xf32, #tpu.memory_space<vmem>>
      tpu.enqueue_dma source(%dma_start3A_56 : memref<80x128xf32, #tpu.memory_space<vmem>>) target(%dma_start3A_52 : memref<80x128xf32, #tpu.memory_space<vmem_shared>>) target_semaphore(%run_scoped3A_45 : memref<!tpu.dma_semaphore, #tpu.memory_space<semaphore_mem>>)
      %dma_wait3A = arith.constant 0 : i32
      %dma_wait3A_57 = arith.constant 0 : i32
      %dma_wait3A_58 = tpu.memref_slice %arg8[%run_scoped3A_10, %dma_wait3A, %dma_wait3A_57] : memref<4x80x128xf32, #tpu.memory_space<vmem>> -> memref<1x80x128xf32, #tpu.memory_space<vmem>>
      %dma_wait3A_59 = tpu.memref_squeeze %dma_wait3A_58 : memref<1x80x128xf32, #tpu.memory_space<vmem>> -> memref<80x128xf32, #tpu.memory_space<vmem>>
      %dma_wait3A_60 = arith.constant 0 : i32
      %dma_wait3A_61 = tpu.memref_slice %arg9[%add3A_9, %dma_wait3A_60] : memref<10000x128xf32, #tpu.memory_space<vmem_shared>> -> memref<80x128xf32, #tpu.memory_space<vmem_shared>>
      %dma_wait3A_62 = arith.constant 0 : i32
      %dma_wait3A_63 = tpu.memref_slice %arg9[%add3A_9, %dma_wait3A_62] : memref<10000x128xf32, #tpu.memory_space<vmem_shared>> -> memref<80x128xf32, #tpu.memory_space<vmem_shared>>
      %dma_wait3A_64 = arith.constant 0 : i32
      %dma_wait3A_65 = arith.constant 0 : i32
      %dma_wait3A_66 = tpu.memref_slice %arg8[%run_scoped3A_10, %dma_wait3A_64, %dma_wait3A_65] : memref<4x80x128xf32, #tpu.memory_space<vmem>> -> memref<1x80x128xf32, #tpu.memory_space<vmem>>
      %dma_wait3A_67 = tpu.memref_squeeze %dma_wait3A_66 : memref<1x80x128xf32, #tpu.memory_space<vmem>> -> memref<80x128xf32, #tpu.memory_space<vmem>>
      tpu.wait_dma2 semaphore(%run_scoped3A_45 : memref<!tpu.dma_semaphore, #tpu.memory_space<semaphore_mem>>) src(%dma_wait3A_67 : memref<80x128xf32, #tpu.memory_space<vmem>>) dst(%dma_wait3A_63 : memref<80x128xf32, #tpu.memory_space<vmem_shared>>)
      tpu.yield
    }) : () -> ()
    %add3A_11 = arith.constant 160 : i32
    %add3A_12 = arith.addi %mul3A_0, %add3A_11 : i32
    %run_scoped3A_13 = arith.constant 0 : i32
    "tpu.region"() ({
      %run_scoped3A_45 = tpu.sem_alloc : memref<!tpu.dma_semaphore, #tpu.memory_space<semaphore_mem>>
      %dma_start3A = arith.constant 0 : i32
      %dma_start3A_46 = arith.constant 0 : i32
      %dma_start3A_47 = tpu.memref_slice %arg8[%run_scoped3A_13, %dma_start3A, %dma_start3A_46] : memref<4x80x128xf32, #tpu.memory_space<vmem>> -> memref<1x80x128xf32, #tpu.memory_space<vmem>>
      %dma_start3A_48 = tpu.memref_squeeze %dma_start3A_47 : memref<1x80x128xf32, #tpu.memory_space<vmem>> -> memref<80x128xf32, #tpu.memory_space<vmem>>
      %dma_start3A_49 = arith.constant 0 : i32
      %dma_start3A_50 = tpu.memref_slice %arg9[%add3A_12, %dma_start3A_49] : memref<10000x128xf32, #tpu.memory_space<vmem_shared>> -> memref<80x128xf32, #tpu.memory_space<vmem_shared>>
      %dma_start3A_51 = arith.constant 0 : i32
      %dma_start3A_52 = tpu.memref_slice %arg9[%add3A_12, %dma_start3A_51] : memref<10000x128xf32, #tpu.memory_space<vmem_shared>> -> memref<80x128xf32, #tpu.memory_space<vmem_shared>>
      %dma_start3A_53 = arith.constant 0 : i32
      %dma_start3A_54 = arith.constant 0 : i32
      %dma_start3A_55 = tpu.memref_slice %arg8[%run_scoped3A_13, %dma_start3A_53, %dma_start3A_54] : memref<4x80x128xf32, #tpu.memory_space<vmem>> -> memref<1x80x128xf32, #tpu.memory_space<vmem>>
      %dma_start3A_56 = tpu.memref_squeeze %dma_start3A_55 : memref<1x80x128xf32, #tpu.memory_space<vmem>> -> memref<80x128xf32, #tpu.memory_space<vmem>>
      tpu.enqueue_dma source(%dma_start3A_56 : memref<80x128xf32, #tpu.memory_space<vmem>>) target(%dma_start3A_52 : memref<80x128xf32, #tpu.memory_space<vmem_shared>>) target_semaphore(%run_scoped3A_45 : memref<!tpu.dma_semaphore, #tpu.memory_space<semaphore_mem>>)
      %dma_wait3A = arith.constant 0 : i32
      %dma_wait3A_57 = arith.constant 0 : i32
      %dma_wait3A_58 = tpu.memref_slice %arg8[%run_scoped3A_13, %dma_wait3A, %dma_wait3A_57] : memref<4x80x128xf32, #tpu.memory_space<vmem>> -> memref<1x80x128xf32, #tpu.memory_space<vmem>>
      %dma_wait3A_59 = tpu.memref_squeeze %dma_wait3A_58 : memref<1x80x128xf32, #tpu.memory_space<vmem>> -> memref<80x128xf32, #tpu.memory_space<vmem>>
      %dma_wait3A_60 = arith.constant 0 : i32
      %dma_wait3A_61 = tpu.memref_slice %arg9[%add3A_12, %dma_wait3A_60] : memref<10000x128xf32, #tpu.memory_space<vmem_shared>> -> memref<80x128xf32, #tpu.memory_space<vmem_shared>>
      %dma_wait3A_62 = arith.constant 0 : i32
      %dma_wait3A_63 = tpu.memref_slice %arg9[%add3A_12, %dma_wait3A_62] : memref<10000x128xf32, #tpu.memory_space<vmem_shared>> -> memref<80x128xf32, #tpu.memory_space<vmem_shared>>
      %dma_wait3A_64 = arith.constant 0 : i32
      %dma_wait3A_65 = arith.constant 0 : i32
      %dma_wait3A_66 = tpu.memref_slice %arg8[%run_scoped3A_13, %dma_wait3A_64, %dma_wait3A_65] : memref<4x80x128xf32, #tpu.memory_space<vmem>> -> memref<1x80x128xf32, #tpu.memory_space<vmem>>
      %dma_wait3A_67 = tpu.memref_squeeze %dma_wait3A_66 : memref<1x80x128xf32, #tpu.memory_space<vmem>> -> memref<80x128xf32, #tpu.memory_space<vmem>>
      tpu.wait_dma2 semaphore(%run_scoped3A_45 : memref<!tpu.dma_semaphore, #tpu.memory_space<semaphore_mem>>) src(%dma_wait3A_67 : memref<80x128xf32, #tpu.memory_space<vmem>>) dst(%dma_wait3A_63 : memref<80x128xf32, #tpu.memory_space<vmem_shared>>)
      tpu.yield
    }) : () -> ()
    %add3A_14 = arith.constant 240 : i32
    %add3A_15 = arith.addi %mul3A_0, %add3A_14 : i32
    %run_scoped3A_16 = arith.constant 0 : i32
    "tpu.region"() ({
      %run_scoped3A_45 = tpu.sem_alloc : memref<!tpu.dma_semaphore, #tpu.memory_space<semaphore_mem>>
      %dma_start3A = arith.constant 0 : i32
      %dma_start3A_46 = arith.constant 0 : i32
      %dma_start3A_47 = tpu.memref_slice %arg8[%run_scoped3A_16, %dma_start3A, %dma_start3A_46] : memref<4x80x128xf32, #tpu.memory_space<vmem>> -> memref<1x80x128xf32, #tpu.memory_space<vmem>>
      %dma_start3A_48 = tpu.memref_squeeze %dma_start3A_47 : memref<1x80x128xf32, #tpu.memory_space<vmem>> -> memref<80x128xf32, #tpu.memory_space<vmem>>
      %dma_start3A_49 = arith.constant 0 : i32
      %dma_start3A_50 = tpu.memref_slice %arg9[%add3A_15, %dma_start3A_49] : memref<10000x128xf32, #tpu.memory_space<vmem_shared>> -> memref<80x128xf32, #tpu.memory_space<vmem_shared>>
      %dma_start3A_51 = arith.constant 0 : i32
      %dma_start3A_52 = tpu.memref_slice %arg9[%add3A_15, %dma_start3A_51] : memref<10000x128xf32, #tpu.memory_space<vmem_shared>> -> memref<80x128xf32, #tpu.memory_space<vmem_shared>>
      %dma_start3A_53 = arith.constant 0 : i32
      %dma_start3A_54 = arith.constant 0 : i32
      %dma_start3A_55 = tpu.memref_slice %arg8[%run_scoped3A_16, %dma_start3A_53, %dma_start3A_54] : memref<4x80x128xf32, #tpu.memory_space<vmem>> -> memref<1x80x128xf32, #tpu.memory_space<vmem>>
      %dma_start3A_56 = tpu.memref_squeeze %dma_start3A_55 : memref<1x80x128xf32, #tpu.memory_space<vmem>> -> memref<80x128xf32, #tpu.memory_space<vmem>>
      tpu.enqueue_dma source(%dma_start3A_56 : memref<80x128xf32, #tpu.memory_space<vmem>>) target(%dma_start3A_52 : memref<80x128xf32, #tpu.memory_space<vmem_shared>>) target_semaphore(%run_scoped3A_45 : memref<!tpu.dma_semaphore, #tpu.memory_space<semaphore_mem>>)
      %dma_wait3A = arith.constant 0 : i32
      %dma_wait3A_57 = arith.constant 0 : i32
      %dma_wait3A_58 = tpu.memref_slice %arg8[%run_scoped3A_16, %dma_wait3A, %dma_wait3A_57] : memref<4x80x128xf32, #tpu.memory_space<vmem>> -> memref<1x80x128xf32, #tpu.memory_space<vmem>>
      %dma_wait3A_59 = tpu.memref_squeeze %dma_wait3A_58 : memref<1x80x128xf32, #tpu.memory_space<vmem>> -> memref<80x128xf32, #tpu.memory_space<vmem>>
      %dma_wait3A_60 = arith.constant 0 : i32
      %dma_wait3A_61 = tpu.memref_slice %arg9[%add3A_15, %dma_wait3A_60] : memref<10000x128xf32, #tpu.memory_space<vmem_shared>> -> memref<80x128xf32, #tpu.memory_space<vmem_shared>>
      %dma_wait3A_62 = arith.constant 0 : i32
      %dma_wait3A_63 = tpu.memref_slice %arg9[%add3A_15, %dma_wait3A_62] : memref<10000x128xf32, #tpu.memory_space<vmem_shared>> -> memref<80x128xf32, #tpu.memory_space<vmem_shared>>
      %dma_wait3A_64 = arith.constant 0 : i32
      %dma_wait3A_65 = arith.constant 0 : i32
      %dma_wait3A_66 = tpu.memref_slice %arg8[%run_scoped3A_16, %dma_wait3A_64, %dma_wait3A_65] : memref<4x80x128xf32, #tpu.memory_space<vmem>> -> memref<1x80x128xf32, #tpu.memory_space<vmem>>
      %dma_wait3A_67 = tpu.memref_squeeze %dma_wait3A_66 : memref<1x80x128xf32, #tpu.memory_space<vmem>> -> memref<80x128xf32, #tpu.memory_space<vmem>>
      tpu.wait_dma2 semaphore(%run_scoped3A_45 : memref<!tpu.dma_semaphore, #tpu.memory_space<semaphore_mem>>) src(%dma_wait3A_67 : memref<80x128xf32, #tpu.memory_space<vmem>>) dst(%dma_wait3A_63 : memref<80x128xf32, #tpu.memory_space<vmem_shared>>)
      tpu.yield
    }) : () -> ()
    %add3A_17 = arith.constant 320 : i32
    %add3A_18 = arith.addi %mul3A_0, %add3A_17 : i32
    %run_scoped3A_19 = arith.constant 0 : i32
    "tpu.region"() ({
      %run_scoped3A_45 = tpu.sem_alloc : memref<!tpu.dma_semaphore, #tpu.memory_space<semaphore_mem>>
      %dma_start3A = arith.constant 0 : i32
      %dma_start3A_46 = arith.constant 0 : i32
      %dma_start3A_47 = tpu.memref_slice %arg8[%run_scoped3A_19, %dma_start3A, %dma_start3A_46] : memref<4x80x128xf32, #tpu.memory_space<vmem>> -> memref<1x80x128xf32, #tpu.memory_space<vmem>>
      %dma_start3A_48 = tpu.memref_squeeze %dma_start3A_47 : memref<1x80x128xf32, #tpu.memory_space<vmem>> -> memref<80x128xf32, #tpu.memory_space<vmem>>
      %dma_start3A_49 = arith.constant 0 : i32
      %dma_start3A_50 = tpu.memref_slice %arg9[%add3A_18, %dma_start3A_49] : memref<10000x128xf32, #tpu.memory_space<vmem_shared>> -> memref<80x128xf32, #tpu.memory_space<vmem_shared>>
      %dma_start3A_51 = arith.constant 0 : i32
      %dma_start3A_52 = tpu.memref_slice %arg9[%add3A_18, %dma_start3A_51] : memref<10000x128xf32, #tpu.memory_space<vmem_shared>> -> memref<80x128xf32, #tpu.memory_space<vmem_shared>>
      %dma_start3A_53 = arith.constant 0 : i32
      %dma_start3A_54 = arith.constant 0 : i32
      %dma_start3A_55 = tpu.memref_slice %arg8[%run_scoped3A_19, %dma_start3A_53, %dma_start3A_54] : memref<4x80x128xf32, #tpu.memory_space<vmem>> -> memref<1x80x128xf32, #tpu.memory_space<vmem>>
      %dma_start3A_56 = tpu.memref_squeeze %dma_start3A_55 : memref<1x80x128xf32, #tpu.memory_space<vmem>> -> memref<80x128xf32, #tpu.memory_space<vmem>>
      tpu.enqueue_dma source(%dma_start3A_56 : memref<80x128xf32, #tpu.memory_space<vmem>>) target(%dma_start3A_52 : memref<80x128xf32, #tpu.memory_space<vmem_shared>>) target_semaphore(%run_scoped3A_45 : memref<!tpu.dma_semaphore, #tpu.memory_space<semaphore_mem>>)
      %dma_wait3A = arith.constant 0 : i32
      %dma_wait3A_57 = arith.constant 0 : i32
      %dma_wait3A_58 = tpu.memref_slice %arg8[%run_scoped3A_19, %dma_wait3A, %dma_wait3A_57] : memref<4x80x128xf32, #tpu.memory_space<vmem>> -> memref<1x80x128xf32, #tpu.memory_space<vmem>>
      %dma_wait3A_59 = tpu.memref_squeeze %dma_wait3A_58 : memref<1x80x128xf32, #tpu.memory_space<vmem>> -> memref<80x128xf32, #tpu.memory_space<vmem>>
      %dma_wait3A_60 = arith.constant 0 : i32
      %dma_wait3A_61 = tpu.memref_slice %arg9[%add3A_18, %dma_wait3A_60] : memref<10000x128xf32, #tpu.memory_space<vmem_shared>> -> memref<80x128xf32, #tpu.memory_space<vmem_shared>>
      %dma_wait3A_62 = arith.constant 0 : i32
      %dma_wait3A_63 = tpu.memref_slice %arg9[%add3A_18, %dma_wait3A_62] : memref<10000x128xf32, #tpu.memory_space<vmem_shared>> -> memref<80x128xf32, #tpu.memory_space<vmem_shared>>
      %dma_wait3A_64 = arith.constant 0 : i32
      %dma_wait3A_65 = arith.constant 0 : i32
      %dma_wait3A_66 = tpu.memref_slice %arg8[%run_scoped3A_19, %dma_wait3A_64, %dma_wait3A_65] : memref<4x80x128xf32, #tpu.memory_space<vmem>> -> memref<1x80x128xf32, #tpu.memory_space<vmem>>
      %dma_wait3A_67 = tpu.memref_squeeze %dma_wait3A_66 : memref<1x80x128xf32, #tpu.memory_space<vmem>> -> memref<80x128xf32, #tpu.memory_space<vmem>>
      tpu.wait_dma2 semaphore(%run_scoped3A_45 : memref<!tpu.dma_semaphore, #tpu.memory_space<semaphore_mem>>) src(%dma_wait3A_67 : memref<80x128xf32, #tpu.memory_space<vmem>>) dst(%dma_wait3A_63 : memref<80x128xf32, #tpu.memory_space<vmem_shared>>)
      tpu.yield
    }) : () -> ()
    %add3A_20 = arith.constant 400 : i32
    %add3A_21 = arith.addi %mul3A_0, %add3A_20 : i32
    %run_scoped3A_22 = arith.constant 0 : i32
    "tpu.region"() ({
      %run_scoped3A_45 = tpu.sem_alloc : memref<!tpu.dma_semaphore, #tpu.memory_space<semaphore_mem>>
      %dma_start3A = arith.constant 0 : i32
      %dma_start3A_46 = arith.constant 0 : i32
      %dma_start3A_47 = tpu.memref_slice %arg8[%run_scoped3A_22, %dma_start3A, %dma_start3A_46] : memref<4x80x128xf32, #tpu.memory_space<vmem>> -> memref<1x80x128xf32, #tpu.memory_space<vmem>>
      %dma_start3A_48 = tpu.memref_squeeze %dma_start3A_47 : memref<1x80x128xf32, #tpu.memory_space<vmem>> -> memref<80x128xf32, #tpu.memory_space<vmem>>
      %dma_start3A_49 = arith.constant 0 : i32
      %dma_start3A_50 = tpu.memref_slice %arg9[%add3A_21, %dma_start3A_49] : memref<10000x128xf32, #tpu.memory_space<vmem_shared>> -> memref<80x128xf32, #tpu.memory_space<vmem_shared>>
      %dma_start3A_51 = arith.constant 0 : i32
      %dma_start3A_52 = tpu.memref_slice %arg9[%add3A_21, %dma_start3A_51] : memref<10000x128xf32, #tpu.memory_space<vmem_shared>> -> memref<80x128xf32, #tpu.memory_space<vmem_shared>>
      %dma_start3A_53 = arith.constant 0 : i32
      %dma_start3A_54 = arith.constant 0 : i32
      %dma_start3A_55 = tpu.memref_slice %arg8[%run_scoped3A_22, %dma_start3A_53, %dma_start3A_54] : memref<4x80x128xf32, #tpu.memory_space<vmem>> -> memref<1x80x128xf32, #tpu.memory_space<vmem>>
      %dma_start3A_56 = tpu.memref_squeeze %dma_start3A_55 : memref<1x80x128xf32, #tpu.memory_space<vmem>> -> memref<80x128xf32, #tpu.memory_space<vmem>>
      tpu.enqueue_dma source(%dma_start3A_56 : memref<80x128xf32, #tpu.memory_space<vmem>>) target(%dma_start3A_52 : memref<80x128xf32, #tpu.memory_space<vmem_shared>>) target_semaphore(%run_scoped3A_45 : memref<!tpu.dma_semaphore, #tpu.memory_space<semaphore_mem>>)
      %dma_wait3A = arith.constant 0 : i32
      %dma_wait3A_57 = arith.constant 0 : i32
      %dma_wait3A_58 = tpu.memref_slice %arg8[%run_scoped3A_22, %dma_wait3A, %dma_wait3A_57] : memref<4x80x128xf32, #tpu.memory_space<vmem>> -> memref<1x80x128xf32, #tpu.memory_space<vmem>>
      %dma_wait3A_59 = tpu.memref_squeeze %dma_wait3A_58 : memref<1x80x128xf32, #tpu.memory_space<vmem>> -> memref<80x128xf32, #tpu.memory_space<vmem>>
      %dma_wait3A_60 = arith.constant 0 : i32
      %dma_wait3A_61 = tpu.memref_slice %arg9[%add3A_21, %dma_wait3A_60] : memref<10000x128xf32, #tpu.memory_space<vmem_shared>> -> memref<80x128xf32, #tpu.memory_space<vmem_shared>>
      %dma_wait3A_62 = arith.constant 0 : i32
      %dma_wait3A_63 = tpu.memref_slice %arg9[%add3A_21, %dma_wait3A_62] : memref<10000x128xf32, #tpu.memory_space<vmem_shared>> -> memref<80x128xf32, #tpu.memory_space<vmem_shared>>
      %dma_wait3A_64 = arith.constant 0 : i32
      %dma_wait3A_65 = arith.constant 0 : i32
      %dma_wait3A_66 = tpu.memref_slice %arg8[%run_scoped3A_22, %dma_wait3A_64, %dma_wait3A_65] : memref<4x80x128xf32, #tpu.memory_space<vmem>> -> memref<1x80x128xf32, #tpu.memory_space<vmem>>
      %dma_wait3A_67 = tpu.memref_squeeze %dma_wait3A_66 : memref<1x80x128xf32, #tpu.memory_space<vmem>> -> memref<80x128xf32, #tpu.memory_space<vmem>>
      tpu.wait_dma2 semaphore(%run_scoped3A_45 : memref<!tpu.dma_semaphore, #tpu.memory_space<semaphore_mem>>) src(%dma_wait3A_67 : memref<80x128xf32, #tpu.memory_space<vmem>>) dst(%dma_wait3A_63 : memref<80x128xf32, #tpu.memory_space<vmem_shared>>)
      tpu.yield
    }) : () -> ()
    %add3A_23 = arith.constant 480 : i32
    %add3A_24 = arith.addi %mul3A_0, %add3A_23 : i32
    %run_scoped3A_25 = arith.constant 0 : i32
    "tpu.region"() ({
      %run_scoped3A_45 = tpu.sem_alloc : memref<!tpu.dma_semaphore, #tpu.memory_space<semaphore_mem>>
      %dma_start3A = arith.constant 0 : i32
      %dma_start3A_46 = arith.constant 0 : i32
      %dma_start3A_47 = tpu.memref_slice %arg8[%run_scoped3A_25, %dma_start3A, %dma_start3A_46] : memref<4x80x128xf32, #tpu.memory_space<vmem>> -> memref<1x80x128xf32, #tpu.memory_space<vmem>>
      %dma_start3A_48 = tpu.memref_squeeze %dma_start3A_47 : memref<1x80x128xf32, #tpu.memory_space<vmem>> -> memref<80x128xf32, #tpu.memory_space<vmem>>
      %dma_start3A_49 = arith.constant 0 : i32
      %dma_start3A_50 = tpu.memref_slice %arg9[%add3A_24, %dma_start3A_49] : memref<10000x128xf32, #tpu.memory_space<vmem_shared>> -> memref<80x128xf32, #tpu.memory_space<vmem_shared>>
      %dma_start3A_51 = arith.constant 0 : i32
      %dma_start3A_52 = tpu.memref_slice %arg9[%add3A_24, %dma_start3A_51] : memref<10000x128xf32, #tpu.memory_space<vmem_shared>> -> memref<80x128xf32, #tpu.memory_space<vmem_shared>>
      %dma_start3A_53 = arith.constant 0 : i32
      %dma_start3A_54 = arith.constant 0 : i32
      %dma_start3A_55 = tpu.memref_slice %arg8[%run_scoped3A_25, %dma_start3A_53, %dma_start3A_54] : memref<4x80x128xf32, #tpu.memory_space<vmem>> -> memref<1x80x128xf32, #tpu.memory_space<vmem>>
      %dma_start3A_56 = tpu.memref_squeeze %dma_start3A_55 : memref<1x80x128xf32, #tpu.memory_space<vmem>> -> memref<80x128xf32, #tpu.memory_space<vmem>>
      tpu.enqueue_dma source(%dma_start3A_56 : memref<80x128xf32, #tpu.memory_space<vmem>>) target(%dma_start3A_52 : memref<80x128xf32, #tpu.memory_space<vmem_shared>>) target_semaphore(%run_scoped3A_45 : memref<!tpu.dma_semaphore, #tpu.memory_space<semaphore_mem>>)
      %dma_wait3A = arith.constant 0 : i32
      %dma_wait3A_57 = arith.constant 0 : i32
      %dma_wait3A_58 = tpu.memref_slice %arg8[%run_scoped3A_25, %dma_wait3A, %dma_wait3A_57] : memref<4x80x128xf32, #tpu.memory_space<vmem>> -> memref<1x80x128xf32, #tpu.memory_space<vmem>>
      %dma_wait3A_59 = tpu.memref_squeeze %dma_wait3A_58 : memref<1x80x128xf32, #tpu.memory_space<vmem>> -> memref<80x128xf32, #tpu.memory_space<vmem>>
      %dma_wait3A_60 = arith.constant 0 : i32
      %dma_wait3A_61 = tpu.memref_slice %arg9[%add3A_24, %dma_wait3A_60] : memref<10000x128xf32, #tpu.memory_space<vmem_shared>> -> memref<80x128xf32, #tpu.memory_space<vmem_shared>>
      %dma_wait3A_62 = arith.constant 0 : i32
      %dma_wait3A_63 = tpu.memref_slice %arg9[%add3A_24, %dma_wait3A_62] : memref<10000x128xf32, #tpu.memory_space<vmem_shared>> -> memref<80x128xf32, #tpu.memory_space<vmem_shared>>
      %dma_wait3A_64 = arith.constant 0 : i32
      %dma_wait3A_65 = arith.constant 0 : i32
      %dma_wait3A_66 = tpu.memref_slice %arg8[%run_scoped3A_25, %dma_wait3A_64, %dma_wait3A_65] : memref<4x80x128xf32, #tpu.memory_space<vmem>> -> memref<1x80x128xf32, #tpu.memory_space<vmem>>
      %dma_wait3A_67 = tpu.memref_squeeze %dma_wait3A_66 : memref<1x80x128xf32, #tpu.memory_space<vmem>> -> memref<80x128xf32, #tpu.memory_space<vmem>>
      tpu.wait_dma2 semaphore(%run_scoped3A_45 : memref<!tpu.dma_semaphore, #tpu.memory_space<semaphore_mem>>) src(%dma_wait3A_67 : memref<80x128xf32, #tpu.memory_space<vmem>>) dst(%dma_wait3A_63 : memref<80x128xf32, #tpu.memory_space<vmem_shared>>)
      tpu.yield
    }) : () -> ()
    %add3A_26 = arith.constant 560 : i32
    %add3A_27 = arith.addi %mul3A_0, %add3A_26 : i32
    %run_scoped3A_28 = arith.constant 0 : i32
    "tpu.region"() ({
      %run_scoped3A_45 = tpu.sem_alloc : memref<!tpu.dma_semaphore, #tpu.memory_space<semaphore_mem>>
      %dma_start3A = arith.constant 0 : i32
      %dma_start3A_46 = arith.constant 0 : i32
      %dma_start3A_47 = tpu.memref_slice %arg8[%run_scoped3A_28, %dma_start3A, %dma_start3A_46] : memref<4x80x128xf32, #tpu.memory_space<vmem>> -> memref<1x64x128xf32, #tpu.memory_space<vmem>>
      %dma_start3A_48 = tpu.memref_squeeze %dma_start3A_47 : memref<1x64x128xf32, #tpu.memory_space<vmem>> -> memref<64x128xf32, #tpu.memory_space<vmem>>
      %dma_start3A_49 = arith.constant 0 : i32
      %dma_start3A_50 = tpu.memref_slice %arg9[%add3A_27, %dma_start3A_49] : memref<10000x128xf32, #tpu.memory_space<vmem_shared>> -> memref<64x128xf32, #tpu.memory_space<vmem_shared>>
      %dma_start3A_51 = arith.constant 0 : i32
      %dma_start3A_52 = tpu.memref_slice %arg9[%add3A_27, %dma_start3A_51] : memref<10000x128xf32, #tpu.memory_space<vmem_shared>> -> memref<64x128xf32, #tpu.memory_space<vmem_shared>>
      %dma_start3A_53 = arith.constant 0 : i32
      %dma_start3A_54 = arith.constant 0 : i32
      %dma_start3A_55 = tpu.memref_slice %arg8[%run_scoped3A_28, %dma_start3A_53, %dma_start3A_54] : memref<4x80x128xf32, #tpu.memory_space<vmem>> -> memref<1x64x128xf32, #tpu.memory_space<vmem>>
      %dma_start3A_56 = tpu.memref_squeeze %dma_start3A_55 : memref<1x64x128xf32, #tpu.memory_space<vmem>> -> memref<64x128xf32, #tpu.memory_space<vmem>>
      tpu.enqueue_dma source(%dma_start3A_56 : memref<64x128xf32, #tpu.memory_space<vmem>>) target(%dma_start3A_52 : memref<64x128xf32, #tpu.memory_space<vmem_shared>>) target_semaphore(%run_scoped3A_45 : memref<!tpu.dma_semaphore, #tpu.memory_space<semaphore_mem>>)
      %dma_wait3A = arith.constant 0 : i32
      %dma_wait3A_57 = arith.constant 0 : i32
      %dma_wait3A_58 = tpu.memref_slice %arg8[%run_scoped3A_28, %dma_wait3A, %dma_wait3A_57] : memref<4x80x128xf32, #tpu.memory_space<vmem>> -> memref<1x64x128xf32, #tpu.memory_space<vmem>>
      %dma_wait3A_59 = tpu.memref_squeeze %dma_wait3A_58 : memref<1x64x128xf32, #tpu.memory_space<vmem>> -> memref<64x128xf32, #tpu.memory_space<vmem>>
      %dma_wait3A_60 = arith.constant 0 : i32
      %dma_wait3A_61 = tpu.memref_slice %arg9[%add3A_27, %dma_wait3A_60] : memref<10000x128xf32, #tpu.memory_space<vmem_shared>> -> memref<64x128xf32, #tpu.memory_space<vmem_shared>>
      %dma_wait3A_62 = arith.constant 0 : i32
      %dma_wait3A_63 = tpu.memref_slice %arg9[%add3A_27, %dma_wait3A_62] : memref<10000x128xf32, #tpu.memory_space<vmem_shared>> -> memref<64x128xf32, #tpu.memory_space<vmem_shared>>
      %dma_wait3A_64 = arith.constant 0 : i32
      %dma_wait3A_65 = arith.constant 0 : i32
      %dma_wait3A_66 = tpu.memref_slice %arg8[%run_scoped3A_28, %dma_wait3A_64, %dma_wait3A_65] : memref<4x80x128xf32, #tpu.memory_space<vmem>> -> memref<1x64x128xf32, #tpu.memory_space<vmem>>
      %dma_wait3A_67 = tpu.memref_squeeze %dma_wait3A_66 : memref<1x64x128xf32, #tpu.memory_space<vmem>> -> memref<64x128xf32, #tpu.memory_space<vmem>>
      tpu.wait_dma2 semaphore(%run_scoped3A_45 : memref<!tpu.dma_semaphore, #tpu.memory_space<semaphore_mem>>) src(%dma_wait3A_67 : memref<64x128xf32, #tpu.memory_space<vmem>>) dst(%dma_wait3A_63 : memref<64x128xf32, #tpu.memory_space<vmem_shared>>)
      tpu.yield
    }) : () -> ()
    %eq3A = arith.constant 15 : i32
    %eq3A_29 = arith.cmpi eq, %arg1, %eq3A : i32
    %convert_element_type3A = arith.extui %eq3A_29 : i1 to i32
    %cond3A = arith.constant 0 : i32
    %cond3A_30 = arith.cmpi ne, %convert_element_type3A, %cond3A : i32
    scf.if %cond3A_30 {
      %run_scoped3A_45 = arith.constant 0 : i32
      "tpu.region"() ({
        %run_scoped3A_46 = tpu.sem_alloc : memref<!tpu.dma_semaphore, #tpu.memory_space<semaphore_mem>>
        %dma_start3A = arith.constant 0 : i32
        %dma_start3A_47 = arith.constant 0 : i32
        %dma_start3A_48 = tpu.memref_slice %arg8[%run_scoped3A_45, %dma_start3A, %dma_start3A_47] : memref<4x80x128xf32, #tpu.memory_space<vmem>> -> memref<1x16x128xf32, #tpu.memory_space<vmem>>
        %dma_start3A_49 = tpu.memref_squeeze %dma_start3A_48 : memref<1x16x128xf32, #tpu.memory_space<vmem>> -> memref<16x128xf32, #tpu.memory_space<vmem>>
        %dma_start3A_50 = arith.constant 9984 : i32
        %dma_start3A_51 = arith.constant 0 : i32
        %dma_start3A_52 = tpu.memref_slice %arg9[%dma_start3A_50, %dma_start3A_51] : memref<10000x128xf32, #tpu.memory_space<vmem_shared>> -> memref<16x128xf32, #tpu.memory_space<vmem_shared>>
        %dma_start3A_53 = arith.constant 9984 : i32
        %dma_start3A_54 = arith.constant 0 : i32
        %dma_start3A_55 = tpu.memref_slice %arg9[%dma_start3A_53, %dma_start3A_54] : memref<10000x128xf32, #tpu.memory_space<vmem_shared>> -> memref<16x128xf32, #tpu.memory_space<vmem_shared>>
        %dma_start3A_56 = arith.constant 0 : i32
        %dma_start3A_57 = arith.constant 0 : i32
        %dma_start3A_58 = tpu.memref_slice %arg8[%run_scoped3A_45, %dma_start3A_56, %dma_start3A_57] : memref<4x80x128xf32, #tpu.memory_space<vmem>> -> memref<1x16x128xf32, #tpu.memory_space<vmem>>
        %dma_start3A_59 = tpu.memref_squeeze %dma_start3A_58 : memref<1x16x128xf32, #tpu.memory_space<vmem>> -> memref<16x128xf32, #tpu.memory_space<vmem>>
        tpu.enqueue_dma source(%dma_start3A_59 : memref<16x128xf32, #tpu.memory_space<vmem>>) target(%dma_start3A_55 : memref<16x128xf32, #tpu.memory_space<vmem_shared>>) target_semaphore(%run_scoped3A_46 : memref<!tpu.dma_semaphore, #tpu.memory_space<semaphore_mem>>)
        %dma_wait3A = arith.constant 0 : i32
        %dma_wait3A_60 = arith.constant 0 : i32
        %dma_wait3A_61 = tpu.memref_slice %arg8[%run_scoped3A_45, %dma_wait3A, %dma_wait3A_60] : memref<4x80x128xf32, #tpu.memory_space<vmem>> -> memref<1x16x128xf32, #tpu.memory_space<vmem>>
        %dma_wait3A_62 = tpu.memref_squeeze %dma_wait3A_61 : memref<1x16x128xf32, #tpu.memory_space<vmem>> -> memref<16x128xf32, #tpu.memory_space<vmem>>
        %dma_wait3A_63 = arith.constant 9984 : i32
        %dma_wait3A_64 = arith.constant 0 : i32
        %dma_wait3A_65 = tpu.memref_slice %arg9[%dma_wait3A_63, %dma_wait3A_64] : memref<10000x128xf32, #tpu.memory_space<vmem_shared>> -> memref<16x128xf32, #tpu.memory_space<vmem_shared>>
        %dma_wait3A_66 = arith.constant 9984 : i32
        %dma_wait3A_67 = arith.constant 0 : i32
        %dma_wait3A_68 = tpu.memref_slice %arg9[%dma_wait3A_66, %dma_wait3A_67] : memref<10000x128xf32, #tpu.memory_space<vmem_shared>> -> memref<16x128xf32, #tpu.memory_space<vmem_shared>>
        %dma_wait3A_69 = arith.constant 0 : i32
        %dma_wait3A_70 = arith.constant 0 : i32
        %dma_wait3A_71 = tpu.memref_slice %arg8[%run_scoped3A_45, %dma_wait3A_69, %dma_wait3A_70] : memref<4x80x128xf32, #tpu.memory_space<vmem>> -> memref<1x16x128xf32, #tpu.memory_space<vmem>>
        %dma_wait3A_72 = tpu.memref_squeeze %dma_wait3A_71 : memref<1x16x128xf32, #tpu.memory_space<vmem>> -> memref<16x128xf32, #tpu.memory_space<vmem>>
        tpu.wait_dma2 semaphore(%run_scoped3A_46 : memref<!tpu.dma_semaphore, #tpu.memory_space<semaphore_mem>>) src(%dma_wait3A_72 : memref<16x128xf32, #tpu.memory_space<vmem>>) dst(%dma_wait3A_68 : memref<16x128xf32, #tpu.memory_space<vmem_shared>>)
        tpu.yield
      }) : () -> ()
    } else {
    }
    %barrier3A = arith.constant 0 : index
    tpu.barrier barrier_id(%barrier3A)
    %scan3A_31 = arith.constant 0 : i32
    %scan3A_32 = arith.constant 0 : i32
    %scan3A_33 = arith.constant 10 : i32
    %scan3A_34 = arith.addi %scan3A_32, %scan3A_33 : i32
    %scan3A_35 = arith.constant 1 : i32
    scf.for %scan3A_45 = %scan3A_32 to %scan3A_34 step %scan3A_35  : i32 {
      %eq3A_46 = arith.constant 0 : i32
      %eq3A_47 = arith.cmpi eq, %arg0, %eq3A_46 : i32
      %convert_element_type3A_48 = arith.extui %eq3A_47 : i1 to i32
      %cond3A_49 = arith.constant 0 : i32
      %cond3A_50 = arith.cmpi ne, %convert_element_type3A_48, %cond3A_49 : i32
      scf.if %cond3A_50 {
        %run_scoped3A_1554 = arith.constant 1 : i32
        "tpu.region"() ({
          %run_scoped3A_1556 = tpu.sem_alloc : memref<!tpu.dma_semaphore, #tpu.memory_space<semaphore_mem>>
          %dma_start3A_1557 = arith.constant 0 : i32
          %dma_start3A_1558 = arith.constant 0 : i32
          %dma_start3A_1559 = tpu.memref_slice %arg3[%run_scoped3A_1554, %arg1, %scan3A_45, %dma_start3A_1557, %dma_start3A_1558] : memref<2x16x10x25x80xi32, #tpu.memory_space<hbm>> -> memref<1x1x1x25x80xi32, #tpu.memory_space<hbm>>
          %dma_start3A_1560 = tpu.memref_squeeze %dma_start3A_1559 : memref<1x1x1x25x80xi32, #tpu.memory_space<hbm>> -> memref<25x80xi32, #tpu.memory_space<hbm>>
          %dma_start3A_1561 = arith.constant 0 : i32
          %dma_start3A_1562 = arith.constant 0 : i32
          %dma_start3A_1563 = tpu.memref_slice %arg3[%run_scoped3A_1554, %arg1, %scan3A_45, %dma_start3A_1561, %dma_start3A_1562] : memref<2x16x10x25x80xi32, #tpu.memory_space<hbm>> -> memref<1x1x1x25x80xi32, #tpu.memory_space<hbm>>
          %dma_start3A_1564 = tpu.memref_squeeze %dma_start3A_1563 : memref<1x1x1x25x80xi32, #tpu.memory_space<hbm>> -> memref<25x80xi32, #tpu.memory_space<hbm>>
          tpu.enqueue_dma source(%dma_start3A_1564 : memref<25x80xi32, #tpu.memory_space<hbm>>) target(%arg6 : memref<25x80xi32, #tpu.memory_space<vmem>>) target_semaphore(%run_scoped3A_1556 : memref<!tpu.dma_semaphore, #tpu.memory_space<semaphore_mem>>)
          %dma_wait3A_1565 = arith.constant 0 : i32
          %dma_wait3A_1566 = arith.constant 0 : i32
          %dma_wait3A_1567 = tpu.memref_slice %arg3[%run_scoped3A_1554, %arg1, %scan3A_45, %dma_wait3A_1565, %dma_wait3A_1566] : memref<2x16x10x25x80xi32, #tpu.memory_space<hbm>> -> memref<1x1x1x25x80xi32, #tpu.memory_space<hbm>>
          %dma_wait3A_1568 = tpu.memref_squeeze %dma_wait3A_1567 : memref<1x1x1x25x80xi32, #tpu.memory_space<hbm>> -> memref<25x80xi32, #tpu.memory_space<hbm>>
          %dma_wait3A_1569 = arith.constant 0 : i32
          %dma_wait3A_1570 = arith.constant 0 : i32
          %dma_wait3A_1571 = tpu.memref_slice %arg3[%run_scoped3A_1554, %arg1, %scan3A_45, %dma_wait3A_1569, %dma_wait3A_1570] : memref<2x16x10x25x80xi32, #tpu.memory_space<hbm>> -> memref<1x1x1x25x80xi32, #tpu.memory_space<hbm>>
          %dma_wait3A_1572 = tpu.memref_squeeze %dma_wait3A_1571 : memref<1x1x1x25x80xi32, #tpu.memory_space<hbm>> -> memref<25x80xi32, #tpu.memory_space<hbm>>
          tpu.wait_dma2 semaphore(%run_scoped3A_1556 : memref<!tpu.dma_semaphore, #tpu.memory_space<semaphore_mem>>) src(%dma_wait3A_1572 : memref<25x80xi32, #tpu.memory_space<hbm>>) dst(%arg6 : memref<25x80xi32, #tpu.memory_space<vmem>>)
          tpu.yield
        }) : () -> ()
        %run_scoped3A_1555 = arith.constant 0 : i32
        "tpu.region"() ({
          %run_scoped3A_1556 = tpu.sem_alloc : memref<!tpu.dma_semaphore, #tpu.memory_space<semaphore_mem>>
          %dma_start3A_1557 = arith.constant 0 : i32
          %dma_start3A_1558 = arith.constant 0 : i32
          %dma_start3A_1559 = tpu.memref_slice %arg3[%run_scoped3A_1555, %arg1, %scan3A_45, %dma_start3A_1557, %dma_start3A_1558] : memref<2x16x10x25x80xi32, #tpu.memory_space<hbm>> -> memref<1x1x1x25x80xi32, #tpu.memory_space<hbm>>
          %dma_start3A_1560 = tpu.memref_squeeze %dma_start3A_1559 : memref<1x1x1x25x80xi32, #tpu.memory_space<hbm>> -> memref<25x80xi32, #tpu.memory_space<hbm>>
          %dma_start3A_1561 = arith.constant 0 : i32
          %dma_start3A_1562 = arith.constant 0 : i32
          %dma_start3A_1563 = tpu.memref_slice %arg3[%run_scoped3A_1555, %arg1, %scan3A_45, %dma_start3A_1561, %dma_start3A_1562] : memref<2x16x10x25x80xi32, #tpu.memory_space<hbm>> -> memref<1x1x1x25x80xi32, #tpu.memory_space<hbm>>
          %dma_start3A_1564 = tpu.memref_squeeze %dma_start3A_1563 : memref<1x1x1x25x80xi32, #tpu.memory_space<hbm>> -> memref<25x80xi32, #tpu.memory_space<hbm>>
          tpu.enqueue_dma source(%dma_start3A_1564 : memref<25x80xi32, #tpu.memory_space<hbm>>) target(%arg7 : memref<25x80xi32, #tpu.memory_space<vmem>>) target_semaphore(%run_scoped3A_1556 : memref<!tpu.dma_semaphore, #tpu.memory_space<semaphore_mem>>)
          %dma_wait3A_1565 = arith.constant 0 : i32
          %dma_wait3A_1566 = arith.constant 0 : i32
          %dma_wait3A_1567 = tpu.memref_slice %arg3[%run_scoped3A_1555, %arg1, %scan3A_45, %dma_wait3A_1565, %dma_wait3A_1566] : memref<2x16x10x25x80xi32, #tpu.memory_space<hbm>> -> memref<1x1x1x25x80xi32, #tpu.memory_space<hbm>>
          %dma_wait3A_1568 = tpu.memref_squeeze %dma_wait3A_1567 : memref<1x1x1x25x80xi32, #tpu.memory_space<hbm>> -> memref<25x80xi32, #tpu.memory_space<hbm>>
          %dma_wait3A_1569 = arith.constant 0 : i32
          %dma_wait3A_1570 = arith.constant 0 : i32
          %dma_wait3A_1571 = tpu.memref_slice %arg3[%run_scoped3A_1555, %arg1, %scan3A_45, %dma_wait3A_1569, %dma_wait3A_1570] : memref<2x16x10x25x80xi32, #tpu.memory_space<hbm>> -> memref<1x1x1x25x80xi32, #tpu.memory_space<hbm>>
          %dma_wait3A_1572 = tpu.memref_squeeze %dma_wait3A_1571 : memref<1x1x1x25x80xi32, #tpu.memory_space<hbm>> -> memref<25x80xi32, #tpu.memory_space<hbm>>
          tpu.wait_dma2 semaphore(%run_scoped3A_1556 : memref<!tpu.dma_semaphore, #tpu.memory_space<semaphore_mem>>) src(%dma_wait3A_1572 : memref<25x80xi32, #tpu.memory_space<hbm>>) dst(%arg7 : memref<25x80xi32, #tpu.memory_space<vmem>>)
          tpu.yield
        }) : () -> ()
      } else {
      }
      %eq3A_51 = arith.constant 1 : i32
      %eq3A_52 = arith.cmpi eq, %arg0, %eq3A_51 : i32
      %convert_element_type3A_53 = arith.extui %eq3A_52 : i1 to i32
      %cond3A_54 = arith.constant 0 : i32
      %cond3A_55 = arith.cmpi ne, %convert_element_type3A_53, %cond3A_54 : i32
      scf.if %cond3A_55 {
        %run_scoped3A_1554 = arith.constant 1 : i32
        "tpu.region"() ({
          %run_scoped3A_1556 = tpu.sem_alloc : memref<!tpu.dma_semaphore, #tpu.memory_space<semaphore_mem>>
          %dma_start3A_1557 = arith.constant 0 : i32
          %dma_start3A_1558 = arith.constant 0 : i32
          %dma_start3A_1559 = tpu.memref_slice %arg4[%run_scoped3A_1554, %arg1, %scan3A_45, %dma_start3A_1557, %dma_start3A_1558] : memref<2x16x10x25x80xi32, #tpu.memory_space<hbm>> -> memref<1x1x1x25x80xi32, #tpu.memory_space<hbm>>
          %dma_start3A_1560 = tpu.memref_squeeze %dma_start3A_1559 : memref<1x1x1x25x80xi32, #tpu.memory_space<hbm>> -> memref<25x80xi32, #tpu.memory_space<hbm>>
          %dma_start3A_1561 = arith.constant 0 : i32
          %dma_start3A_1562 = arith.constant 0 : i32
          %dma_start3A_1563 = tpu.memref_slice %arg4[%run_scoped3A_1554, %arg1, %scan3A_45, %dma_start3A_1561, %dma_start3A_1562] : memref<2x16x10x25x80xi32, #tpu.memory_space<hbm>> -> memref<1x1x1x25x80xi32, #tpu.memory_space<hbm>>
          %dma_start3A_1564 = tpu.memref_squeeze %dma_start3A_1563 : memref<1x1x1x25x80xi32, #tpu.memory_space<hbm>> -> memref<25x80xi32, #tpu.memory_space<hbm>>
          tpu.enqueue_dma source(%dma_start3A_1564 : memref<25x80xi32, #tpu.memory_space<hbm>>) target(%arg6 : memref<25x80xi32, #tpu.memory_space<vmem>>) target_semaphore(%run_scoped3A_1556 : memref<!tpu.dma_semaphore, #tpu.memory_space<semaphore_mem>>)
          %dma_wait3A_1565 = arith.constant 0 : i32
          %dma_wait3A_1566 = arith.constant 0 : i32
          %dma_wait3A_1567 = tpu.memref_slice %arg4[%run_scoped3A_1554, %arg1, %scan3A_45, %dma_wait3A_1565, %dma_wait3A_1566] : memref<2x16x10x25x80xi32, #tpu.memory_space<hbm>> -> memref<1x1x1x25x80xi32, #tpu.memory_space<hbm>>
          %dma_wait3A_1568 = tpu.memref_squeeze %dma_wait3A_1567 : memref<1x1x1x25x80xi32, #tpu.memory_space<hbm>> -> memref<25x80xi32, #tpu.memory_space<hbm>>
          %dma_wait3A_1569 = arith.constant 0 : i32
          %dma_wait3A_1570 = arith.constant 0 : i32
          %dma_wait3A_1571 = tpu.memref_slice %arg4[%run_scoped3A_1554, %arg1, %scan3A_45, %dma_wait3A_1569, %dma_wait3A_1570] : memref<2x16x10x25x80xi32, #tpu.memory_space<hbm>> -> memref<1x1x1x25x80xi32, #tpu.memory_space<hbm>>
          %dma_wait3A_1572 = tpu.memref_squeeze %dma_wait3A_1571 : memref<1x1x1x25x80xi32, #tpu.memory_space<hbm>> -> memref<25x80xi32, #tpu.memory_space<hbm>>
          tpu.wait_dma2 semaphore(%run_scoped3A_1556 : memref<!tpu.dma_semaphore, #tpu.memory_space<semaphore_mem>>) src(%dma_wait3A_1572 : memref<25x80xi32, #tpu.memory_space<hbm>>) dst(%arg6 : memref<25x80xi32, #tpu.memory_space<vmem>>)
          tpu.yield
        }) : () -> ()
        %run_scoped3A_1555 = arith.constant 0 : i32
        "tpu.region"() ({
          %run_scoped3A_1556 = tpu.sem_alloc : memref<!tpu.dma_semaphore, #tpu.memory_space<semaphore_mem>>
          %dma_start3A_1557 = arith.constant 0 : i32
          %dma_start3A_1558 = arith.constant 0 : i32
          %dma_start3A_1559 = tpu.memref_slice %arg4[%run_scoped3A_1555, %arg1, %scan3A_45, %dma_start3A_1557, %dma_start3A_1558] : memref<2x16x10x25x80xi32, #tpu.memory_space<hbm>> -> memref<1x1x1x25x80xi32, #tpu.memory_space<hbm>>
          %dma_start3A_1560 = tpu.memref_squeeze %dma_start3A_1559 : memref<1x1x1x25x80xi32, #tpu.memory_space<hbm>> -> memref<25x80xi32, #tpu.memory_space<hbm>>
          %dma_start3A_1561 = arith.constant 0 : i32
          %dma_start3A_1562 = arith.constant 0 : i32
          %dma_start3A_1563 = tpu.memref_slice %arg4[%run_scoped3A_1555, %arg1, %scan3A_45, %dma_start3A_1561, %dma_start3A_1562] : memref<2x16x10x25x80xi32, #tpu.memory_space<hbm>> -> memref<1x1x1x25x80xi32, #tpu.memory_space<hbm>>
          %dma_start3A_1564 = tpu.memref_squeeze %dma_start3A_1563 : memref<1x1x1x25x80xi32, #tpu.memory_space<hbm>> -> memref<25x80xi32, #tpu.memory_space<hbm>>
          tpu.enqueue_dma source(%dma_start3A_1564 : memref<25x80xi32, #tpu.memory_space<hbm>>) target(%arg7 : memref<25x80xi32, #tpu.memory_space<vmem>>) target_semaphore(%run_scoped3A_1556 : memref<!tpu.dma_semaphore, #tpu.memory_space<semaphore_mem>>)
          %dma_wait3A_1565 = arith.constant 0 : i32
          %dma_wait3A_1566 = arith.constant 0 : i32
          %dma_wait3A_1567 = tpu.memref_slice %arg4[%run_scoped3A_1555, %arg1, %scan3A_45, %dma_wait3A_1565, %dma_wait3A_1566] : memref<2x16x10x25x80xi32, #tpu.memory_space<hbm>> -> memref<1x1x1x25x80xi32, #tpu.memory_space<hbm>>
          %dma_wait3A_1568 = tpu.memref_squeeze %dma_wait3A_1567 : memref<1x1x1x25x80xi32, #tpu.memory_space<hbm>> -> memref<25x80xi32, #tpu.memory_space<hbm>>
          %dma_wait3A_1569 = arith.constant 0 : i32
          %dma_wait3A_1570 = arith.constant 0 : i32
          %dma_wait3A_1571 = tpu.memref_slice %arg4[%run_scoped3A_1555, %arg1, %scan3A_45, %dma_wait3A_1569, %dma_wait3A_1570] : memref<2x16x10x25x80xi32, #tpu.memory_space<hbm>> -> memref<1x1x1x25x80xi32, #tpu.memory_space<hbm>>
          %dma_wait3A_1572 = tpu.memref_squeeze %dma_wait3A_1571 : memref<1x1x1x25x80xi32, #tpu.memory_space<hbm>> -> memref<25x80xi32, #tpu.memory_space<hbm>>
          tpu.wait_dma2 semaphore(%run_scoped3A_1556 : memref<!tpu.dma_semaphore, #tpu.memory_space<semaphore_mem>>) src(%dma_wait3A_1572 : memref<25x80xi32, #tpu.memory_space<hbm>>) dst(%arg7 : memref<25x80xi32, #tpu.memory_space<vmem>>)
          tpu.yield
        }) : () -> ()
      } else {
      }
      %dma_start3A = arith.constant 0 : i32
      %dma_start3A_56 = arith.constant 0 : i32
      %dma_start3A_57 = arith.constant 0 : i32
      %dma_start3A_58 = arith.constant 0 : i32
      %dma_start3A_59 = arith.constant 0 : i32
      %dma_start3A_60 = tpu.memref_slice %arg8[%dma_start3A_56, %dma_start3A_58, %dma_start3A_59] : memref<4x80x128xf32, #tpu.memory_space<vmem>> -> memref<1x80x128xf32, #tpu.memory_space<vmem>>
      %dma_start3A_61 = tpu.memref_squeeze %dma_start3A_60 : memref<1x80x128xf32, #tpu.memory_space<vmem>> -> memref<80x128xf32, #tpu.memory_space<vmem>>
      %dma_start3A_62 = arith.constant 0 : i32
      %dma_start3A_63 = tpu.memref_slice %arg6[%dma_start3A, %dma_start3A_62] : memref<25x80xi32, #tpu.memory_space<vmem>> -> memref<1x80xi32, #tpu.memory_space<vmem>>
      %dma_start3A_64 = tpu.memref_squeeze %dma_start3A_63 : memref<1x80xi32, #tpu.memory_space<vmem>> -> memref<80xi32, #tpu.memory_space<vmem>>
      %dma_start3A_65 = arith.constant 0 : i32
      %dma_start3A_66 = arith.constant 0 : i32
      %dma_start3A_67 = tpu.memref_slice %arg2[%dma_start3A_65, %dma_start3A_66] : memref<10000x128xf32, #tpu.memory_space<hbm>> -> memref<10000x128xf32, #tpu.memory_space<hbm>>
      %dma_start3A_68 = tpu.memref_slice %arg10[%dma_start3A_57] : memref<4x!tpu.dma_semaphore, #tpu.memory_space<semaphore_mem>> -> memref<1x!tpu.dma_semaphore, #tpu.memory_space<semaphore_mem>>
      %dma_start3A_69 = tpu.memref_squeeze %dma_start3A_68 : memref<1x!tpu.dma_semaphore, #tpu.memory_space<semaphore_mem>> -> memref<!tpu.dma_semaphore, #tpu.memory_space<semaphore_mem>>
      tpu.enqueue_indirect_dma source(%dma_start3A_67 : memref<10000x128xf32, #tpu.memory_space<hbm>>) target(%dma_start3A_61 : memref<80x128xf32, #tpu.memory_space<vmem>>) offsets(%dma_start3A_64 : memref<80xi32, #tpu.memory_space<vmem>>) semaphore(%dma_start3A_69 : memref<!tpu.dma_semaphore, #tpu.memory_space<semaphore_mem>>)
      %dma_start3A_70 = arith.constant 1 : i32
      %dma_start3A_71 = arith.constant 1 : i32
      %dma_start3A_72 = arith.constant 1 : i32
      %dma_start3A_73 = arith.constant 0 : i32
      %dma_start3A_74 = arith.constant 0 : i32
      %dma_start3A_75 = tpu.memref_slice %arg8[%dma_start3A_71, %dma_start3A_73, %dma_start3A_74] : memref<4x80x128xf32, #tpu.memory_space<vmem>> -> memref<1x80x128xf32, #tpu.memory_space<vmem>>
      %dma_start3A_76 = tpu.memref_squeeze %dma_start3A_75 : memref<1x80x128xf32, #tpu.memory_space<vmem>> -> memref<80x128xf32, #tpu.memory_space<vmem>>
      %dma_start3A_77 = arith.constant 0 : i32
      %dma_start3A_78 = tpu.memref_slice %arg6[%dma_start3A_70, %dma_start3A_77] : memref<25x80xi32, #tpu.memory_space<vmem>> -> memref<1x80xi32, #tpu.memory_space<vmem>>
      %dma_start3A_79 = tpu.memref_squeeze %dma_start3A_78 : memref<1x80xi32, #tpu.memory_space<vmem>> -> memref<80xi32, #tpu.memory_space<vmem>>
      %dma_start3A_80 = arith.constant 0 : i32
      %dma_start3A_81 = arith.constant 0 : i32
      %dma_start3A_82 = tpu.memref_slice %arg2[%dma_start3A_80, %dma_start3A_81] : memref<10000x128xf32, #tpu.memory_space<hbm>> -> memref<10000x128xf32, #tpu.memory_space<hbm>>
      %dma_start3A_83 = tpu.memref_slice %arg10[%dma_start3A_72] : memref<4x!tpu.dma_semaphore, #tpu.memory_space<semaphore_mem>> -> memref<1x!tpu.dma_semaphore, #tpu.memory_space<semaphore_mem>>
      %dma_start3A_84 = tpu.memref_squeeze %dma_start3A_83 : memref<1x!tpu.dma_semaphore, #tpu.memory_space<semaphore_mem>> -> memref<!tpu.dma_semaphore, #tpu.memory_space<semaphore_mem>>
      tpu.enqueue_indirect_dma source(%dma_start3A_82 : memref<10000x128xf32, #tpu.memory_space<hbm>>) target(%dma_start3A_76 : memref<80x128xf32, #tpu.memory_space<vmem>>) offsets(%dma_start3A_79 : memref<80xi32, #tpu.memory_space<vmem>>) semaphore(%dma_start3A_84 : memref<!tpu.dma_semaphore, #tpu.memory_space<semaphore_mem>>)
      %dma_start3A_85 = arith.constant 2 : i32
      %dma_start3A_86 = arith.constant 2 : i32
      %dma_start3A_87 = arith.constant 2 : i32
      %dma_start3A_88 = arith.constant 0 : i32
      %dma_start3A_89 = arith.constant 0 : i32
      %dma_start3A_90 = tpu.memref_slice %arg8[%dma_start3A_86, %dma_start3A_88, %dma_start3A_89] : memref<4x80x128xf32, #tpu.memory_space<vmem>> -> memref<1x80x128xf32, #tpu.memory_space<vmem>>
      %dma_start3A_91 = tpu.memref_squeeze %dma_start3A_90 : memref<1x80x128xf32, #tpu.memory_space<vmem>> -> memref<80x128xf32, #tpu.memory_space<vmem>>
      %dma_start3A_92 = arith.constant 0 : i32
      %dma_start3A_93 = tpu.memref_slice %arg6[%dma_start3A_85, %dma_start3A_92] : memref<25x80xi32, #tpu.memory_space<vmem>> -> memref<1x80xi32, #tpu.memory_space<vmem>>
      %dma_start3A_94 = tpu.memref_squeeze %dma_start3A_93 : memref<1x80xi32, #tpu.memory_space<vmem>> -> memref<80xi32, #tpu.memory_space<vmem>>
      %dma_start3A_95 = arith.constant 0 : i32
      %dma_start3A_96 = arith.constant 0 : i32
      %dma_start3A_97 = tpu.memref_slice %arg2[%dma_start3A_95, %dma_start3A_96] : memref<10000x128xf32, #tpu.memory_space<hbm>> -> memref<10000x128xf32, #tpu.memory_space<hbm>>
      %dma_start3A_98 = tpu.memref_slice %arg10[%dma_start3A_87] : memref<4x!tpu.dma_semaphore, #tpu.memory_space<semaphore_mem>> -> memref<1x!tpu.dma_semaphore, #tpu.memory_space<semaphore_mem>>
      %dma_start3A_99 = tpu.memref_squeeze %dma_start3A_98 : memref<1x!tpu.dma_semaphore, #tpu.memory_space<semaphore_mem>> -> memref<!tpu.dma_semaphore, #tpu.memory_space<semaphore_mem>>
      tpu.enqueue_indirect_dma source(%dma_start3A_97 : memref<10000x128xf32, #tpu.memory_space<hbm>>) target(%dma_start3A_91 : memref<80x128xf32, #tpu.memory_space<vmem>>) offsets(%dma_start3A_94 : memref<80xi32, #tpu.memory_space<vmem>>) semaphore(%dma_start3A_99 : memref<!tpu.dma_semaphore, #tpu.memory_space<semaphore_mem>>)
      %dma_wait3A = arith.constant 0 : i32
      %dma_wait3A_100 = arith.constant 0 : i32
      %dma_wait3A_101 = arith.constant 0 : i32
      %dma_wait3A_102 = arith.constant 0 : i32
      %dma_wait3A_103 = arith.constant 0 : i32
      %dma_wait3A_104 = tpu.memref_slice %arg8[%dma_wait3A_100, %dma_wait3A_102, %dma_wait3A_103] : memref<4x80x128xf32, #tpu.memory_space<vmem>> -> memref<1x80x128xf32, #tpu.memory_space<vmem>>
      %dma_wait3A_105 = tpu.memref_squeeze %dma_wait3A_104 : memref<1x80x128xf32, #tpu.memory_space<vmem>> -> memref<80x128xf32, #tpu.memory_space<vmem>>
      %dma_wait3A_106 = arith.constant 0 : i32
      %dma_wait3A_107 = tpu.memref_slice %arg6[%dma_wait3A, %dma_wait3A_106] : memref<25x80xi32, #tpu.memory_space<vmem>> -> memref<1x80xi32, #tpu.memory_space<vmem>>
      %dma_wait3A_108 = tpu.memref_squeeze %dma_wait3A_107 : memref<1x80xi32, #tpu.memory_space<vmem>> -> memref<80xi32, #tpu.memory_space<vmem>>
      %dma_wait3A_109 = arith.constant 0 : i32
      %dma_wait3A_110 = arith.constant 0 : i32
      %dma_wait3A_111 = tpu.memref_slice %arg2[%dma_wait3A_109, %dma_wait3A_110] : memref<10000x128xf32, #tpu.memory_space<hbm>> -> memref<10000x128xf32, #tpu.memory_space<hbm>>
      %dma_wait3A_112 = tpu.memref_slice %arg10[%dma_wait3A_101] : memref<4x!tpu.dma_semaphore, #tpu.memory_space<semaphore_mem>> -> memref<1x!tpu.dma_semaphore, #tpu.memory_space<semaphore_mem>>
      %dma_wait3A_113 = tpu.memref_squeeze %dma_wait3A_112 : memref<1x!tpu.dma_semaphore, #tpu.memory_space<semaphore_mem>> -> memref<!tpu.dma_semaphore, #tpu.memory_space<semaphore_mem>>
      tpu.wait_indirect_dma semaphore(%dma_wait3A_113 : memref<!tpu.dma_semaphore, #tpu.memory_space<semaphore_mem>>) src(%dma_wait3A_111 : memref<10000x128xf32, #tpu.memory_space<hbm>>) dst(%dma_wait3A_105 : memref<80x128xf32, #tpu.memory_space<vmem>>)
      %dma_start3A_114 = arith.constant 0 : i32
      %dma_start3A_115 = arith.constant 0 : i32
      %dma_start3A_116 = arith.constant 0 : i32
      %dma_start3A_117 = arith.constant 0 : i32
      %dma_start3A_118 = arith.constant 0 : i32
      %dma_start3A_119 = tpu.memref_slice %arg8[%dma_start3A_114, %dma_start3A_117, %dma_start3A_118] : memref<4x80x128xf32, #tpu.memory_space<vmem>> -> memref<1x80x128xf32, #tpu.memory_space<vmem>>
      %dma_start3A_120 = tpu.memref_squeeze %dma_start3A_119 : memref<1x80x128xf32, #tpu.memory_space<vmem>> -> memref<80x128xf32, #tpu.memory_space<vmem>>
      %dma_start3A_121 = arith.constant 0 : i32
      %dma_start3A_122 = tpu.memref_slice %arg7[%dma_start3A_115, %dma_start3A_121] : memref<25x80xi32, #tpu.memory_space<vmem>> -> memref<1x80xi32, #tpu.memory_space<vmem>>
      %dma_start3A_123 = tpu.memref_squeeze %dma_start3A_122 : memref<1x80xi32, #tpu.memory_space<vmem>> -> memref<80xi32, #tpu.memory_space<vmem>>
      %dma_start3A_124 = arith.constant 0 : i32
      %dma_start3A_125 = arith.constant 0 : i32
      %dma_start3A_126 = tpu.memref_slice %arg9[%dma_start3A_124, %dma_start3A_125] : memref<10000x128xf32, #tpu.memory_space<vmem_shared>> -> memref<10000x128xf32, #tpu.memory_space<vmem_shared>>
      %dma_start3A_127 = tpu.memref_slice %arg11[%dma_start3A_116] : memref<4x!tpu.dma_semaphore, #tpu.memory_space<semaphore_mem>> -> memref<1x!tpu.dma_semaphore, #tpu.memory_space<semaphore_mem>>
      %dma_start3A_128 = tpu.memref_squeeze %dma_start3A_127 : memref<1x!tpu.dma_semaphore, #tpu.memory_space<semaphore_mem>> -> memref<!tpu.dma_semaphore, #tpu.memory_space<semaphore_mem>>
      tpu.enqueue_indirect_dma source(%dma_start3A_120 : memref<80x128xf32, #tpu.memory_space<vmem>>) target(%dma_start3A_126 : memref<10000x128xf32, #tpu.memory_space<vmem_shared>>) offsets(%dma_start3A_123 : memref<80xi32, #tpu.memory_space<vmem>>) semaphore(%dma_start3A_128 : memref<!tpu.dma_semaphore, #tpu.memory_space<semaphore_mem>>) {add = true}
      %dma_start3A_129 = arith.constant 3 : i32
      %dma_start3A_130 = arith.constant 3 : i32
      %dma_start3A_131 = arith.constant 3 : i32
      %dma_start3A_132 = arith.constant 0 : i32
      %dma_start3A_133 = arith.constant 0 : i32
      %dma_start3A_134 = tpu.memref_slice %arg8[%dma_start3A_130, %dma_start3A_132, %dma_start3A_133] : memref<4x80x128xf32, #tpu.memory_space<vmem>> -> memref<1x80x128xf32, #tpu.memory_space<vmem>>
      %dma_start3A_135 = tpu.memref_squeeze %dma_start3A_134 : memref<1x80x128xf32, #tpu.memory_space<vmem>> -> memref<80x128xf32, #tpu.memory_space<vmem>>
      %dma_start3A_136 = arith.constant 0 : i32
      %dma_start3A_137 = tpu.memref_slice %arg6[%dma_start3A_129, %dma_start3A_136] : memref<25x80xi32, #tpu.memory_space<vmem>> -> memref<1x80xi32, #tpu.memory_space<vmem>>
      %dma_start3A_138 = tpu.memref_squeeze %dma_start3A_137 : memref<1x80xi32, #tpu.memory_space<vmem>> -> memref<80xi32, #tpu.memory_space<vmem>>
      %dma_start3A_139 = arith.constant 0 : i32
      %dma_start3A_140 = arith.constant 0 : i32
      %dma_start3A_141 = tpu.memref_slice %arg2[%dma_start3A_139, %dma_start3A_140] : memref<10000x128xf32, #tpu.memory_space<hbm>> -> memref<10000x128xf32, #tpu.memory_space<hbm>>
      %dma_start3A_142 = tpu.memref_slice %arg10[%dma_start3A_131] : memref<4x!tpu.dma_semaphore, #tpu.memory_space<semaphore_mem>> -> memref<1x!tpu.dma_semaphore, #tpu.memory_space<semaphore_mem>>
      %dma_start3A_143 = tpu.memref_squeeze %dma_start3A_142 : memref<1x!tpu.dma_semaphore, #tpu.memory_space<semaphore_mem>> -> memref<!tpu.dma_semaphore, #tpu.memory_space<semaphore_mem>>
      tpu.enqueue_indirect_dma source(%dma_start3A_141 : memref<10000x128xf32, #tpu.memory_space<hbm>>) target(%dma_start3A_135 : memref<80x128xf32, #tpu.memory_space<vmem>>) offsets(%dma_start3A_138 : memref<80xi32, #tpu.memory_space<vmem>>) semaphore(%dma_start3A_143 : memref<!tpu.dma_semaphore, #tpu.memory_space<semaphore_mem>>)
      %dma_wait3A_144 = arith.constant 1 : i32
      %dma_wait3A_145 = arith.constant 1 : i32
      %dma_wait3A_146 = arith.constant 1 : i32
      %dma_wait3A_147 = arith.constant 0 : i32
      %dma_wait3A_148 = arith.constant 0 : i32
      %dma_wait3A_149 = tpu.memref_slice %arg8[%dma_wait3A_145, %dma_wait3A_147, %dma_wait3A_148] : memref<4x80x128xf32, #tpu.memory_space<vmem>> -> memref<1x80x128xf32, #tpu.memory_space<vmem>>
      %dma_wait3A_150 = tpu.memref_squeeze %dma_wait3A_149 : memref<1x80x128xf32, #tpu.memory_space<vmem>> -> memref<80x128xf32, #tpu.memory_space<vmem>>
      %dma_wait3A_151 = arith.constant 0 : i32
      %dma_wait3A_152 = tpu.memref_slice %arg6[%dma_wait3A_144, %dma_wait3A_151] : memref<25x80xi32, #tpu.memory_space<vmem>> -> memref<1x80xi32, #tpu.memory_space<vmem>>
      %dma_wait3A_153 = tpu.memref_squeeze %dma_wait3A_152 : memref<1x80xi32, #tpu.memory_space<vmem>> -> memref<80xi32, #tpu.memory_space<vmem>>
      %dma_wait3A_154 = arith.constant 0 : i32
      %dma_wait3A_155 = arith.constant 0 : i32
      %dma_wait3A_156 = tpu.memref_slice %arg2[%dma_wait3A_154, %dma_wait3A_155] : memref<10000x128xf32, #tpu.memory_space<hbm>> -> memref<10000x128xf32, #tpu.memory_space<hbm>>
      %dma_wait3A_157 = tpu.memref_slice %arg10[%dma_wait3A_146] : memref<4x!tpu.dma_semaphore, #tpu.memory_space<semaphore_mem>> -> memref<1x!tpu.dma_semaphore, #tpu.memory_space<semaphore_mem>>
      %dma_wait3A_158 = tpu.memref_squeeze %dma_wait3A_157 : memref<1x!tpu.dma_semaphore, #tpu.memory_space<semaphore_mem>> -> memref<!tpu.dma_semaphore, #tpu.memory_space<semaphore_mem>>
      tpu.wait_indirect_dma semaphore(%dma_wait3A_158 : memref<!tpu.dma_semaphore, #tpu.memory_space<semaphore_mem>>) src(%dma_wait3A_156 : memref<10000x128xf32, #tpu.memory_space<hbm>>) dst(%dma_wait3A_150 : memref<80x128xf32, #tpu.memory_space<vmem>>)
      %dma_start3A_159 = arith.constant 1 : i32
      %dma_start3A_160 = arith.constant 1 : i32
      %dma_start3A_161 = arith.constant 1 : i32
      %dma_start3A_162 = arith.constant 0 : i32
      %dma_start3A_163 = arith.constant 0 : i32
      %dma_start3A_164 = tpu.memref_slice %arg8[%dma_start3A_159, %dma_start3A_162, %dma_start3A_163] : memref<4x80x128xf32, #tpu.memory_space<vmem>> -> memref<1x80x128xf32, #tpu.memory_space<vmem>>
      %dma_start3A_165 = tpu.memref_squeeze %dma_start3A_164 : memref<1x80x128xf32, #tpu.memory_space<vmem>> -> memref<80x128xf32, #tpu.memory_space<vmem>>
      %dma_start3A_166 = arith.constant 0 : i32
      %dma_start3A_167 = tpu.memref_slice %arg7[%dma_start3A_160, %dma_start3A_166] : memref<25x80xi32, #tpu.memory_space<vmem>> -> memref<1x80xi32, #tpu.memory_space<vmem>>
      %dma_start3A_168 = tpu.memref_squeeze %dma_start3A_167 : memref<1x80xi32, #tpu.memory_space<vmem>> -> memref<80xi32, #tpu.memory_space<vmem>>
      %dma_start3A_169 = arith.constant 0 : i32
      %dma_start3A_170 = arith.constant 0 : i32
      %dma_start3A_171 = tpu.memref_slice %arg9[%dma_start3A_169, %dma_start3A_170] : memref<10000x128xf32, #tpu.memory_space<vmem_shared>> -> memref<10000x128xf32, #tpu.memory_space<vmem_shared>>
      %dma_start3A_172 = tpu.memref_slice %arg11[%dma_start3A_161] : memref<4x!tpu.dma_semaphore, #tpu.memory_space<semaphore_mem>> -> memref<1x!tpu.dma_semaphore, #tpu.memory_space<semaphore_mem>>
      %dma_start3A_173 = tpu.memref_squeeze %dma_start3A_172 : memref<1x!tpu.dma_semaphore, #tpu.memory_space<semaphore_mem>> -> memref<!tpu.dma_semaphore, #tpu.memory_space<semaphore_mem>>
      tpu.enqueue_indirect_dma source(%dma_start3A_165 : memref<80x128xf32, #tpu.memory_space<vmem>>) target(%dma_start3A_171 : memref<10000x128xf32, #tpu.memory_space<vmem_shared>>) offsets(%dma_start3A_168 : memref<80xi32, #tpu.memory_space<vmem>>) semaphore(%dma_start3A_173 : memref<!tpu.dma_semaphore, #tpu.memory_space<semaphore_mem>>) {add = true}
      %dma_wait3A_174 = arith.constant 0 : i32
      %dma_wait3A_175 = arith.constant 0 : i32
      %dma_wait3A_176 = arith.constant 0 : i32
      %dma_wait3A_177 = arith.constant 0 : i32
      %dma_wait3A_178 = arith.constant 0 : i32
      %dma_wait3A_179 = tpu.memref_slice %arg8[%dma_wait3A_174, %dma_wait3A_177, %dma_wait3A_178] : memref<4x80x128xf32, #tpu.memory_space<vmem>> -> memref<1x80x128xf32, #tpu.memory_space<vmem>>
      %dma_wait3A_180 = tpu.memref_squeeze %dma_wait3A_179 : memref<1x80x128xf32, #tpu.memory_space<vmem>> -> memref<80x128xf32, #tpu.memory_space<vmem>>
      %dma_wait3A_181 = arith.constant 0 : i32
      %dma_wait3A_182 = tpu.memref_slice %arg7[%dma_wait3A_175, %dma_wait3A_181] : memref<25x80xi32, #tpu.memory_space<vmem>> -> memref<1x80xi32, #tpu.memory_space<vmem>>
      %dma_wait3A_183 = tpu.memref_squeeze %dma_wait3A_182 : memref<1x80xi32, #tpu.memory_space<vmem>> -> memref<80xi32, #tpu.memory_space<vmem>>
      %dma_wait3A_184 = arith.constant 0 : i32
      %dma_wait3A_185 = arith.constant 0 : i32
      %dma_wait3A_186 = tpu.memref_slice %arg9[%dma_wait3A_184, %dma_wait3A_185] : memref<10000x128xf32, #tpu.memory_space<vmem_shared>> -> memref<10000x128xf32, #tpu.memory_space<vmem_shared>>
      %dma_wait3A_187 = tpu.memref_slice %arg11[%dma_wait3A_176] : memref<4x!tpu.dma_semaphore, #tpu.memory_space<semaphore_mem>> -> memref<1x!tpu.dma_semaphore, #tpu.memory_space<semaphore_mem>>
      %dma_wait3A_188 = tpu.memref_squeeze %dma_wait3A_187 : memref<1x!tpu.dma_semaphore, #tpu.memory_space<semaphore_mem>> -> memref<!tpu.dma_semaphore, #tpu.memory_space<semaphore_mem>>
      tpu.wait_indirect_dma semaphore(%dma_wait3A_188 : memref<!tpu.dma_semaphore, #tpu.memory_space<semaphore_mem>>) src(%dma_wait3A_180 : memref<80x128xf32, #tpu.memory_space<vmem>>) dst(%dma_wait3A_186 : memref<10000x128xf32, #tpu.memory_space<vmem_shared>>)
      %dma_start3A_189 = arith.constant 4 : i32
      %dma_start3A_190 = arith.constant 0 : i32
      %dma_start3A_191 = arith.constant 0 : i32
      %dma_start3A_192 = arith.constant 0 : i32
      %dma_start3A_193 = arith.constant 0 : i32
      %dma_start3A_194 = tpu.memref_slice %arg8[%dma_start3A_190, %dma_start3A_192, %dma_start3A_193] : memref<4x80x128xf32, #tpu.memory_space<vmem>> -> memref<1x80x128xf32, #tpu.memory_space<vmem>>
      %dma_start3A_195 = tpu.memref_squeeze %dma_start3A_194 : memref<1x80x128xf32, #tpu.memory_space<vmem>> -> memref<80x128xf32, #tpu.memory_space<vmem>>
      %dma_start3A_196 = arith.constant 0 : i32
      %dma_start3A_197 = tpu.memref_slice %arg6[%dma_start3A_189, %dma_start3A_196] : memref<25x80xi32, #tpu.memory_space<vmem>> -> memref<1x80xi32, #tpu.memory_space<vmem>>
      %dma_start3A_198 = tpu.memref_squeeze %dma_start3A_197 : memref<1x80xi32, #tpu.memory_space<vmem>> -> memref<80xi32, #tpu.memory_space<vmem>>
      %dma_start3A_199 = arith.constant 0 : i32
      %dma_start3A_200 = arith.constant 0 : i32
      %dma_start3A_201 = tpu.memref_slice %arg2[%dma_start3A_199, %dma_start3A_200] : memref<10000x128xf32, #tpu.memory_space<hbm>> -> memref<10000x128xf32, #tpu.memory_space<hbm>>
      %dma_start3A_202 = tpu.memref_slice %arg10[%dma_start3A_191] : memref<4x!tpu.dma_semaphore, #tpu.memory_space<semaphore_mem>> -> memref<1x!tpu.dma_semaphore, #tpu.memory_space<semaphore_mem>>
      %dma_start3A_203 = tpu.memref_squeeze %dma_start3A_202 : memref<1x!tpu.dma_semaphore, #tpu.memory_space<semaphore_mem>> -> memref<!tpu.dma_semaphore, #tpu.memory_space<semaphore_mem>>
      tpu.enqueue_indirect_dma source(%dma_start3A_201 : memref<10000x128xf32, #tpu.memory_space<hbm>>) target(%dma_start3A_195 : memref<80x128xf32, #tpu.memory_space<vmem>>) offsets(%dma_start3A_198 : memref<80xi32, #tpu.memory_space<vmem>>) semaphore(%dma_start3A_203 : memref<!tpu.dma_semaphore, #tpu.memory_space<semaphore_mem>>)
      %dma_wait3A_204 = arith.constant 2 : i32
      %dma_wait3A_205 = arith.constant 2 : i32
      %dma_wait3A_206 = arith.constant 2 : i32
      %dma_wait3A_207 = arith.constant 0 : i32
      %dma_wait3A_208 = arith.constant 0 : i32
      %dma_wait3A_209 = tpu.memref_slice %arg8[%dma_wait3A_205, %dma_wait3A_207, %dma_wait3A_208] : memref<4x80x128xf32, #tpu.memory_space<vmem>> -> memref<1x80x128xf32, #tpu.memory_space<vmem>>
      %dma_wait3A_210 = tpu.memref_squeeze %dma_wait3A_209 : memref<1x80x128xf32, #tpu.memory_space<vmem>> -> memref<80x128xf32, #tpu.memory_space<vmem>>
      %dma_wait3A_211 = arith.constant 0 : i32
      %dma_wait3A_212 = tpu.memref_slice %arg6[%dma_wait3A_204, %dma_wait3A_211] : memref<25x80xi32, #tpu.memory_space<vmem>> -> memref<1x80xi32, #tpu.memory_space<vmem>>
      %dma_wait3A_213 = tpu.memref_squeeze %dma_wait3A_212 : memref<1x80xi32, #tpu.memory_space<vmem>> -> memref<80xi32, #tpu.memory_space<vmem>>
      %dma_wait3A_214 = arith.constant 0 : i32
      %dma_wait3A_215 = arith.constant 0 : i32
      %dma_wait3A_216 = tpu.memref_slice %arg2[%dma_wait3A_214, %dma_wait3A_215] : memref<10000x128xf32, #tpu.memory_space<hbm>> -> memref<10000x128xf32, #tpu.memory_space<hbm>>
      %dma_wait3A_217 = tpu.memref_slice %arg10[%dma_wait3A_206] : memref<4x!tpu.dma_semaphore, #tpu.memory_space<semaphore_mem>> -> memref<1x!tpu.dma_semaphore, #tpu.memory_space<semaphore_mem>>
      %dma_wait3A_218 = tpu.memref_squeeze %dma_wait3A_217 : memref<1x!tpu.dma_semaphore, #tpu.memory_space<semaphore_mem>> -> memref<!tpu.dma_semaphore, #tpu.memory_space<semaphore_mem>>
      tpu.wait_indirect_dma semaphore(%dma_wait3A_218 : memref<!tpu.dma_semaphore, #tpu.memory_space<semaphore_mem>>) src(%dma_wait3A_216 : memref<10000x128xf32, #tpu.memory_space<hbm>>) dst(%dma_wait3A_210 : memref<80x128xf32, #tpu.memory_space<vmem>>)
      %dma_start3A_219 = arith.constant 2 : i32
      %dma_start3A_220 = arith.constant 2 : i32
      %dma_start3A_221 = arith.constant 2 : i32
      %dma_start3A_222 = arith.constant 0 : i32
      %dma_start3A_223 = arith.constant 0 : i32
      %dma_start3A_224 = tpu.memref_slice %arg8[%dma_start3A_219, %dma_start3A_222, %dma_start3A_223] : memref<4x80x128xf32, #tpu.memory_space<vmem>> -> memref<1x80x128xf32, #tpu.memory_space<vmem>>
      %dma_start3A_225 = tpu.memref_squeeze %dma_start3A_224 : memref<1x80x128xf32, #tpu.memory_space<vmem>> -> memref<80x128xf32, #tpu.memory_space<vmem>>
      %dma_start3A_226 = arith.constant 0 : i32
      %dma_start3A_227 = tpu.memref_slice %arg7[%dma_start3A_220, %dma_start3A_226] : memref<25x80xi32, #tpu.memory_space<vmem>> -> memref<1x80xi32, #tpu.memory_space<vmem>>
      %dma_start3A_228 = tpu.memref_squeeze %dma_start3A_227 : memref<1x80xi32, #tpu.memory_space<vmem>> -> memref<80xi32, #tpu.memory_space<vmem>>
      %dma_start3A_229 = arith.constant 0 : i32
      %dma_start3A_230 = arith.constant 0 : i32
      %dma_start3A_231 = tpu.memref_slice %arg9[%dma_start3A_229, %dma_start3A_230] : memref<10000x128xf32, #tpu.memory_space<vmem_shared>> -> memref<10000x128xf32, #tpu.memory_space<vmem_shared>>
      %dma_start3A_232 = tpu.memref_slice %arg11[%dma_start3A_221] : memref<4x!tpu.dma_semaphore, #tpu.memory_space<semaphore_mem>> -> memref<1x!tpu.dma_semaphore, #tpu.memory_space<semaphore_mem>>
      %dma_start3A_233 = tpu.memref_squeeze %dma_start3A_232 : memref<1x!tpu.dma_semaphore, #tpu.memory_space<semaphore_mem>> -> memref<!tpu.dma_semaphore, #tpu.memory_space<semaphore_mem>>
      tpu.enqueue_indirect_dma source(%dma_start3A_225 : memref<80x128xf32, #tpu.memory_space<vmem>>) target(%dma_start3A_231 : memref<10000x128xf32, #tpu.memory_space<vmem_shared>>) offsets(%dma_start3A_228 : memref<80xi32, #tpu.memory_space<vmem>>) semaphore(%dma_start3A_233 : memref<!tpu.dma_semaphore, #tpu.memory_space<semaphore_mem>>) {add = true}
      %dma_wait3A_234 = arith.constant 1 : i32
      %dma_wait3A_235 = arith.constant 1 : i32
      %dma_wait3A_236 = arith.constant 1 : i32
      %dma_wait3A_237 = arith.constant 0 : i32
      %dma_wait3A_238 = arith.constant 0 : i32
      %dma_wait3A_239 = tpu.memref_slice %arg8[%dma_wait3A_234, %dma_wait3A_237, %dma_wait3A_238] : memref<4x80x128xf32, #tpu.memory_space<vmem>> -> memref<1x80x128xf32, #tpu.memory_space<vmem>>
      %dma_wait3A_240 = tpu.memref_squeeze %dma_wait3A_239 : memref<1x80x128xf32, #tpu.memory_space<vmem>> -> memref<80x128xf32, #tpu.memory_space<vmem>>
      %dma_wait3A_241 = arith.constant 0 : i32
      %dma_wait3A_242 = tpu.memref_slice %arg7[%dma_wait3A_235, %dma_wait3A_241] : memref<25x80xi32, #tpu.memory_space<vmem>> -> memref<1x80xi32, #tpu.memory_space<vmem>>
      %dma_wait3A_243 = tpu.memref_squeeze %dma_wait3A_242 : memref<1x80xi32, #tpu.memory_space<vmem>> -> memref<80xi32, #tpu.memory_space<vmem>>
      %dma_wait3A_244 = arith.constant 0 : i32
      %dma_wait3A_245 = arith.constant 0 : i32
      %dma_wait3A_246 = tpu.memref_slice %arg9[%dma_wait3A_244, %dma_wait3A_245] : memref<10000x128xf32, #tpu.memory_space<vmem_shared>> -> memref<10000x128xf32, #tpu.memory_space<vmem_shared>>
      %dma_wait3A_247 = tpu.memref_slice %arg11[%dma_wait3A_236] : memref<4x!tpu.dma_semaphore, #tpu.memory_space<semaphore_mem>> -> memref<1x!tpu.dma_semaphore, #tpu.memory_space<semaphore_mem>>
      %dma_wait3A_248 = tpu.memref_squeeze %dma_wait3A_247 : memref<1x!tpu.dma_semaphore, #tpu.memory_space<semaphore_mem>> -> memref<!tpu.dma_semaphore, #tpu.memory_space<semaphore_mem>>
      tpu.wait_indirect_dma semaphore(%dma_wait3A_248 : memref<!tpu.dma_semaphore, #tpu.memory_space<semaphore_mem>>) src(%dma_wait3A_240 : memref<80x128xf32, #tpu.memory_space<vmem>>) dst(%dma_wait3A_246 : memref<10000x128xf32, #tpu.memory_space<vmem_shared>>)
      %dma_start3A_249 = arith.constant 5 : i32
      %dma_start3A_250 = arith.constant 1 : i32
      %dma_start3A_251 = arith.constant 1 : i32
      %dma_start3A_252 = arith.constant 0 : i32
      %dma_start3A_253 = arith.constant 0 : i32
      %dma_start3A_254 = tpu.memref_slice %arg8[%dma_start3A_250, %dma_start3A_252, %dma_start3A_253] : memref<4x80x128xf32, #tpu.memory_space<vmem>> -> memref<1x80x128xf32, #tpu.memory_space<vmem>>
      %dma_start3A_255 = tpu.memref_squeeze %dma_start3A_254 : memref<1x80x128xf32, #tpu.memory_space<vmem>> -> memref<80x128xf32, #tpu.memory_space<vmem>>
      %dma_start3A_256 = arith.constant 0 : i32
      %dma_start3A_257 = tpu.memref_slice %arg6[%dma_start3A_249, %dma_start3A_256] : memref<25x80xi32, #tpu.memory_space<vmem>> -> memref<1x80xi32, #tpu.memory_space<vmem>>
      %dma_start3A_258 = tpu.memref_squeeze %dma_start3A_257 : memref<1x80xi32, #tpu.memory_space<vmem>> -> memref<80xi32, #tpu.memory_space<vmem>>
      %dma_start3A_259 = arith.constant 0 : i32
      %dma_start3A_260 = arith.constant 0 : i32
      %dma_start3A_261 = tpu.memref_slice %arg2[%dma_start3A_259, %dma_start3A_260] : memref<10000x128xf32, #tpu.memory_space<hbm>> -> memref<10000x128xf32, #tpu.memory_space<hbm>>
      %dma_start3A_262 = tpu.memref_slice %arg10[%dma_start3A_251] : memref<4x!tpu.dma_semaphore, #tpu.memory_space<semaphore_mem>> -> memref<1x!tpu.dma_semaphore, #tpu.memory_space<semaphore_mem>>
      %dma_start3A_263 = tpu.memref_squeeze %dma_start3A_262 : memref<1x!tpu.dma_semaphore, #tpu.memory_space<semaphore_mem>> -> memref<!tpu.dma_semaphore, #tpu.memory_space<semaphore_mem>>
      tpu.enqueue_indirect_dma source(%dma_start3A_261 : memref<10000x128xf32, #tpu.memory_space<hbm>>) target(%dma_start3A_255 : memref<80x128xf32, #tpu.memory_space<vmem>>) offsets(%dma_start3A_258 : memref<80xi32, #tpu.memory_space<vmem>>) semaphore(%dma_start3A_263 : memref<!tpu.dma_semaphore, #tpu.memory_space<semaphore_mem>>)
      %dma_wait3A_264 = arith.constant 3 : i32
      %dma_wait3A_265 = arith.constant 3 : i32
      %dma_wait3A_266 = arith.constant 3 : i32
      %dma_wait3A_267 = arith.constant 0 : i32
      %dma_wait3A_268 = arith.constant 0 : i32
      %dma_wait3A_269 = tpu.memref_slice %arg8[%dma_wait3A_265, %dma_wait3A_267, %dma_wait3A_268] : memref<4x80x128xf32, #tpu.memory_space<vmem>> -> memref<1x80x128xf32, #tpu.memory_space<vmem>>
      %dma_wait3A_270 = tpu.memref_squeeze %dma_wait3A_269 : memref<1x80x128xf32, #tpu.memory_space<vmem>> -> memref<80x128xf32, #tpu.memory_space<vmem>>
      %dma_wait3A_271 = arith.constant 0 : i32
      %dma_wait3A_272 = tpu.memref_slice %arg6[%dma_wait3A_264, %dma_wait3A_271] : memref<25x80xi32, #tpu.memory_space<vmem>> -> memref<1x80xi32, #tpu.memory_space<vmem>>
      %dma_wait3A_273 = tpu.memref_squeeze %dma_wait3A_272 : memref<1x80xi32, #tpu.memory_space<vmem>> -> memref<80xi32, #tpu.memory_space<vmem>>
      %dma_wait3A_274 = arith.constant 0 : i32
      %dma_wait3A_275 = arith.constant 0 : i32
      %dma_wait3A_276 = tpu.memref_slice %arg2[%dma_wait3A_274, %dma_wait3A_275] : memref<10000x128xf32, #tpu.memory_space<hbm>> -> memref<10000x128xf32, #tpu.memory_space<hbm>>
      %dma_wait3A_277 = tpu.memref_slice %arg10[%dma_wait3A_266] : memref<4x!tpu.dma_semaphore, #tpu.memory_space<semaphore_mem>> -> memref<1x!tpu.dma_semaphore, #tpu.memory_space<semaphore_mem>>
      %dma_wait3A_278 = tpu.memref_squeeze %dma_wait3A_277 : memref<1x!tpu.dma_semaphore, #tpu.memory_space<semaphore_mem>> -> memref<!tpu.dma_semaphore, #tpu.memory_space<semaphore_mem>>
      tpu.wait_indirect_dma semaphore(%dma_wait3A_278 : memref<!tpu.dma_semaphore, #tpu.memory_space<semaphore_mem>>) src(%dma_wait3A_276 : memref<10000x128xf32, #tpu.memory_space<hbm>>) dst(%dma_wait3A_270 : memref<80x128xf32, #tpu.memory_space<vmem>>)
      %dma_start3A_279 = arith.constant 3 : i32
      %dma_start3A_280 = arith.constant 3 : i32
      %dma_start3A_281 = arith.constant 3 : i32
      %dma_start3A_282 = arith.constant 0 : i32
      %dma_start3A_283 = arith.constant 0 : i32
      %dma_start3A_284 = tpu.memref_slice %arg8[%dma_start3A_279, %dma_start3A_282, %dma_start3A_283] : memref<4x80x128xf32, #tpu.memory_space<vmem>> -> memref<1x80x128xf32, #tpu.memory_space<vmem>>
      %dma_start3A_285 = tpu.memref_squeeze %dma_start3A_284 : memref<1x80x128xf32, #tpu.memory_space<vmem>> -> memref<80x128xf32, #tpu.memory_space<vmem>>
      %dma_start3A_286 = arith.constant 0 : i32
      %dma_start3A_287 = tpu.memref_slice %arg7[%dma_start3A_280, %dma_start3A_286] : memref<25x80xi32, #tpu.memory_space<vmem>> -> memref<1x80xi32, #tpu.memory_space<vmem>>
      %dma_start3A_288 = tpu.memref_squeeze %dma_start3A_287 : memref<1x80xi32, #tpu.memory_space<vmem>> -> memref<80xi32, #tpu.memory_space<vmem>>
      %dma_start3A_289 = arith.constant 0 : i32
      %dma_start3A_290 = arith.constant 0 : i32
      %dma_start3A_291 = tpu.memref_slice %arg9[%dma_start3A_289, %dma_start3A_290] : memref<10000x128xf32, #tpu.memory_space<vmem_shared>> -> memref<10000x128xf32, #tpu.memory_space<vmem_shared>>
      %dma_start3A_292 = tpu.memref_slice %arg11[%dma_start3A_281] : memref<4x!tpu.dma_semaphore, #tpu.memory_space<semaphore_mem>> -> memref<1x!tpu.dma_semaphore, #tpu.memory_space<semaphore_mem>>
      %dma_start3A_293 = tpu.memref_squeeze %dma_start3A_292 : memref<1x!tpu.dma_semaphore, #tpu.memory_space<semaphore_mem>> -> memref<!tpu.dma_semaphore, #tpu.memory_space<semaphore_mem>>
      tpu.enqueue_indirect_dma source(%dma_start3A_285 : memref<80x128xf32, #tpu.memory_space<vmem>>) target(%dma_start3A_291 : memref<10000x128xf32, #tpu.memory_space<vmem_shared>>) offsets(%dma_start3A_288 : memref<80xi32, #tpu.memory_space<vmem>>) semaphore(%dma_start3A_293 : memref<!tpu.dma_semaphore, #tpu.memory_space<semaphore_mem>>) {add = true}
      %dma_wait3A_294 = arith.constant 2 : i32
      %dma_wait3A_295 = arith.constant 2 : i32
      %dma_wait3A_296 = arith.constant 2 : i32
      %dma_wait3A_297 = arith.constant 0 : i32
      %dma_wait3A_298 = arith.constant 0 : i32
      %dma_wait3A_299 = tpu.memref_slice %arg8[%dma_wait3A_294, %dma_wait3A_297, %dma_wait3A_298] : memref<4x80x128xf32, #tpu.memory_space<vmem>> -> memref<1x80x128xf32, #tpu.memory_space<vmem>>
      %dma_wait3A_300 = tpu.memref_squeeze %dma_wait3A_299 : memref<1x80x128xf32, #tpu.memory_space<vmem>> -> memref<80x128xf32, #tpu.memory_space<vmem>>
      %dma_wait3A_301 = arith.constant 0 : i32
      %dma_wait3A_302 = tpu.memref_slice %arg7[%dma_wait3A_295, %dma_wait3A_301] : memref<25x80xi32, #tpu.memory_space<vmem>> -> memref<1x80xi32, #tpu.memory_space<vmem>>
      %dma_wait3A_303 = tpu.memref_squeeze %dma_wait3A_302 : memref<1x80xi32, #tpu.memory_space<vmem>> -> memref<80xi32, #tpu.memory_space<vmem>>
      %dma_wait3A_304 = arith.constant 0 : i32
      %dma_wait3A_305 = arith.constant 0 : i32
      %dma_wait3A_306 = tpu.memref_slice %arg9[%dma_wait3A_304, %dma_wait3A_305] : memref<10000x128xf32, #tpu.memory_space<vmem_shared>> -> memref<10000x128xf32, #tpu.memory_space<vmem_shared>>
      %dma_wait3A_307 = tpu.memref_slice %arg11[%dma_wait3A_296] : memref<4x!tpu.dma_semaphore, #tpu.memory_space<semaphore_mem>> -> memref<1x!tpu.dma_semaphore, #tpu.memory_space<semaphore_mem>>
      %dma_wait3A_308 = tpu.memref_squeeze %dma_wait3A_307 : memref<1x!tpu.dma_semaphore, #tpu.memory_space<semaphore_mem>> -> memref<!tpu.dma_semaphore, #tpu.memory_space<semaphore_mem>>
      tpu.wait_indirect_dma semaphore(%dma_wait3A_308 : memref<!tpu.dma_semaphore, #tpu.memory_space<semaphore_mem>>) src(%dma_wait3A_300 : memref<80x128xf32, #tpu.memory_space<vmem>>) dst(%dma_wait3A_306 : memref<10000x128xf32, #tpu.memory_space<vmem_shared>>)
      %dma_start3A_309 = arith.constant 6 : i32
      %dma_start3A_310 = arith.constant 2 : i32
      %dma_start3A_311 = arith.constant 2 : i32
      %dma_start3A_312 = arith.constant 0 : i32
      %dma_start3A_313 = arith.constant 0 : i32
      %dma_start3A_314 = tpu.memref_slice %arg8[%dma_start3A_310, %dma_start3A_312, %dma_start3A_313] : memref<4x80x128xf32, #tpu.memory_space<vmem>> -> memref<1x80x128xf32, #tpu.memory_space<vmem>>
      %dma_start3A_315 = tpu.memref_squeeze %dma_start3A_314 : memref<1x80x128xf32, #tpu.memory_space<vmem>> -> memref<80x128xf32, #tpu.memory_space<vmem>>
      %dma_start3A_316 = arith.constant 0 : i32
      %dma_start3A_317 = tpu.memref_slice %arg6[%dma_start3A_309, %dma_start3A_316] : memref<25x80xi32, #tpu.memory_space<vmem>> -> memref<1x80xi32, #tpu.memory_space<vmem>>
      %dma_start3A_318 = tpu.memref_squeeze %dma_start3A_317 : memref<1x80xi32, #tpu.memory_space<vmem>> -> memref<80xi32, #tpu.memory_space<vmem>>
      %dma_start3A_319 = arith.constant 0 : i32
      %dma_start3A_320 = arith.constant 0 : i32
      %dma_start3A_321 = tpu.memref_slice %arg2[%dma_start3A_319, %dma_start3A_320] : memref<10000x128xf32, #tpu.memory_space<hbm>> -> memref<10000x128xf32, #tpu.memory_space<hbm>>
      %dma_start3A_322 = tpu.memref_slice %arg10[%dma_start3A_311] : memref<4x!tpu.dma_semaphore, #tpu.memory_space<semaphore_mem>> -> memref<1x!tpu.dma_semaphore, #tpu.memory_space<semaphore_mem>>
      %dma_start3A_323 = tpu.memref_squeeze %dma_start3A_322 : memref<1x!tpu.dma_semaphore, #tpu.memory_space<semaphore_mem>> -> memref<!tpu.dma_semaphore, #tpu.memory_space<semaphore_mem>>
      tpu.enqueue_indirect_dma source(%dma_start3A_321 : memref<10000x128xf32, #tpu.memory_space<hbm>>) target(%dma_start3A_315 : memref<80x128xf32, #tpu.memory_space<vmem>>) offsets(%dma_start3A_318 : memref<80xi32, #tpu.memory_space<vmem>>) semaphore(%dma_start3A_323 : memref<!tpu.dma_semaphore, #tpu.memory_space<semaphore_mem>>)
      %dma_wait3A_324 = arith.constant 4 : i32
      %dma_wait3A_325 = arith.constant 0 : i32
      %dma_wait3A_326 = arith.constant 0 : i32
      %dma_wait3A_327 = arith.constant 0 : i32
      %dma_wait3A_328 = arith.constant 0 : i32
      %dma_wait3A_329 = tpu.memref_slice %arg8[%dma_wait3A_325, %dma_wait3A_327, %dma_wait3A_328] : memref<4x80x128xf32, #tpu.memory_space<vmem>> -> memref<1x80x128xf32, #tpu.memory_space<vmem>>
      %dma_wait3A_330 = tpu.memref_squeeze %dma_wait3A_329 : memref<1x80x128xf32, #tpu.memory_space<vmem>> -> memref<80x128xf32, #tpu.memory_space<vmem>>
      %dma_wait3A_331 = arith.constant 0 : i32
      %dma_wait3A_332 = tpu.memref_slice %arg6[%dma_wait3A_324, %dma_wait3A_331] : memref<25x80xi32, #tpu.memory_space<vmem>> -> memref<1x80xi32, #tpu.memory_space<vmem>>
      %dma_wait3A_333 = tpu.memref_squeeze %dma_wait3A_332 : memref<1x80xi32, #tpu.memory_space<vmem>> -> memref<80xi32, #tpu.memory_space<vmem>>
      %dma_wait3A_334 = arith.constant 0 : i32
      %dma_wait3A_335 = arith.constant 0 : i32
      %dma_wait3A_336 = tpu.memref_slice %arg2[%dma_wait3A_334, %dma_wait3A_335] : memref<10000x128xf32, #tpu.memory_space<hbm>> -> memref<10000x128xf32, #tpu.memory_space<hbm>>
      %dma_wait3A_337 = tpu.memref_slice %arg10[%dma_wait3A_326] : memref<4x!tpu.dma_semaphore, #tpu.memory_space<semaphore_mem>> -> memref<1x!tpu.dma_semaphore, #tpu.memory_space<semaphore_mem>>
      %dma_wait3A_338 = tpu.memref_squeeze %dma_wait3A_337 : memref<1x!tpu.dma_semaphore, #tpu.memory_space<semaphore_mem>> -> memref<!tpu.dma_semaphore, #tpu.memory_space<semaphore_mem>>
      tpu.wait_indirect_dma semaphore(%dma_wait3A_338 : memref<!tpu.dma_semaphore, #tpu.memory_space<semaphore_mem>>) src(%dma_wait3A_336 : memref<10000x128xf32, #tpu.memory_space<hbm>>) dst(%dma_wait3A_330 : memref<80x128xf32, #tpu.memory_space<vmem>>)
      %dma_start3A_339 = arith.constant 0 : i32
      %dma_start3A_340 = arith.constant 4 : i32
      %dma_start3A_341 = arith.constant 0 : i32
      %dma_start3A_342 = arith.constant 0 : i32
      %dma_start3A_343 = arith.constant 0 : i32
      %dma_start3A_344 = tpu.memref_slice %arg8[%dma_start3A_339, %dma_start3A_342, %dma_start3A_343] : memref<4x80x128xf32, #tpu.memory_space<vmem>> -> memref<1x80x128xf32, #tpu.memory_space<vmem>>
      %dma_start3A_345 = tpu.memref_squeeze %dma_start3A_344 : memref<1x80x128xf32, #tpu.memory_space<vmem>> -> memref<80x128xf32, #tpu.memory_space<vmem>>
      %dma_start3A_346 = arith.constant 0 : i32
      %dma_start3A_347 = tpu.memref_slice %arg7[%dma_start3A_340, %dma_start3A_346] : memref<25x80xi32, #tpu.memory_space<vmem>> -> memref<1x80xi32, #tpu.memory_space<vmem>>
      %dma_start3A_348 = tpu.memref_squeeze %dma_start3A_347 : memref<1x80xi32, #tpu.memory_space<vmem>> -> memref<80xi32, #tpu.memory_space<vmem>>
      %dma_start3A_349 = arith.constant 0 : i32
      %dma_start3A_350 = arith.constant 0 : i32
      %dma_start3A_351 = tpu.memref_slice %arg9[%dma_start3A_349, %dma_start3A_350] : memref<10000x128xf32, #tpu.memory_space<vmem_shared>> -> memref<10000x128xf32, #tpu.memory_space<vmem_shared>>
      %dma_start3A_352 = tpu.memref_slice %arg11[%dma_start3A_341] : memref<4x!tpu.dma_semaphore, #tpu.memory_space<semaphore_mem>> -> memref<1x!tpu.dma_semaphore, #tpu.memory_space<semaphore_mem>>
      %dma_start3A_353 = tpu.memref_squeeze %dma_start3A_352 : memref<1x!tpu.dma_semaphore, #tpu.memory_space<semaphore_mem>> -> memref<!tpu.dma_semaphore, #tpu.memory_space<semaphore_mem>>
      tpu.enqueue_indirect_dma source(%dma_start3A_345 : memref<80x128xf32, #tpu.memory_space<vmem>>) target(%dma_start3A_351 : memref<10000x128xf32, #tpu.memory_space<vmem_shared>>) offsets(%dma_start3A_348 : memref<80xi32, #tpu.memory_space<vmem>>) semaphore(%dma_start3A_353 : memref<!tpu.dma_semaphore, #tpu.memory_space<semaphore_mem>>) {add = true}
      %dma_wait3A_354 = arith.constant 3 : i32
      %dma_wait3A_355 = arith.constant 3 : i32
      %dma_wait3A_356 = arith.constant 3 : i32
      %dma_wait3A_357 = arith.constant 0 : i32
      %dma_wait3A_358 = arith.constant 0 : i32
      %dma_wait3A_359 = tpu.memref_slice %arg8[%dma_wait3A_354, %dma_wait3A_357, %dma_wait3A_358] : memref<4x80x128xf32, #tpu.memory_space<vmem>> -> memref<1x80x128xf32, #tpu.memory_space<vmem>>
      %dma_wait3A_360 = tpu.memref_squeeze %dma_wait3A_359 : memref<1x80x128xf32, #tpu.memory_space<vmem>> -> memref<80x128xf32, #tpu.memory_space<vmem>>
      %dma_wait3A_361 = arith.constant 0 : i32
      %dma_wait3A_362 = tpu.memref_slice %arg7[%dma_wait3A_355, %dma_wait3A_361] : memref<25x80xi32, #tpu.memory_space<vmem>> -> memref<1x80xi32, #tpu.memory_space<vmem>>
      %dma_wait3A_363 = tpu.memref_squeeze %dma_wait3A_362 : memref<1x80xi32, #tpu.memory_space<vmem>> -> memref<80xi32, #tpu.memory_space<vmem>>
      %dma_wait3A_364 = arith.constant 0 : i32
      %dma_wait3A_365 = arith.constant 0 : i32
      %dma_wait3A_366 = tpu.memref_slice %arg9[%dma_wait3A_364, %dma_wait3A_365] : memref<10000x128xf32, #tpu.memory_space<vmem_shared>> -> memref<10000x128xf32, #tpu.memory_space<vmem_shared>>
      %dma_wait3A_367 = tpu.memref_slice %arg11[%dma_wait3A_356] : memref<4x!tpu.dma_semaphore, #tpu.memory_space<semaphore_mem>> -> memref<1x!tpu.dma_semaphore, #tpu.memory_space<semaphore_mem>>
      %dma_wait3A_368 = tpu.memref_squeeze %dma_wait3A_367 : memref<1x!tpu.dma_semaphore, #tpu.memory_space<semaphore_mem>> -> memref<!tpu.dma_semaphore, #tpu.memory_space<semaphore_mem>>
      tpu.wait_indirect_dma semaphore(%dma_wait3A_368 : memref<!tpu.dma_semaphore, #tpu.memory_space<semaphore_mem>>) src(%dma_wait3A_360 : memref<80x128xf32, #tpu.memory_space<vmem>>) dst(%dma_wait3A_366 : memref<10000x128xf32, #tpu.memory_space<vmem_shared>>)
      %dma_start3A_369 = arith.constant 7 : i32
      %dma_start3A_370 = arith.constant 3 : i32
      %dma_start3A_371 = arith.constant 3 : i32
      %dma_start3A_372 = arith.constant 0 : i32
      %dma_start3A_373 = arith.constant 0 : i32
      %dma_start3A_374 = tpu.memref_slice %arg8[%dma_start3A_370, %dma_start3A_372, %dma_start3A_373] : memref<4x80x128xf32, #tpu.memory_space<vmem>> -> memref<1x80x128xf32, #tpu.memory_space<vmem>>
      %dma_start3A_375 = tpu.memref_squeeze %dma_start3A_374 : memref<1x80x128xf32, #tpu.memory_space<vmem>> -> memref<80x128xf32, #tpu.memory_space<vmem>>
      %dma_start3A_376 = arith.constant 0 : i32
      %dma_start3A_377 = tpu.memref_slice %arg6[%dma_start3A_369, %dma_start3A_376] : memref<25x80xi32, #tpu.memory_space<vmem>> -> memref<1x80xi32, #tpu.memory_space<vmem>>
      %dma_start3A_378 = tpu.memref_squeeze %dma_start3A_377 : memref<1x80xi32, #tpu.memory_space<vmem>> -> memref<80xi32, #tpu.memory_space<vmem>>
      %dma_start3A_379 = arith.constant 0 : i32
      %dma_start3A_380 = arith.constant 0 : i32
      %dma_start3A_381 = tpu.memref_slice %arg2[%dma_start3A_379, %dma_start3A_380] : memref<10000x128xf32, #tpu.memory_space<hbm>> -> memref<10000x128xf32, #tpu.memory_space<hbm>>
      %dma_start3A_382 = tpu.memref_slice %arg10[%dma_start3A_371] : memref<4x!tpu.dma_semaphore, #tpu.memory_space<semaphore_mem>> -> memref<1x!tpu.dma_semaphore, #tpu.memory_space<semaphore_mem>>
      %dma_start3A_383 = tpu.memref_squeeze %dma_start3A_382 : memref<1x!tpu.dma_semaphore, #tpu.memory_space<semaphore_mem>> -> memref<!tpu.dma_semaphore, #tpu.memory_space<semaphore_mem>>
      tpu.enqueue_indirect_dma source(%dma_start3A_381 : memref<10000x128xf32, #tpu.memory_space<hbm>>) target(%dma_start3A_375 : memref<80x128xf32, #tpu.memory_space<vmem>>) offsets(%dma_start3A_378 : memref<80xi32, #tpu.memory_space<vmem>>) semaphore(%dma_start3A_383 : memref<!tpu.dma_semaphore, #tpu.memory_space<semaphore_mem>>)
      %dma_wait3A_384 = arith.constant 5 : i32
      %dma_wait3A_385 = arith.constant 1 : i32
      %dma_wait3A_386 = arith.constant 1 : i32
      %dma_wait3A_387 = arith.constant 0 : i32
      %dma_wait3A_388 = arith.constant 0 : i32
      %dma_wait3A_389 = tpu.memref_slice %arg8[%dma_wait3A_385, %dma_wait3A_387, %dma_wait3A_388] : memref<4x80x128xf32, #tpu.memory_space<vmem>> -> memref<1x80x128xf32, #tpu.memory_space<vmem>>
      %dma_wait3A_390 = tpu.memref_squeeze %dma_wait3A_389 : memref<1x80x128xf32, #tpu.memory_space<vmem>> -> memref<80x128xf32, #tpu.memory_space<vmem>>
      %dma_wait3A_391 = arith.constant 0 : i32
      %dma_wait3A_392 = tpu.memref_slice %arg6[%dma_wait3A_384, %dma_wait3A_391] : memref<25x80xi32, #tpu.memory_space<vmem>> -> memref<1x80xi32, #tpu.memory_space<vmem>>
      %dma_wait3A_393 = tpu.memref_squeeze %dma_wait3A_392 : memref<1x80xi32, #tpu.memory_space<vmem>> -> memref<80xi32, #tpu.memory_space<vmem>>
      %dma_wait3A_394 = arith.constant 0 : i32
      %dma_wait3A_395 = arith.constant 0 : i32
      %dma_wait3A_396 = tpu.memref_slice %arg2[%dma_wait3A_394, %dma_wait3A_395] : memref<10000x128xf32, #tpu.memory_space<hbm>> -> memref<10000x128xf32, #tpu.memory_space<hbm>>
      %dma_wait3A_397 = tpu.memref_slice %arg10[%dma_wait3A_386] : memref<4x!tpu.dma_semaphore, #tpu.memory_space<semaphore_mem>> -> memref<1x!tpu.dma_semaphore, #tpu.memory_space<semaphore_mem>>
      %dma_wait3A_398 = tpu.memref_squeeze %dma_wait3A_397 : memref<1x!tpu.dma_semaphore, #tpu.memory_space<semaphore_mem>> -> memref<!tpu.dma_semaphore, #tpu.memory_space<semaphore_mem>>
      tpu.wait_indirect_dma semaphore(%dma_wait3A_398 : memref<!tpu.dma_semaphore, #tpu.memory_space<semaphore_mem>>) src(%dma_wait3A_396 : memref<10000x128xf32, #tpu.memory_space<hbm>>) dst(%dma_wait3A_390 : memref<80x128xf32, #tpu.memory_space<vmem>>)
      %dma_start3A_399 = arith.constant 1 : i32
      %dma_start3A_400 = arith.constant 5 : i32
      %dma_start3A_401 = arith.constant 1 : i32
      %dma_start3A_402 = arith.constant 0 : i32
      %dma_start3A_403 = arith.constant 0 : i32
      %dma_start3A_404 = tpu.memref_slice %arg8[%dma_start3A_399, %dma_start3A_402, %dma_start3A_403] : memref<4x80x128xf32, #tpu.memory_space<vmem>> -> memref<1x80x128xf32, #tpu.memory_space<vmem>>
      %dma_start3A_405 = tpu.memref_squeeze %dma_start3A_404 : memref<1x80x128xf32, #tpu.memory_space<vmem>> -> memref<80x128xf32, #tpu.memory_space<vmem>>
      %dma_start3A_406 = arith.constant 0 : i32
      %dma_start3A_407 = tpu.memref_slice %arg7[%dma_start3A_400, %dma_start3A_406] : memref<25x80xi32, #tpu.memory_space<vmem>> -> memref<1x80xi32, #tpu.memory_space<vmem>>
      %dma_start3A_408 = tpu.memref_squeeze %dma_start3A_407 : memref<1x80xi32, #tpu.memory_space<vmem>> -> memref<80xi32, #tpu.memory_space<vmem>>
      %dma_start3A_409 = arith.constant 0 : i32
      %dma_start3A_410 = arith.constant 0 : i32
      %dma_start3A_411 = tpu.memref_slice %arg9[%dma_start3A_409, %dma_start3A_410] : memref<10000x128xf32, #tpu.memory_space<vmem_shared>> -> memref<10000x128xf32, #tpu.memory_space<vmem_shared>>
      %dma_start3A_412 = tpu.memref_slice %arg11[%dma_start3A_401] : memref<4x!tpu.dma_semaphore, #tpu.memory_space<semaphore_mem>> -> memref<1x!tpu.dma_semaphore, #tpu.memory_space<semaphore_mem>>
      %dma_start3A_413 = tpu.memref_squeeze %dma_start3A_412 : memref<1x!tpu.dma_semaphore, #tpu.memory_space<semaphore_mem>> -> memref<!tpu.dma_semaphore, #tpu.memory_space<semaphore_mem>>
      tpu.enqueue_indirect_dma source(%dma_start3A_405 : memref<80x128xf32, #tpu.memory_space<vmem>>) target(%dma_start3A_411 : memref<10000x128xf32, #tpu.memory_space<vmem_shared>>) offsets(%dma_start3A_408 : memref<80xi32, #tpu.memory_space<vmem>>) semaphore(%dma_start3A_413 : memref<!tpu.dma_semaphore, #tpu.memory_space<semaphore_mem>>) {add = true}
      %dma_wait3A_414 = arith.constant 0 : i32
      %dma_wait3A_415 = arith.constant 4 : i32
      %dma_wait3A_416 = arith.constant 0 : i32
      %dma_wait3A_417 = arith.constant 0 : i32
      %dma_wait3A_418 = arith.constant 0 : i32
      %dma_wait3A_419 = tpu.memref_slice %arg8[%dma_wait3A_414, %dma_wait3A_417, %dma_wait3A_418] : memref<4x80x128xf32, #tpu.memory_space<vmem>> -> memref<1x80x128xf32, #tpu.memory_space<vmem>>
      %dma_wait3A_420 = tpu.memref_squeeze %dma_wait3A_419 : memref<1x80x128xf32, #tpu.memory_space<vmem>> -> memref<80x128xf32, #tpu.memory_space<vmem>>
      %dma_wait3A_421 = arith.constant 0 : i32
      %dma_wait3A_422 = tpu.memref_slice %arg7[%dma_wait3A_415, %dma_wait3A_421] : memref<25x80xi32, #tpu.memory_space<vmem>> -> memref<1x80xi32, #tpu.memory_space<vmem>>
      %dma_wait3A_423 = tpu.memref_squeeze %dma_wait3A_422 : memref<1x80xi32, #tpu.memory_space<vmem>> -> memref<80xi32, #tpu.memory_space<vmem>>
      %dma_wait3A_424 = arith.constant 0 : i32
      %dma_wait3A_425 = arith.constant 0 : i32
      %dma_wait3A_426 = tpu.memref_slice %arg9[%dma_wait3A_424, %dma_wait3A_425] : memref<10000x128xf32, #tpu.memory_space<vmem_shared>> -> memref<10000x128xf32, #tpu.memory_space<vmem_shared>>
      %dma_wait3A_427 = tpu.memref_slice %arg11[%dma_wait3A_416] : memref<4x!tpu.dma_semaphore, #tpu.memory_space<semaphore_mem>> -> memref<1x!tpu.dma_semaphore, #tpu.memory_space<semaphore_mem>>
      %dma_wait3A_428 = tpu.memref_squeeze %dma_wait3A_427 : memref<1x!tpu.dma_semaphore, #tpu.memory_space<semaphore_mem>> -> memref<!tpu.dma_semaphore, #tpu.memory_space<semaphore_mem>>
      tpu.wait_indirect_dma semaphore(%dma_wait3A_428 : memref<!tpu.dma_semaphore, #tpu.memory_space<semaphore_mem>>) src(%dma_wait3A_420 : memref<80x128xf32, #tpu.memory_space<vmem>>) dst(%dma_wait3A_426 : memref<10000x128xf32, #tpu.memory_space<vmem_shared>>)
      %dma_start3A_429 = arith.constant 8 : i32
      %dma_start3A_430 = arith.constant 0 : i32
      %dma_start3A_431 = arith.constant 0 : i32
      %dma_start3A_432 = arith.constant 0 : i32
      %dma_start3A_433 = arith.constant 0 : i32
      %dma_start3A_434 = tpu.memref_slice %arg8[%dma_start3A_430, %dma_start3A_432, %dma_start3A_433] : memref<4x80x128xf32, #tpu.memory_space<vmem>> -> memref<1x80x128xf32, #tpu.memory_space<vmem>>
      %dma_start3A_435 = tpu.memref_squeeze %dma_start3A_434 : memref<1x80x128xf32, #tpu.memory_space<vmem>> -> memref<80x128xf32, #tpu.memory_space<vmem>>
      %dma_start3A_436 = arith.constant 0 : i32
      %dma_start3A_437 = tpu.memref_slice %arg6[%dma_start3A_429, %dma_start3A_436] : memref<25x80xi32, #tpu.memory_space<vmem>> -> memref<1x80xi32, #tpu.memory_space<vmem>>
      %dma_start3A_438 = tpu.memref_squeeze %dma_start3A_437 : memref<1x80xi32, #tpu.memory_space<vmem>> -> memref<80xi32, #tpu.memory_space<vmem>>
      %dma_start3A_439 = arith.constant 0 : i32
      %dma_start3A_440 = arith.constant 0 : i32
      %dma_start3A_441 = tpu.memref_slice %arg2[%dma_start3A_439, %dma_start3A_440] : memref<10000x128xf32, #tpu.memory_space<hbm>> -> memref<10000x128xf32, #tpu.memory_space<hbm>>
      %dma_start3A_442 = tpu.memref_slice %arg10[%dma_start3A_431] : memref<4x!tpu.dma_semaphore, #tpu.memory_space<semaphore_mem>> -> memref<1x!tpu.dma_semaphore, #tpu.memory_space<semaphore_mem>>
      %dma_start3A_443 = tpu.memref_squeeze %dma_start3A_442 : memref<1x!tpu.dma_semaphore, #tpu.memory_space<semaphore_mem>> -> memref<!tpu.dma_semaphore, #tpu.memory_space<semaphore_mem>>
      tpu.enqueue_indirect_dma source(%dma_start3A_441 : memref<10000x128xf32, #tpu.memory_space<hbm>>) target(%dma_start3A_435 : memref<80x128xf32, #tpu.memory_space<vmem>>) offsets(%dma_start3A_438 : memref<80xi32, #tpu.memory_space<vmem>>) semaphore(%dma_start3A_443 : memref<!tpu.dma_semaphore, #tpu.memory_space<semaphore_mem>>)
      %dma_wait3A_444 = arith.constant 6 : i32
      %dma_wait3A_445 = arith.constant 2 : i32
      %dma_wait3A_446 = arith.constant 2 : i32
      %dma_wait3A_447 = arith.constant 0 : i32
      %dma_wait3A_448 = arith.constant 0 : i32
      %dma_wait3A_449 = tpu.memref_slice %arg8[%dma_wait3A_445, %dma_wait3A_447, %dma_wait3A_448] : memref<4x80x128xf32, #tpu.memory_space<vmem>> -> memref<1x80x128xf32, #tpu.memory_space<vmem>>
      %dma_wait3A_450 = tpu.memref_squeeze %dma_wait3A_449 : memref<1x80x128xf32, #tpu.memory_space<vmem>> -> memref<80x128xf32, #tpu.memory_space<vmem>>
      %dma_wait3A_451 = arith.constant 0 : i32
      %dma_wait3A_452 = tpu.memref_slice %arg6[%dma_wait3A_444, %dma_wait3A_451] : memref<25x80xi32, #tpu.memory_space<vmem>> -> memref<1x80xi32, #tpu.memory_space<vmem>>
      %dma_wait3A_453 = tpu.memref_squeeze %dma_wait3A_452 : memref<1x80xi32, #tpu.memory_space<vmem>> -> memref<80xi32, #tpu.memory_space<vmem>>
      %dma_wait3A_454 = arith.constant 0 : i32
      %dma_wait3A_455 = arith.constant 0 : i32
      %dma_wait3A_456 = tpu.memref_slice %arg2[%dma_wait3A_454, %dma_wait3A_455] : memref<10000x128xf32, #tpu.memory_space<hbm>> -> memref<10000x128xf32, #tpu.memory_space<hbm>>
      %dma_wait3A_457 = tpu.memref_slice %arg10[%dma_wait3A_446] : memref<4x!tpu.dma_semaphore, #tpu.memory_space<semaphore_mem>> -> memref<1x!tpu.dma_semaphore, #tpu.memory_space<semaphore_mem>>
      %dma_wait3A_458 = tpu.memref_squeeze %dma_wait3A_457 : memref<1x!tpu.dma_semaphore, #tpu.memory_space<semaphore_mem>> -> memref<!tpu.dma_semaphore, #tpu.memory_space<semaphore_mem>>
      tpu.wait_indirect_dma semaphore(%dma_wait3A_458 : memref<!tpu.dma_semaphore, #tpu.memory_space<semaphore_mem>>) src(%dma_wait3A_456 : memref<10000x128xf32, #tpu.memory_space<hbm>>) dst(%dma_wait3A_450 : memref<80x128xf32, #tpu.memory_space<vmem>>)
      %dma_start3A_459 = arith.constant 2 : i32
      %dma_start3A_460 = arith.constant 6 : i32
      %dma_start3A_461 = arith.constant 2 : i32
      %dma_start3A_462 = arith.constant 0 : i32
      %dma_start3A_463 = arith.constant 0 : i32
      %dma_start3A_464 = tpu.memref_slice %arg8[%dma_start3A_459, %dma_start3A_462, %dma_start3A_463] : memref<4x80x128xf32, #tpu.memory_space<vmem>> -> memref<1x80x128xf32, #tpu.memory_space<vmem>>
      %dma_start3A_465 = tpu.memref_squeeze %dma_start3A_464 : memref<1x80x128xf32, #tpu.memory_space<vmem>> -> memref<80x128xf32, #tpu.memory_space<vmem>>
      %dma_start3A_466 = arith.constant 0 : i32
      %dma_start3A_467 = tpu.memref_slice %arg7[%dma_start3A_460, %dma_start3A_466] : memref<25x80xi32, #tpu.memory_space<vmem>> -> memref<1x80xi32, #tpu.memory_space<vmem>>
      %dma_start3A_468 = tpu.memref_squeeze %dma_start3A_467 : memref<1x80xi32, #tpu.memory_space<vmem>> -> memref<80xi32, #tpu.memory_space<vmem>>
      %dma_start3A_469 = arith.constant 0 : i32
      %dma_start3A_470 = arith.constant 0 : i32
      %dma_start3A_471 = tpu.memref_slice %arg9[%dma_start3A_469, %dma_start3A_470] : memref<10000x128xf32, #tpu.memory_space<vmem_shared>> -> memref<10000x128xf32, #tpu.memory_space<vmem_shared>>
      %dma_start3A_472 = tpu.memref_slice %arg11[%dma_start3A_461] : memref<4x!tpu.dma_semaphore, #tpu.memory_space<semaphore_mem>> -> memref<1x!tpu.dma_semaphore, #tpu.memory_space<semaphore_mem>>
      %dma_start3A_473 = tpu.memref_squeeze %dma_start3A_472 : memref<1x!tpu.dma_semaphore, #tpu.memory_space<semaphore_mem>> -> memref<!tpu.dma_semaphore, #tpu.memory_space<semaphore_mem>>
      tpu.enqueue_indirect_dma source(%dma_start3A_465 : memref<80x128xf32, #tpu.memory_space<vmem>>) target(%dma_start3A_471 : memref<10000x128xf32, #tpu.memory_space<vmem_shared>>) offsets(%dma_start3A_468 : memref<80xi32, #tpu.memory_space<vmem>>) semaphore(%dma_start3A_473 : memref<!tpu.dma_semaphore, #tpu.memory_space<semaphore_mem>>) {add = true}
      %dma_wait3A_474 = arith.constant 1 : i32
      %dma_wait3A_475 = arith.constant 5 : i32
      %dma_wait3A_476 = arith.constant 1 : i32
      %dma_wait3A_477 = arith.constant 0 : i32
      %dma_wait3A_478 = arith.constant 0 : i32
      %dma_wait3A_479 = tpu.memref_slice %arg8[%dma_wait3A_474, %dma_wait3A_477, %dma_wait3A_478] : memref<4x80x128xf32, #tpu.memory_space<vmem>> -> memref<1x80x128xf32, #tpu.memory_space<vmem>>
      %dma_wait3A_480 = tpu.memref_squeeze %dma_wait3A_479 : memref<1x80x128xf32, #tpu.memory_space<vmem>> -> memref<80x128xf32, #tpu.memory_space<vmem>>
      %dma_wait3A_481 = arith.constant 0 : i32
      %dma_wait3A_482 = tpu.memref_slice %arg7[%dma_wait3A_475, %dma_wait3A_481] : memref<25x80xi32, #tpu.memory_space<vmem>> -> memref<1x80xi32, #tpu.memory_space<vmem>>
      %dma_wait3A_483 = tpu.memref_squeeze %dma_wait3A_482 : memref<1x80xi32, #tpu.memory_space<vmem>> -> memref<80xi32, #tpu.memory_space<vmem>>
      %dma_wait3A_484 = arith.constant 0 : i32
      %dma_wait3A_485 = arith.constant 0 : i32
      %dma_wait3A_486 = tpu.memref_slice %arg9[%dma_wait3A_484, %dma_wait3A_485] : memref<10000x128xf32, #tpu.memory_space<vmem_shared>> -> memref<10000x128xf32, #tpu.memory_space<vmem_shared>>
      %dma_wait3A_487 = tpu.memref_slice %arg11[%dma_wait3A_476] : memref<4x!tpu.dma_semaphore, #tpu.memory_space<semaphore_mem>> -> memref<1x!tpu.dma_semaphore, #tpu.memory_space<semaphore_mem>>
      %dma_wait3A_488 = tpu.memref_squeeze %dma_wait3A_487 : memref<1x!tpu.dma_semaphore, #tpu.memory_space<semaphore_mem>> -> memref<!tpu.dma_semaphore, #tpu.memory_space<semaphore_mem>>
      tpu.wait_indirect_dma semaphore(%dma_wait3A_488 : memref<!tpu.dma_semaphore, #tpu.memory_space<semaphore_mem>>) src(%dma_wait3A_480 : memref<80x128xf32, #tpu.memory_space<vmem>>) dst(%dma_wait3A_486 : memref<10000x128xf32, #tpu.memory_space<vmem_shared>>)
      %dma_start3A_489 = arith.constant 9 : i32
      %dma_start3A_490 = arith.constant 1 : i32
      %dma_start3A_491 = arith.constant 1 : i32
      %dma_start3A_492 = arith.constant 0 : i32
      %dma_start3A_493 = arith.constant 0 : i32
      %dma_start3A_494 = tpu.memref_slice %arg8[%dma_start3A_490, %dma_start3A_492, %dma_start3A_493] : memref<4x80x128xf32, #tpu.memory_space<vmem>> -> memref<1x80x128xf32, #tpu.memory_space<vmem>>
      %dma_start3A_495 = tpu.memref_squeeze %dma_start3A_494 : memref<1x80x128xf32, #tpu.memory_space<vmem>> -> memref<80x128xf32, #tpu.memory_space<vmem>>
      %dma_start3A_496 = arith.constant 0 : i32
      %dma_start3A_497 = tpu.memref_slice %arg6[%dma_start3A_489, %dma_start3A_496] : memref<25x80xi32, #tpu.memory_space<vmem>> -> memref<1x80xi32, #tpu.memory_space<vmem>>
      %dma_start3A_498 = tpu.memref_squeeze %dma_start3A_497 : memref<1x80xi32, #tpu.memory_space<vmem>> -> memref<80xi32, #tpu.memory_space<vmem>>
      %dma_start3A_499 = arith.constant 0 : i32
      %dma_start3A_500 = arith.constant 0 : i32
      %dma_start3A_501 = tpu.memref_slice %arg2[%dma_start3A_499, %dma_start3A_500] : memref<10000x128xf32, #tpu.memory_space<hbm>> -> memref<10000x128xf32, #tpu.memory_space<hbm>>
      %dma_start3A_502 = tpu.memref_slice %arg10[%dma_start3A_491] : memref<4x!tpu.dma_semaphore, #tpu.memory_space<semaphore_mem>> -> memref<1x!tpu.dma_semaphore, #tpu.memory_space<semaphore_mem>>
      %dma_start3A_503 = tpu.memref_squeeze %dma_start3A_502 : memref<1x!tpu.dma_semaphore, #tpu.memory_space<semaphore_mem>> -> memref<!tpu.dma_semaphore, #tpu.memory_space<semaphore_mem>>
      tpu.enqueue_indirect_dma source(%dma_start3A_501 : memref<10000x128xf32, #tpu.memory_space<hbm>>) target(%dma_start3A_495 : memref<80x128xf32, #tpu.memory_space<vmem>>) offsets(%dma_start3A_498 : memref<80xi32, #tpu.memory_space<vmem>>) semaphore(%dma_start3A_503 : memref<!tpu.dma_semaphore, #tpu.memory_space<semaphore_mem>>)
      %dma_wait3A_504 = arith.constant 7 : i32
      %dma_wait3A_505 = arith.constant 3 : i32
      %dma_wait3A_506 = arith.constant 3 : i32
      %dma_wait3A_507 = arith.constant 0 : i32
      %dma_wait3A_508 = arith.constant 0 : i32
      %dma_wait3A_509 = tpu.memref_slice %arg8[%dma_wait3A_505, %dma_wait3A_507, %dma_wait3A_508] : memref<4x80x128xf32, #tpu.memory_space<vmem>> -> memref<1x80x128xf32, #tpu.memory_space<vmem>>
      %dma_wait3A_510 = tpu.memref_squeeze %dma_wait3A_509 : memref<1x80x128xf32, #tpu.memory_space<vmem>> -> memref<80x128xf32, #tpu.memory_space<vmem>>
      %dma_wait3A_511 = arith.constant 0 : i32
      %dma_wait3A_512 = tpu.memref_slice %arg6[%dma_wait3A_504, %dma_wait3A_511] : memref<25x80xi32, #tpu.memory_space<vmem>> -> memref<1x80xi32, #tpu.memory_space<vmem>>
      %dma_wait3A_513 = tpu.memref_squeeze %dma_wait3A_512 : memref<1x80xi32, #tpu.memory_space<vmem>> -> memref<80xi32, #tpu.memory_space<vmem>>
      %dma_wait3A_514 = arith.constant 0 : i32
      %dma_wait3A_515 = arith.constant 0 : i32
      %dma_wait3A_516 = tpu.memref_slice %arg2[%dma_wait3A_514, %dma_wait3A_515] : memref<10000x128xf32, #tpu.memory_space<hbm>> -> memref<10000x128xf32, #tpu.memory_space<hbm>>
      %dma_wait3A_517 = tpu.memref_slice %arg10[%dma_wait3A_506] : memref<4x!tpu.dma_semaphore, #tpu.memory_space<semaphore_mem>> -> memref<1x!tpu.dma_semaphore, #tpu.memory_space<semaphore_mem>>
      %dma_wait3A_518 = tpu.memref_squeeze %dma_wait3A_517 : memref<1x!tpu.dma_semaphore, #tpu.memory_space<semaphore_mem>> -> memref<!tpu.dma_semaphore, #tpu.memory_space<semaphore_mem>>
      tpu.wait_indirect_dma semaphore(%dma_wait3A_518 : memref<!tpu.dma_semaphore, #tpu.memory_space<semaphore_mem>>) src(%dma_wait3A_516 : memref<10000x128xf32, #tpu.memory_space<hbm>>) dst(%dma_wait3A_510 : memref<80x128xf32, #tpu.memory_space<vmem>>)
      %dma_start3A_519 = arith.constant 3 : i32
      %dma_start3A_520 = arith.constant 7 : i32
      %dma_start3A_521 = arith.constant 3 : i32
      %dma_start3A_522 = arith.constant 0 : i32
      %dma_start3A_523 = arith.constant 0 : i32
      %dma_start3A_524 = tpu.memref_slice %arg8[%dma_start3A_519, %dma_start3A_522, %dma_start3A_523] : memref<4x80x128xf32, #tpu.memory_space<vmem>> -> memref<1x80x128xf32, #tpu.memory_space<vmem>>
      %dma_start3A_525 = tpu.memref_squeeze %dma_start3A_524 : memref<1x80x128xf32, #tpu.memory_space<vmem>> -> memref<80x128xf32, #tpu.memory_space<vmem>>
      %dma_start3A_526 = arith.constant 0 : i32
      %dma_start3A_527 = tpu.memref_slice %arg7[%dma_start3A_520, %dma_start3A_526] : memref<25x80xi32, #tpu.memory_space<vmem>> -> memref<1x80xi32, #tpu.memory_space<vmem>>
      %dma_start3A_528 = tpu.memref_squeeze %dma_start3A_527 : memref<1x80xi32, #tpu.memory_space<vmem>> -> memref<80xi32, #tpu.memory_space<vmem>>
      %dma_start3A_529 = arith.constant 0 : i32
      %dma_start3A_530 = arith.constant 0 : i32
      %dma_start3A_531 = tpu.memref_slice %arg9[%dma_start3A_529, %dma_start3A_530] : memref<10000x128xf32, #tpu.memory_space<vmem_shared>> -> memref<10000x128xf32, #tpu.memory_space<vmem_shared>>
      %dma_start3A_532 = tpu.memref_slice %arg11[%dma_start3A_521] : memref<4x!tpu.dma_semaphore, #tpu.memory_space<semaphore_mem>> -> memref<1x!tpu.dma_semaphore, #tpu.memory_space<semaphore_mem>>
      %dma_start3A_533 = tpu.memref_squeeze %dma_start3A_532 : memref<1x!tpu.dma_semaphore, #tpu.memory_space<semaphore_mem>> -> memref<!tpu.dma_semaphore, #tpu.memory_space<semaphore_mem>>
      tpu.enqueue_indirect_dma source(%dma_start3A_525 : memref<80x128xf32, #tpu.memory_space<vmem>>) target(%dma_start3A_531 : memref<10000x128xf32, #tpu.memory_space<vmem_shared>>) offsets(%dma_start3A_528 : memref<80xi32, #tpu.memory_space<vmem>>) semaphore(%dma_start3A_533 : memref<!tpu.dma_semaphore, #tpu.memory_space<semaphore_mem>>) {add = true}
      %dma_wait3A_534 = arith.constant 2 : i32
      %dma_wait3A_535 = arith.constant 6 : i32
      %dma_wait3A_536 = arith.constant 2 : i32
      %dma_wait3A_537 = arith.constant 0 : i32
      %dma_wait3A_538 = arith.constant 0 : i32
      %dma_wait3A_539 = tpu.memref_slice %arg8[%dma_wait3A_534, %dma_wait3A_537, %dma_wait3A_538] : memref<4x80x128xf32, #tpu.memory_space<vmem>> -> memref<1x80x128xf32, #tpu.memory_space<vmem>>
      %dma_wait3A_540 = tpu.memref_squeeze %dma_wait3A_539 : memref<1x80x128xf32, #tpu.memory_space<vmem>> -> memref<80x128xf32, #tpu.memory_space<vmem>>
      %dma_wait3A_541 = arith.constant 0 : i32
      %dma_wait3A_542 = tpu.memref_slice %arg7[%dma_wait3A_535, %dma_wait3A_541] : memref<25x80xi32, #tpu.memory_space<vmem>> -> memref<1x80xi32, #tpu.memory_space<vmem>>
      %dma_wait3A_543 = tpu.memref_squeeze %dma_wait3A_542 : memref<1x80xi32, #tpu.memory_space<vmem>> -> memref<80xi32, #tpu.memory_space<vmem>>
      %dma_wait3A_544 = arith.constant 0 : i32
      %dma_wait3A_545 = arith.constant 0 : i32
      %dma_wait3A_546 = tpu.memref_slice %arg9[%dma_wait3A_544, %dma_wait3A_545] : memref<10000x128xf32, #tpu.memory_space<vmem_shared>> -> memref<10000x128xf32, #tpu.memory_space<vmem_shared>>
      %dma_wait3A_547 = tpu.memref_slice %arg11[%dma_wait3A_536] : memref<4x!tpu.dma_semaphore, #tpu.memory_space<semaphore_mem>> -> memref<1x!tpu.dma_semaphore, #tpu.memory_space<semaphore_mem>>
      %dma_wait3A_548 = tpu.memref_squeeze %dma_wait3A_547 : memref<1x!tpu.dma_semaphore, #tpu.memory_space<semaphore_mem>> -> memref<!tpu.dma_semaphore, #tpu.memory_space<semaphore_mem>>
      tpu.wait_indirect_dma semaphore(%dma_wait3A_548 : memref<!tpu.dma_semaphore, #tpu.memory_space<semaphore_mem>>) src(%dma_wait3A_540 : memref<80x128xf32, #tpu.memory_space<vmem>>) dst(%dma_wait3A_546 : memref<10000x128xf32, #tpu.memory_space<vmem_shared>>)
      %dma_start3A_549 = arith.constant 10 : i32
      %dma_start3A_550 = arith.constant 2 : i32
      %dma_start3A_551 = arith.constant 2 : i32
      %dma_start3A_552 = arith.constant 0 : i32
      %dma_start3A_553 = arith.constant 0 : i32
      %dma_start3A_554 = tpu.memref_slice %arg8[%dma_start3A_550, %dma_start3A_552, %dma_start3A_553] : memref<4x80x128xf32, #tpu.memory_space<vmem>> -> memref<1x80x128xf32, #tpu.memory_space<vmem>>
      %dma_start3A_555 = tpu.memref_squeeze %dma_start3A_554 : memref<1x80x128xf32, #tpu.memory_space<vmem>> -> memref<80x128xf32, #tpu.memory_space<vmem>>
      %dma_start3A_556 = arith.constant 0 : i32
      %dma_start3A_557 = tpu.memref_slice %arg6[%dma_start3A_549, %dma_start3A_556] : memref<25x80xi32, #tpu.memory_space<vmem>> -> memref<1x80xi32, #tpu.memory_space<vmem>>
      %dma_start3A_558 = tpu.memref_squeeze %dma_start3A_557 : memref<1x80xi32, #tpu.memory_space<vmem>> -> memref<80xi32, #tpu.memory_space<vmem>>
      %dma_start3A_559 = arith.constant 0 : i32
      %dma_start3A_560 = arith.constant 0 : i32
      %dma_start3A_561 = tpu.memref_slice %arg2[%dma_start3A_559, %dma_start3A_560] : memref<10000x128xf32, #tpu.memory_space<hbm>> -> memref<10000x128xf32, #tpu.memory_space<hbm>>
      %dma_start3A_562 = tpu.memref_slice %arg10[%dma_start3A_551] : memref<4x!tpu.dma_semaphore, #tpu.memory_space<semaphore_mem>> -> memref<1x!tpu.dma_semaphore, #tpu.memory_space<semaphore_mem>>
      %dma_start3A_563 = tpu.memref_squeeze %dma_start3A_562 : memref<1x!tpu.dma_semaphore, #tpu.memory_space<semaphore_mem>> -> memref<!tpu.dma_semaphore, #tpu.memory_space<semaphore_mem>>
      tpu.enqueue_indirect_dma source(%dma_start3A_561 : memref<10000x128xf32, #tpu.memory_space<hbm>>) target(%dma_start3A_555 : memref<80x128xf32, #tpu.memory_space<vmem>>) offsets(%dma_start3A_558 : memref<80xi32, #tpu.memory_space<vmem>>) semaphore(%dma_start3A_563 : memref<!tpu.dma_semaphore, #tpu.memory_space<semaphore_mem>>)
      %dma_wait3A_564 = arith.constant 8 : i32
      %dma_wait3A_565 = arith.constant 0 : i32
      %dma_wait3A_566 = arith.constant 0 : i32
      %dma_wait3A_567 = arith.constant 0 : i32
      %dma_wait3A_568 = arith.constant 0 : i32
      %dma_wait3A_569 = tpu.memref_slice %arg8[%dma_wait3A_565, %dma_wait3A_567, %dma_wait3A_568] : memref<4x80x128xf32, #tpu.memory_space<vmem>> -> memref<1x80x128xf32, #tpu.memory_space<vmem>>
      %dma_wait3A_570 = tpu.memref_squeeze %dma_wait3A_569 : memref<1x80x128xf32, #tpu.memory_space<vmem>> -> memref<80x128xf32, #tpu.memory_space<vmem>>
      %dma_wait3A_571 = arith.constant 0 : i32
      %dma_wait3A_572 = tpu.memref_slice %arg6[%dma_wait3A_564, %dma_wait3A_571] : memref<25x80xi32, #tpu.memory_space<vmem>> -> memref<1x80xi32, #tpu.memory_space<vmem>>
      %dma_wait3A_573 = tpu.memref_squeeze %dma_wait3A_572 : memref<1x80xi32, #tpu.memory_space<vmem>> -> memref<80xi32, #tpu.memory_space<vmem>>
      %dma_wait3A_574 = arith.constant 0 : i32
      %dma_wait3A_575 = arith.constant 0 : i32
      %dma_wait3A_576 = tpu.memref_slice %arg2[%dma_wait3A_574, %dma_wait3A_575] : memref<10000x128xf32, #tpu.memory_space<hbm>> -> memref<10000x128xf32, #tpu.memory_space<hbm>>
      %dma_wait3A_577 = tpu.memref_slice %arg10[%dma_wait3A_566] : memref<4x!tpu.dma_semaphore, #tpu.memory_space<semaphore_mem>> -> memref<1x!tpu.dma_semaphore, #tpu.memory_space<semaphore_mem>>
      %dma_wait3A_578 = tpu.memref_squeeze %dma_wait3A_577 : memref<1x!tpu.dma_semaphore, #tpu.memory_space<semaphore_mem>> -> memref<!tpu.dma_semaphore, #tpu.memory_space<semaphore_mem>>
      tpu.wait_indirect_dma semaphore(%dma_wait3A_578 : memref<!tpu.dma_semaphore, #tpu.memory_space<semaphore_mem>>) src(%dma_wait3A_576 : memref<10000x128xf32, #tpu.memory_space<hbm>>) dst(%dma_wait3A_570 : memref<80x128xf32, #tpu.memory_space<vmem>>)
      %dma_start3A_579 = arith.constant 0 : i32
      %dma_start3A_580 = arith.constant 8 : i32
      %dma_start3A_581 = arith.constant 0 : i32
      %dma_start3A_582 = arith.constant 0 : i32
      %dma_start3A_583 = arith.constant 0 : i32
      %dma_start3A_584 = tpu.memref_slice %arg8[%dma_start3A_579, %dma_start3A_582, %dma_start3A_583] : memref<4x80x128xf32, #tpu.memory_space<vmem>> -> memref<1x80x128xf32, #tpu.memory_space<vmem>>
      %dma_start3A_585 = tpu.memref_squeeze %dma_start3A_584 : memref<1x80x128xf32, #tpu.memory_space<vmem>> -> memref<80x128xf32, #tpu.memory_space<vmem>>
      %dma_start3A_586 = arith.constant 0 : i32
      %dma_start3A_587 = tpu.memref_slice %arg7[%dma_start3A_580, %dma_start3A_586] : memref<25x80xi32, #tpu.memory_space<vmem>> -> memref<1x80xi32, #tpu.memory_space<vmem>>
      %dma_start3A_588 = tpu.memref_squeeze %dma_start3A_587 : memref<1x80xi32, #tpu.memory_space<vmem>> -> memref<80xi32, #tpu.memory_space<vmem>>
      %dma_start3A_589 = arith.constant 0 : i32
      %dma_start3A_590 = arith.constant 0 : i32
      %dma_start3A_591 = tpu.memref_slice %arg9[%dma_start3A_589, %dma_start3A_590] : memref<10000x128xf32, #tpu.memory_space<vmem_shared>> -> memref<10000x128xf32, #tpu.memory_space<vmem_shared>>
      %dma_start3A_592 = tpu.memref_slice %arg11[%dma_start3A_581] : memref<4x!tpu.dma_semaphore, #tpu.memory_space<semaphore_mem>> -> memref<1x!tpu.dma_semaphore, #tpu.memory_space<semaphore_mem>>
      %dma_start3A_593 = tpu.memref_squeeze %dma_start3A_592 : memref<1x!tpu.dma_semaphore, #tpu.memory_space<semaphore_mem>> -> memref<!tpu.dma_semaphore, #tpu.memory_space<semaphore_mem>>
      tpu.enqueue_indirect_dma source(%dma_start3A_585 : memref<80x128xf32, #tpu.memory_space<vmem>>) target(%dma_start3A_591 : memref<10000x128xf32, #tpu.memory_space<vmem_shared>>) offsets(%dma_start3A_588 : memref<80xi32, #tpu.memory_space<vmem>>) semaphore(%dma_start3A_593 : memref<!tpu.dma_semaphore, #tpu.memory_space<semaphore_mem>>) {add = true}
      %dma_wait3A_594 = arith.constant 3 : i32
      %dma_wait3A_595 = arith.constant 7 : i32
      %dma_wait3A_596 = arith.constant 3 : i32
      %dma_wait3A_597 = arith.constant 0 : i32
      %dma_wait3A_598 = arith.constant 0 : i32
      %dma_wait3A_599 = tpu.memref_slice %arg8[%dma_wait3A_594, %dma_wait3A_597, %dma_wait3A_598] : memref<4x80x128xf32, #tpu.memory_space<vmem>> -> memref<1x80x128xf32, #tpu.memory_space<vmem>>
      %dma_wait3A_600 = tpu.memref_squeeze %dma_wait3A_599 : memref<1x80x128xf32, #tpu.memory_space<vmem>> -> memref<80x128xf32, #tpu.memory_space<vmem>>
      %dma_wait3A_601 = arith.constant 0 : i32
      %dma_wait3A_602 = tpu.memref_slice %arg7[%dma_wait3A_595, %dma_wait3A_601] : memref<25x80xi32, #tpu.memory_space<vmem>> -> memref<1x80xi32, #tpu.memory_space<vmem>>
      %dma_wait3A_603 = tpu.memref_squeeze %dma_wait3A_602 : memref<1x80xi32, #tpu.memory_space<vmem>> -> memref<80xi32, #tpu.memory_space<vmem>>
      %dma_wait3A_604 = arith.constant 0 : i32
      %dma_wait3A_605 = arith.constant 0 : i32
      %dma_wait3A_606 = tpu.memref_slice %arg9[%dma_wait3A_604, %dma_wait3A_605] : memref<10000x128xf32, #tpu.memory_space<vmem_shared>> -> memref<10000x128xf32, #tpu.memory_space<vmem_shared>>
      %dma_wait3A_607 = tpu.memref_slice %arg11[%dma_wait3A_596] : memref<4x!tpu.dma_semaphore, #tpu.memory_space<semaphore_mem>> -> memref<1x!tpu.dma_semaphore, #tpu.memory_space<semaphore_mem>>
      %dma_wait3A_608 = tpu.memref_squeeze %dma_wait3A_607 : memref<1x!tpu.dma_semaphore, #tpu.memory_space<semaphore_mem>> -> memref<!tpu.dma_semaphore, #tpu.memory_space<semaphore_mem>>
      tpu.wait_indirect_dma semaphore(%dma_wait3A_608 : memref<!tpu.dma_semaphore, #tpu.memory_space<semaphore_mem>>) src(%dma_wait3A_600 : memref<80x128xf32, #tpu.memory_space<vmem>>) dst(%dma_wait3A_606 : memref<10000x128xf32, #tpu.memory_space<vmem_shared>>)
      %dma_start3A_609 = arith.constant 11 : i32
      %dma_start3A_610 = arith.constant 3 : i32
      %dma_start3A_611 = arith.constant 3 : i32
      %dma_start3A_612 = arith.constant 0 : i32
      %dma_start3A_613 = arith.constant 0 : i32
      %dma_start3A_614 = tpu.memref_slice %arg8[%dma_start3A_610, %dma_start3A_612, %dma_start3A_613] : memref<4x80x128xf32, #tpu.memory_space<vmem>> -> memref<1x80x128xf32, #tpu.memory_space<vmem>>
      %dma_start3A_615 = tpu.memref_squeeze %dma_start3A_614 : memref<1x80x128xf32, #tpu.memory_space<vmem>> -> memref<80x128xf32, #tpu.memory_space<vmem>>
      %dma_start3A_616 = arith.constant 0 : i32
      %dma_start3A_617 = tpu.memref_slice %arg6[%dma_start3A_609, %dma_start3A_616] : memref<25x80xi32, #tpu.memory_space<vmem>> -> memref<1x80xi32, #tpu.memory_space<vmem>>
      %dma_start3A_618 = tpu.memref_squeeze %dma_start3A_617 : memref<1x80xi32, #tpu.memory_space<vmem>> -> memref<80xi32, #tpu.memory_space<vmem>>
      %dma_start3A_619 = arith.constant 0 : i32
      %dma_start3A_620 = arith.constant 0 : i32
      %dma_start3A_621 = tpu.memref_slice %arg2[%dma_start3A_619, %dma_start3A_620] : memref<10000x128xf32, #tpu.memory_space<hbm>> -> memref<10000x128xf32, #tpu.memory_space<hbm>>
      %dma_start3A_622 = tpu.memref_slice %arg10[%dma_start3A_611] : memref<4x!tpu.dma_semaphore, #tpu.memory_space<semaphore_mem>> -> memref<1x!tpu.dma_semaphore, #tpu.memory_space<semaphore_mem>>
      %dma_start3A_623 = tpu.memref_squeeze %dma_start3A_622 : memref<1x!tpu.dma_semaphore, #tpu.memory_space<semaphore_mem>> -> memref<!tpu.dma_semaphore, #tpu.memory_space<semaphore_mem>>
      tpu.enqueue_indirect_dma source(%dma_start3A_621 : memref<10000x128xf32, #tpu.memory_space<hbm>>) target(%dma_start3A_615 : memref<80x128xf32, #tpu.memory_space<vmem>>) offsets(%dma_start3A_618 : memref<80xi32, #tpu.memory_space<vmem>>) semaphore(%dma_start3A_623 : memref<!tpu.dma_semaphore, #tpu.memory_space<semaphore_mem>>)
      %dma_wait3A_624 = arith.constant 9 : i32
      %dma_wait3A_625 = arith.constant 1 : i32
      %dma_wait3A_626 = arith.constant 1 : i32
      %dma_wait3A_627 = arith.constant 0 : i32
      %dma_wait3A_628 = arith.constant 0 : i32
      %dma_wait3A_629 = tpu.memref_slice %arg8[%dma_wait3A_625, %dma_wait3A_627, %dma_wait3A_628] : memref<4x80x128xf32, #tpu.memory_space<vmem>> -> memref<1x80x128xf32, #tpu.memory_space<vmem>>
      %dma_wait3A_630 = tpu.memref_squeeze %dma_wait3A_629 : memref<1x80x128xf32, #tpu.memory_space<vmem>> -> memref<80x128xf32, #tpu.memory_space<vmem>>
      %dma_wait3A_631 = arith.constant 0 : i32
      %dma_wait3A_632 = tpu.memref_slice %arg6[%dma_wait3A_624, %dma_wait3A_631] : memref<25x80xi32, #tpu.memory_space<vmem>> -> memref<1x80xi32, #tpu.memory_space<vmem>>
      %dma_wait3A_633 = tpu.memref_squeeze %dma_wait3A_632 : memref<1x80xi32, #tpu.memory_space<vmem>> -> memref<80xi32, #tpu.memory_space<vmem>>
      %dma_wait3A_634 = arith.constant 0 : i32
      %dma_wait3A_635 = arith.constant 0 : i32
      %dma_wait3A_636 = tpu.memref_slice %arg2[%dma_wait3A_634, %dma_wait3A_635] : memref<10000x128xf32, #tpu.memory_space<hbm>> -> memref<10000x128xf32, #tpu.memory_space<hbm>>
      %dma_wait3A_637 = tpu.memref_slice %arg10[%dma_wait3A_626] : memref<4x!tpu.dma_semaphore, #tpu.memory_space<semaphore_mem>> -> memref<1x!tpu.dma_semaphore, #tpu.memory_space<semaphore_mem>>
      %dma_wait3A_638 = tpu.memref_squeeze %dma_wait3A_637 : memref<1x!tpu.dma_semaphore, #tpu.memory_space<semaphore_mem>> -> memref<!tpu.dma_semaphore, #tpu.memory_space<semaphore_mem>>
      tpu.wait_indirect_dma semaphore(%dma_wait3A_638 : memref<!tpu.dma_semaphore, #tpu.memory_space<semaphore_mem>>) src(%dma_wait3A_636 : memref<10000x128xf32, #tpu.memory_space<hbm>>) dst(%dma_wait3A_630 : memref<80x128xf32, #tpu.memory_space<vmem>>)
      %dma_start3A_639 = arith.constant 1 : i32
      %dma_start3A_640 = arith.constant 9 : i32
      %dma_start3A_641 = arith.constant 1 : i32
      %dma_start3A_642 = arith.constant 0 : i32
      %dma_start3A_643 = arith.constant 0 : i32
      %dma_start3A_644 = tpu.memref_slice %arg8[%dma_start3A_639, %dma_start3A_642, %dma_start3A_643] : memref<4x80x128xf32, #tpu.memory_space<vmem>> -> memref<1x80x128xf32, #tpu.memory_space<vmem>>
      %dma_start3A_645 = tpu.memref_squeeze %dma_start3A_644 : memref<1x80x128xf32, #tpu.memory_space<vmem>> -> memref<80x128xf32, #tpu.memory_space<vmem>>
      %dma_start3A_646 = arith.constant 0 : i32
      %dma_start3A_647 = tpu.memref_slice %arg7[%dma_start3A_640, %dma_start3A_646] : memref<25x80xi32, #tpu.memory_space<vmem>> -> memref<1x80xi32, #tpu.memory_space<vmem>>
      %dma_start3A_648 = tpu.memref_squeeze %dma_start3A_647 : memref<1x80xi32, #tpu.memory_space<vmem>> -> memref<80xi32, #tpu.memory_space<vmem>>
      %dma_start3A_649 = arith.constant 0 : i32
      %dma_start3A_650 = arith.constant 0 : i32
      %dma_start3A_651 = tpu.memref_slice %arg9[%dma_start3A_649, %dma_start3A_650] : memref<10000x128xf32, #tpu.memory_space<vmem_shared>> -> memref<10000x128xf32, #tpu.memory_space<vmem_shared>>
      %dma_start3A_652 = tpu.memref_slice %arg11[%dma_start3A_641] : memref<4x!tpu.dma_semaphore, #tpu.memory_space<semaphore_mem>> -> memref<1x!tpu.dma_semaphore, #tpu.memory_space<semaphore_mem>>
      %dma_start3A_653 = tpu.memref_squeeze %dma_start3A_652 : memref<1x!tpu.dma_semaphore, #tpu.memory_space<semaphore_mem>> -> memref<!tpu.dma_semaphore, #tpu.memory_space<semaphore_mem>>
      tpu.enqueue_indirect_dma source(%dma_start3A_645 : memref<80x128xf32, #tpu.memory_space<vmem>>) target(%dma_start3A_651 : memref<10000x128xf32, #tpu.memory_space<vmem_shared>>) offsets(%dma_start3A_648 : memref<80xi32, #tpu.memory_space<vmem>>) semaphore(%dma_start3A_653 : memref<!tpu.dma_semaphore, #tpu.memory_space<semaphore_mem>>) {add = true}
      %dma_wait3A_654 = arith.constant 0 : i32
      %dma_wait3A_655 = arith.constant 8 : i32
      %dma_wait3A_656 = arith.constant 0 : i32
      %dma_wait3A_657 = arith.constant 0 : i32
      %dma_wait3A_658 = arith.constant 0 : i32
      %dma_wait3A_659 = tpu.memref_slice %arg8[%dma_wait3A_654, %dma_wait3A_657, %dma_wait3A_658] : memref<4x80x128xf32, #tpu.memory_space<vmem>> -> memref<1x80x128xf32, #tpu.memory_space<vmem>>
      %dma_wait3A_660 = tpu.memref_squeeze %dma_wait3A_659 : memref<1x80x128xf32, #tpu.memory_space<vmem>> -> memref<80x128xf32, #tpu.memory_space<vmem>>
      %dma_wait3A_661 = arith.constant 0 : i32
      %dma_wait3A_662 = tpu.memref_slice %arg7[%dma_wait3A_655, %dma_wait3A_661] : memref<25x80xi32, #tpu.memory_space<vmem>> -> memref<1x80xi32, #tpu.memory_space<vmem>>
      %dma_wait3A_663 = tpu.memref_squeeze %dma_wait3A_662 : memref<1x80xi32, #tpu.memory_space<vmem>> -> memref<80xi32, #tpu.memory_space<vmem>>
      %dma_wait3A_664 = arith.constant 0 : i32
      %dma_wait3A_665 = arith.constant 0 : i32
      %dma_wait3A_666 = tpu.memref_slice %arg9[%dma_wait3A_664, %dma_wait3A_665] : memref<10000x128xf32, #tpu.memory_space<vmem_shared>> -> memref<10000x128xf32, #tpu.memory_space<vmem_shared>>
      %dma_wait3A_667 = tpu.memref_slice %arg11[%dma_wait3A_656] : memref<4x!tpu.dma_semaphore, #tpu.memory_space<semaphore_mem>> -> memref<1x!tpu.dma_semaphore, #tpu.memory_space<semaphore_mem>>
      %dma_wait3A_668 = tpu.memref_squeeze %dma_wait3A_667 : memref<1x!tpu.dma_semaphore, #tpu.memory_space<semaphore_mem>> -> memref<!tpu.dma_semaphore, #tpu.memory_space<semaphore_mem>>
      tpu.wait_indirect_dma semaphore(%dma_wait3A_668 : memref<!tpu.dma_semaphore, #tpu.memory_space<semaphore_mem>>) src(%dma_wait3A_660 : memref<80x128xf32, #tpu.memory_space<vmem>>) dst(%dma_wait3A_666 : memref<10000x128xf32, #tpu.memory_space<vmem_shared>>)
      %dma_start3A_669 = arith.constant 12 : i32
      %dma_start3A_670 = arith.constant 0 : i32
      %dma_start3A_671 = arith.constant 0 : i32
      %dma_start3A_672 = arith.constant 0 : i32
      %dma_start3A_673 = arith.constant 0 : i32
      %dma_start3A_674 = tpu.memref_slice %arg8[%dma_start3A_670, %dma_start3A_672, %dma_start3A_673] : memref<4x80x128xf32, #tpu.memory_space<vmem>> -> memref<1x80x128xf32, #tpu.memory_space<vmem>>
      %dma_start3A_675 = tpu.memref_squeeze %dma_start3A_674 : memref<1x80x128xf32, #tpu.memory_space<vmem>> -> memref<80x128xf32, #tpu.memory_space<vmem>>
      %dma_start3A_676 = arith.constant 0 : i32
      %dma_start3A_677 = tpu.memref_slice %arg6[%dma_start3A_669, %dma_start3A_676] : memref<25x80xi32, #tpu.memory_space<vmem>> -> memref<1x80xi32, #tpu.memory_space<vmem>>
      %dma_start3A_678 = tpu.memref_squeeze %dma_start3A_677 : memref<1x80xi32, #tpu.memory_space<vmem>> -> memref<80xi32, #tpu.memory_space<vmem>>
      %dma_start3A_679 = arith.constant 0 : i32
      %dma_start3A_680 = arith.constant 0 : i32
      %dma_start3A_681 = tpu.memref_slice %arg2[%dma_start3A_679, %dma_start3A_680] : memref<10000x128xf32, #tpu.memory_space<hbm>> -> memref<10000x128xf32, #tpu.memory_space<hbm>>
      %dma_start3A_682 = tpu.memref_slice %arg10[%dma_start3A_671] : memref<4x!tpu.dma_semaphore, #tpu.memory_space<semaphore_mem>> -> memref<1x!tpu.dma_semaphore, #tpu.memory_space<semaphore_mem>>
      %dma_start3A_683 = tpu.memref_squeeze %dma_start3A_682 : memref<1x!tpu.dma_semaphore, #tpu.memory_space<semaphore_mem>> -> memref<!tpu.dma_semaphore, #tpu.memory_space<semaphore_mem>>
      tpu.enqueue_indirect_dma source(%dma_start3A_681 : memref<10000x128xf32, #tpu.memory_space<hbm>>) target(%dma_start3A_675 : memref<80x128xf32, #tpu.memory_space<vmem>>) offsets(%dma_start3A_678 : memref<80xi32, #tpu.memory_space<vmem>>) semaphore(%dma_start3A_683 : memref<!tpu.dma_semaphore, #tpu.memory_space<semaphore_mem>>)
      %dma_wait3A_684 = arith.constant 10 : i32
      %dma_wait3A_685 = arith.constant 2 : i32
      %dma_wait3A_686 = arith.constant 2 : i32
      %dma_wait3A_687 = arith.constant 0 : i32
      %dma_wait3A_688 = arith.constant 0 : i32
      %dma_wait3A_689 = tpu.memref_slice %arg8[%dma_wait3A_685, %dma_wait3A_687, %dma_wait3A_688] : memref<4x80x128xf32, #tpu.memory_space<vmem>> -> memref<1x80x128xf32, #tpu.memory_space<vmem>>
      %dma_wait3A_690 = tpu.memref_squeeze %dma_wait3A_689 : memref<1x80x128xf32, #tpu.memory_space<vmem>> -> memref<80x128xf32, #tpu.memory_space<vmem>>
      %dma_wait3A_691 = arith.constant 0 : i32
      %dma_wait3A_692 = tpu.memref_slice %arg6[%dma_wait3A_684, %dma_wait3A_691] : memref<25x80xi32, #tpu.memory_space<vmem>> -> memref<1x80xi32, #tpu.memory_space<vmem>>
      %dma_wait3A_693 = tpu.memref_squeeze %dma_wait3A_692 : memref<1x80xi32, #tpu.memory_space<vmem>> -> memref<80xi32, #tpu.memory_space<vmem>>
      %dma_wait3A_694 = arith.constant 0 : i32
      %dma_wait3A_695 = arith.constant 0 : i32
      %dma_wait3A_696 = tpu.memref_slice %arg2[%dma_wait3A_694, %dma_wait3A_695] : memref<10000x128xf32, #tpu.memory_space<hbm>> -> memref<10000x128xf32, #tpu.memory_space<hbm>>
      %dma_wait3A_697 = tpu.memref_slice %arg10[%dma_wait3A_686] : memref<4x!tpu.dma_semaphore, #tpu.memory_space<semaphore_mem>> -> memref<1x!tpu.dma_semaphore, #tpu.memory_space<semaphore_mem>>
      %dma_wait3A_698 = tpu.memref_squeeze %dma_wait3A_697 : memref<1x!tpu.dma_semaphore, #tpu.memory_space<semaphore_mem>> -> memref<!tpu.dma_semaphore, #tpu.memory_space<semaphore_mem>>
      tpu.wait_indirect_dma semaphore(%dma_wait3A_698 : memref<!tpu.dma_semaphore, #tpu.memory_space<semaphore_mem>>) src(%dma_wait3A_696 : memref<10000x128xf32, #tpu.memory_space<hbm>>) dst(%dma_wait3A_690 : memref<80x128xf32, #tpu.memory_space<vmem>>)
      %dma_start3A_699 = arith.constant 2 : i32
      %dma_start3A_700 = arith.constant 10 : i32
      %dma_start3A_701 = arith.constant 2 : i32
      %dma_start3A_702 = arith.constant 0 : i32
      %dma_start3A_703 = arith.constant 0 : i32
      %dma_start3A_704 = tpu.memref_slice %arg8[%dma_start3A_699, %dma_start3A_702, %dma_start3A_703] : memref<4x80x128xf32, #tpu.memory_space<vmem>> -> memref<1x80x128xf32, #tpu.memory_space<vmem>>
      %dma_start3A_705 = tpu.memref_squeeze %dma_start3A_704 : memref<1x80x128xf32, #tpu.memory_space<vmem>> -> memref<80x128xf32, #tpu.memory_space<vmem>>
      %dma_start3A_706 = arith.constant 0 : i32
      %dma_start3A_707 = tpu.memref_slice %arg7[%dma_start3A_700, %dma_start3A_706] : memref<25x80xi32, #tpu.memory_space<vmem>> -> memref<1x80xi32, #tpu.memory_space<vmem>>
      %dma_start3A_708 = tpu.memref_squeeze %dma_start3A_707 : memref<1x80xi32, #tpu.memory_space<vmem>> -> memref<80xi32, #tpu.memory_space<vmem>>
      %dma_start3A_709 = arith.constant 0 : i32
      %dma_start3A_710 = arith.constant 0 : i32
      %dma_start3A_711 = tpu.memref_slice %arg9[%dma_start3A_709, %dma_start3A_710] : memref<10000x128xf32, #tpu.memory_space<vmem_shared>> -> memref<10000x128xf32, #tpu.memory_space<vmem_shared>>
      %dma_start3A_712 = tpu.memref_slice %arg11[%dma_start3A_701] : memref<4x!tpu.dma_semaphore, #tpu.memory_space<semaphore_mem>> -> memref<1x!tpu.dma_semaphore, #tpu.memory_space<semaphore_mem>>
      %dma_start3A_713 = tpu.memref_squeeze %dma_start3A_712 : memref<1x!tpu.dma_semaphore, #tpu.memory_space<semaphore_mem>> -> memref<!tpu.dma_semaphore, #tpu.memory_space<semaphore_mem>>
      tpu.enqueue_indirect_dma source(%dma_start3A_705 : memref<80x128xf32, #tpu.memory_space<vmem>>) target(%dma_start3A_711 : memref<10000x128xf32, #tpu.memory_space<vmem_shared>>) offsets(%dma_start3A_708 : memref<80xi32, #tpu.memory_space<vmem>>) semaphore(%dma_start3A_713 : memref<!tpu.dma_semaphore, #tpu.memory_space<semaphore_mem>>) {add = true}
      %dma_wait3A_714 = arith.constant 1 : i32
      %dma_wait3A_715 = arith.constant 9 : i32
      %dma_wait3A_716 = arith.constant 1 : i32
      %dma_wait3A_717 = arith.constant 0 : i32
      %dma_wait3A_718 = arith.constant 0 : i32
      %dma_wait3A_719 = tpu.memref_slice %arg8[%dma_wait3A_714, %dma_wait3A_717, %dma_wait3A_718] : memref<4x80x128xf32, #tpu.memory_space<vmem>> -> memref<1x80x128xf32, #tpu.memory_space<vmem>>
      %dma_wait3A_720 = tpu.memref_squeeze %dma_wait3A_719 : memref<1x80x128xf32, #tpu.memory_space<vmem>> -> memref<80x128xf32, #tpu.memory_space<vmem>>
      %dma_wait3A_721 = arith.constant 0 : i32
      %dma_wait3A_722 = tpu.memref_slice %arg7[%dma_wait3A_715, %dma_wait3A_721] : memref<25x80xi32, #tpu.memory_space<vmem>> -> memref<1x80xi32, #tpu.memory_space<vmem>>
      %dma_wait3A_723 = tpu.memref_squeeze %dma_wait3A_722 : memref<1x80xi32, #tpu.memory_space<vmem>> -> memref<80xi32, #tpu.memory_space<vmem>>
      %dma_wait3A_724 = arith.constant 0 : i32
      %dma_wait3A_725 = arith.constant 0 : i32
      %dma_wait3A_726 = tpu.memref_slice %arg9[%dma_wait3A_724, %dma_wait3A_725] : memref<10000x128xf32, #tpu.memory_space<vmem_shared>> -> memref<10000x128xf32, #tpu.memory_space<vmem_shared>>
      %dma_wait3A_727 = tpu.memref_slice %arg11[%dma_wait3A_716] : memref<4x!tpu.dma_semaphore, #tpu.memory_space<semaphore_mem>> -> memref<1x!tpu.dma_semaphore, #tpu.memory_space<semaphore_mem>>
      %dma_wait3A_728 = tpu.memref_squeeze %dma_wait3A_727 : memref<1x!tpu.dma_semaphore, #tpu.memory_space<semaphore_mem>> -> memref<!tpu.dma_semaphore, #tpu.memory_space<semaphore_mem>>
      tpu.wait_indirect_dma semaphore(%dma_wait3A_728 : memref<!tpu.dma_semaphore, #tpu.memory_space<semaphore_mem>>) src(%dma_wait3A_720 : memref<80x128xf32, #tpu.memory_space<vmem>>) dst(%dma_wait3A_726 : memref<10000x128xf32, #tpu.memory_space<vmem_shared>>)
      %dma_start3A_729 = arith.constant 13 : i32
      %dma_start3A_730 = arith.constant 1 : i32
      %dma_start3A_731 = arith.constant 1 : i32
      %dma_start3A_732 = arith.constant 0 : i32
      %dma_start3A_733 = arith.constant 0 : i32
      %dma_start3A_734 = tpu.memref_slice %arg8[%dma_start3A_730, %dma_start3A_732, %dma_start3A_733] : memref<4x80x128xf32, #tpu.memory_space<vmem>> -> memref<1x80x128xf32, #tpu.memory_space<vmem>>
      %dma_start3A_735 = tpu.memref_squeeze %dma_start3A_734 : memref<1x80x128xf32, #tpu.memory_space<vmem>> -> memref<80x128xf32, #tpu.memory_space<vmem>>
      %dma_start3A_736 = arith.constant 0 : i32
      %dma_start3A_737 = tpu.memref_slice %arg6[%dma_start3A_729, %dma_start3A_736] : memref<25x80xi32, #tpu.memory_space<vmem>> -> memref<1x80xi32, #tpu.memory_space<vmem>>
      %dma_start3A_738 = tpu.memref_squeeze %dma_start3A_737 : memref<1x80xi32, #tpu.memory_space<vmem>> -> memref<80xi32, #tpu.memory_space<vmem>>
      %dma_start3A_739 = arith.constant 0 : i32
      %dma_start3A_740 = arith.constant 0 : i32
      %dma_start3A_741 = tpu.memref_slice %arg2[%dma_start3A_739, %dma_start3A_740] : memref<10000x128xf32, #tpu.memory_space<hbm>> -> memref<10000x128xf32, #tpu.memory_space<hbm>>
      %dma_start3A_742 = tpu.memref_slice %arg10[%dma_start3A_731] : memref<4x!tpu.dma_semaphore, #tpu.memory_space<semaphore_mem>> -> memref<1x!tpu.dma_semaphore, #tpu.memory_space<semaphore_mem>>
      %dma_start3A_743 = tpu.memref_squeeze %dma_start3A_742 : memref<1x!tpu.dma_semaphore, #tpu.memory_space<semaphore_mem>> -> memref<!tpu.dma_semaphore, #tpu.memory_space<semaphore_mem>>
      tpu.enqueue_indirect_dma source(%dma_start3A_741 : memref<10000x128xf32, #tpu.memory_space<hbm>>) target(%dma_start3A_735 : memref<80x128xf32, #tpu.memory_space<vmem>>) offsets(%dma_start3A_738 : memref<80xi32, #tpu.memory_space<vmem>>) semaphore(%dma_start3A_743 : memref<!tpu.dma_semaphore, #tpu.memory_space<semaphore_mem>>)
      %dma_wait3A_744 = arith.constant 11 : i32
      %dma_wait3A_745 = arith.constant 3 : i32
      %dma_wait3A_746 = arith.constant 3 : i32
      %dma_wait3A_747 = arith.constant 0 : i32
      %dma_wait3A_748 = arith.constant 0 : i32
      %dma_wait3A_749 = tpu.memref_slice %arg8[%dma_wait3A_745, %dma_wait3A_747, %dma_wait3A_748] : memref<4x80x128xf32, #tpu.memory_space<vmem>> -> memref<1x80x128xf32, #tpu.memory_space<vmem>>
      %dma_wait3A_750 = tpu.memref_squeeze %dma_wait3A_749 : memref<1x80x128xf32, #tpu.memory_space<vmem>> -> memref<80x128xf32, #tpu.memory_space<vmem>>
      %dma_wait3A_751 = arith.constant 0 : i32
      %dma_wait3A_752 = tpu.memref_slice %arg6[%dma_wait3A_744, %dma_wait3A_751] : memref<25x80xi32, #tpu.memory_space<vmem>> -> memref<1x80xi32, #tpu.memory_space<vmem>>
      %dma_wait3A_753 = tpu.memref_squeeze %dma_wait3A_752 : memref<1x80xi32, #tpu.memory_space<vmem>> -> memref<80xi32, #tpu.memory_space<vmem>>
      %dma_wait3A_754 = arith.constant 0 : i32
      %dma_wait3A_755 = arith.constant 0 : i32
      %dma_wait3A_756 = tpu.memref_slice %arg2[%dma_wait3A_754, %dma_wait3A_755] : memref<10000x128xf32, #tpu.memory_space<hbm>> -> memref<10000x128xf32, #tpu.memory_space<hbm>>
      %dma_wait3A_757 = tpu.memref_slice %arg10[%dma_wait3A_746] : memref<4x!tpu.dma_semaphore, #tpu.memory_space<semaphore_mem>> -> memref<1x!tpu.dma_semaphore, #tpu.memory_space<semaphore_mem>>
      %dma_wait3A_758 = tpu.memref_squeeze %dma_wait3A_757 : memref<1x!tpu.dma_semaphore, #tpu.memory_space<semaphore_mem>> -> memref<!tpu.dma_semaphore, #tpu.memory_space<semaphore_mem>>
      tpu.wait_indirect_dma semaphore(%dma_wait3A_758 : memref<!tpu.dma_semaphore, #tpu.memory_space<semaphore_mem>>) src(%dma_wait3A_756 : memref<10000x128xf32, #tpu.memory_space<hbm>>) dst(%dma_wait3A_750 : memref<80x128xf32, #tpu.memory_space<vmem>>)
      %dma_start3A_759 = arith.constant 3 : i32
      %dma_start3A_760 = arith.constant 11 : i32
      %dma_start3A_761 = arith.constant 3 : i32
      %dma_start3A_762 = arith.constant 0 : i32
      %dma_start3A_763 = arith.constant 0 : i32
      %dma_start3A_764 = tpu.memref_slice %arg8[%dma_start3A_759, %dma_start3A_762, %dma_start3A_763] : memref<4x80x128xf32, #tpu.memory_space<vmem>> -> memref<1x80x128xf32, #tpu.memory_space<vmem>>
      %dma_start3A_765 = tpu.memref_squeeze %dma_start3A_764 : memref<1x80x128xf32, #tpu.memory_space<vmem>> -> memref<80x128xf32, #tpu.memory_space<vmem>>
      %dma_start3A_766 = arith.constant 0 : i32
      %dma_start3A_767 = tpu.memref_slice %arg7[%dma_start3A_760, %dma_start3A_766] : memref<25x80xi32, #tpu.memory_space<vmem>> -> memref<1x80xi32, #tpu.memory_space<vmem>>
      %dma_start3A_768 = tpu.memref_squeeze %dma_start3A_767 : memref<1x80xi32, #tpu.memory_space<vmem>> -> memref<80xi32, #tpu.memory_space<vmem>>
      %dma_start3A_769 = arith.constant 0 : i32
      %dma_start3A_770 = arith.constant 0 : i32
      %dma_start3A_771 = tpu.memref_slice %arg9[%dma_start3A_769, %dma_start3A_770] : memref<10000x128xf32, #tpu.memory_space<vmem_shared>> -> memref<10000x128xf32, #tpu.memory_space<vmem_shared>>
      %dma_start3A_772 = tpu.memref_slice %arg11[%dma_start3A_761] : memref<4x!tpu.dma_semaphore, #tpu.memory_space<semaphore_mem>> -> memref<1x!tpu.dma_semaphore, #tpu.memory_space<semaphore_mem>>
      %dma_start3A_773 = tpu.memref_squeeze %dma_start3A_772 : memref<1x!tpu.dma_semaphore, #tpu.memory_space<semaphore_mem>> -> memref<!tpu.dma_semaphore, #tpu.memory_space<semaphore_mem>>
      tpu.enqueue_indirect_dma source(%dma_start3A_765 : memref<80x128xf32, #tpu.memory_space<vmem>>) target(%dma_start3A_771 : memref<10000x128xf32, #tpu.memory_space<vmem_shared>>) offsets(%dma_start3A_768 : memref<80xi32, #tpu.memory_space<vmem>>) semaphore(%dma_start3A_773 : memref<!tpu.dma_semaphore, #tpu.memory_space<semaphore_mem>>) {add = true}
      %dma_wait3A_774 = arith.constant 2 : i32
      %dma_wait3A_775 = arith.constant 10 : i32
      %dma_wait3A_776 = arith.constant 2 : i32
      %dma_wait3A_777 = arith.constant 0 : i32
      %dma_wait3A_778 = arith.constant 0 : i32
      %dma_wait3A_779 = tpu.memref_slice %arg8[%dma_wait3A_774, %dma_wait3A_777, %dma_wait3A_778] : memref<4x80x128xf32, #tpu.memory_space<vmem>> -> memref<1x80x128xf32, #tpu.memory_space<vmem>>
      %dma_wait3A_780 = tpu.memref_squeeze %dma_wait3A_779 : memref<1x80x128xf32, #tpu.memory_space<vmem>> -> memref<80x128xf32, #tpu.memory_space<vmem>>
      %dma_wait3A_781 = arith.constant 0 : i32
      %dma_wait3A_782 = tpu.memref_slice %arg7[%dma_wait3A_775, %dma_wait3A_781] : memref<25x80xi32, #tpu.memory_space<vmem>> -> memref<1x80xi32, #tpu.memory_space<vmem>>
      %dma_wait3A_783 = tpu.memref_squeeze %dma_wait3A_782 : memref<1x80xi32, #tpu.memory_space<vmem>> -> memref<80xi32, #tpu.memory_space<vmem>>
      %dma_wait3A_784 = arith.constant 0 : i32
      %dma_wait3A_785 = arith.constant 0 : i32
      %dma_wait3A_786 = tpu.memref_slice %arg9[%dma_wait3A_784, %dma_wait3A_785] : memref<10000x128xf32, #tpu.memory_space<vmem_shared>> -> memref<10000x128xf32, #tpu.memory_space<vmem_shared>>
      %dma_wait3A_787 = tpu.memref_slice %arg11[%dma_wait3A_776] : memref<4x!tpu.dma_semaphore, #tpu.memory_space<semaphore_mem>> -> memref<1x!tpu.dma_semaphore, #tpu.memory_space<semaphore_mem>>
      %dma_wait3A_788 = tpu.memref_squeeze %dma_wait3A_787 : memref<1x!tpu.dma_semaphore, #tpu.memory_space<semaphore_mem>> -> memref<!tpu.dma_semaphore, #tpu.memory_space<semaphore_mem>>
      tpu.wait_indirect_dma semaphore(%dma_wait3A_788 : memref<!tpu.dma_semaphore, #tpu.memory_space<semaphore_mem>>) src(%dma_wait3A_780 : memref<80x128xf32, #tpu.memory_space<vmem>>) dst(%dma_wait3A_786 : memref<10000x128xf32, #tpu.memory_space<vmem_shared>>)
      %dma_start3A_789 = arith.constant 14 : i32
      %dma_start3A_790 = arith.constant 2 : i32
      %dma_start3A_791 = arith.constant 2 : i32
      %dma_start3A_792 = arith.constant 0 : i32
      %dma_start3A_793 = arith.constant 0 : i32
      %dma_start3A_794 = tpu.memref_slice %arg8[%dma_start3A_790, %dma_start3A_792, %dma_start3A_793] : memref<4x80x128xf32, #tpu.memory_space<vmem>> -> memref<1x80x128xf32, #tpu.memory_space<vmem>>
      %dma_start3A_795 = tpu.memref_squeeze %dma_start3A_794 : memref<1x80x128xf32, #tpu.memory_space<vmem>> -> memref<80x128xf32, #tpu.memory_space<vmem>>
      %dma_start3A_796 = arith.constant 0 : i32
      %dma_start3A_797 = tpu.memref_slice %arg6[%dma_start3A_789, %dma_start3A_796] : memref<25x80xi32, #tpu.memory_space<vmem>> -> memref<1x80xi32, #tpu.memory_space<vmem>>
      %dma_start3A_798 = tpu.memref_squeeze %dma_start3A_797 : memref<1x80xi32, #tpu.memory_space<vmem>> -> memref<80xi32, #tpu.memory_space<vmem>>
      %dma_start3A_799 = arith.constant 0 : i32
      %dma_start3A_800 = arith.constant 0 : i32
      %dma_start3A_801 = tpu.memref_slice %arg2[%dma_start3A_799, %dma_start3A_800] : memref<10000x128xf32, #tpu.memory_space<hbm>> -> memref<10000x128xf32, #tpu.memory_space<hbm>>
      %dma_start3A_802 = tpu.memref_slice %arg10[%dma_start3A_791] : memref<4x!tpu.dma_semaphore, #tpu.memory_space<semaphore_mem>> -> memref<1x!tpu.dma_semaphore, #tpu.memory_space<semaphore_mem>>
      %dma_start3A_803 = tpu.memref_squeeze %dma_start3A_802 : memref<1x!tpu.dma_semaphore, #tpu.memory_space<semaphore_mem>> -> memref<!tpu.dma_semaphore, #tpu.memory_space<semaphore_mem>>
      tpu.enqueue_indirect_dma source(%dma_start3A_801 : memref<10000x128xf32, #tpu.memory_space<hbm>>) target(%dma_start3A_795 : memref<80x128xf32, #tpu.memory_space<vmem>>) offsets(%dma_start3A_798 : memref<80xi32, #tpu.memory_space<vmem>>) semaphore(%dma_start3A_803 : memref<!tpu.dma_semaphore, #tpu.memory_space<semaphore_mem>>)
      %dma_wait3A_804 = arith.constant 12 : i32
      %dma_wait3A_805 = arith.constant 0 : i32
      %dma_wait3A_806 = arith.constant 0 : i32
      %dma_wait3A_807 = arith.constant 0 : i32
      %dma_wait3A_808 = arith.constant 0 : i32
      %dma_wait3A_809 = tpu.memref_slice %arg8[%dma_wait3A_805, %dma_wait3A_807, %dma_wait3A_808] : memref<4x80x128xf32, #tpu.memory_space<vmem>> -> memref<1x80x128xf32, #tpu.memory_space<vmem>>
      %dma_wait3A_810 = tpu.memref_squeeze %dma_wait3A_809 : memref<1x80x128xf32, #tpu.memory_space<vmem>> -> memref<80x128xf32, #tpu.memory_space<vmem>>
      %dma_wait3A_811 = arith.constant 0 : i32
      %dma_wait3A_812 = tpu.memref_slice %arg6[%dma_wait3A_804, %dma_wait3A_811] : memref<25x80xi32, #tpu.memory_space<vmem>> -> memref<1x80xi32, #tpu.memory_space<vmem>>
      %dma_wait3A_813 = tpu.memref_squeeze %dma_wait3A_812 : memref<1x80xi32, #tpu.memory_space<vmem>> -> memref<80xi32, #tpu.memory_space<vmem>>
      %dma_wait3A_814 = arith.constant 0 : i32
      %dma_wait3A_815 = arith.constant 0 : i32
      %dma_wait3A_816 = tpu.memref_slice %arg2[%dma_wait3A_814, %dma_wait3A_815] : memref<10000x128xf32, #tpu.memory_space<hbm>> -> memref<10000x128xf32, #tpu.memory_space<hbm>>
      %dma_wait3A_817 = tpu.memref_slice %arg10[%dma_wait3A_806] : memref<4x!tpu.dma_semaphore, #tpu.memory_space<semaphore_mem>> -> memref<1x!tpu.dma_semaphore, #tpu.memory_space<semaphore_mem>>
      %dma_wait3A_818 = tpu.memref_squeeze %dma_wait3A_817 : memref<1x!tpu.dma_semaphore, #tpu.memory_space<semaphore_mem>> -> memref<!tpu.dma_semaphore, #tpu.memory_space<semaphore_mem>>
      tpu.wait_indirect_dma semaphore(%dma_wait3A_818 : memref<!tpu.dma_semaphore, #tpu.memory_space<semaphore_mem>>) src(%dma_wait3A_816 : memref<10000x128xf32, #tpu.memory_space<hbm>>) dst(%dma_wait3A_810 : memref<80x128xf32, #tpu.memory_space<vmem>>)
      %dma_start3A_819 = arith.constant 0 : i32
      %dma_start3A_820 = arith.constant 12 : i32
      %dma_start3A_821 = arith.constant 0 : i32
      %dma_start3A_822 = arith.constant 0 : i32
      %dma_start3A_823 = arith.constant 0 : i32
      %dma_start3A_824 = tpu.memref_slice %arg8[%dma_start3A_819, %dma_start3A_822, %dma_start3A_823] : memref<4x80x128xf32, #tpu.memory_space<vmem>> -> memref<1x80x128xf32, #tpu.memory_space<vmem>>
      %dma_start3A_825 = tpu.memref_squeeze %dma_start3A_824 : memref<1x80x128xf32, #tpu.memory_space<vmem>> -> memref<80x128xf32, #tpu.memory_space<vmem>>
      %dma_start3A_826 = arith.constant 0 : i32
      %dma_start3A_827 = tpu.memref_slice %arg7[%dma_start3A_820, %dma_start3A_826] : memref<25x80xi32, #tpu.memory_space<vmem>> -> memref<1x80xi32, #tpu.memory_space<vmem>>
      %dma_start3A_828 = tpu.memref_squeeze %dma_start3A_827 : memref<1x80xi32, #tpu.memory_space<vmem>> -> memref<80xi32, #tpu.memory_space<vmem>>
      %dma_start3A_829 = arith.constant 0 : i32
      %dma_start3A_830 = arith.constant 0 : i32
      %dma_start3A_831 = tpu.memref_slice %arg9[%dma_start3A_829, %dma_start3A_830] : memref<10000x128xf32, #tpu.memory_space<vmem_shared>> -> memref<10000x128xf32, #tpu.memory_space<vmem_shared>>
      %dma_start3A_832 = tpu.memref_slice %arg11[%dma_start3A_821] : memref<4x!tpu.dma_semaphore, #tpu.memory_space<semaphore_mem>> -> memref<1x!tpu.dma_semaphore, #tpu.memory_space<semaphore_mem>>
      %dma_start3A_833 = tpu.memref_squeeze %dma_start3A_832 : memref<1x!tpu.dma_semaphore, #tpu.memory_space<semaphore_mem>> -> memref<!tpu.dma_semaphore, #tpu.memory_space<semaphore_mem>>
      tpu.enqueue_indirect_dma source(%dma_start3A_825 : memref<80x128xf32, #tpu.memory_space<vmem>>) target(%dma_start3A_831 : memref<10000x128xf32, #tpu.memory_space<vmem_shared>>) offsets(%dma_start3A_828 : memref<80xi32, #tpu.memory_space<vmem>>) semaphore(%dma_start3A_833 : memref<!tpu.dma_semaphore, #tpu.memory_space<semaphore_mem>>) {add = true}
      %dma_wait3A_834 = arith.constant 3 : i32
      %dma_wait3A_835 = arith.constant 11 : i32
      %dma_wait3A_836 = arith.constant 3 : i32
      %dma_wait3A_837 = arith.constant 0 : i32
      %dma_wait3A_838 = arith.constant 0 : i32
      %dma_wait3A_839 = tpu.memref_slice %arg8[%dma_wait3A_834, %dma_wait3A_837, %dma_wait3A_838] : memref<4x80x128xf32, #tpu.memory_space<vmem>> -> memref<1x80x128xf32, #tpu.memory_space<vmem>>
      %dma_wait3A_840 = tpu.memref_squeeze %dma_wait3A_839 : memref<1x80x128xf32, #tpu.memory_space<vmem>> -> memref<80x128xf32, #tpu.memory_space<vmem>>
      %dma_wait3A_841 = arith.constant 0 : i32
      %dma_wait3A_842 = tpu.memref_slice %arg7[%dma_wait3A_835, %dma_wait3A_841] : memref<25x80xi32, #tpu.memory_space<vmem>> -> memref<1x80xi32, #tpu.memory_space<vmem>>
      %dma_wait3A_843 = tpu.memref_squeeze %dma_wait3A_842 : memref<1x80xi32, #tpu.memory_space<vmem>> -> memref<80xi32, #tpu.memory_space<vmem>>
      %dma_wait3A_844 = arith.constant 0 : i32
      %dma_wait3A_845 = arith.constant 0 : i32
      %dma_wait3A_846 = tpu.memref_slice %arg9[%dma_wait3A_844, %dma_wait3A_845] : memref<10000x128xf32, #tpu.memory_space<vmem_shared>> -> memref<10000x128xf32, #tpu.memory_space<vmem_shared>>
      %dma_wait3A_847 = tpu.memref_slice %arg11[%dma_wait3A_836] : memref<4x!tpu.dma_semaphore, #tpu.memory_space<semaphore_mem>> -> memref<1x!tpu.dma_semaphore, #tpu.memory_space<semaphore_mem>>
      %dma_wait3A_848 = tpu.memref_squeeze %dma_wait3A_847 : memref<1x!tpu.dma_semaphore, #tpu.memory_space<semaphore_mem>> -> memref<!tpu.dma_semaphore, #tpu.memory_space<semaphore_mem>>
      tpu.wait_indirect_dma semaphore(%dma_wait3A_848 : memref<!tpu.dma_semaphore, #tpu.memory_space<semaphore_mem>>) src(%dma_wait3A_840 : memref<80x128xf32, #tpu.memory_space<vmem>>) dst(%dma_wait3A_846 : memref<10000x128xf32, #tpu.memory_space<vmem_shared>>)
      %dma_start3A_849 = arith.constant 15 : i32
      %dma_start3A_850 = arith.constant 3 : i32
      %dma_start3A_851 = arith.constant 3 : i32
      %dma_start3A_852 = arith.constant 0 : i32
      %dma_start3A_853 = arith.constant 0 : i32
      %dma_start3A_854 = tpu.memref_slice %arg8[%dma_start3A_850, %dma_start3A_852, %dma_start3A_853] : memref<4x80x128xf32, #tpu.memory_space<vmem>> -> memref<1x80x128xf32, #tpu.memory_space<vmem>>
      %dma_start3A_855 = tpu.memref_squeeze %dma_start3A_854 : memref<1x80x128xf32, #tpu.memory_space<vmem>> -> memref<80x128xf32, #tpu.memory_space<vmem>>
      %dma_start3A_856 = arith.constant 0 : i32
      %dma_start3A_857 = tpu.memref_slice %arg6[%dma_start3A_849, %dma_start3A_856] : memref<25x80xi32, #tpu.memory_space<vmem>> -> memref<1x80xi32, #tpu.memory_space<vmem>>
      %dma_start3A_858 = tpu.memref_squeeze %dma_start3A_857 : memref<1x80xi32, #tpu.memory_space<vmem>> -> memref<80xi32, #tpu.memory_space<vmem>>
      %dma_start3A_859 = arith.constant 0 : i32
      %dma_start3A_860 = arith.constant 0 : i32
      %dma_start3A_861 = tpu.memref_slice %arg2[%dma_start3A_859, %dma_start3A_860] : memref<10000x128xf32, #tpu.memory_space<hbm>> -> memref<10000x128xf32, #tpu.memory_space<hbm>>
      %dma_start3A_862 = tpu.memref_slice %arg10[%dma_start3A_851] : memref<4x!tpu.dma_semaphore, #tpu.memory_space<semaphore_mem>> -> memref<1x!tpu.dma_semaphore, #tpu.memory_space<semaphore_mem>>
      %dma_start3A_863 = tpu.memref_squeeze %dma_start3A_862 : memref<1x!tpu.dma_semaphore, #tpu.memory_space<semaphore_mem>> -> memref<!tpu.dma_semaphore, #tpu.memory_space<semaphore_mem>>
      tpu.enqueue_indirect_dma source(%dma_start3A_861 : memref<10000x128xf32, #tpu.memory_space<hbm>>) target(%dma_start3A_855 : memref<80x128xf32, #tpu.memory_space<vmem>>) offsets(%dma_start3A_858 : memref<80xi32, #tpu.memory_space<vmem>>) semaphore(%dma_start3A_863 : memref<!tpu.dma_semaphore, #tpu.memory_space<semaphore_mem>>)
      %dma_wait3A_864 = arith.constant 13 : i32
      %dma_wait3A_865 = arith.constant 1 : i32
      %dma_wait3A_866 = arith.constant 1 : i32
      %dma_wait3A_867 = arith.constant 0 : i32
      %dma_wait3A_868 = arith.constant 0 : i32
      %dma_wait3A_869 = tpu.memref_slice %arg8[%dma_wait3A_865, %dma_wait3A_867, %dma_wait3A_868] : memref<4x80x128xf32, #tpu.memory_space<vmem>> -> memref<1x80x128xf32, #tpu.memory_space<vmem>>
      %dma_wait3A_870 = tpu.memref_squeeze %dma_wait3A_869 : memref<1x80x128xf32, #tpu.memory_space<vmem>> -> memref<80x128xf32, #tpu.memory_space<vmem>>
      %dma_wait3A_871 = arith.constant 0 : i32
      %dma_wait3A_872 = tpu.memref_slice %arg6[%dma_wait3A_864, %dma_wait3A_871] : memref<25x80xi32, #tpu.memory_space<vmem>> -> memref<1x80xi32, #tpu.memory_space<vmem>>
      %dma_wait3A_873 = tpu.memref_squeeze %dma_wait3A_872 : memref<1x80xi32, #tpu.memory_space<vmem>> -> memref<80xi32, #tpu.memory_space<vmem>>
      %dma_wait3A_874 = arith.constant 0 : i32
      %dma_wait3A_875 = arith.constant 0 : i32
      %dma_wait3A_876 = tpu.memref_slice %arg2[%dma_wait3A_874, %dma_wait3A_875] : memref<10000x128xf32, #tpu.memory_space<hbm>> -> memref<10000x128xf32, #tpu.memory_space<hbm>>
      %dma_wait3A_877 = tpu.memref_slice %arg10[%dma_wait3A_866] : memref<4x!tpu.dma_semaphore, #tpu.memory_space<semaphore_mem>> -> memref<1x!tpu.dma_semaphore, #tpu.memory_space<semaphore_mem>>
      %dma_wait3A_878 = tpu.memref_squeeze %dma_wait3A_877 : memref<1x!tpu.dma_semaphore, #tpu.memory_space<semaphore_mem>> -> memref<!tpu.dma_semaphore, #tpu.memory_space<semaphore_mem>>
      tpu.wait_indirect_dma semaphore(%dma_wait3A_878 : memref<!tpu.dma_semaphore, #tpu.memory_space<semaphore_mem>>) src(%dma_wait3A_876 : memref<10000x128xf32, #tpu.memory_space<hbm>>) dst(%dma_wait3A_870 : memref<80x128xf32, #tpu.memory_space<vmem>>)
      %dma_start3A_879 = arith.constant 1 : i32
      %dma_start3A_880 = arith.constant 13 : i32
      %dma_start3A_881 = arith.constant 1 : i32
      %dma_start3A_882 = arith.constant 0 : i32
      %dma_start3A_883 = arith.constant 0 : i32
      %dma_start3A_884 = tpu.memref_slice %arg8[%dma_start3A_879, %dma_start3A_882, %dma_start3A_883] : memref<4x80x128xf32, #tpu.memory_space<vmem>> -> memref<1x80x128xf32, #tpu.memory_space<vmem>>
      %dma_start3A_885 = tpu.memref_squeeze %dma_start3A_884 : memref<1x80x128xf32, #tpu.memory_space<vmem>> -> memref<80x128xf32, #tpu.memory_space<vmem>>
      %dma_start3A_886 = arith.constant 0 : i32
      %dma_start3A_887 = tpu.memref_slice %arg7[%dma_start3A_880, %dma_start3A_886] : memref<25x80xi32, #tpu.memory_space<vmem>> -> memref<1x80xi32, #tpu.memory_space<vmem>>
      %dma_start3A_888 = tpu.memref_squeeze %dma_start3A_887 : memref<1x80xi32, #tpu.memory_space<vmem>> -> memref<80xi32, #tpu.memory_space<vmem>>
      %dma_start3A_889 = arith.constant 0 : i32
      %dma_start3A_890 = arith.constant 0 : i32
      %dma_start3A_891 = tpu.memref_slice %arg9[%dma_start3A_889, %dma_start3A_890] : memref<10000x128xf32, #tpu.memory_space<vmem_shared>> -> memref<10000x128xf32, #tpu.memory_space<vmem_shared>>
      %dma_start3A_892 = tpu.memref_slice %arg11[%dma_start3A_881] : memref<4x!tpu.dma_semaphore, #tpu.memory_space<semaphore_mem>> -> memref<1x!tpu.dma_semaphore, #tpu.memory_space<semaphore_mem>>
      %dma_start3A_893 = tpu.memref_squeeze %dma_start3A_892 : memref<1x!tpu.dma_semaphore, #tpu.memory_space<semaphore_mem>> -> memref<!tpu.dma_semaphore, #tpu.memory_space<semaphore_mem>>
      tpu.enqueue_indirect_dma source(%dma_start3A_885 : memref<80x128xf32, #tpu.memory_space<vmem>>) target(%dma_start3A_891 : memref<10000x128xf32, #tpu.memory_space<vmem_shared>>) offsets(%dma_start3A_888 : memref<80xi32, #tpu.memory_space<vmem>>) semaphore(%dma_start3A_893 : memref<!tpu.dma_semaphore, #tpu.memory_space<semaphore_mem>>) {add = true}
      %dma_wait3A_894 = arith.constant 0 : i32
      %dma_wait3A_895 = arith.constant 12 : i32
      %dma_wait3A_896 = arith.constant 0 : i32
      %dma_wait3A_897 = arith.constant 0 : i32
      %dma_wait3A_898 = arith.constant 0 : i32
      %dma_wait3A_899 = tpu.memref_slice %arg8[%dma_wait3A_894, %dma_wait3A_897, %dma_wait3A_898] : memref<4x80x128xf32, #tpu.memory_space<vmem>> -> memref<1x80x128xf32, #tpu.memory_space<vmem>>
      %dma_wait3A_900 = tpu.memref_squeeze %dma_wait3A_899 : memref<1x80x128xf32, #tpu.memory_space<vmem>> -> memref<80x128xf32, #tpu.memory_space<vmem>>
      %dma_wait3A_901 = arith.constant 0 : i32
      %dma_wait3A_902 = tpu.memref_slice %arg7[%dma_wait3A_895, %dma_wait3A_901] : memref<25x80xi32, #tpu.memory_space<vmem>> -> memref<1x80xi32, #tpu.memory_space<vmem>>
      %dma_wait3A_903 = tpu.memref_squeeze %dma_wait3A_902 : memref<1x80xi32, #tpu.memory_space<vmem>> -> memref<80xi32, #tpu.memory_space<vmem>>
      %dma_wait3A_904 = arith.constant 0 : i32
      %dma_wait3A_905 = arith.constant 0 : i32
      %dma_wait3A_906 = tpu.memref_slice %arg9[%dma_wait3A_904, %dma_wait3A_905] : memref<10000x128xf32, #tpu.memory_space<vmem_shared>> -> memref<10000x128xf32, #tpu.memory_space<vmem_shared>>
      %dma_wait3A_907 = tpu.memref_slice %arg11[%dma_wait3A_896] : memref<4x!tpu.dma_semaphore, #tpu.memory_space<semaphore_mem>> -> memref<1x!tpu.dma_semaphore, #tpu.memory_space<semaphore_mem>>
      %dma_wait3A_908 = tpu.memref_squeeze %dma_wait3A_907 : memref<1x!tpu.dma_semaphore, #tpu.memory_space<semaphore_mem>> -> memref<!tpu.dma_semaphore, #tpu.memory_space<semaphore_mem>>
      tpu.wait_indirect_dma semaphore(%dma_wait3A_908 : memref<!tpu.dma_semaphore, #tpu.memory_space<semaphore_mem>>) src(%dma_wait3A_900 : memref<80x128xf32, #tpu.memory_space<vmem>>) dst(%dma_wait3A_906 : memref<10000x128xf32, #tpu.memory_space<vmem_shared>>)
      %dma_start3A_909 = arith.constant 16 : i32
      %dma_start3A_910 = arith.constant 0 : i32
      %dma_start3A_911 = arith.constant 0 : i32
      %dma_start3A_912 = arith.constant 0 : i32
      %dma_start3A_913 = arith.constant 0 : i32
      %dma_start3A_914 = tpu.memref_slice %arg8[%dma_start3A_910, %dma_start3A_912, %dma_start3A_913] : memref<4x80x128xf32, #tpu.memory_space<vmem>> -> memref<1x80x128xf32, #tpu.memory_space<vmem>>
      %dma_start3A_915 = tpu.memref_squeeze %dma_start3A_914 : memref<1x80x128xf32, #tpu.memory_space<vmem>> -> memref<80x128xf32, #tpu.memory_space<vmem>>
      %dma_start3A_916 = arith.constant 0 : i32
      %dma_start3A_917 = tpu.memref_slice %arg6[%dma_start3A_909, %dma_start3A_916] : memref<25x80xi32, #tpu.memory_space<vmem>> -> memref<1x80xi32, #tpu.memory_space<vmem>>
      %dma_start3A_918 = tpu.memref_squeeze %dma_start3A_917 : memref<1x80xi32, #tpu.memory_space<vmem>> -> memref<80xi32, #tpu.memory_space<vmem>>
      %dma_start3A_919 = arith.constant 0 : i32
      %dma_start3A_920 = arith.constant 0 : i32
      %dma_start3A_921 = tpu.memref_slice %arg2[%dma_start3A_919, %dma_start3A_920] : memref<10000x128xf32, #tpu.memory_space<hbm>> -> memref<10000x128xf32, #tpu.memory_space<hbm>>
      %dma_start3A_922 = tpu.memref_slice %arg10[%dma_start3A_911] : memref<4x!tpu.dma_semaphore, #tpu.memory_space<semaphore_mem>> -> memref<1x!tpu.dma_semaphore, #tpu.memory_space<semaphore_mem>>
      %dma_start3A_923 = tpu.memref_squeeze %dma_start3A_922 : memref<1x!tpu.dma_semaphore, #tpu.memory_space<semaphore_mem>> -> memref<!tpu.dma_semaphore, #tpu.memory_space<semaphore_mem>>
      tpu.enqueue_indirect_dma source(%dma_start3A_921 : memref<10000x128xf32, #tpu.memory_space<hbm>>) target(%dma_start3A_915 : memref<80x128xf32, #tpu.memory_space<vmem>>) offsets(%dma_start3A_918 : memref<80xi32, #tpu.memory_space<vmem>>) semaphore(%dma_start3A_923 : memref<!tpu.dma_semaphore, #tpu.memory_space<semaphore_mem>>)
      %dma_wait3A_924 = arith.constant 14 : i32
      %dma_wait3A_925 = arith.constant 2 : i32
      %dma_wait3A_926 = arith.constant 2 : i32
      %dma_wait3A_927 = arith.constant 0 : i32
      %dma_wait3A_928 = arith.constant 0 : i32
      %dma_wait3A_929 = tpu.memref_slice %arg8[%dma_wait3A_925, %dma_wait3A_927, %dma_wait3A_928] : memref<4x80x128xf32, #tpu.memory_space<vmem>> -> memref<1x80x128xf32, #tpu.memory_space<vmem>>
      %dma_wait3A_930 = tpu.memref_squeeze %dma_wait3A_929 : memref<1x80x128xf32, #tpu.memory_space<vmem>> -> memref<80x128xf32, #tpu.memory_space<vmem>>
      %dma_wait3A_931 = arith.constant 0 : i32
      %dma_wait3A_932 = tpu.memref_slice %arg6[%dma_wait3A_924, %dma_wait3A_931] : memref<25x80xi32, #tpu.memory_space<vmem>> -> memref<1x80xi32, #tpu.memory_space<vmem>>
      %dma_wait3A_933 = tpu.memref_squeeze %dma_wait3A_932 : memref<1x80xi32, #tpu.memory_space<vmem>> -> memref<80xi32, #tpu.memory_space<vmem>>
      %dma_wait3A_934 = arith.constant 0 : i32
      %dma_wait3A_935 = arith.constant 0 : i32
      %dma_wait3A_936 = tpu.memref_slice %arg2[%dma_wait3A_934, %dma_wait3A_935] : memref<10000x128xf32, #tpu.memory_space<hbm>> -> memref<10000x128xf32, #tpu.memory_space<hbm>>
      %dma_wait3A_937 = tpu.memref_slice %arg10[%dma_wait3A_926] : memref<4x!tpu.dma_semaphore, #tpu.memory_space<semaphore_mem>> -> memref<1x!tpu.dma_semaphore, #tpu.memory_space<semaphore_mem>>
      %dma_wait3A_938 = tpu.memref_squeeze %dma_wait3A_937 : memref<1x!tpu.dma_semaphore, #tpu.memory_space<semaphore_mem>> -> memref<!tpu.dma_semaphore, #tpu.memory_space<semaphore_mem>>
      tpu.wait_indirect_dma semaphore(%dma_wait3A_938 : memref<!tpu.dma_semaphore, #tpu.memory_space<semaphore_mem>>) src(%dma_wait3A_936 : memref<10000x128xf32, #tpu.memory_space<hbm>>) dst(%dma_wait3A_930 : memref<80x128xf32, #tpu.memory_space<vmem>>)
      %dma_start3A_939 = arith.constant 2 : i32
      %dma_start3A_940 = arith.constant 14 : i32
      %dma_start3A_941 = arith.constant 2 : i32
      %dma_start3A_942 = arith.constant 0 : i32
      %dma_start3A_943 = arith.constant 0 : i32
      %dma_start3A_944 = tpu.memref_slice %arg8[%dma_start3A_939, %dma_start3A_942, %dma_start3A_943] : memref<4x80x128xf32, #tpu.memory_space<vmem>> -> memref<1x80x128xf32, #tpu.memory_space<vmem>>
      %dma_start3A_945 = tpu.memref_squeeze %dma_start3A_944 : memref<1x80x128xf32, #tpu.memory_space<vmem>> -> memref<80x128xf32, #tpu.memory_space<vmem>>
      %dma_start3A_946 = arith.constant 0 : i32
      %dma_start3A_947 = tpu.memref_slice %arg7[%dma_start3A_940, %dma_start3A_946] : memref<25x80xi32, #tpu.memory_space<vmem>> -> memref<1x80xi32, #tpu.memory_space<vmem>>
      %dma_start3A_948 = tpu.memref_squeeze %dma_start3A_947 : memref<1x80xi32, #tpu.memory_space<vmem>> -> memref<80xi32, #tpu.memory_space<vmem>>
      %dma_start3A_949 = arith.constant 0 : i32
      %dma_start3A_950 = arith.constant 0 : i32
      %dma_start3A_951 = tpu.memref_slice %arg9[%dma_start3A_949, %dma_start3A_950] : memref<10000x128xf32, #tpu.memory_space<vmem_shared>> -> memref<10000x128xf32, #tpu.memory_space<vmem_shared>>
      %dma_start3A_952 = tpu.memref_slice %arg11[%dma_start3A_941] : memref<4x!tpu.dma_semaphore, #tpu.memory_space<semaphore_mem>> -> memref<1x!tpu.dma_semaphore, #tpu.memory_space<semaphore_mem>>
      %dma_start3A_953 = tpu.memref_squeeze %dma_start3A_952 : memref<1x!tpu.dma_semaphore, #tpu.memory_space<semaphore_mem>> -> memref<!tpu.dma_semaphore, #tpu.memory_space<semaphore_mem>>
      tpu.enqueue_indirect_dma source(%dma_start3A_945 : memref<80x128xf32, #tpu.memory_space<vmem>>) target(%dma_start3A_951 : memref<10000x128xf32, #tpu.memory_space<vmem_shared>>) offsets(%dma_start3A_948 : memref<80xi32, #tpu.memory_space<vmem>>) semaphore(%dma_start3A_953 : memref<!tpu.dma_semaphore, #tpu.memory_space<semaphore_mem>>) {add = true}
      %dma_wait3A_954 = arith.constant 1 : i32
      %dma_wait3A_955 = arith.constant 13 : i32
      %dma_wait3A_956 = arith.constant 1 : i32
      %dma_wait3A_957 = arith.constant 0 : i32
      %dma_wait3A_958 = arith.constant 0 : i32
      %dma_wait3A_959 = tpu.memref_slice %arg8[%dma_wait3A_954, %dma_wait3A_957, %dma_wait3A_958] : memref<4x80x128xf32, #tpu.memory_space<vmem>> -> memref<1x80x128xf32, #tpu.memory_space<vmem>>
      %dma_wait3A_960 = tpu.memref_squeeze %dma_wait3A_959 : memref<1x80x128xf32, #tpu.memory_space<vmem>> -> memref<80x128xf32, #tpu.memory_space<vmem>>
      %dma_wait3A_961 = arith.constant 0 : i32
      %dma_wait3A_962 = tpu.memref_slice %arg7[%dma_wait3A_955, %dma_wait3A_961] : memref<25x80xi32, #tpu.memory_space<vmem>> -> memref<1x80xi32, #tpu.memory_space<vmem>>
      %dma_wait3A_963 = tpu.memref_squeeze %dma_wait3A_962 : memref<1x80xi32, #tpu.memory_space<vmem>> -> memref<80xi32, #tpu.memory_space<vmem>>
      %dma_wait3A_964 = arith.constant 0 : i32
      %dma_wait3A_965 = arith.constant 0 : i32
      %dma_wait3A_966 = tpu.memref_slice %arg9[%dma_wait3A_964, %dma_wait3A_965] : memref<10000x128xf32, #tpu.memory_space<vmem_shared>> -> memref<10000x128xf32, #tpu.memory_space<vmem_shared>>
      %dma_wait3A_967 = tpu.memref_slice %arg11[%dma_wait3A_956] : memref<4x!tpu.dma_semaphore, #tpu.memory_space<semaphore_mem>> -> memref<1x!tpu.dma_semaphore, #tpu.memory_space<semaphore_mem>>
      %dma_wait3A_968 = tpu.memref_squeeze %dma_wait3A_967 : memref<1x!tpu.dma_semaphore, #tpu.memory_space<semaphore_mem>> -> memref<!tpu.dma_semaphore, #tpu.memory_space<semaphore_mem>>
      tpu.wait_indirect_dma semaphore(%dma_wait3A_968 : memref<!tpu.dma_semaphore, #tpu.memory_space<semaphore_mem>>) src(%dma_wait3A_960 : memref<80x128xf32, #tpu.memory_space<vmem>>) dst(%dma_wait3A_966 : memref<10000x128xf32, #tpu.memory_space<vmem_shared>>)
      %dma_start3A_969 = arith.constant 17 : i32
      %dma_start3A_970 = arith.constant 1 : i32
      %dma_start3A_971 = arith.constant 1 : i32
      %dma_start3A_972 = arith.constant 0 : i32
      %dma_start3A_973 = arith.constant 0 : i32
      %dma_start3A_974 = tpu.memref_slice %arg8[%dma_start3A_970, %dma_start3A_972, %dma_start3A_973] : memref<4x80x128xf32, #tpu.memory_space<vmem>> -> memref<1x80x128xf32, #tpu.memory_space<vmem>>
      %dma_start3A_975 = tpu.memref_squeeze %dma_start3A_974 : memref<1x80x128xf32, #tpu.memory_space<vmem>> -> memref<80x128xf32, #tpu.memory_space<vmem>>
      %dma_start3A_976 = arith.constant 0 : i32
      %dma_start3A_977 = tpu.memref_slice %arg6[%dma_start3A_969, %dma_start3A_976] : memref<25x80xi32, #tpu.memory_space<vmem>> -> memref<1x80xi32, #tpu.memory_space<vmem>>
      %dma_start3A_978 = tpu.memref_squeeze %dma_start3A_977 : memref<1x80xi32, #tpu.memory_space<vmem>> -> memref<80xi32, #tpu.memory_space<vmem>>
      %dma_start3A_979 = arith.constant 0 : i32
      %dma_start3A_980 = arith.constant 0 : i32
      %dma_start3A_981 = tpu.memref_slice %arg2[%dma_start3A_979, %dma_start3A_980] : memref<10000x128xf32, #tpu.memory_space<hbm>> -> memref<10000x128xf32, #tpu.memory_space<hbm>>
      %dma_start3A_982 = tpu.memref_slice %arg10[%dma_start3A_971] : memref<4x!tpu.dma_semaphore, #tpu.memory_space<semaphore_mem>> -> memref<1x!tpu.dma_semaphore, #tpu.memory_space<semaphore_mem>>
      %dma_start3A_983 = tpu.memref_squeeze %dma_start3A_982 : memref<1x!tpu.dma_semaphore, #tpu.memory_space<semaphore_mem>> -> memref<!tpu.dma_semaphore, #tpu.memory_space<semaphore_mem>>
      tpu.enqueue_indirect_dma source(%dma_start3A_981 : memref<10000x128xf32, #tpu.memory_space<hbm>>) target(%dma_start3A_975 : memref<80x128xf32, #tpu.memory_space<vmem>>) offsets(%dma_start3A_978 : memref<80xi32, #tpu.memory_space<vmem>>) semaphore(%dma_start3A_983 : memref<!tpu.dma_semaphore, #tpu.memory_space<semaphore_mem>>)
      %dma_wait3A_984 = arith.constant 15 : i32
      %dma_wait3A_985 = arith.constant 3 : i32
      %dma_wait3A_986 = arith.constant 3 : i32
      %dma_wait3A_987 = arith.constant 0 : i32
      %dma_wait3A_988 = arith.constant 0 : i32
      %dma_wait3A_989 = tpu.memref_slice %arg8[%dma_wait3A_985, %dma_wait3A_987, %dma_wait3A_988] : memref<4x80x128xf32, #tpu.memory_space<vmem>> -> memref<1x80x128xf32, #tpu.memory_space<vmem>>
      %dma_wait3A_990 = tpu.memref_squeeze %dma_wait3A_989 : memref<1x80x128xf32, #tpu.memory_space<vmem>> -> memref<80x128xf32, #tpu.memory_space<vmem>>
      %dma_wait3A_991 = arith.constant 0 : i32
      %dma_wait3A_992 = tpu.memref_slice %arg6[%dma_wait3A_984, %dma_wait3A_991] : memref<25x80xi32, #tpu.memory_space<vmem>> -> memref<1x80xi32, #tpu.memory_space<vmem>>
      %dma_wait3A_993 = tpu.memref_squeeze %dma_wait3A_992 : memref<1x80xi32, #tpu.memory_space<vmem>> -> memref<80xi32, #tpu.memory_space<vmem>>
      %dma_wait3A_994 = arith.constant 0 : i32
      %dma_wait3A_995 = arith.constant 0 : i32
      %dma_wait3A_996 = tpu.memref_slice %arg2[%dma_wait3A_994, %dma_wait3A_995] : memref<10000x128xf32, #tpu.memory_space<hbm>> -> memref<10000x128xf32, #tpu.memory_space<hbm>>
      %dma_wait3A_997 = tpu.memref_slice %arg10[%dma_wait3A_986] : memref<4x!tpu.dma_semaphore, #tpu.memory_space<semaphore_mem>> -> memref<1x!tpu.dma_semaphore, #tpu.memory_space<semaphore_mem>>
      %dma_wait3A_998 = tpu.memref_squeeze %dma_wait3A_997 : memref<1x!tpu.dma_semaphore, #tpu.memory_space<semaphore_mem>> -> memref<!tpu.dma_semaphore, #tpu.memory_space<semaphore_mem>>
      tpu.wait_indirect_dma semaphore(%dma_wait3A_998 : memref<!tpu.dma_semaphore, #tpu.memory_space<semaphore_mem>>) src(%dma_wait3A_996 : memref<10000x128xf32, #tpu.memory_space<hbm>>) dst(%dma_wait3A_990 : memref<80x128xf32, #tpu.memory_space<vmem>>)
      %dma_start3A_999 = arith.constant 3 : i32
      %dma_start3A_1000 = arith.constant 15 : i32
      %dma_start3A_1001 = arith.constant 3 : i32
      %dma_start3A_1002 = arith.constant 0 : i32
      %dma_start3A_1003 = arith.constant 0 : i32
      %dma_start3A_1004 = tpu.memref_slice %arg8[%dma_start3A_999, %dma_start3A_1002, %dma_start3A_1003] : memref<4x80x128xf32, #tpu.memory_space<vmem>> -> memref<1x80x128xf32, #tpu.memory_space<vmem>>
      %dma_start3A_1005 = tpu.memref_squeeze %dma_start3A_1004 : memref<1x80x128xf32, #tpu.memory_space<vmem>> -> memref<80x128xf32, #tpu.memory_space<vmem>>
      %dma_start3A_1006 = arith.constant 0 : i32
      %dma_start3A_1007 = tpu.memref_slice %arg7[%dma_start3A_1000, %dma_start3A_1006] : memref<25x80xi32, #tpu.memory_space<vmem>> -> memref<1x80xi32, #tpu.memory_space<vmem>>
      %dma_start3A_1008 = tpu.memref_squeeze %dma_start3A_1007 : memref<1x80xi32, #tpu.memory_space<vmem>> -> memref<80xi32, #tpu.memory_space<vmem>>
      %dma_start3A_1009 = arith.constant 0 : i32
      %dma_start3A_1010 = arith.constant 0 : i32
      %dma_start3A_1011 = tpu.memref_slice %arg9[%dma_start3A_1009, %dma_start3A_1010] : memref<10000x128xf32, #tpu.memory_space<vmem_shared>> -> memref<10000x128xf32, #tpu.memory_space<vmem_shared>>
      %dma_start3A_1012 = tpu.memref_slice %arg11[%dma_start3A_1001] : memref<4x!tpu.dma_semaphore, #tpu.memory_space<semaphore_mem>> -> memref<1x!tpu.dma_semaphore, #tpu.memory_space<semaphore_mem>>
      %dma_start3A_1013 = tpu.memref_squeeze %dma_start3A_1012 : memref<1x!tpu.dma_semaphore, #tpu.memory_space<semaphore_mem>> -> memref<!tpu.dma_semaphore, #tpu.memory_space<semaphore_mem>>
      tpu.enqueue_indirect_dma source(%dma_start3A_1005 : memref<80x128xf32, #tpu.memory_space<vmem>>) target(%dma_start3A_1011 : memref<10000x128xf32, #tpu.memory_space<vmem_shared>>) offsets(%dma_start3A_1008 : memref<80xi32, #tpu.memory_space<vmem>>) semaphore(%dma_start3A_1013 : memref<!tpu.dma_semaphore, #tpu.memory_space<semaphore_mem>>) {add = true}
      %dma_wait3A_1014 = arith.constant 2 : i32
      %dma_wait3A_1015 = arith.constant 14 : i32
      %dma_wait3A_1016 = arith.constant 2 : i32
      %dma_wait3A_1017 = arith.constant 0 : i32
      %dma_wait3A_1018 = arith.constant 0 : i32
      %dma_wait3A_1019 = tpu.memref_slice %arg8[%dma_wait3A_1014, %dma_wait3A_1017, %dma_wait3A_1018] : memref<4x80x128xf32, #tpu.memory_space<vmem>> -> memref<1x80x128xf32, #tpu.memory_space<vmem>>
      %dma_wait3A_1020 = tpu.memref_squeeze %dma_wait3A_1019 : memref<1x80x128xf32, #tpu.memory_space<vmem>> -> memref<80x128xf32, #tpu.memory_space<vmem>>
      %dma_wait3A_1021 = arith.constant 0 : i32
      %dma_wait3A_1022 = tpu.memref_slice %arg7[%dma_wait3A_1015, %dma_wait3A_1021] : memref<25x80xi32, #tpu.memory_space<vmem>> -> memref<1x80xi32, #tpu.memory_space<vmem>>
      %dma_wait3A_1023 = tpu.memref_squeeze %dma_wait3A_1022 : memref<1x80xi32, #tpu.memory_space<vmem>> -> memref<80xi32, #tpu.memory_space<vmem>>
      %dma_wait3A_1024 = arith.constant 0 : i32
      %dma_wait3A_1025 = arith.constant 0 : i32
      %dma_wait3A_1026 = tpu.memref_slice %arg9[%dma_wait3A_1024, %dma_wait3A_1025] : memref<10000x128xf32, #tpu.memory_space<vmem_shared>> -> memref<10000x128xf32, #tpu.memory_space<vmem_shared>>
      %dma_wait3A_1027 = tpu.memref_slice %arg11[%dma_wait3A_1016] : memref<4x!tpu.dma_semaphore, #tpu.memory_space<semaphore_mem>> -> memref<1x!tpu.dma_semaphore, #tpu.memory_space<semaphore_mem>>
      %dma_wait3A_1028 = tpu.memref_squeeze %dma_wait3A_1027 : memref<1x!tpu.dma_semaphore, #tpu.memory_space<semaphore_mem>> -> memref<!tpu.dma_semaphore, #tpu.memory_space<semaphore_mem>>
      tpu.wait_indirect_dma semaphore(%dma_wait3A_1028 : memref<!tpu.dma_semaphore, #tpu.memory_space<semaphore_mem>>) src(%dma_wait3A_1020 : memref<80x128xf32, #tpu.memory_space<vmem>>) dst(%dma_wait3A_1026 : memref<10000x128xf32, #tpu.memory_space<vmem_shared>>)
      %dma_start3A_1029 = arith.constant 18 : i32
      %dma_start3A_1030 = arith.constant 2 : i32
      %dma_start3A_1031 = arith.constant 2 : i32
      %dma_start3A_1032 = arith.constant 0 : i32
      %dma_start3A_1033 = arith.constant 0 : i32
      %dma_start3A_1034 = tpu.memref_slice %arg8[%dma_start3A_1030, %dma_start3A_1032, %dma_start3A_1033] : memref<4x80x128xf32, #tpu.memory_space<vmem>> -> memref<1x80x128xf32, #tpu.memory_space<vmem>>
      %dma_start3A_1035 = tpu.memref_squeeze %dma_start3A_1034 : memref<1x80x128xf32, #tpu.memory_space<vmem>> -> memref<80x128xf32, #tpu.memory_space<vmem>>
      %dma_start3A_1036 = arith.constant 0 : i32
      %dma_start3A_1037 = tpu.memref_slice %arg6[%dma_start3A_1029, %dma_start3A_1036] : memref<25x80xi32, #tpu.memory_space<vmem>> -> memref<1x80xi32, #tpu.memory_space<vmem>>
      %dma_start3A_1038 = tpu.memref_squeeze %dma_start3A_1037 : memref<1x80xi32, #tpu.memory_space<vmem>> -> memref<80xi32, #tpu.memory_space<vmem>>
      %dma_start3A_1039 = arith.constant 0 : i32
      %dma_start3A_1040 = arith.constant 0 : i32
      %dma_start3A_1041 = tpu.memref_slice %arg2[%dma_start3A_1039, %dma_start3A_1040] : memref<10000x128xf32, #tpu.memory_space<hbm>> -> memref<10000x128xf32, #tpu.memory_space<hbm>>
      %dma_start3A_1042 = tpu.memref_slice %arg10[%dma_start3A_1031] : memref<4x!tpu.dma_semaphore, #tpu.memory_space<semaphore_mem>> -> memref<1x!tpu.dma_semaphore, #tpu.memory_space<semaphore_mem>>
      %dma_start3A_1043 = tpu.memref_squeeze %dma_start3A_1042 : memref<1x!tpu.dma_semaphore, #tpu.memory_space<semaphore_mem>> -> memref<!tpu.dma_semaphore, #tpu.memory_space<semaphore_mem>>
      tpu.enqueue_indirect_dma source(%dma_start3A_1041 : memref<10000x128xf32, #tpu.memory_space<hbm>>) target(%dma_start3A_1035 : memref<80x128xf32, #tpu.memory_space<vmem>>) offsets(%dma_start3A_1038 : memref<80xi32, #tpu.memory_space<vmem>>) semaphore(%dma_start3A_1043 : memref<!tpu.dma_semaphore, #tpu.memory_space<semaphore_mem>>)
      %dma_wait3A_1044 = arith.constant 16 : i32
      %dma_wait3A_1045 = arith.constant 0 : i32
      %dma_wait3A_1046 = arith.constant 0 : i32
      %dma_wait3A_1047 = arith.constant 0 : i32
      %dma_wait3A_1048 = arith.constant 0 : i32
      %dma_wait3A_1049 = tpu.memref_slice %arg8[%dma_wait3A_1045, %dma_wait3A_1047, %dma_wait3A_1048] : memref<4x80x128xf32, #tpu.memory_space<vmem>> -> memref<1x80x128xf32, #tpu.memory_space<vmem>>
      %dma_wait3A_1050 = tpu.memref_squeeze %dma_wait3A_1049 : memref<1x80x128xf32, #tpu.memory_space<vmem>> -> memref<80x128xf32, #tpu.memory_space<vmem>>
      %dma_wait3A_1051 = arith.constant 0 : i32
      %dma_wait3A_1052 = tpu.memref_slice %arg6[%dma_wait3A_1044, %dma_wait3A_1051] : memref<25x80xi32, #tpu.memory_space<vmem>> -> memref<1x80xi32, #tpu.memory_space<vmem>>
      %dma_wait3A_1053 = tpu.memref_squeeze %dma_wait3A_1052 : memref<1x80xi32, #tpu.memory_space<vmem>> -> memref<80xi32, #tpu.memory_space<vmem>>
      %dma_wait3A_1054 = arith.constant 0 : i32
      %dma_wait3A_1055 = arith.constant 0 : i32
      %dma_wait3A_1056 = tpu.memref_slice %arg2[%dma_wait3A_1054, %dma_wait3A_1055] : memref<10000x128xf32, #tpu.memory_space<hbm>> -> memref<10000x128xf32, #tpu.memory_space<hbm>>
      %dma_wait3A_1057 = tpu.memref_slice %arg10[%dma_wait3A_1046] : memref<4x!tpu.dma_semaphore, #tpu.memory_space<semaphore_mem>> -> memref<1x!tpu.dma_semaphore, #tpu.memory_space<semaphore_mem>>
      %dma_wait3A_1058 = tpu.memref_squeeze %dma_wait3A_1057 : memref<1x!tpu.dma_semaphore, #tpu.memory_space<semaphore_mem>> -> memref<!tpu.dma_semaphore, #tpu.memory_space<semaphore_mem>>
      tpu.wait_indirect_dma semaphore(%dma_wait3A_1058 : memref<!tpu.dma_semaphore, #tpu.memory_space<semaphore_mem>>) src(%dma_wait3A_1056 : memref<10000x128xf32, #tpu.memory_space<hbm>>) dst(%dma_wait3A_1050 : memref<80x128xf32, #tpu.memory_space<vmem>>)
      %dma_start3A_1059 = arith.constant 0 : i32
      %dma_start3A_1060 = arith.constant 16 : i32
      %dma_start3A_1061 = arith.constant 0 : i32
      %dma_start3A_1062 = arith.constant 0 : i32
      %dma_start3A_1063 = arith.constant 0 : i32
      %dma_start3A_1064 = tpu.memref_slice %arg8[%dma_start3A_1059, %dma_start3A_1062, %dma_start3A_1063] : memref<4x80x128xf32, #tpu.memory_space<vmem>> -> memref<1x80x128xf32, #tpu.memory_space<vmem>>
      %dma_start3A_1065 = tpu.memref_squeeze %dma_start3A_1064 : memref<1x80x128xf32, #tpu.memory_space<vmem>> -> memref<80x128xf32, #tpu.memory_space<vmem>>
      %dma_start3A_1066 = arith.constant 0 : i32
      %dma_start3A_1067 = tpu.memref_slice %arg7[%dma_start3A_1060, %dma_start3A_1066] : memref<25x80xi32, #tpu.memory_space<vmem>> -> memref<1x80xi32, #tpu.memory_space<vmem>>
      %dma_start3A_1068 = tpu.memref_squeeze %dma_start3A_1067 : memref<1x80xi32, #tpu.memory_space<vmem>> -> memref<80xi32, #tpu.memory_space<vmem>>
      %dma_start3A_1069 = arith.constant 0 : i32
      %dma_start3A_1070 = arith.constant 0 : i32
      %dma_start3A_1071 = tpu.memref_slice %arg9[%dma_start3A_1069, %dma_start3A_1070] : memref<10000x128xf32, #tpu.memory_space<vmem_shared>> -> memref<10000x128xf32, #tpu.memory_space<vmem_shared>>
      %dma_start3A_1072 = tpu.memref_slice %arg11[%dma_start3A_1061] : memref<4x!tpu.dma_semaphore, #tpu.memory_space<semaphore_mem>> -> memref<1x!tpu.dma_semaphore, #tpu.memory_space<semaphore_mem>>
      %dma_start3A_1073 = tpu.memref_squeeze %dma_start3A_1072 : memref<1x!tpu.dma_semaphore, #tpu.memory_space<semaphore_mem>> -> memref<!tpu.dma_semaphore, #tpu.memory_space<semaphore_mem>>
      tpu.enqueue_indirect_dma source(%dma_start3A_1065 : memref<80x128xf32, #tpu.memory_space<vmem>>) target(%dma_start3A_1071 : memref<10000x128xf32, #tpu.memory_space<vmem_shared>>) offsets(%dma_start3A_1068 : memref<80xi32, #tpu.memory_space<vmem>>) semaphore(%dma_start3A_1073 : memref<!tpu.dma_semaphore, #tpu.memory_space<semaphore_mem>>) {add = true}
      %dma_wait3A_1074 = arith.constant 3 : i32
      %dma_wait3A_1075 = arith.constant 15 : i32
      %dma_wait3A_1076 = arith.constant 3 : i32
      %dma_wait3A_1077 = arith.constant 0 : i32
      %dma_wait3A_1078 = arith.constant 0 : i32
      %dma_wait3A_1079 = tpu.memref_slice %arg8[%dma_wait3A_1074, %dma_wait3A_1077, %dma_wait3A_1078] : memref<4x80x128xf32, #tpu.memory_space<vmem>> -> memref<1x80x128xf32, #tpu.memory_space<vmem>>
      %dma_wait3A_1080 = tpu.memref_squeeze %dma_wait3A_1079 : memref<1x80x128xf32, #tpu.memory_space<vmem>> -> memref<80x128xf32, #tpu.memory_space<vmem>>
      %dma_wait3A_1081 = arith.constant 0 : i32
      %dma_wait3A_1082 = tpu.memref_slice %arg7[%dma_wait3A_1075, %dma_wait3A_1081] : memref<25x80xi32, #tpu.memory_space<vmem>> -> memref<1x80xi32, #tpu.memory_space<vmem>>
      %dma_wait3A_1083 = tpu.memref_squeeze %dma_wait3A_1082 : memref<1x80xi32, #tpu.memory_space<vmem>> -> memref<80xi32, #tpu.memory_space<vmem>>
      %dma_wait3A_1084 = arith.constant 0 : i32
      %dma_wait3A_1085 = arith.constant 0 : i32
      %dma_wait3A_1086 = tpu.memref_slice %arg9[%dma_wait3A_1084, %dma_wait3A_1085] : memref<10000x128xf32, #tpu.memory_space<vmem_shared>> -> memref<10000x128xf32, #tpu.memory_space<vmem_shared>>
      %dma_wait3A_1087 = tpu.memref_slice %arg11[%dma_wait3A_1076] : memref<4x!tpu.dma_semaphore, #tpu.memory_space<semaphore_mem>> -> memref<1x!tpu.dma_semaphore, #tpu.memory_space<semaphore_mem>>
      %dma_wait3A_1088 = tpu.memref_squeeze %dma_wait3A_1087 : memref<1x!tpu.dma_semaphore, #tpu.memory_space<semaphore_mem>> -> memref<!tpu.dma_semaphore, #tpu.memory_space<semaphore_mem>>
      tpu.wait_indirect_dma semaphore(%dma_wait3A_1088 : memref<!tpu.dma_semaphore, #tpu.memory_space<semaphore_mem>>) src(%dma_wait3A_1080 : memref<80x128xf32, #tpu.memory_space<vmem>>) dst(%dma_wait3A_1086 : memref<10000x128xf32, #tpu.memory_space<vmem_shared>>)
      %dma_start3A_1089 = arith.constant 19 : i32
      %dma_start3A_1090 = arith.constant 3 : i32
      %dma_start3A_1091 = arith.constant 3 : i32
      %dma_start3A_1092 = arith.constant 0 : i32
      %dma_start3A_1093 = arith.constant 0 : i32
      %dma_start3A_1094 = tpu.memref_slice %arg8[%dma_start3A_1090, %dma_start3A_1092, %dma_start3A_1093] : memref<4x80x128xf32, #tpu.memory_space<vmem>> -> memref<1x80x128xf32, #tpu.memory_space<vmem>>
      %dma_start3A_1095 = tpu.memref_squeeze %dma_start3A_1094 : memref<1x80x128xf32, #tpu.memory_space<vmem>> -> memref<80x128xf32, #tpu.memory_space<vmem>>
      %dma_start3A_1096 = arith.constant 0 : i32
      %dma_start3A_1097 = tpu.memref_slice %arg6[%dma_start3A_1089, %dma_start3A_1096] : memref<25x80xi32, #tpu.memory_space<vmem>> -> memref<1x80xi32, #tpu.memory_space<vmem>>
      %dma_start3A_1098 = tpu.memref_squeeze %dma_start3A_1097 : memref<1x80xi32, #tpu.memory_space<vmem>> -> memref<80xi32, #tpu.memory_space<vmem>>
      %dma_start3A_1099 = arith.constant 0 : i32
      %dma_start3A_1100 = arith.constant 0 : i32
      %dma_start3A_1101 = tpu.memref_slice %arg2[%dma_start3A_1099, %dma_start3A_1100] : memref<10000x128xf32, #tpu.memory_space<hbm>> -> memref<10000x128xf32, #tpu.memory_space<hbm>>
      %dma_start3A_1102 = tpu.memref_slice %arg10[%dma_start3A_1091] : memref<4x!tpu.dma_semaphore, #tpu.memory_space<semaphore_mem>> -> memref<1x!tpu.dma_semaphore, #tpu.memory_space<semaphore_mem>>
      %dma_start3A_1103 = tpu.memref_squeeze %dma_start3A_1102 : memref<1x!tpu.dma_semaphore, #tpu.memory_space<semaphore_mem>> -> memref<!tpu.dma_semaphore, #tpu.memory_space<semaphore_mem>>
      tpu.enqueue_indirect_dma source(%dma_start3A_1101 : memref<10000x128xf32, #tpu.memory_space<hbm>>) target(%dma_start3A_1095 : memref<80x128xf32, #tpu.memory_space<vmem>>) offsets(%dma_start3A_1098 : memref<80xi32, #tpu.memory_space<vmem>>) semaphore(%dma_start3A_1103 : memref<!tpu.dma_semaphore, #tpu.memory_space<semaphore_mem>>)
      %dma_wait3A_1104 = arith.constant 17 : i32
      %dma_wait3A_1105 = arith.constant 1 : i32
      %dma_wait3A_1106 = arith.constant 1 : i32
      %dma_wait3A_1107 = arith.constant 0 : i32
      %dma_wait3A_1108 = arith.constant 0 : i32
      %dma_wait3A_1109 = tpu.memref_slice %arg8[%dma_wait3A_1105, %dma_wait3A_1107, %dma_wait3A_1108] : memref<4x80x128xf32, #tpu.memory_space<vmem>> -> memref<1x80x128xf32, #tpu.memory_space<vmem>>
      %dma_wait3A_1110 = tpu.memref_squeeze %dma_wait3A_1109 : memref<1x80x128xf32, #tpu.memory_space<vmem>> -> memref<80x128xf32, #tpu.memory_space<vmem>>
      %dma_wait3A_1111 = arith.constant 0 : i32
      %dma_wait3A_1112 = tpu.memref_slice %arg6[%dma_wait3A_1104, %dma_wait3A_1111] : memref<25x80xi32, #tpu.memory_space<vmem>> -> memref<1x80xi32, #tpu.memory_space<vmem>>
      %dma_wait3A_1113 = tpu.memref_squeeze %dma_wait3A_1112 : memref<1x80xi32, #tpu.memory_space<vmem>> -> memref<80xi32, #tpu.memory_space<vmem>>
      %dma_wait3A_1114 = arith.constant 0 : i32
      %dma_wait3A_1115 = arith.constant 0 : i32
      %dma_wait3A_1116 = tpu.memref_slice %arg2[%dma_wait3A_1114, %dma_wait3A_1115] : memref<10000x128xf32, #tpu.memory_space<hbm>> -> memref<10000x128xf32, #tpu.memory_space<hbm>>
      %dma_wait3A_1117 = tpu.memref_slice %arg10[%dma_wait3A_1106] : memref<4x!tpu.dma_semaphore, #tpu.memory_space<semaphore_mem>> -> memref<1x!tpu.dma_semaphore, #tpu.memory_space<semaphore_mem>>
      %dma_wait3A_1118 = tpu.memref_squeeze %dma_wait3A_1117 : memref<1x!tpu.dma_semaphore, #tpu.memory_space<semaphore_mem>> -> memref<!tpu.dma_semaphore, #tpu.memory_space<semaphore_mem>>
      tpu.wait_indirect_dma semaphore(%dma_wait3A_1118 : memref<!tpu.dma_semaphore, #tpu.memory_space<semaphore_mem>>) src(%dma_wait3A_1116 : memref<10000x128xf32, #tpu.memory_space<hbm>>) dst(%dma_wait3A_1110 : memref<80x128xf32, #tpu.memory_space<vmem>>)
      %dma_start3A_1119 = arith.constant 1 : i32
      %dma_start3A_1120 = arith.constant 17 : i32
      %dma_start3A_1121 = arith.constant 1 : i32
      %dma_start3A_1122 = arith.constant 0 : i32
      %dma_start3A_1123 = arith.constant 0 : i32
      %dma_start3A_1124 = tpu.memref_slice %arg8[%dma_start3A_1119, %dma_start3A_1122, %dma_start3A_1123] : memref<4x80x128xf32, #tpu.memory_space<vmem>> -> memref<1x80x128xf32, #tpu.memory_space<vmem>>
      %dma_start3A_1125 = tpu.memref_squeeze %dma_start3A_1124 : memref<1x80x128xf32, #tpu.memory_space<vmem>> -> memref<80x128xf32, #tpu.memory_space<vmem>>
      %dma_start3A_1126 = arith.constant 0 : i32
      %dma_start3A_1127 = tpu.memref_slice %arg7[%dma_start3A_1120, %dma_start3A_1126] : memref<25x80xi32, #tpu.memory_space<vmem>> -> memref<1x80xi32, #tpu.memory_space<vmem>>
      %dma_start3A_1128 = tpu.memref_squeeze %dma_start3A_1127 : memref<1x80xi32, #tpu.memory_space<vmem>> -> memref<80xi32, #tpu.memory_space<vmem>>
      %dma_start3A_1129 = arith.constant 0 : i32
      %dma_start3A_1130 = arith.constant 0 : i32
      %dma_start3A_1131 = tpu.memref_slice %arg9[%dma_start3A_1129, %dma_start3A_1130] : memref<10000x128xf32, #tpu.memory_space<vmem_shared>> -> memref<10000x128xf32, #tpu.memory_space<vmem_shared>>
      %dma_start3A_1132 = tpu.memref_slice %arg11[%dma_start3A_1121] : memref<4x!tpu.dma_semaphore, #tpu.memory_space<semaphore_mem>> -> memref<1x!tpu.dma_semaphore, #tpu.memory_space<semaphore_mem>>
      %dma_start3A_1133 = tpu.memref_squeeze %dma_start3A_1132 : memref<1x!tpu.dma_semaphore, #tpu.memory_space<semaphore_mem>> -> memref<!tpu.dma_semaphore, #tpu.memory_space<semaphore_mem>>
      tpu.enqueue_indirect_dma source(%dma_start3A_1125 : memref<80x128xf32, #tpu.memory_space<vmem>>) target(%dma_start3A_1131 : memref<10000x128xf32, #tpu.memory_space<vmem_shared>>) offsets(%dma_start3A_1128 : memref<80xi32, #tpu.memory_space<vmem>>) semaphore(%dma_start3A_1133 : memref<!tpu.dma_semaphore, #tpu.memory_space<semaphore_mem>>) {add = true}
      %dma_wait3A_1134 = arith.constant 0 : i32
      %dma_wait3A_1135 = arith.constant 16 : i32
      %dma_wait3A_1136 = arith.constant 0 : i32
      %dma_wait3A_1137 = arith.constant 0 : i32
      %dma_wait3A_1138 = arith.constant 0 : i32
      %dma_wait3A_1139 = tpu.memref_slice %arg8[%dma_wait3A_1134, %dma_wait3A_1137, %dma_wait3A_1138] : memref<4x80x128xf32, #tpu.memory_space<vmem>> -> memref<1x80x128xf32, #tpu.memory_space<vmem>>
      %dma_wait3A_1140 = tpu.memref_squeeze %dma_wait3A_1139 : memref<1x80x128xf32, #tpu.memory_space<vmem>> -> memref<80x128xf32, #tpu.memory_space<vmem>>
      %dma_wait3A_1141 = arith.constant 0 : i32
      %dma_wait3A_1142 = tpu.memref_slice %arg7[%dma_wait3A_1135, %dma_wait3A_1141] : memref<25x80xi32, #tpu.memory_space<vmem>> -> memref<1x80xi32, #tpu.memory_space<vmem>>
      %dma_wait3A_1143 = tpu.memref_squeeze %dma_wait3A_1142 : memref<1x80xi32, #tpu.memory_space<vmem>> -> memref<80xi32, #tpu.memory_space<vmem>>
      %dma_wait3A_1144 = arith.constant 0 : i32
      %dma_wait3A_1145 = arith.constant 0 : i32
      %dma_wait3A_1146 = tpu.memref_slice %arg9[%dma_wait3A_1144, %dma_wait3A_1145] : memref<10000x128xf32, #tpu.memory_space<vmem_shared>> -> memref<10000x128xf32, #tpu.memory_space<vmem_shared>>
      %dma_wait3A_1147 = tpu.memref_slice %arg11[%dma_wait3A_1136] : memref<4x!tpu.dma_semaphore, #tpu.memory_space<semaphore_mem>> -> memref<1x!tpu.dma_semaphore, #tpu.memory_space<semaphore_mem>>
      %dma_wait3A_1148 = tpu.memref_squeeze %dma_wait3A_1147 : memref<1x!tpu.dma_semaphore, #tpu.memory_space<semaphore_mem>> -> memref<!tpu.dma_semaphore, #tpu.memory_space<semaphore_mem>>
      tpu.wait_indirect_dma semaphore(%dma_wait3A_1148 : memref<!tpu.dma_semaphore, #tpu.memory_space<semaphore_mem>>) src(%dma_wait3A_1140 : memref<80x128xf32, #tpu.memory_space<vmem>>) dst(%dma_wait3A_1146 : memref<10000x128xf32, #tpu.memory_space<vmem_shared>>)
      %dma_start3A_1149 = arith.constant 20 : i32
      %dma_start3A_1150 = arith.constant 0 : i32
      %dma_start3A_1151 = arith.constant 0 : i32
      %dma_start3A_1152 = arith.constant 0 : i32
      %dma_start3A_1153 = arith.constant 0 : i32
      %dma_start3A_1154 = tpu.memref_slice %arg8[%dma_start3A_1150, %dma_start3A_1152, %dma_start3A_1153] : memref<4x80x128xf32, #tpu.memory_space<vmem>> -> memref<1x80x128xf32, #tpu.memory_space<vmem>>
      %dma_start3A_1155 = tpu.memref_squeeze %dma_start3A_1154 : memref<1x80x128xf32, #tpu.memory_space<vmem>> -> memref<80x128xf32, #tpu.memory_space<vmem>>
      %dma_start3A_1156 = arith.constant 0 : i32
      %dma_start3A_1157 = tpu.memref_slice %arg6[%dma_start3A_1149, %dma_start3A_1156] : memref<25x80xi32, #tpu.memory_space<vmem>> -> memref<1x80xi32, #tpu.memory_space<vmem>>
      %dma_start3A_1158 = tpu.memref_squeeze %dma_start3A_1157 : memref<1x80xi32, #tpu.memory_space<vmem>> -> memref<80xi32, #tpu.memory_space<vmem>>
      %dma_start3A_1159 = arith.constant 0 : i32
      %dma_start3A_1160 = arith.constant 0 : i32
      %dma_start3A_1161 = tpu.memref_slice %arg2[%dma_start3A_1159, %dma_start3A_1160] : memref<10000x128xf32, #tpu.memory_space<hbm>> -> memref<10000x128xf32, #tpu.memory_space<hbm>>
      %dma_start3A_1162 = tpu.memref_slice %arg10[%dma_start3A_1151] : memref<4x!tpu.dma_semaphore, #tpu.memory_space<semaphore_mem>> -> memref<1x!tpu.dma_semaphore, #tpu.memory_space<semaphore_mem>>
      %dma_start3A_1163 = tpu.memref_squeeze %dma_start3A_1162 : memref<1x!tpu.dma_semaphore, #tpu.memory_space<semaphore_mem>> -> memref<!tpu.dma_semaphore, #tpu.memory_space<semaphore_mem>>
      tpu.enqueue_indirect_dma source(%dma_start3A_1161 : memref<10000x128xf32, #tpu.memory_space<hbm>>) target(%dma_start3A_1155 : memref<80x128xf32, #tpu.memory_space<vmem>>) offsets(%dma_start3A_1158 : memref<80xi32, #tpu.memory_space<vmem>>) semaphore(%dma_start3A_1163 : memref<!tpu.dma_semaphore, #tpu.memory_space<semaphore_mem>>)
      %dma_wait3A_1164 = arith.constant 18 : i32
      %dma_wait3A_1165 = arith.constant 2 : i32
      %dma_wait3A_1166 = arith.constant 2 : i32
      %dma_wait3A_1167 = arith.constant 0 : i32
      %dma_wait3A_1168 = arith.constant 0 : i32
      %dma_wait3A_1169 = tpu.memref_slice %arg8[%dma_wait3A_1165, %dma_wait3A_1167, %dma_wait3A_1168] : memref<4x80x128xf32, #tpu.memory_space<vmem>> -> memref<1x80x128xf32, #tpu.memory_space<vmem>>
      %dma_wait3A_1170 = tpu.memref_squeeze %dma_wait3A_1169 : memref<1x80x128xf32, #tpu.memory_space<vmem>> -> memref<80x128xf32, #tpu.memory_space<vmem>>
      %dma_wait3A_1171 = arith.constant 0 : i32
      %dma_wait3A_1172 = tpu.memref_slice %arg6[%dma_wait3A_1164, %dma_wait3A_1171] : memref<25x80xi32, #tpu.memory_space<vmem>> -> memref<1x80xi32, #tpu.memory_space<vmem>>
      %dma_wait3A_1173 = tpu.memref_squeeze %dma_wait3A_1172 : memref<1x80xi32, #tpu.memory_space<vmem>> -> memref<80xi32, #tpu.memory_space<vmem>>
      %dma_wait3A_1174 = arith.constant 0 : i32
      %dma_wait3A_1175 = arith.constant 0 : i32
      %dma_wait3A_1176 = tpu.memref_slice %arg2[%dma_wait3A_1174, %dma_wait3A_1175] : memref<10000x128xf32, #tpu.memory_space<hbm>> -> memref<10000x128xf32, #tpu.memory_space<hbm>>
      %dma_wait3A_1177 = tpu.memref_slice %arg10[%dma_wait3A_1166] : memref<4x!tpu.dma_semaphore, #tpu.memory_space<semaphore_mem>> -> memref<1x!tpu.dma_semaphore, #tpu.memory_space<semaphore_mem>>
      %dma_wait3A_1178 = tpu.memref_squeeze %dma_wait3A_1177 : memref<1x!tpu.dma_semaphore, #tpu.memory_space<semaphore_mem>> -> memref<!tpu.dma_semaphore, #tpu.memory_space<semaphore_mem>>
      tpu.wait_indirect_dma semaphore(%dma_wait3A_1178 : memref<!tpu.dma_semaphore, #tpu.memory_space<semaphore_mem>>) src(%dma_wait3A_1176 : memref<10000x128xf32, #tpu.memory_space<hbm>>) dst(%dma_wait3A_1170 : memref<80x128xf32, #tpu.memory_space<vmem>>)
      %dma_start3A_1179 = arith.constant 2 : i32
      %dma_start3A_1180 = arith.constant 18 : i32
      %dma_start3A_1181 = arith.constant 2 : i32
      %dma_start3A_1182 = arith.constant 0 : i32
      %dma_start3A_1183 = arith.constant 0 : i32
      %dma_start3A_1184 = tpu.memref_slice %arg8[%dma_start3A_1179, %dma_start3A_1182, %dma_start3A_1183] : memref<4x80x128xf32, #tpu.memory_space<vmem>> -> memref<1x80x128xf32, #tpu.memory_space<vmem>>
      %dma_start3A_1185 = tpu.memref_squeeze %dma_start3A_1184 : memref<1x80x128xf32, #tpu.memory_space<vmem>> -> memref<80x128xf32, #tpu.memory_space<vmem>>
      %dma_start3A_1186 = arith.constant 0 : i32
      %dma_start3A_1187 = tpu.memref_slice %arg7[%dma_start3A_1180, %dma_start3A_1186] : memref<25x80xi32, #tpu.memory_space<vmem>> -> memref<1x80xi32, #tpu.memory_space<vmem>>
      %dma_start3A_1188 = tpu.memref_squeeze %dma_start3A_1187 : memref<1x80xi32, #tpu.memory_space<vmem>> -> memref<80xi32, #tpu.memory_space<vmem>>
      %dma_start3A_1189 = arith.constant 0 : i32
      %dma_start3A_1190 = arith.constant 0 : i32
      %dma_start3A_1191 = tpu.memref_slice %arg9[%dma_start3A_1189, %dma_start3A_1190] : memref<10000x128xf32, #tpu.memory_space<vmem_shared>> -> memref<10000x128xf32, #tpu.memory_space<vmem_shared>>
      %dma_start3A_1192 = tpu.memref_slice %arg11[%dma_start3A_1181] : memref<4x!tpu.dma_semaphore, #tpu.memory_space<semaphore_mem>> -> memref<1x!tpu.dma_semaphore, #tpu.memory_space<semaphore_mem>>
      %dma_start3A_1193 = tpu.memref_squeeze %dma_start3A_1192 : memref<1x!tpu.dma_semaphore, #tpu.memory_space<semaphore_mem>> -> memref<!tpu.dma_semaphore, #tpu.memory_space<semaphore_mem>>
      tpu.enqueue_indirect_dma source(%dma_start3A_1185 : memref<80x128xf32, #tpu.memory_space<vmem>>) target(%dma_start3A_1191 : memref<10000x128xf32, #tpu.memory_space<vmem_shared>>) offsets(%dma_start3A_1188 : memref<80xi32, #tpu.memory_space<vmem>>) semaphore(%dma_start3A_1193 : memref<!tpu.dma_semaphore, #tpu.memory_space<semaphore_mem>>) {add = true}
      %dma_wait3A_1194 = arith.constant 1 : i32
      %dma_wait3A_1195 = arith.constant 17 : i32
      %dma_wait3A_1196 = arith.constant 1 : i32
      %dma_wait3A_1197 = arith.constant 0 : i32
      %dma_wait3A_1198 = arith.constant 0 : i32
      %dma_wait3A_1199 = tpu.memref_slice %arg8[%dma_wait3A_1194, %dma_wait3A_1197, %dma_wait3A_1198] : memref<4x80x128xf32, #tpu.memory_space<vmem>> -> memref<1x80x128xf32, #tpu.memory_space<vmem>>
      %dma_wait3A_1200 = tpu.memref_squeeze %dma_wait3A_1199 : memref<1x80x128xf32, #tpu.memory_space<vmem>> -> memref<80x128xf32, #tpu.memory_space<vmem>>
      %dma_wait3A_1201 = arith.constant 0 : i32
      %dma_wait3A_1202 = tpu.memref_slice %arg7[%dma_wait3A_1195, %dma_wait3A_1201] : memref<25x80xi32, #tpu.memory_space<vmem>> -> memref<1x80xi32, #tpu.memory_space<vmem>>
      %dma_wait3A_1203 = tpu.memref_squeeze %dma_wait3A_1202 : memref<1x80xi32, #tpu.memory_space<vmem>> -> memref<80xi32, #tpu.memory_space<vmem>>
      %dma_wait3A_1204 = arith.constant 0 : i32
      %dma_wait3A_1205 = arith.constant 0 : i32
      %dma_wait3A_1206 = tpu.memref_slice %arg9[%dma_wait3A_1204, %dma_wait3A_1205] : memref<10000x128xf32, #tpu.memory_space<vmem_shared>> -> memref<10000x128xf32, #tpu.memory_space<vmem_shared>>
      %dma_wait3A_1207 = tpu.memref_slice %arg11[%dma_wait3A_1196] : memref<4x!tpu.dma_semaphore, #tpu.memory_space<semaphore_mem>> -> memref<1x!tpu.dma_semaphore, #tpu.memory_space<semaphore_mem>>
      %dma_wait3A_1208 = tpu.memref_squeeze %dma_wait3A_1207 : memref<1x!tpu.dma_semaphore, #tpu.memory_space<semaphore_mem>> -> memref<!tpu.dma_semaphore, #tpu.memory_space<semaphore_mem>>
      tpu.wait_indirect_dma semaphore(%dma_wait3A_1208 : memref<!tpu.dma_semaphore, #tpu.memory_space<semaphore_mem>>) src(%dma_wait3A_1200 : memref<80x128xf32, #tpu.memory_space<vmem>>) dst(%dma_wait3A_1206 : memref<10000x128xf32, #tpu.memory_space<vmem_shared>>)
      %dma_start3A_1209 = arith.constant 21 : i32
      %dma_start3A_1210 = arith.constant 1 : i32
      %dma_start3A_1211 = arith.constant 1 : i32
      %dma_start3A_1212 = arith.constant 0 : i32
      %dma_start3A_1213 = arith.constant 0 : i32
      %dma_start3A_1214 = tpu.memref_slice %arg8[%dma_start3A_1210, %dma_start3A_1212, %dma_start3A_1213] : memref<4x80x128xf32, #tpu.memory_space<vmem>> -> memref<1x80x128xf32, #tpu.memory_space<vmem>>
      %dma_start3A_1215 = tpu.memref_squeeze %dma_start3A_1214 : memref<1x80x128xf32, #tpu.memory_space<vmem>> -> memref<80x128xf32, #tpu.memory_space<vmem>>
      %dma_start3A_1216 = arith.constant 0 : i32
      %dma_start3A_1217 = tpu.memref_slice %arg6[%dma_start3A_1209, %dma_start3A_1216] : memref<25x80xi32, #tpu.memory_space<vmem>> -> memref<1x80xi32, #tpu.memory_space<vmem>>
      %dma_start3A_1218 = tpu.memref_squeeze %dma_start3A_1217 : memref<1x80xi32, #tpu.memory_space<vmem>> -> memref<80xi32, #tpu.memory_space<vmem>>
      %dma_start3A_1219 = arith.constant 0 : i32
      %dma_start3A_1220 = arith.constant 0 : i32
      %dma_start3A_1221 = tpu.memref_slice %arg2[%dma_start3A_1219, %dma_start3A_1220] : memref<10000x128xf32, #tpu.memory_space<hbm>> -> memref<10000x128xf32, #tpu.memory_space<hbm>>
      %dma_start3A_1222 = tpu.memref_slice %arg10[%dma_start3A_1211] : memref<4x!tpu.dma_semaphore, #tpu.memory_space<semaphore_mem>> -> memref<1x!tpu.dma_semaphore, #tpu.memory_space<semaphore_mem>>
      %dma_start3A_1223 = tpu.memref_squeeze %dma_start3A_1222 : memref<1x!tpu.dma_semaphore, #tpu.memory_space<semaphore_mem>> -> memref<!tpu.dma_semaphore, #tpu.memory_space<semaphore_mem>>
      tpu.enqueue_indirect_dma source(%dma_start3A_1221 : memref<10000x128xf32, #tpu.memory_space<hbm>>) target(%dma_start3A_1215 : memref<80x128xf32, #tpu.memory_space<vmem>>) offsets(%dma_start3A_1218 : memref<80xi32, #tpu.memory_space<vmem>>) semaphore(%dma_start3A_1223 : memref<!tpu.dma_semaphore, #tpu.memory_space<semaphore_mem>>)
      %dma_wait3A_1224 = arith.constant 19 : i32
      %dma_wait3A_1225 = arith.constant 3 : i32
      %dma_wait3A_1226 = arith.constant 3 : i32
      %dma_wait3A_1227 = arith.constant 0 : i32
      %dma_wait3A_1228 = arith.constant 0 : i32
      %dma_wait3A_1229 = tpu.memref_slice %arg8[%dma_wait3A_1225, %dma_wait3A_1227, %dma_wait3A_1228] : memref<4x80x128xf32, #tpu.memory_space<vmem>> -> memref<1x80x128xf32, #tpu.memory_space<vmem>>
      %dma_wait3A_1230 = tpu.memref_squeeze %dma_wait3A_1229 : memref<1x80x128xf32, #tpu.memory_space<vmem>> -> memref<80x128xf32, #tpu.memory_space<vmem>>
      %dma_wait3A_1231 = arith.constant 0 : i32
      %dma_wait3A_1232 = tpu.memref_slice %arg6[%dma_wait3A_1224, %dma_wait3A_1231] : memref<25x80xi32, #tpu.memory_space<vmem>> -> memref<1x80xi32, #tpu.memory_space<vmem>>
      %dma_wait3A_1233 = tpu.memref_squeeze %dma_wait3A_1232 : memref<1x80xi32, #tpu.memory_space<vmem>> -> memref<80xi32, #tpu.memory_space<vmem>>
      %dma_wait3A_1234 = arith.constant 0 : i32
      %dma_wait3A_1235 = arith.constant 0 : i32
      %dma_wait3A_1236 = tpu.memref_slice %arg2[%dma_wait3A_1234, %dma_wait3A_1235] : memref<10000x128xf32, #tpu.memory_space<hbm>> -> memref<10000x128xf32, #tpu.memory_space<hbm>>
      %dma_wait3A_1237 = tpu.memref_slice %arg10[%dma_wait3A_1226] : memref<4x!tpu.dma_semaphore, #tpu.memory_space<semaphore_mem>> -> memref<1x!tpu.dma_semaphore, #tpu.memory_space<semaphore_mem>>
      %dma_wait3A_1238 = tpu.memref_squeeze %dma_wait3A_1237 : memref<1x!tpu.dma_semaphore, #tpu.memory_space<semaphore_mem>> -> memref<!tpu.dma_semaphore, #tpu.memory_space<semaphore_mem>>
      tpu.wait_indirect_dma semaphore(%dma_wait3A_1238 : memref<!tpu.dma_semaphore, #tpu.memory_space<semaphore_mem>>) src(%dma_wait3A_1236 : memref<10000x128xf32, #tpu.memory_space<hbm>>) dst(%dma_wait3A_1230 : memref<80x128xf32, #tpu.memory_space<vmem>>)
      %dma_start3A_1239 = arith.constant 3 : i32
      %dma_start3A_1240 = arith.constant 19 : i32
      %dma_start3A_1241 = arith.constant 3 : i32
      %dma_start3A_1242 = arith.constant 0 : i32
      %dma_start3A_1243 = arith.constant 0 : i32
      %dma_start3A_1244 = tpu.memref_slice %arg8[%dma_start3A_1239, %dma_start3A_1242, %dma_start3A_1243] : memref<4x80x128xf32, #tpu.memory_space<vmem>> -> memref<1x80x128xf32, #tpu.memory_space<vmem>>
      %dma_start3A_1245 = tpu.memref_squeeze %dma_start3A_1244 : memref<1x80x128xf32, #tpu.memory_space<vmem>> -> memref<80x128xf32, #tpu.memory_space<vmem>>
      %dma_start3A_1246 = arith.constant 0 : i32
      %dma_start3A_1247 = tpu.memref_slice %arg7[%dma_start3A_1240, %dma_start3A_1246] : memref<25x80xi32, #tpu.memory_space<vmem>> -> memref<1x80xi32, #tpu.memory_space<vmem>>
      %dma_start3A_1248 = tpu.memref_squeeze %dma_start3A_1247 : memref<1x80xi32, #tpu.memory_space<vmem>> -> memref<80xi32, #tpu.memory_space<vmem>>
      %dma_start3A_1249 = arith.constant 0 : i32
      %dma_start3A_1250 = arith.constant 0 : i32
      %dma_start3A_1251 = tpu.memref_slice %arg9[%dma_start3A_1249, %dma_start3A_1250] : memref<10000x128xf32, #tpu.memory_space<vmem_shared>> -> memref<10000x128xf32, #tpu.memory_space<vmem_shared>>
      %dma_start3A_1252 = tpu.memref_slice %arg11[%dma_start3A_1241] : memref<4x!tpu.dma_semaphore, #tpu.memory_space<semaphore_mem>> -> memref<1x!tpu.dma_semaphore, #tpu.memory_space<semaphore_mem>>
      %dma_start3A_1253 = tpu.memref_squeeze %dma_start3A_1252 : memref<1x!tpu.dma_semaphore, #tpu.memory_space<semaphore_mem>> -> memref<!tpu.dma_semaphore, #tpu.memory_space<semaphore_mem>>
      tpu.enqueue_indirect_dma source(%dma_start3A_1245 : memref<80x128xf32, #tpu.memory_space<vmem>>) target(%dma_start3A_1251 : memref<10000x128xf32, #tpu.memory_space<vmem_shared>>) offsets(%dma_start3A_1248 : memref<80xi32, #tpu.memory_space<vmem>>) semaphore(%dma_start3A_1253 : memref<!tpu.dma_semaphore, #tpu.memory_space<semaphore_mem>>) {add = true}
      %dma_wait3A_1254 = arith.constant 2 : i32
      %dma_wait3A_1255 = arith.constant 18 : i32
      %dma_wait3A_1256 = arith.constant 2 : i32
      %dma_wait3A_1257 = arith.constant 0 : i32
      %dma_wait3A_1258 = arith.constant 0 : i32
      %dma_wait3A_1259 = tpu.memref_slice %arg8[%dma_wait3A_1254, %dma_wait3A_1257, %dma_wait3A_1258] : memref<4x80x128xf32, #tpu.memory_space<vmem>> -> memref<1x80x128xf32, #tpu.memory_space<vmem>>
      %dma_wait3A_1260 = tpu.memref_squeeze %dma_wait3A_1259 : memref<1x80x128xf32, #tpu.memory_space<vmem>> -> memref<80x128xf32, #tpu.memory_space<vmem>>
      %dma_wait3A_1261 = arith.constant 0 : i32
      %dma_wait3A_1262 = tpu.memref_slice %arg7[%dma_wait3A_1255, %dma_wait3A_1261] : memref<25x80xi32, #tpu.memory_space<vmem>> -> memref<1x80xi32, #tpu.memory_space<vmem>>
      %dma_wait3A_1263 = tpu.memref_squeeze %dma_wait3A_1262 : memref<1x80xi32, #tpu.memory_space<vmem>> -> memref<80xi32, #tpu.memory_space<vmem>>
      %dma_wait3A_1264 = arith.constant 0 : i32
      %dma_wait3A_1265 = arith.constant 0 : i32
      %dma_wait3A_1266 = tpu.memref_slice %arg9[%dma_wait3A_1264, %dma_wait3A_1265] : memref<10000x128xf32, #tpu.memory_space<vmem_shared>> -> memref<10000x128xf32, #tpu.memory_space<vmem_shared>>
      %dma_wait3A_1267 = tpu.memref_slice %arg11[%dma_wait3A_1256] : memref<4x!tpu.dma_semaphore, #tpu.memory_space<semaphore_mem>> -> memref<1x!tpu.dma_semaphore, #tpu.memory_space<semaphore_mem>>
      %dma_wait3A_1268 = tpu.memref_squeeze %dma_wait3A_1267 : memref<1x!tpu.dma_semaphore, #tpu.memory_space<semaphore_mem>> -> memref<!tpu.dma_semaphore, #tpu.memory_space<semaphore_mem>>
      tpu.wait_indirect_dma semaphore(%dma_wait3A_1268 : memref<!tpu.dma_semaphore, #tpu.memory_space<semaphore_mem>>) src(%dma_wait3A_1260 : memref<80x128xf32, #tpu.memory_space<vmem>>) dst(%dma_wait3A_1266 : memref<10000x128xf32, #tpu.memory_space<vmem_shared>>)
      %dma_start3A_1269 = arith.constant 22 : i32
      %dma_start3A_1270 = arith.constant 2 : i32
      %dma_start3A_1271 = arith.constant 2 : i32
      %dma_start3A_1272 = arith.constant 0 : i32
      %dma_start3A_1273 = arith.constant 0 : i32
      %dma_start3A_1274 = tpu.memref_slice %arg8[%dma_start3A_1270, %dma_start3A_1272, %dma_start3A_1273] : memref<4x80x128xf32, #tpu.memory_space<vmem>> -> memref<1x80x128xf32, #tpu.memory_space<vmem>>
      %dma_start3A_1275 = tpu.memref_squeeze %dma_start3A_1274 : memref<1x80x128xf32, #tpu.memory_space<vmem>> -> memref<80x128xf32, #tpu.memory_space<vmem>>
      %dma_start3A_1276 = arith.constant 0 : i32
      %dma_start3A_1277 = tpu.memref_slice %arg6[%dma_start3A_1269, %dma_start3A_1276] : memref<25x80xi32, #tpu.memory_space<vmem>> -> memref<1x80xi32, #tpu.memory_space<vmem>>
      %dma_start3A_1278 = tpu.memref_squeeze %dma_start3A_1277 : memref<1x80xi32, #tpu.memory_space<vmem>> -> memref<80xi32, #tpu.memory_space<vmem>>
      %dma_start3A_1279 = arith.constant 0 : i32
      %dma_start3A_1280 = arith.constant 0 : i32
      %dma_start3A_1281 = tpu.memref_slice %arg2[%dma_start3A_1279, %dma_start3A_1280] : memref<10000x128xf32, #tpu.memory_space<hbm>> -> memref<10000x128xf32, #tpu.memory_space<hbm>>
      %dma_start3A_1282 = tpu.memref_slice %arg10[%dma_start3A_1271] : memref<4x!tpu.dma_semaphore, #tpu.memory_space<semaphore_mem>> -> memref<1x!tpu.dma_semaphore, #tpu.memory_space<semaphore_mem>>
      %dma_start3A_1283 = tpu.memref_squeeze %dma_start3A_1282 : memref<1x!tpu.dma_semaphore, #tpu.memory_space<semaphore_mem>> -> memref<!tpu.dma_semaphore, #tpu.memory_space<semaphore_mem>>
      tpu.enqueue_indirect_dma source(%dma_start3A_1281 : memref<10000x128xf32, #tpu.memory_space<hbm>>) target(%dma_start3A_1275 : memref<80x128xf32, #tpu.memory_space<vmem>>) offsets(%dma_start3A_1278 : memref<80xi32, #tpu.memory_space<vmem>>) semaphore(%dma_start3A_1283 : memref<!tpu.dma_semaphore, #tpu.memory_space<semaphore_mem>>)
      %dma_wait3A_1284 = arith.constant 20 : i32
      %dma_wait3A_1285 = arith.constant 0 : i32
      %dma_wait3A_1286 = arith.constant 0 : i32
      %dma_wait3A_1287 = arith.constant 0 : i32
      %dma_wait3A_1288 = arith.constant 0 : i32
      %dma_wait3A_1289 = tpu.memref_slice %arg8[%dma_wait3A_1285, %dma_wait3A_1287, %dma_wait3A_1288] : memref<4x80x128xf32, #tpu.memory_space<vmem>> -> memref<1x80x128xf32, #tpu.memory_space<vmem>>
      %dma_wait3A_1290 = tpu.memref_squeeze %dma_wait3A_1289 : memref<1x80x128xf32, #tpu.memory_space<vmem>> -> memref<80x128xf32, #tpu.memory_space<vmem>>
      %dma_wait3A_1291 = arith.constant 0 : i32
      %dma_wait3A_1292 = tpu.memref_slice %arg6[%dma_wait3A_1284, %dma_wait3A_1291] : memref<25x80xi32, #tpu.memory_space<vmem>> -> memref<1x80xi32, #tpu.memory_space<vmem>>
      %dma_wait3A_1293 = tpu.memref_squeeze %dma_wait3A_1292 : memref<1x80xi32, #tpu.memory_space<vmem>> -> memref<80xi32, #tpu.memory_space<vmem>>
      %dma_wait3A_1294 = arith.constant 0 : i32
      %dma_wait3A_1295 = arith.constant 0 : i32
      %dma_wait3A_1296 = tpu.memref_slice %arg2[%dma_wait3A_1294, %dma_wait3A_1295] : memref<10000x128xf32, #tpu.memory_space<hbm>> -> memref<10000x128xf32, #tpu.memory_space<hbm>>
      %dma_wait3A_1297 = tpu.memref_slice %arg10[%dma_wait3A_1286] : memref<4x!tpu.dma_semaphore, #tpu.memory_space<semaphore_mem>> -> memref<1x!tpu.dma_semaphore, #tpu.memory_space<semaphore_mem>>
      %dma_wait3A_1298 = tpu.memref_squeeze %dma_wait3A_1297 : memref<1x!tpu.dma_semaphore, #tpu.memory_space<semaphore_mem>> -> memref<!tpu.dma_semaphore, #tpu.memory_space<semaphore_mem>>
      tpu.wait_indirect_dma semaphore(%dma_wait3A_1298 : memref<!tpu.dma_semaphore, #tpu.memory_space<semaphore_mem>>) src(%dma_wait3A_1296 : memref<10000x128xf32, #tpu.memory_space<hbm>>) dst(%dma_wait3A_1290 : memref<80x128xf32, #tpu.memory_space<vmem>>)
      %dma_start3A_1299 = arith.constant 0 : i32
      %dma_start3A_1300 = arith.constant 20 : i32
      %dma_start3A_1301 = arith.constant 0 : i32
      %dma_start3A_1302 = arith.constant 0 : i32
      %dma_start3A_1303 = arith.constant 0 : i32
      %dma_start3A_1304 = tpu.memref_slice %arg8[%dma_start3A_1299, %dma_start3A_1302, %dma_start3A_1303] : memref<4x80x128xf32, #tpu.memory_space<vmem>> -> memref<1x80x128xf32, #tpu.memory_space<vmem>>
      %dma_start3A_1305 = tpu.memref_squeeze %dma_start3A_1304 : memref<1x80x128xf32, #tpu.memory_space<vmem>> -> memref<80x128xf32, #tpu.memory_space<vmem>>
      %dma_start3A_1306 = arith.constant 0 : i32
      %dma_start3A_1307 = tpu.memref_slice %arg7[%dma_start3A_1300, %dma_start3A_1306] : memref<25x80xi32, #tpu.memory_space<vmem>> -> memref<1x80xi32, #tpu.memory_space<vmem>>
      %dma_start3A_1308 = tpu.memref_squeeze %dma_start3A_1307 : memref<1x80xi32, #tpu.memory_space<vmem>> -> memref<80xi32, #tpu.memory_space<vmem>>
      %dma_start3A_1309 = arith.constant 0 : i32
      %dma_start3A_1310 = arith.constant 0 : i32
      %dma_start3A_1311 = tpu.memref_slice %arg9[%dma_start3A_1309, %dma_start3A_1310] : memref<10000x128xf32, #tpu.memory_space<vmem_shared>> -> memref<10000x128xf32, #tpu.memory_space<vmem_shared>>
      %dma_start3A_1312 = tpu.memref_slice %arg11[%dma_start3A_1301] : memref<4x!tpu.dma_semaphore, #tpu.memory_space<semaphore_mem>> -> memref<1x!tpu.dma_semaphore, #tpu.memory_space<semaphore_mem>>
      %dma_start3A_1313 = tpu.memref_squeeze %dma_start3A_1312 : memref<1x!tpu.dma_semaphore, #tpu.memory_space<semaphore_mem>> -> memref<!tpu.dma_semaphore, #tpu.memory_space<semaphore_mem>>
      tpu.enqueue_indirect_dma source(%dma_start3A_1305 : memref<80x128xf32, #tpu.memory_space<vmem>>) target(%dma_start3A_1311 : memref<10000x128xf32, #tpu.memory_space<vmem_shared>>) offsets(%dma_start3A_1308 : memref<80xi32, #tpu.memory_space<vmem>>) semaphore(%dma_start3A_1313 : memref<!tpu.dma_semaphore, #tpu.memory_space<semaphore_mem>>) {add = true}
      %dma_wait3A_1314 = arith.constant 3 : i32
      %dma_wait3A_1315 = arith.constant 19 : i32
      %dma_wait3A_1316 = arith.constant 3 : i32
      %dma_wait3A_1317 = arith.constant 0 : i32
      %dma_wait3A_1318 = arith.constant 0 : i32
      %dma_wait3A_1319 = tpu.memref_slice %arg8[%dma_wait3A_1314, %dma_wait3A_1317, %dma_wait3A_1318] : memref<4x80x128xf32, #tpu.memory_space<vmem>> -> memref<1x80x128xf32, #tpu.memory_space<vmem>>
      %dma_wait3A_1320 = tpu.memref_squeeze %dma_wait3A_1319 : memref<1x80x128xf32, #tpu.memory_space<vmem>> -> memref<80x128xf32, #tpu.memory_space<vmem>>
      %dma_wait3A_1321 = arith.constant 0 : i32
      %dma_wait3A_1322 = tpu.memref_slice %arg7[%dma_wait3A_1315, %dma_wait3A_1321] : memref<25x80xi32, #tpu.memory_space<vmem>> -> memref<1x80xi32, #tpu.memory_space<vmem>>
      %dma_wait3A_1323 = tpu.memref_squeeze %dma_wait3A_1322 : memref<1x80xi32, #tpu.memory_space<vmem>> -> memref<80xi32, #tpu.memory_space<vmem>>
      %dma_wait3A_1324 = arith.constant 0 : i32
      %dma_wait3A_1325 = arith.constant 0 : i32
      %dma_wait3A_1326 = tpu.memref_slice %arg9[%dma_wait3A_1324, %dma_wait3A_1325] : memref<10000x128xf32, #tpu.memory_space<vmem_shared>> -> memref<10000x128xf32, #tpu.memory_space<vmem_shared>>
      %dma_wait3A_1327 = tpu.memref_slice %arg11[%dma_wait3A_1316] : memref<4x!tpu.dma_semaphore, #tpu.memory_space<semaphore_mem>> -> memref<1x!tpu.dma_semaphore, #tpu.memory_space<semaphore_mem>>
      %dma_wait3A_1328 = tpu.memref_squeeze %dma_wait3A_1327 : memref<1x!tpu.dma_semaphore, #tpu.memory_space<semaphore_mem>> -> memref<!tpu.dma_semaphore, #tpu.memory_space<semaphore_mem>>
      tpu.wait_indirect_dma semaphore(%dma_wait3A_1328 : memref<!tpu.dma_semaphore, #tpu.memory_space<semaphore_mem>>) src(%dma_wait3A_1320 : memref<80x128xf32, #tpu.memory_space<vmem>>) dst(%dma_wait3A_1326 : memref<10000x128xf32, #tpu.memory_space<vmem_shared>>)
      %dma_start3A_1329 = arith.constant 23 : i32
      %dma_start3A_1330 = arith.constant 3 : i32
      %dma_start3A_1331 = arith.constant 3 : i32
      %dma_start3A_1332 = arith.constant 0 : i32
      %dma_start3A_1333 = arith.constant 0 : i32
      %dma_start3A_1334 = tpu.memref_slice %arg8[%dma_start3A_1330, %dma_start3A_1332, %dma_start3A_1333] : memref<4x80x128xf32, #tpu.memory_space<vmem>> -> memref<1x80x128xf32, #tpu.memory_space<vmem>>
      %dma_start3A_1335 = tpu.memref_squeeze %dma_start3A_1334 : memref<1x80x128xf32, #tpu.memory_space<vmem>> -> memref<80x128xf32, #tpu.memory_space<vmem>>
      %dma_start3A_1336 = arith.constant 0 : i32
      %dma_start3A_1337 = tpu.memref_slice %arg6[%dma_start3A_1329, %dma_start3A_1336] : memref<25x80xi32, #tpu.memory_space<vmem>> -> memref<1x80xi32, #tpu.memory_space<vmem>>
      %dma_start3A_1338 = tpu.memref_squeeze %dma_start3A_1337 : memref<1x80xi32, #tpu.memory_space<vmem>> -> memref<80xi32, #tpu.memory_space<vmem>>
      %dma_start3A_1339 = arith.constant 0 : i32
      %dma_start3A_1340 = arith.constant 0 : i32
      %dma_start3A_1341 = tpu.memref_slice %arg2[%dma_start3A_1339, %dma_start3A_1340] : memref<10000x128xf32, #tpu.memory_space<hbm>> -> memref<10000x128xf32, #tpu.memory_space<hbm>>
      %dma_start3A_1342 = tpu.memref_slice %arg10[%dma_start3A_1331] : memref<4x!tpu.dma_semaphore, #tpu.memory_space<semaphore_mem>> -> memref<1x!tpu.dma_semaphore, #tpu.memory_space<semaphore_mem>>
      %dma_start3A_1343 = tpu.memref_squeeze %dma_start3A_1342 : memref<1x!tpu.dma_semaphore, #tpu.memory_space<semaphore_mem>> -> memref<!tpu.dma_semaphore, #tpu.memory_space<semaphore_mem>>
      tpu.enqueue_indirect_dma source(%dma_start3A_1341 : memref<10000x128xf32, #tpu.memory_space<hbm>>) target(%dma_start3A_1335 : memref<80x128xf32, #tpu.memory_space<vmem>>) offsets(%dma_start3A_1338 : memref<80xi32, #tpu.memory_space<vmem>>) semaphore(%dma_start3A_1343 : memref<!tpu.dma_semaphore, #tpu.memory_space<semaphore_mem>>)
      %dma_wait3A_1344 = arith.constant 21 : i32
      %dma_wait3A_1345 = arith.constant 1 : i32
      %dma_wait3A_1346 = arith.constant 1 : i32
      %dma_wait3A_1347 = arith.constant 0 : i32
      %dma_wait3A_1348 = arith.constant 0 : i32
      %dma_wait3A_1349 = tpu.memref_slice %arg8[%dma_wait3A_1345, %dma_wait3A_1347, %dma_wait3A_1348] : memref<4x80x128xf32, #tpu.memory_space<vmem>> -> memref<1x80x128xf32, #tpu.memory_space<vmem>>
      %dma_wait3A_1350 = tpu.memref_squeeze %dma_wait3A_1349 : memref<1x80x128xf32, #tpu.memory_space<vmem>> -> memref<80x128xf32, #tpu.memory_space<vmem>>
      %dma_wait3A_1351 = arith.constant 0 : i32
      %dma_wait3A_1352 = tpu.memref_slice %arg6[%dma_wait3A_1344, %dma_wait3A_1351] : memref<25x80xi32, #tpu.memory_space<vmem>> -> memref<1x80xi32, #tpu.memory_space<vmem>>
      %dma_wait3A_1353 = tpu.memref_squeeze %dma_wait3A_1352 : memref<1x80xi32, #tpu.memory_space<vmem>> -> memref<80xi32, #tpu.memory_space<vmem>>
      %dma_wait3A_1354 = arith.constant 0 : i32
      %dma_wait3A_1355 = arith.constant 0 : i32
      %dma_wait3A_1356 = tpu.memref_slice %arg2[%dma_wait3A_1354, %dma_wait3A_1355] : memref<10000x128xf32, #tpu.memory_space<hbm>> -> memref<10000x128xf32, #tpu.memory_space<hbm>>
      %dma_wait3A_1357 = tpu.memref_slice %arg10[%dma_wait3A_1346] : memref<4x!tpu.dma_semaphore, #tpu.memory_space<semaphore_mem>> -> memref<1x!tpu.dma_semaphore, #tpu.memory_space<semaphore_mem>>
      %dma_wait3A_1358 = tpu.memref_squeeze %dma_wait3A_1357 : memref<1x!tpu.dma_semaphore, #tpu.memory_space<semaphore_mem>> -> memref<!tpu.dma_semaphore, #tpu.memory_space<semaphore_mem>>
      tpu.wait_indirect_dma semaphore(%dma_wait3A_1358 : memref<!tpu.dma_semaphore, #tpu.memory_space<semaphore_mem>>) src(%dma_wait3A_1356 : memref<10000x128xf32, #tpu.memory_space<hbm>>) dst(%dma_wait3A_1350 : memref<80x128xf32, #tpu.memory_space<vmem>>)
      %dma_start3A_1359 = arith.constant 1 : i32
      %dma_start3A_1360 = arith.constant 21 : i32
      %dma_start3A_1361 = arith.constant 1 : i32
      %dma_start3A_1362 = arith.constant 0 : i32
      %dma_start3A_1363 = arith.constant 0 : i32
      %dma_start3A_1364 = tpu.memref_slice %arg8[%dma_start3A_1359, %dma_start3A_1362, %dma_start3A_1363] : memref<4x80x128xf32, #tpu.memory_space<vmem>> -> memref<1x80x128xf32, #tpu.memory_space<vmem>>
      %dma_start3A_1365 = tpu.memref_squeeze %dma_start3A_1364 : memref<1x80x128xf32, #tpu.memory_space<vmem>> -> memref<80x128xf32, #tpu.memory_space<vmem>>
      %dma_start3A_1366 = arith.constant 0 : i32
      %dma_start3A_1367 = tpu.memref_slice %arg7[%dma_start3A_1360, %dma_start3A_1366] : memref<25x80xi32, #tpu.memory_space<vmem>> -> memref<1x80xi32, #tpu.memory_space<vmem>>
      %dma_start3A_1368 = tpu.memref_squeeze %dma_start3A_1367 : memref<1x80xi32, #tpu.memory_space<vmem>> -> memref<80xi32, #tpu.memory_space<vmem>>
      %dma_start3A_1369 = arith.constant 0 : i32
      %dma_start3A_1370 = arith.constant 0 : i32
      %dma_start3A_1371 = tpu.memref_slice %arg9[%dma_start3A_1369, %dma_start3A_1370] : memref<10000x128xf32, #tpu.memory_space<vmem_shared>> -> memref<10000x128xf32, #tpu.memory_space<vmem_shared>>
      %dma_start3A_1372 = tpu.memref_slice %arg11[%dma_start3A_1361] : memref<4x!tpu.dma_semaphore, #tpu.memory_space<semaphore_mem>> -> memref<1x!tpu.dma_semaphore, #tpu.memory_space<semaphore_mem>>
      %dma_start3A_1373 = tpu.memref_squeeze %dma_start3A_1372 : memref<1x!tpu.dma_semaphore, #tpu.memory_space<semaphore_mem>> -> memref<!tpu.dma_semaphore, #tpu.memory_space<semaphore_mem>>
      tpu.enqueue_indirect_dma source(%dma_start3A_1365 : memref<80x128xf32, #tpu.memory_space<vmem>>) target(%dma_start3A_1371 : memref<10000x128xf32, #tpu.memory_space<vmem_shared>>) offsets(%dma_start3A_1368 : memref<80xi32, #tpu.memory_space<vmem>>) semaphore(%dma_start3A_1373 : memref<!tpu.dma_semaphore, #tpu.memory_space<semaphore_mem>>) {add = true}
      %dma_wait3A_1374 = arith.constant 0 : i32
      %dma_wait3A_1375 = arith.constant 20 : i32
      %dma_wait3A_1376 = arith.constant 0 : i32
      %dma_wait3A_1377 = arith.constant 0 : i32
      %dma_wait3A_1378 = arith.constant 0 : i32
      %dma_wait3A_1379 = tpu.memref_slice %arg8[%dma_wait3A_1374, %dma_wait3A_1377, %dma_wait3A_1378] : memref<4x80x128xf32, #tpu.memory_space<vmem>> -> memref<1x80x128xf32, #tpu.memory_space<vmem>>
      %dma_wait3A_1380 = tpu.memref_squeeze %dma_wait3A_1379 : memref<1x80x128xf32, #tpu.memory_space<vmem>> -> memref<80x128xf32, #tpu.memory_space<vmem>>
      %dma_wait3A_1381 = arith.constant 0 : i32
      %dma_wait3A_1382 = tpu.memref_slice %arg7[%dma_wait3A_1375, %dma_wait3A_1381] : memref<25x80xi32, #tpu.memory_space<vmem>> -> memref<1x80xi32, #tpu.memory_space<vmem>>
      %dma_wait3A_1383 = tpu.memref_squeeze %dma_wait3A_1382 : memref<1x80xi32, #tpu.memory_space<vmem>> -> memref<80xi32, #tpu.memory_space<vmem>>
      %dma_wait3A_1384 = arith.constant 0 : i32
      %dma_wait3A_1385 = arith.constant 0 : i32
      %dma_wait3A_1386 = tpu.memref_slice %arg9[%dma_wait3A_1384, %dma_wait3A_1385] : memref<10000x128xf32, #tpu.memory_space<vmem_shared>> -> memref<10000x128xf32, #tpu.memory_space<vmem_shared>>
      %dma_wait3A_1387 = tpu.memref_slice %arg11[%dma_wait3A_1376] : memref<4x!tpu.dma_semaphore, #tpu.memory_space<semaphore_mem>> -> memref<1x!tpu.dma_semaphore, #tpu.memory_space<semaphore_mem>>
      %dma_wait3A_1388 = tpu.memref_squeeze %dma_wait3A_1387 : memref<1x!tpu.dma_semaphore, #tpu.memory_space<semaphore_mem>> -> memref<!tpu.dma_semaphore, #tpu.memory_space<semaphore_mem>>
      tpu.wait_indirect_dma semaphore(%dma_wait3A_1388 : memref<!tpu.dma_semaphore, #tpu.memory_space<semaphore_mem>>) src(%dma_wait3A_1380 : memref<80x128xf32, #tpu.memory_space<vmem>>) dst(%dma_wait3A_1386 : memref<10000x128xf32, #tpu.memory_space<vmem_shared>>)
      %dma_start3A_1389 = arith.constant 24 : i32
      %dma_start3A_1390 = arith.constant 0 : i32
      %dma_start3A_1391 = arith.constant 0 : i32
      %dma_start3A_1392 = arith.constant 0 : i32
      %dma_start3A_1393 = arith.constant 0 : i32
      %dma_start3A_1394 = tpu.memref_slice %arg8[%dma_start3A_1390, %dma_start3A_1392, %dma_start3A_1393] : memref<4x80x128xf32, #tpu.memory_space<vmem>> -> memref<1x80x128xf32, #tpu.memory_space<vmem>>
      %dma_start3A_1395 = tpu.memref_squeeze %dma_start3A_1394 : memref<1x80x128xf32, #tpu.memory_space<vmem>> -> memref<80x128xf32, #tpu.memory_space<vmem>>
      %dma_start3A_1396 = arith.constant 0 : i32
      %dma_start3A_1397 = tpu.memref_slice %arg6[%dma_start3A_1389, %dma_start3A_1396] : memref<25x80xi32, #tpu.memory_space<vmem>> -> memref<1x80xi32, #tpu.memory_space<vmem>>
      %dma_start3A_1398 = tpu.memref_squeeze %dma_start3A_1397 : memref<1x80xi32, #tpu.memory_space<vmem>> -> memref<80xi32, #tpu.memory_space<vmem>>
      %dma_start3A_1399 = arith.constant 0 : i32
      %dma_start3A_1400 = arith.constant 0 : i32
      %dma_start3A_1401 = tpu.memref_slice %arg2[%dma_start3A_1399, %dma_start3A_1400] : memref<10000x128xf32, #tpu.memory_space<hbm>> -> memref<10000x128xf32, #tpu.memory_space<hbm>>
      %dma_start3A_1402 = tpu.memref_slice %arg10[%dma_start3A_1391] : memref<4x!tpu.dma_semaphore, #tpu.memory_space<semaphore_mem>> -> memref<1x!tpu.dma_semaphore, #tpu.memory_space<semaphore_mem>>
      %dma_start3A_1403 = tpu.memref_squeeze %dma_start3A_1402 : memref<1x!tpu.dma_semaphore, #tpu.memory_space<semaphore_mem>> -> memref<!tpu.dma_semaphore, #tpu.memory_space<semaphore_mem>>
      tpu.enqueue_indirect_dma source(%dma_start3A_1401 : memref<10000x128xf32, #tpu.memory_space<hbm>>) target(%dma_start3A_1395 : memref<80x128xf32, #tpu.memory_space<vmem>>) offsets(%dma_start3A_1398 : memref<80xi32, #tpu.memory_space<vmem>>) semaphore(%dma_start3A_1403 : memref<!tpu.dma_semaphore, #tpu.memory_space<semaphore_mem>>)
      %dma_wait3A_1404 = arith.constant 22 : i32
      %dma_wait3A_1405 = arith.constant 2 : i32
      %dma_wait3A_1406 = arith.constant 2 : i32
      %dma_wait3A_1407 = arith.constant 0 : i32
      %dma_wait3A_1408 = arith.constant 0 : i32
      %dma_wait3A_1409 = tpu.memref_slice %arg8[%dma_wait3A_1405, %dma_wait3A_1407, %dma_wait3A_1408] : memref<4x80x128xf32, #tpu.memory_space<vmem>> -> memref<1x80x128xf32, #tpu.memory_space<vmem>>
      %dma_wait3A_1410 = tpu.memref_squeeze %dma_wait3A_1409 : memref<1x80x128xf32, #tpu.memory_space<vmem>> -> memref<80x128xf32, #tpu.memory_space<vmem>>
      %dma_wait3A_1411 = arith.constant 0 : i32
      %dma_wait3A_1412 = tpu.memref_slice %arg6[%dma_wait3A_1404, %dma_wait3A_1411] : memref<25x80xi32, #tpu.memory_space<vmem>> -> memref<1x80xi32, #tpu.memory_space<vmem>>
      %dma_wait3A_1413 = tpu.memref_squeeze %dma_wait3A_1412 : memref<1x80xi32, #tpu.memory_space<vmem>> -> memref<80xi32, #tpu.memory_space<vmem>>
      %dma_wait3A_1414 = arith.constant 0 : i32
      %dma_wait3A_1415 = arith.constant 0 : i32
      %dma_wait3A_1416 = tpu.memref_slice %arg2[%dma_wait3A_1414, %dma_wait3A_1415] : memref<10000x128xf32, #tpu.memory_space<hbm>> -> memref<10000x128xf32, #tpu.memory_space<hbm>>
      %dma_wait3A_1417 = tpu.memref_slice %arg10[%dma_wait3A_1406] : memref<4x!tpu.dma_semaphore, #tpu.memory_space<semaphore_mem>> -> memref<1x!tpu.dma_semaphore, #tpu.memory_space<semaphore_mem>>
      %dma_wait3A_1418 = tpu.memref_squeeze %dma_wait3A_1417 : memref<1x!tpu.dma_semaphore, #tpu.memory_space<semaphore_mem>> -> memref<!tpu.dma_semaphore, #tpu.memory_space<semaphore_mem>>
      tpu.wait_indirect_dma semaphore(%dma_wait3A_1418 : memref<!tpu.dma_semaphore, #tpu.memory_space<semaphore_mem>>) src(%dma_wait3A_1416 : memref<10000x128xf32, #tpu.memory_space<hbm>>) dst(%dma_wait3A_1410 : memref<80x128xf32, #tpu.memory_space<vmem>>)
      %dma_start3A_1419 = arith.constant 2 : i32
      %dma_start3A_1420 = arith.constant 22 : i32
      %dma_start3A_1421 = arith.constant 2 : i32
      %dma_start3A_1422 = arith.constant 0 : i32
      %dma_start3A_1423 = arith.constant 0 : i32
      %dma_start3A_1424 = tpu.memref_slice %arg8[%dma_start3A_1419, %dma_start3A_1422, %dma_start3A_1423] : memref<4x80x128xf32, #tpu.memory_space<vmem>> -> memref<1x80x128xf32, #tpu.memory_space<vmem>>
      %dma_start3A_1425 = tpu.memref_squeeze %dma_start3A_1424 : memref<1x80x128xf32, #tpu.memory_space<vmem>> -> memref<80x128xf32, #tpu.memory_space<vmem>>
      %dma_start3A_1426 = arith.constant 0 : i32
      %dma_start3A_1427 = tpu.memref_slice %arg7[%dma_start3A_1420, %dma_start3A_1426] : memref<25x80xi32, #tpu.memory_space<vmem>> -> memref<1x80xi32, #tpu.memory_space<vmem>>
      %dma_start3A_1428 = tpu.memref_squeeze %dma_start3A_1427 : memref<1x80xi32, #tpu.memory_space<vmem>> -> memref<80xi32, #tpu.memory_space<vmem>>
      %dma_start3A_1429 = arith.constant 0 : i32
      %dma_start3A_1430 = arith.constant 0 : i32
      %dma_start3A_1431 = tpu.memref_slice %arg9[%dma_start3A_1429, %dma_start3A_1430] : memref<10000x128xf32, #tpu.memory_space<vmem_shared>> -> memref<10000x128xf32, #tpu.memory_space<vmem_shared>>
      %dma_start3A_1432 = tpu.memref_slice %arg11[%dma_start3A_1421] : memref<4x!tpu.dma_semaphore, #tpu.memory_space<semaphore_mem>> -> memref<1x!tpu.dma_semaphore, #tpu.memory_space<semaphore_mem>>
      %dma_start3A_1433 = tpu.memref_squeeze %dma_start3A_1432 : memref<1x!tpu.dma_semaphore, #tpu.memory_space<semaphore_mem>> -> memref<!tpu.dma_semaphore, #tpu.memory_space<semaphore_mem>>
      tpu.enqueue_indirect_dma source(%dma_start3A_1425 : memref<80x128xf32, #tpu.memory_space<vmem>>) target(%dma_start3A_1431 : memref<10000x128xf32, #tpu.memory_space<vmem_shared>>) offsets(%dma_start3A_1428 : memref<80xi32, #tpu.memory_space<vmem>>) semaphore(%dma_start3A_1433 : memref<!tpu.dma_semaphore, #tpu.memory_space<semaphore_mem>>) {add = true}
      %dma_wait3A_1434 = arith.constant 23 : i32
      %dma_wait3A_1435 = arith.constant 3 : i32
      %dma_wait3A_1436 = arith.constant 3 : i32
      %dma_wait3A_1437 = arith.constant 0 : i32
      %dma_wait3A_1438 = arith.constant 0 : i32
      %dma_wait3A_1439 = tpu.memref_slice %arg8[%dma_wait3A_1435, %dma_wait3A_1437, %dma_wait3A_1438] : memref<4x80x128xf32, #tpu.memory_space<vmem>> -> memref<1x80x128xf32, #tpu.memory_space<vmem>>
      %dma_wait3A_1440 = tpu.memref_squeeze %dma_wait3A_1439 : memref<1x80x128xf32, #tpu.memory_space<vmem>> -> memref<80x128xf32, #tpu.memory_space<vmem>>
      %dma_wait3A_1441 = arith.constant 0 : i32
      %dma_wait3A_1442 = tpu.memref_slice %arg6[%dma_wait3A_1434, %dma_wait3A_1441] : memref<25x80xi32, #tpu.memory_space<vmem>> -> memref<1x80xi32, #tpu.memory_space<vmem>>
      %dma_wait3A_1443 = tpu.memref_squeeze %dma_wait3A_1442 : memref<1x80xi32, #tpu.memory_space<vmem>> -> memref<80xi32, #tpu.memory_space<vmem>>
      %dma_wait3A_1444 = arith.constant 0 : i32
      %dma_wait3A_1445 = arith.constant 0 : i32
      %dma_wait3A_1446 = tpu.memref_slice %arg2[%dma_wait3A_1444, %dma_wait3A_1445] : memref<10000x128xf32, #tpu.memory_space<hbm>> -> memref<10000x128xf32, #tpu.memory_space<hbm>>
      %dma_wait3A_1447 = tpu.memref_slice %arg10[%dma_wait3A_1436] : memref<4x!tpu.dma_semaphore, #tpu.memory_space<semaphore_mem>> -> memref<1x!tpu.dma_semaphore, #tpu.memory_space<semaphore_mem>>
      %dma_wait3A_1448 = tpu.memref_squeeze %dma_wait3A_1447 : memref<1x!tpu.dma_semaphore, #tpu.memory_space<semaphore_mem>> -> memref<!tpu.dma_semaphore, #tpu.memory_space<semaphore_mem>>
      tpu.wait_indirect_dma semaphore(%dma_wait3A_1448 : memref<!tpu.dma_semaphore, #tpu.memory_space<semaphore_mem>>) src(%dma_wait3A_1446 : memref<10000x128xf32, #tpu.memory_space<hbm>>) dst(%dma_wait3A_1440 : memref<80x128xf32, #tpu.memory_space<vmem>>)
      %dma_start3A_1449 = arith.constant 3 : i32
      %dma_start3A_1450 = arith.constant 23 : i32
      %dma_start3A_1451 = arith.constant 3 : i32
      %dma_start3A_1452 = arith.constant 0 : i32
      %dma_start3A_1453 = arith.constant 0 : i32
      %dma_start3A_1454 = tpu.memref_slice %arg8[%dma_start3A_1449, %dma_start3A_1452, %dma_start3A_1453] : memref<4x80x128xf32, #tpu.memory_space<vmem>> -> memref<1x80x128xf32, #tpu.memory_space<vmem>>
      %dma_start3A_1455 = tpu.memref_squeeze %dma_start3A_1454 : memref<1x80x128xf32, #tpu.memory_space<vmem>> -> memref<80x128xf32, #tpu.memory_space<vmem>>
      %dma_start3A_1456 = arith.constant 0 : i32
      %dma_start3A_1457 = tpu.memref_slice %arg7[%dma_start3A_1450, %dma_start3A_1456] : memref<25x80xi32, #tpu.memory_space<vmem>> -> memref<1x80xi32, #tpu.memory_space<vmem>>
      %dma_start3A_1458 = tpu.memref_squeeze %dma_start3A_1457 : memref<1x80xi32, #tpu.memory_space<vmem>> -> memref<80xi32, #tpu.memory_space<vmem>>
      %dma_start3A_1459 = arith.constant 0 : i32
      %dma_start3A_1460 = arith.constant 0 : i32
      %dma_start3A_1461 = tpu.memref_slice %arg9[%dma_start3A_1459, %dma_start3A_1460] : memref<10000x128xf32, #tpu.memory_space<vmem_shared>> -> memref<10000x128xf32, #tpu.memory_space<vmem_shared>>
      %dma_start3A_1462 = tpu.memref_slice %arg11[%dma_start3A_1451] : memref<4x!tpu.dma_semaphore, #tpu.memory_space<semaphore_mem>> -> memref<1x!tpu.dma_semaphore, #tpu.memory_space<semaphore_mem>>
      %dma_start3A_1463 = tpu.memref_squeeze %dma_start3A_1462 : memref<1x!tpu.dma_semaphore, #tpu.memory_space<semaphore_mem>> -> memref<!tpu.dma_semaphore, #tpu.memory_space<semaphore_mem>>
      tpu.enqueue_indirect_dma source(%dma_start3A_1455 : memref<80x128xf32, #tpu.memory_space<vmem>>) target(%dma_start3A_1461 : memref<10000x128xf32, #tpu.memory_space<vmem_shared>>) offsets(%dma_start3A_1458 : memref<80xi32, #tpu.memory_space<vmem>>) semaphore(%dma_start3A_1463 : memref<!tpu.dma_semaphore, #tpu.memory_space<semaphore_mem>>) {add = true}
      %dma_wait3A_1464 = arith.constant 24 : i32
      %dma_wait3A_1465 = arith.constant 0 : i32
      %dma_wait3A_1466 = arith.constant 0 : i32
      %dma_wait3A_1467 = arith.constant 0 : i32
      %dma_wait3A_1468 = arith.constant 0 : i32
      %dma_wait3A_1469 = tpu.memref_slice %arg8[%dma_wait3A_1465, %dma_wait3A_1467, %dma_wait3A_1468] : memref<4x80x128xf32, #tpu.memory_space<vmem>> -> memref<1x80x128xf32, #tpu.memory_space<vmem>>
      %dma_wait3A_1470 = tpu.memref_squeeze %dma_wait3A_1469 : memref<1x80x128xf32, #tpu.memory_space<vmem>> -> memref<80x128xf32, #tpu.memory_space<vmem>>
      %dma_wait3A_1471 = arith.constant 0 : i32
      %dma_wait3A_1472 = tpu.memref_slice %arg6[%dma_wait3A_1464, %dma_wait3A_1471] : memref<25x80xi32, #tpu.memory_space<vmem>> -> memref<1x80xi32, #tpu.memory_space<vmem>>
      %dma_wait3A_1473 = tpu.memref_squeeze %dma_wait3A_1472 : memref<1x80xi32, #tpu.memory_space<vmem>> -> memref<80xi32, #tpu.memory_space<vmem>>
      %dma_wait3A_1474 = arith.constant 0 : i32
      %dma_wait3A_1475 = arith.constant 0 : i32
      %dma_wait3A_1476 = tpu.memref_slice %arg2[%dma_wait3A_1474, %dma_wait3A_1475] : memref<10000x128xf32, #tpu.memory_space<hbm>> -> memref<10000x128xf32, #tpu.memory_space<hbm>>
      %dma_wait3A_1477 = tpu.memref_slice %arg10[%dma_wait3A_1466] : memref<4x!tpu.dma_semaphore, #tpu.memory_space<semaphore_mem>> -> memref<1x!tpu.dma_semaphore, #tpu.memory_space<semaphore_mem>>
      %dma_wait3A_1478 = tpu.memref_squeeze %dma_wait3A_1477 : memref<1x!tpu.dma_semaphore, #tpu.memory_space<semaphore_mem>> -> memref<!tpu.dma_semaphore, #tpu.memory_space<semaphore_mem>>
      tpu.wait_indirect_dma semaphore(%dma_wait3A_1478 : memref<!tpu.dma_semaphore, #tpu.memory_space<semaphore_mem>>) src(%dma_wait3A_1476 : memref<10000x128xf32, #tpu.memory_space<hbm>>) dst(%dma_wait3A_1470 : memref<80x128xf32, #tpu.memory_space<vmem>>)
      %dma_start3A_1479 = arith.constant 0 : i32
      %dma_start3A_1480 = arith.constant 24 : i32
      %dma_start3A_1481 = arith.constant 0 : i32
      %dma_start3A_1482 = arith.constant 0 : i32
      %dma_start3A_1483 = arith.constant 0 : i32
      %dma_start3A_1484 = tpu.memref_slice %arg8[%dma_start3A_1479, %dma_start3A_1482, %dma_start3A_1483] : memref<4x80x128xf32, #tpu.memory_space<vmem>> -> memref<1x80x128xf32, #tpu.memory_space<vmem>>
      %dma_start3A_1485 = tpu.memref_squeeze %dma_start3A_1484 : memref<1x80x128xf32, #tpu.memory_space<vmem>> -> memref<80x128xf32, #tpu.memory_space<vmem>>
      %dma_start3A_1486 = arith.constant 0 : i32
      %dma_start3A_1487 = tpu.memref_slice %arg7[%dma_start3A_1480, %dma_start3A_1486] : memref<25x80xi32, #tpu.memory_space<vmem>> -> memref<1x80xi32, #tpu.memory_space<vmem>>
      %dma_start3A_1488 = tpu.memref_squeeze %dma_start3A_1487 : memref<1x80xi32, #tpu.memory_space<vmem>> -> memref<80xi32, #tpu.memory_space<vmem>>
      %dma_start3A_1489 = arith.constant 0 : i32
      %dma_start3A_1490 = arith.constant 0 : i32
      %dma_start3A_1491 = tpu.memref_slice %arg9[%dma_start3A_1489, %dma_start3A_1490] : memref<10000x128xf32, #tpu.memory_space<vmem_shared>> -> memref<10000x128xf32, #tpu.memory_space<vmem_shared>>
      %dma_start3A_1492 = tpu.memref_slice %arg11[%dma_start3A_1481] : memref<4x!tpu.dma_semaphore, #tpu.memory_space<semaphore_mem>> -> memref<1x!tpu.dma_semaphore, #tpu.memory_space<semaphore_mem>>
      %dma_start3A_1493 = tpu.memref_squeeze %dma_start3A_1492 : memref<1x!tpu.dma_semaphore, #tpu.memory_space<semaphore_mem>> -> memref<!tpu.dma_semaphore, #tpu.memory_space<semaphore_mem>>
      tpu.enqueue_indirect_dma source(%dma_start3A_1485 : memref<80x128xf32, #tpu.memory_space<vmem>>) target(%dma_start3A_1491 : memref<10000x128xf32, #tpu.memory_space<vmem_shared>>) offsets(%dma_start3A_1488 : memref<80xi32, #tpu.memory_space<vmem>>) semaphore(%dma_start3A_1493 : memref<!tpu.dma_semaphore, #tpu.memory_space<semaphore_mem>>) {add = true}
      %dma_wait3A_1494 = arith.constant 1 : i32
      %dma_wait3A_1495 = arith.constant 21 : i32
      %dma_wait3A_1496 = arith.constant 1 : i32
      %dma_wait3A_1497 = arith.constant 0 : i32
      %dma_wait3A_1498 = arith.constant 0 : i32
      %dma_wait3A_1499 = tpu.memref_slice %arg8[%dma_wait3A_1494, %dma_wait3A_1497, %dma_wait3A_1498] : memref<4x80x128xf32, #tpu.memory_space<vmem>> -> memref<1x80x128xf32, #tpu.memory_space<vmem>>
      %dma_wait3A_1500 = tpu.memref_squeeze %dma_wait3A_1499 : memref<1x80x128xf32, #tpu.memory_space<vmem>> -> memref<80x128xf32, #tpu.memory_space<vmem>>
      %dma_wait3A_1501 = arith.constant 0 : i32
      %dma_wait3A_1502 = tpu.memref_slice %arg7[%dma_wait3A_1495, %dma_wait3A_1501] : memref<25x80xi32, #tpu.memory_space<vmem>> -> memref<1x80xi32, #tpu.memory_space<vmem>>
      %dma_wait3A_1503 = tpu.memref_squeeze %dma_wait3A_1502 : memref<1x80xi32, #tpu.memory_space<vmem>> -> memref<80xi32, #tpu.memory_space<vmem>>
      %dma_wait3A_1504 = arith.constant 0 : i32
      %dma_wait3A_1505 = arith.constant 0 : i32
      %dma_wait3A_1506 = tpu.memref_slice %arg9[%dma_wait3A_1504, %dma_wait3A_1505] : memref<10000x128xf32, #tpu.memory_space<vmem_shared>> -> memref<10000x128xf32, #tpu.memory_space<vmem_shared>>
      %dma_wait3A_1507 = tpu.memref_slice %arg11[%dma_wait3A_1496] : memref<4x!tpu.dma_semaphore, #tpu.memory_space<semaphore_mem>> -> memref<1x!tpu.dma_semaphore, #tpu.memory_space<semaphore_mem>>
      %dma_wait3A_1508 = tpu.memref_squeeze %dma_wait3A_1507 : memref<1x!tpu.dma_semaphore, #tpu.memory_space<semaphore_mem>> -> memref<!tpu.dma_semaphore, #tpu.memory_space<semaphore_mem>>
      tpu.wait_indirect_dma semaphore(%dma_wait3A_1508 : memref<!tpu.dma_semaphore, #tpu.memory_space<semaphore_mem>>) src(%dma_wait3A_1500 : memref<80x128xf32, #tpu.memory_space<vmem>>) dst(%dma_wait3A_1506 : memref<10000x128xf32, #tpu.memory_space<vmem_shared>>)
      %dma_wait3A_1509 = arith.constant 2 : i32
      %dma_wait3A_1510 = arith.constant 22 : i32
      %dma_wait3A_1511 = arith.constant 2 : i32
      %dma_wait3A_1512 = arith.constant 0 : i32
      %dma_wait3A_1513 = arith.constant 0 : i32
      %dma_wait3A_1514 = tpu.memref_slice %arg8[%dma_wait3A_1509, %dma_wait3A_1512, %dma_wait3A_1513] : memref<4x80x128xf32, #tpu.memory_space<vmem>> -> memref<1x80x128xf32, #tpu.memory_space<vmem>>
      %dma_wait3A_1515 = tpu.memref_squeeze %dma_wait3A_1514 : memref<1x80x128xf32, #tpu.memory_space<vmem>> -> memref<80x128xf32, #tpu.memory_space<vmem>>
      %dma_wait3A_1516 = arith.constant 0 : i32
      %dma_wait3A_1517 = tpu.memref_slice %arg7[%dma_wait3A_1510, %dma_wait3A_1516] : memref<25x80xi32, #tpu.memory_space<vmem>> -> memref<1x80xi32, #tpu.memory_space<vmem>>
      %dma_wait3A_1518 = tpu.memref_squeeze %dma_wait3A_1517 : memref<1x80xi32, #tpu.memory_space<vmem>> -> memref<80xi32, #tpu.memory_space<vmem>>
      %dma_wait3A_1519 = arith.constant 0 : i32
      %dma_wait3A_1520 = arith.constant 0 : i32
      %dma_wait3A_1521 = tpu.memref_slice %arg9[%dma_wait3A_1519, %dma_wait3A_1520] : memref<10000x128xf32, #tpu.memory_space<vmem_shared>> -> memref<10000x128xf32, #tpu.memory_space<vmem_shared>>
      %dma_wait3A_1522 = tpu.memref_slice %arg11[%dma_wait3A_1511] : memref<4x!tpu.dma_semaphore, #tpu.memory_space<semaphore_mem>> -> memref<1x!tpu.dma_semaphore, #tpu.memory_space<semaphore_mem>>
      %dma_wait3A_1523 = tpu.memref_squeeze %dma_wait3A_1522 : memref<1x!tpu.dma_semaphore, #tpu.memory_space<semaphore_mem>> -> memref<!tpu.dma_semaphore, #tpu.memory_space<semaphore_mem>>
      tpu.wait_indirect_dma semaphore(%dma_wait3A_1523 : memref<!tpu.dma_semaphore, #tpu.memory_space<semaphore_mem>>) src(%dma_wait3A_1515 : memref<80x128xf32, #tpu.memory_space<vmem>>) dst(%dma_wait3A_1521 : memref<10000x128xf32, #tpu.memory_space<vmem_shared>>)
      %dma_wait3A_1524 = arith.constant 3 : i32
      %dma_wait3A_1525 = arith.constant 23 : i32
      %dma_wait3A_1526 = arith.constant 3 : i32
      %dma_wait3A_1527 = arith.constant 0 : i32
      %dma_wait3A_1528 = arith.constant 0 : i32
      %dma_wait3A_1529 = tpu.memref_slice %arg8[%dma_wait3A_1524, %dma_wait3A_1527, %dma_wait3A_1528] : memref<4x80x128xf32, #tpu.memory_space<vmem>> -> memref<1x80x128xf32, #tpu.memory_space<vmem>>
      %dma_wait3A_1530 = tpu.memref_squeeze %dma_wait3A_1529 : memref<1x80x128xf32, #tpu.memory_space<vmem>> -> memref<80x128xf32, #tpu.memory_space<vmem>>
      %dma_wait3A_1531 = arith.constant 0 : i32
      %dma_wait3A_1532 = tpu.memref_slice %arg7[%dma_wait3A_1525, %dma_wait3A_1531] : memref<25x80xi32, #tpu.memory_space<vmem>> -> memref<1x80xi32, #tpu.memory_space<vmem>>
      %dma_wait3A_1533 = tpu.memref_squeeze %dma_wait3A_1532 : memref<1x80xi32, #tpu.memory_space<vmem>> -> memref<80xi32, #tpu.memory_space<vmem>>
      %dma_wait3A_1534 = arith.constant 0 : i32
      %dma_wait3A_1535 = arith.constant 0 : i32
      %dma_wait3A_1536 = tpu.memref_slice %arg9[%dma_wait3A_1534, %dma_wait3A_1535] : memref<10000x128xf32, #tpu.memory_space<vmem_shared>> -> memref<10000x128xf32, #tpu.memory_space<vmem_shared>>
      %dma_wait3A_1537 = tpu.memref_slice %arg11[%dma_wait3A_1526] : memref<4x!tpu.dma_semaphore, #tpu.memory_space<semaphore_mem>> -> memref<1x!tpu.dma_semaphore, #tpu.memory_space<semaphore_mem>>
      %dma_wait3A_1538 = tpu.memref_squeeze %dma_wait3A_1537 : memref<1x!tpu.dma_semaphore, #tpu.memory_space<semaphore_mem>> -> memref<!tpu.dma_semaphore, #tpu.memory_space<semaphore_mem>>
      tpu.wait_indirect_dma semaphore(%dma_wait3A_1538 : memref<!tpu.dma_semaphore, #tpu.memory_space<semaphore_mem>>) src(%dma_wait3A_1530 : memref<80x128xf32, #tpu.memory_space<vmem>>) dst(%dma_wait3A_1536 : memref<10000x128xf32, #tpu.memory_space<vmem_shared>>)
      %dma_wait3A_1539 = arith.constant 0 : i32
      %dma_wait3A_1540 = arith.constant 24 : i32
      %dma_wait3A_1541 = arith.constant 0 : i32
      %dma_wait3A_1542 = arith.constant 0 : i32
      %dma_wait3A_1543 = arith.constant 0 : i32
      %dma_wait3A_1544 = tpu.memref_slice %arg8[%dma_wait3A_1539, %dma_wait3A_1542, %dma_wait3A_1543] : memref<4x80x128xf32, #tpu.memory_space<vmem>> -> memref<1x80x128xf32, #tpu.memory_space<vmem>>
      %dma_wait3A_1545 = tpu.memref_squeeze %dma_wait3A_1544 : memref<1x80x128xf32, #tpu.memory_space<vmem>> -> memref<80x128xf32, #tpu.memory_space<vmem>>
      %dma_wait3A_1546 = arith.constant 0 : i32
      %dma_wait3A_1547 = tpu.memref_slice %arg7[%dma_wait3A_1540, %dma_wait3A_1546] : memref<25x80xi32, #tpu.memory_space<vmem>> -> memref<1x80xi32, #tpu.memory_space<vmem>>
      %dma_wait3A_1548 = tpu.memref_squeeze %dma_wait3A_1547 : memref<1x80xi32, #tpu.memory_space<vmem>> -> memref<80xi32, #tpu.memory_space<vmem>>
      %dma_wait3A_1549 = arith.constant 0 : i32
      %dma_wait3A_1550 = arith.constant 0 : i32
      %dma_wait3A_1551 = tpu.memref_slice %arg9[%dma_wait3A_1549, %dma_wait3A_1550] : memref<10000x128xf32, #tpu.memory_space<vmem_shared>> -> memref<10000x128xf32, #tpu.memory_space<vmem_shared>>
      %dma_wait3A_1552 = tpu.memref_slice %arg11[%dma_wait3A_1541] : memref<4x!tpu.dma_semaphore, #tpu.memory_space<semaphore_mem>> -> memref<1x!tpu.dma_semaphore, #tpu.memory_space<semaphore_mem>>
      %dma_wait3A_1553 = tpu.memref_squeeze %dma_wait3A_1552 : memref<1x!tpu.dma_semaphore, #tpu.memory_space<semaphore_mem>> -> memref<!tpu.dma_semaphore, #tpu.memory_space<semaphore_mem>>
      tpu.wait_indirect_dma semaphore(%dma_wait3A_1553 : memref<!tpu.dma_semaphore, #tpu.memory_space<semaphore_mem>>) src(%dma_wait3A_1545 : memref<80x128xf32, #tpu.memory_space<vmem>>) dst(%dma_wait3A_1551 : memref<10000x128xf32, #tpu.memory_space<vmem_shared>>)
    }
    %scan3A_36 = arith.constant 10 : i32
    %barrier3A_37 = arith.constant 0 : index
    tpu.barrier barrier_id(%barrier3A_37)
    %mul3A_38 = arith.constant 128 : i32
    %mul3A_39 = arith.muli %arg0, %mul3A_38 : i32
    %multiple_of3A = tpu.assume_multiple %mul3A_39, 128 : i32
    "tpu.region"() ({
      %run_scoped3A_45 = tpu.sem_alloc : memref<!tpu.dma_semaphore, #tpu.memory_space<semaphore_mem>>
      %dma_start3A = tpu.memref_slice %arg5[%mul3A_0, %multiple_of3A] : memref<10000x256xf32, #tpu.memory_space<hbm>> -> memref<624x128xf32, #tpu.memory_space<hbm>>
      %dma_start3A_46 = arith.constant 0 : i32
      %dma_start3A_47 = tpu.memref_slice %arg9[%mul3A_0, %dma_start3A_46] : memref<10000x128xf32, #tpu.memory_space<vmem_shared>> -> memref<624x128xf32, #tpu.memory_space<vmem_shared>>
      tpu.enqueue_dma source(%dma_start3A_47 : memref<624x128xf32, #tpu.memory_space<vmem_shared>>) target(%dma_start3A : memref<624x128xf32, #tpu.memory_space<hbm>>) target_semaphore(%run_scoped3A_45 : memref<!tpu.dma_semaphore, #tpu.memory_space<semaphore_mem>>)
      %dma_wait3A = tpu.memref_slice %arg5[%mul3A_0, %multiple_of3A] : memref<10000x256xf32, #tpu.memory_space<hbm>> -> memref<624x128xf32, #tpu.memory_space<hbm>>
      %dma_wait3A_48 = arith.constant 0 : i32
      %dma_wait3A_49 = tpu.memref_slice %arg9[%mul3A_0, %dma_wait3A_48] : memref<10000x128xf32, #tpu.memory_space<vmem_shared>> -> memref<624x128xf32, #tpu.memory_space<vmem_shared>>
      tpu.wait_dma2 semaphore(%run_scoped3A_45 : memref<!tpu.dma_semaphore, #tpu.memory_space<semaphore_mem>>) src(%dma_wait3A_49 : memref<624x128xf32, #tpu.memory_space<vmem_shared>>) dst(%dma_wait3A : memref<624x128xf32, #tpu.memory_space<hbm>>)
      tpu.yield
    }) : () -> ()
    %eq3A_40 = arith.constant 15 : i32
    %eq3A_41 = arith.cmpi eq, %arg1, %eq3A_40 : i32
    %convert_element_type3A_42 = arith.extui %eq3A_41 : i1 to i32
    %cond3A_43 = arith.constant 0 : i32
    %cond3A_44 = arith.cmpi ne, %convert_element_type3A_42, %cond3A_43 : i32
    scf.if %cond3A_44 {
      "tpu.region"() ({
        %run_scoped3A_45 = tpu.sem_alloc : memref<!tpu.dma_semaphore, #tpu.memory_space<semaphore_mem>>
        %dma_start3A = arith.constant 9984 : i32
        %dma_start3A_46 = tpu.memref_slice %arg5[%dma_start3A, %multiple_of3A] : memref<10000x256xf32, #tpu.memory_space<hbm>> -> memref<16x128xf32, #tpu.memory_space<hbm>>
        %dma_start3A_47 = arith.constant 9984 : i32
        %dma_start3A_48 = arith.constant 0 : i32
        %dma_start3A_49 = tpu.memref_slice %arg9[%dma_start3A_47, %dma_start3A_48] : memref<10000x128xf32, #tpu.memory_space<vmem_shared>> -> memref<16x128xf32, #tpu.memory_space<vmem_shared>>
        tpu.enqueue_dma source(%dma_start3A_49 : memref<16x128xf32, #tpu.memory_space<vmem_shared>>) target(%dma_start3A_46 : memref<16x128xf32, #tpu.memory_space<hbm>>) target_semaphore(%run_scoped3A_45 : memref<!tpu.dma_semaphore, #tpu.memory_space<semaphore_mem>>)
        %dma_wait3A = arith.constant 9984 : i32
        %dma_wait3A_50 = tpu.memref_slice %arg5[%dma_wait3A, %multiple_of3A] : memref<10000x256xf32, #tpu.memory_space<hbm>> -> memref<16x128xf32, #tpu.memory_space<hbm>>
        %dma_wait3A_51 = arith.constant 9984 : i32
        %dma_wait3A_52 = arith.constant 0 : i32
        %dma_wait3A_53 = tpu.memref_slice %arg9[%dma_wait3A_51, %dma_wait3A_52] : memref<10000x128xf32, #tpu.memory_space<vmem_shared>> -> memref<16x128xf32, #tpu.memory_space<vmem_shared>>
        tpu.wait_dma2 semaphore(%run_scoped3A_45 : memref<!tpu.dma_semaphore, #tpu.memory_space<semaphore_mem>>) src(%dma_wait3A_53 : memref<16x128xf32, #tpu.memory_space<vmem_shared>>) dst(%dma_wait3A_50 : memref<16x128xf32, #tpu.memory_space<hbm>>)
        tpu.yield
      }) : () -> ()
    } else {
    }
    return
  }
}

</mosaic_0001>

<sc_bundles>
// kernel: kernel.3.cloned.1.call-start
scs
__scs_entry_jumppad:
0x0: {  	(pc) =	sbr.rel $0x88, $3  }
0x1: {  	(tag) =	ssettag $0x0;
	lr =	simm.s32 $0x1  }
0x2: {  	[smem:$0x3F9E] =	sst lr;
	_ =	strace $0xD0000000  }
0x3: {  	_ = 	snop  }
0x4: {  	_ = 	snop  }
0x5: {  	_ = 	snop  }
0x6: {  	_ = 	snop  }
0x7: {  	_ = 	snop  }
__scs_overlays_trampoline_lowered:
0x8: {  	[smem:$0x3FAD] =	sst s0  }
0x9: {  	[smem:$0x3FAE] =	sst s1  }
0xa: {  	[smem:$0x3FAF] =	sst s2  }
0xb: {  	[smem:$0x3FB0] =	sst s3  }
0xc: {  	[smem:$0x3FB1] =	sst s4  }
0xd: {  	[smem:$0x3FB2] =	sst s5  }
0xe: {  	[smem:$0x3FB3] =	sst s6  }
0xf: {  	[smem:$0x3FB4] =	sst s7  }
0x10: {  	[smem:$0x3FB5] =	sst s8  }
0x11: {  	[smem:$0x3FB6] =	sst s9;
	s0 =	simm.s32 @!p0 $0x0  }
0x12: {  	s1 =	sld [smem:$0x3F9C];
	s0 =	simm.s32 @p0 $0x1  }
0x13: {  	[smem:$0x3FB7] =	sst s0;
	s0 =	simm.s32 @!p1 $0x0  }
0x14: {  	s2 =	sld [smem:$0x3F9B];
	s0 =	simm.s32 @p1 $0x1  }
0x15: {  	[smem:$0x3FB8] =	sst s0;
	s0 =	simm.s32 @!p2 $0x0  }
0x16: {  	s3 =	sld [smem:$0x3FDB];
	s0 =	simm.s32 @p2 $0x1  }
0x17: {  	s4 =	simm.s32 $0x1BF5;
	[smem:$0x3FBA] =	sst s0  }
0x18: {  	s0 =	sld [smem:$0x3F9D];
	_ =	swait.ge [sflag:s4], $0x0  }
0x19: {  	s7 =	sld [smem:$0x3F9E]  }
0x1a: {  	s8 =	sadd.s32 $0xFFFFE003, lr  }
0x1b: {  	s9 =	sadd.s32 $0xFFFFFEF7, lr;
	s5 =	simm.s32 $0xFFFFFFFF;
	p2 =	slt.u32 s8, $0xFFFFF086  }
0x1c: {  	p1 =	slt.u32 s9, $0xF7A;
	s5 =	simm.s32 @!p2 $0x0  }
0x1d: {  	s5 =	simm.s32 @p1 $0x1;
	p0 =	seq.s32 s7, s2  }
0x1e: {  	s7 =	smul.u32 @!p0 $0xF7A, s2;
	p2 =	seq.s32 @!p0 s5, $0x0  }
0x1f: {  	s9 =	smul.u32 $0xF7A, s1;
	s8 =	simm.s32 @!p0 $0x1BF5;
	p2 =	por !p2, p0  }
0x20: {  	[sflag:s8] =	ssyncset.s32 @!p0 $0xFFFFF086;
	s6 =	sadd.s32 @!p0 s3, s7;
	s7 =	simm.s32 @!p0 $0x108  }
0x21: {  	s3 =	sadd.s32 s3, s9;
	s6 =	sadd.s32 @!p0 $0x88, s6;
	s7 =	simm.s32 @p2 $0x1082  }
0x22: {  	[simem:s7], [sflag:s8] =	dma.local @!p0 [hbm:s6], $0xF7A  }
0x23: {  	s9 =	sor.u32 $0xD0000000, s2;
	s6 =	simm.s32 $0x108;
	_ =	swait.ge @!p0 [sflag:s8], $0x0  }
0x24: {  	s3 =	sadd.s32 $0x88, s3;
	s6 =	simm.s32 @!p1 $0x1082;
	[sflag:s4] =	ssyncset.s32 $0xFFFFF086  }
0x25: {  	[simem:s6], [sflag:s4] =	dma.local [hbm:s3], $0xF7A  }
0x26: {  	[smem:$0x3F9E] =	sst s1;
	(tag) =	ssettag s2;
	_ =	strace s9  }
0x27: {  	s1 =	sld [smem:$0x3FAE]  }
0x28: {  	s2 =	sld [smem:$0x3FAF]  }
0x29: {  	s4 =	sld [smem:$0x3FB1]  }
0x2a: {  	p0 =	seq.s32 s5, $0x0;
	s5 =	sld [smem:$0x3FB2]  }
0x2b: {  	s6 =	sld [smem:$0x3FB3]  }
0x2c: {  	s7 =	sld [smem:$0x3FB4]  }
0x2d: {  	s3 =	simm.s32 $0x108;
	s8 =	sld [smem:$0x3FB5]  }
0x2e: {  	s3 =	simm.s32 @!p0 $0x1082;
	s9 =	sld [smem:$0x3FB6]  }
0x2f: {  	lr =	sadd.s32 s0, s3;
	s0 =	sld [smem:$0x3FAD]  }
0x30: {  	s3 =	sld [smem:$0x3FB0]  }
0x31: {  	[smem:$0x3FB9] =	sst s10  }
0x32: {  	s10 =	sld [smem:$0x3FB7];
	_ =	sdelay $0x3  }
0x33: {  	p0 =	seq.s32 s10, $0x1;
	s10 =	sld [smem:$0x3FB9];
	_ =	sdelay $0x3  }
0x34: {  	[smem:$0x3FB9] =	sst s10  }
0x35: {  	s10 =	sld [smem:$0x3FB8];
	_ =	sdelay $0x3  }
0x36: {  	p1 =	seq.s32 s10, $0x1;
	s10 =	sld [smem:$0x3FB9];
	_ =	sdelay $0x3  }
0x37: {  	[smem:$0x3FB9] =	sst s10  }
0x38: {  	s10 =	sld [smem:$0x3FBA]  }
0x39: {  	_ = 	snop;
	(pc) =	sbr.ind lr, $3  }
0x3a: {  	_ = 	snop  }
0x3b: {  	_ = 	snop  }
0x3c: {  	p2 =	seq.s32 s10, $0x1;
	s10 =	sld [smem:$0x3FB9]  }
0x3d: {  	_ =	shalt  }
0x3e: {  	_ =	shalt  }
0x3f: {  	_ =	shalt  }
0x40: {  	_ =	shalt  }
0x41: {  	_ =	shalt  }
0x42: {  	_ =	shalt  }
0x43: {  	_ =	shalt  }
0x44: {  	_ =	shalt  }
0x45: {  	_ =	shalt  }
0x46: {  	_ =	shalt  }
0x47: {  	_ =	shalt  }
0x48: {  	_ =	shalt  }
0x49: {  	_ =	shalt  }
0x4a: {  	_ =	shalt  }
0x4b: {  	_ =	shalt  }
0x4c: {  	_ =	shalt  }
0x4d: {  	_ =	shalt  }
0x4e: {  	_ =	shalt  }
0x4f: {  	_ =	shalt  }
0x50: {  	_ =	shalt  }
0x51: {  	_ =	shalt  }
0x52: {  	_ =	shalt  }
0x53: {  	_ =	shalt  }
0x54: {  	_ =	shalt  }
0x55: {  	_ =	shalt  }
0x56: {  	_ =	shalt  }
0x57: {  	_ =	shalt  }
0x58: {  	_ =	shalt  }
0x59: {  	_ =	shalt  }
0x5a: {  	_ =	shalt  }
0x5b: {  	_ =	shalt  }
0x5c: {  	_ =	shalt  }
0x5d: {  	_ =	shalt  }
0x5e: {  	_ =	shalt  }
0x5f: {  	_ =	shalt  }
0x60: {  	_ =	shalt  }
0x61: {  	_ =	shalt  }
0x62: {  	_ =	shalt  }
0x63: {  	_ =	shalt  }
0x64: {  	_ =	shalt  }
0x65: {  	_ =	shalt  }
0x66: {  	_ =	shalt  }
0x67: {  	_ =	shalt  }
0x68: {  	_ =	shalt  }
0x69: {  	_ =	shalt  }
0x6a: {  	_ =	shalt  }
0x6b: {  	_ =	shalt  }
0x6c: {  	_ =	shalt  }
0x6d: {  	_ =	shalt  }
0x6e: {  	_ =	shalt  }
0x6f: {  	_ =	shalt  }
0x70: {  	_ =	shalt  }
0x71: {  	_ =	shalt  }
0x72: {  	_ =	shalt  }
0x73: {  	_ =	shalt  }
0x74: {  	_ =	shalt  }
0x75: {  	_ =	shalt  }
0x76: {  	_ =	shalt  }
0x77: {  	_ =	shalt  }
0x78: {  	_ =	shalt  }
0x79: {  	_ =	shalt  }
0x7a: {  	_ =	shalt  }
0x7b: {  	_ =	shalt  }
0x7c: {  	_ =	shalt  }
0x7d: {  	_ =	shalt  }
0x7e: {  	_ =	shalt  }
0x7f: {  	_ =	shalt  }
0x80: {  	_ =	shalt  }
0x81: {  	_ =	shalt  }
0x82: {  	_ =	shalt  }
0x83: {  	_ =	shalt  }
0x84: {  	_ =	shalt  }
0x85: {  	_ =	shalt  }
0x86: {  	_ =	shalt  }
0x87: {  	_ =	shalt  }
.Lfunc_end0:
.L_simem_size_0:
called_computation_lowered:
.L_overlay_start_0:
0x88: {  	s2 =	sld [smem:$0x3FD9]  }
0x89: {  	s3 =	sld [smem:$0x3FFE];
	_ =	sdelay $0x1  }
0x8a: {  	s1 =	srdreg.scid  }
0x8b: {  	s0 =	sand.u32 $0x1, s1  }
0x8c: {  	s17 =	sshll.u32 s0, $0xA;
	s2 =	sadd.s32 s3, s2  }
0x8d: {  	s2 =	sadd.s32 s2, s17  }
0x8e: {  	[smem:$0x3FC5] =	sst s2  }
0x8f: {  	_ = 	snop  }
0x90: {  	s2 =	sld [smem:$0x3FC9]  }
0x91: {  	s18 =	sld [smem:$0x3FD0];
	(tm) =	ssettm $0x1  }
0x92: {  	s4 =	sld [smem:$0x3FFB];
	_ =	sdelay $0x3  }
0x93: {  	_ =	strace s4  }
0x94: {  	s4 =	sld [smem:$0x3FFC];
	_ =	sdelay $0x3  }
0x95: {  	_ =	strace s4  }
0x96: {  	s4 =	sld [smem:$0x3FFD];
	_ =	sdelay $0x3  }
0x97: {  	_ =	strace s4  }
0x98: {  	_ =	strace $0x8FFFFFFF  }
0x99: {  	s19 =	sld [smem:$0x3FDB];
	_ =	sdelay $0x1  }
0x9a: {  	s5 =	simm.s32 $_scs_section_size  }
0x9b: {  	s6 =	simm.s32 $_size__tile_overlayer_lowered;
	s7 =	simm.s32 $_tile_overlayer_lowered  }
0x9c: {  	s22 =	simm.s32 $0x1BFF;
	s21 =	sshll.u32 s7, $0x1;
	s4 =	sadd.s32 s5, s19  }
0x9d: {  	s8 =	simm.s32 $0x0;
	s20 =	sshll.u32 s6, $0x1;
	s6 =	sadd.s32 s21, s4  }
0x9e: {  	[timem:s8], [sflag:s22] =	dma.local [hbm:s6], s20  }
0x9f: {  	_ =	swait.ge [sflag:s22], s20  }
0xa0: {  	s5 =	ssub.s32 $0x0, s20;
	[sflag:s22] =	ssyncset.done $0x0  }
0xa1: {  	[sflag:s22] =	ssyncadd.s32 s5;
	_ =	sdelay $0x1  }
0xa2: {  	s23 =	simm.s32 $0x1B8B  }
0xa3: {  	_ =	swait.ge [sflag:s23], $0x1  }
0xa4: {  	[sflag:s23] =	ssyncset.done $0x0  }
0xa5: {  	s25 =	simm.s32 $0x1B8E;
	s24 =	sld [smem:$0x3FFE];
	[sflag:s23] =	ssyncadd.s32 $0xFFFFFFFF  }
0xa6: {  	s26 =	simm.s32 $execute0_lowered;
	[smem:$0x3FD2] =	sst s25  }
0xa7: {  	s6 =	sshll.u32 s26, $0x1;
	_ =	strace $0x80000046;
	[dreg:$0x1] =	wrdreg $0xFFFFFFFF  }
0xa8: {  	s28 =	simm.s32 $_size_execute0_lowered;
	s4 =	sadd.s32 s4, s6;
	[dreg:$0x0] =	wrdreg $0x0  }
0xa9: {  	s6 =	sshll.u32 s28, $0x1;
	[dreg:$0x2] =	wrdreg s4  }
0xaa: {  	[dreg:$0x3] =	wrdreg s6  }
0xab: {  	[dreg:$0x4] =	wrdreg $0xC0  }
0xac: {  	_ =	task [dreg:s8], $0x5FFFF  }
0xad: {  	[dreg:$0x1] =	wrdreg $0xFFFFFFFF  }
0xae: {  	[dreg:$0x0] =	wrdreg $0x60  }
0xaf: {  	[dreg:$0x2] =	wrdreg s2  }
0xb0: {  	[dreg:$0x3] =	wrdreg s24  }
0xb1: {  	[dreg:$0x4] =	wrdreg s18  }
0xb2: {  	[dreg:$0x5] =	wrdreg $0xC0000  }
0xb3: {  	[dreg:$0x6] =	wrdreg $0x9  }
0xb4: {  	_ =	task.clear_ibuf [dreg:s8], $0x7FFFF;
	_ =	strace $0x90000046  }
0xb5: {  	s29 =	simm.s32 $0x9;
	_ =	strace $0x80000048  }
0xb6: {  	_ =	swait.ge [sflag:s29], $0x1  }
0xb7: {  	[sflag:s29] =	ssyncadd.s32 $0xFFFFFFFF  }
0xb8: {  	_ =	strace $0x90000048  }
0xb9: {  	_ =	sfence  }
0xba: {  	s30 =	sld [smem:$0x0];
	_ =	sdelay $0x2  }
0xbb: {  	s31 =	sshll.u32 s1, $0xD;
	s1 =	sshrl.u32 s1, $0x2  }
0xbc: {  	s3 =	sand.u32 $0x4000, s31;
	s1 =	sadd.s32 s1, s30  }
0xbd: {  	s0 =	sor.u32 s3, s0;
	s1 =	sshll.u32 s1, $0x11  }
0xbe: {  	s0 =	sor.u32 s1, s0  }
0xbf: {  	s0 =	sadd.s32 $0x8F2B, s0  }
0xc0: {  	[sflag:s0] =	ssyncadd.remote.s32 $0x1  }
0xc1: {  	_ =	sfence.sel $0xFFFF  }
0xc2: {  	[dreg:$0x0] =	wrdreg $0xFFFFFFFF;
	(pc) =	sbr.abs _section_cstart, $3  }
0xc3: {  	[dreg:$0x1] =	wrdreg $0xFFFFFFFF  }
0xc4: {  	_ =	task.clear_ibuf [dreg:s8], $0x2FFFF;
	_ =	strace $0x9FFFFFFF  }
0xc5: {  	(tm) =	ssettm $0x7FFFFFFF  }
tec
execute0_lowered:
.L_overlay_start_1:
0x0: {  	(tag) =	ssettag $0x1  }
0x1: {  	s1 =	rddreg [dreg:$0x0]  }
0x2: {  	s5 =	rddreg [dreg:$0x1]  }
0x3: {  	s0 =	rddreg [dreg:$0x2]  }
0x4: {  	s3 =	rddreg [dreg:$0x3];
	s4 =	simm.s32 $0x0  }
0x5: {  	s8 =	simm.s32 $0x180;
	[smem:$0x7FF] =	sst s4  }
0x6: {  	s10 =	simm.s32 $0x1080;
	_ =	strace $0x80000047;
	[dreg:$0x6] =	wrdreg s8  }
0x7: {  	s11 =	simm.s32 $0x200;
	[dreg:$0x7] =	wrdreg s10  }
0x8: {  	s12 =	simm.s32 $0x1100;
	[dreg:$0x8] =	wrdreg s11  }
0x9: {  	s13 =	simm.s32 $0x280;
	[dreg:$0x9] =	wrdreg s12  }
0xa: {  	s14 =	simm.s32 $0x1180;
	[dreg:$0xa] =	wrdreg s13  }
0xb: {  	s15 =	simm.s32 $0x300;
	[dreg:$0xb] =	wrdreg s14  }
0xc: {  	s17 =	simm.s32 $0x1200;
	[dreg:$0xc] =	wrdreg s15  }
0xd: {  	s19 =	simm.s32 $0x380;
	[dreg:$0xd] =	wrdreg s17  }
0xe: {  	s20 =	simm.s32 $0x1280;
	[dreg:$0xe] =	wrdreg s19  }
0xf: {  	s21 =	simm.s32 $0x400;
	[dreg:$0xf] =	wrdreg s20  }
0x10: {  	s23 =	simm.s32 $0x1300;
	[dreg:$0x10] =	wrdreg s21  }
0x11: {  	s24 =	simm.s32 $0x480;
	[dreg:$0x11] =	wrdreg s23  }
0x12: {  	s26 =	simm.s32 $0x1380;
	[dreg:$0x12] =	wrdreg s24  }
0x13: {  	[dreg:$0x13] =	wrdreg s26;
	s11 =	simm.s32 $0x500  }
0x14: {  	s13 =	simm.s32 $0x1400;
	[dreg:$0x14] =	wrdreg s11  }
0x15: {  	s15 =	simm.s32 $0x580;
	[dreg:$0x15] =	wrdreg s13  }
0x16: {  	s2 =	srdreg.scid;
	s17 =	simm.s32 $0x1480;
	[dreg:$0x16] =	wrdreg s15  }
0x17: {  	s9 =	stileid.u32;
	s19 =	simm.s32 $0x600;
	[dreg:$0x17] =	wrdreg s17  }
0x18: {  	s6 =	simm.s32 $0x28600;
	s21 =	sadd.s32 $0x138000, s3;
	[dreg:$0x18] =	wrdreg s19  }
0x19: {  	s28 =	simm.s32 $0x2;
	s20 =	simm.s32 $0x1500;
	[smem:$0x7ED] =	sst s21  }
0x1a: {  	s29 =	simm.s32 $0x5;
	s24 =	simm.s32 $0x1580;
	[dreg:$0x19] =	wrdreg s20  }
0x1b: {  	s30 =	simm.s32 $0x3;
	s26 =	simm.s32 $0x700;
	[dreg:$0x1b] =	wrdreg s24  }
0x1c: {  	s31 =	simm.s32 $0x6;
	[dreg:$0x1c] =	wrdreg s26;
	s11 =	simm.s32 $0x780  }
0x1d: {  	s2 =	sand.u32 $0x1, s2;
	s13 =	simm.s32 $0x800;
	[dreg:$0x1e] =	wrdreg s11  }
0x1e: {  	s7 =	smul.u32 $0x1400, s9;
	s15 =	simm.s32 $0x880;
	[smem:$0x7EF] =	sst s13  }
0x1f: {  	p0 =	seq.s32 s2, $0x1;
	s17 =	simm.s32 $0x1780;
	[smem:$0x7F3] =	sst s15  }
0x20: {  	s16 =	ssub.s32 $0x2, s2;
	s19 =	simm.s32 $0x1800;
	[smem:$0x7F4] =	sst s17  }
0x21: {  	s8 =	smul.u32 $0x4E000, s9;
	s20 =	simm.s32 $0x980;
	[smem:$0x7F6] =	sst s19  }
0x22: {  	s23 =	smul.u32 $0x27000, s9;
	s21 =	simm.s32 $0x1880;
	[smem:$0x7F7] =	sst s20  }
0x23: {  	s6 =	simm.s32 @!p0 $0x600;
	s24 =	simm.s32 $0xA80;
	[smem:$0x7F8] =	sst s21  }
0x24: {  	s26 =	simm.s32 $0xB00;
	s5 =	sadd.s32 s6, s5;
	[smem:$0x7FB] =	sst s24  }
0x25: {  	s22 =	sshrl.u32 s8, $0x2;
	[smem:$0x7FD] =	sst s26;
	s5 =	sadd.s32 s7, s5  }
0x26: {  	s18 =	sshrl.u32 s16, $0x1;
	s7 =	sadd.s32 s22, s3;
	[dreg:$0x5] =	wrdreg s5  }
0x27: {  	p0 =	sne.s32 s9, $0xF;
	s22 =	simm.s32 $0x680;
	[smem:$0x7EB] =	sst s7  }
0x28: {  	s9 =	simm.s32 $0x1A80;
	s25 =	sadd.s32 $0x2800, s7;
	[dreg:$0x1a] =	wrdreg s22  }
0x29: {  	s6 =	ssub.s32 s16, s18;
	s10 =	sadd.s32 $0x5000, s7;
	[smem:$0x7E5] =	sst s25  }
0x2a: {  	s17 =	simm.s32 $0x2000;
	s12 =	sadd.s32 $0x7800, s7;
	[smem:$0x7E6] =	sst s10  }
0x2b: {  	s19 =	simm.s32 $0x1000;
	s14 =	sadd.s32 $0xA000, s7;
	[smem:$0x7E7] =	sst s12  }
0x2c: {  	s20 =	simm.s32 $0x50;
	s16 =	sadd.s32 $0xC800, s7;
	[smem:$0x7E8] =	sst s14  }
0x2d: {  	s24 =	simm.s32 $0x7000;
	s18 =	sadd.s32 $0xF000, s7;
	[smem:$0x7E9] =	sst s16  }
0x2e: {  	s26 =	simm.s32 $0x9800;
	s7 =	sadd.s32 $0x11800, s7;
	[smem:$0x7EA] =	sst s18  }
0x2f: {  	s8 =	simm.s32 $0xB80;
	s22 =	simm.s32 $0xA00;
	[smem:$0x7EC] =	sst s7  }
0x30: {  	s11 =	simm.s32 $0x1B00;
	s10 =	simm.s32 $0x1600;
	[smem:$0x7F9] =	sst s22  }
0x31: {  	s15 =	simm.s32 $0x0;
	s12 =	simm.s32 $0x1680;
	[dreg:$0x1d] =	wrdreg s10  }
0x32: {  	s25 =	sshll.u32 s2, $0xA;
	s14 =	simm.s32 $0x1700;
	[dreg:$0x1f] =	wrdreg s12  }
0x33: {  	s2 =	sshll.u32 s2, $0x7;
	s16 =	smax.u32 s6, $0x1;
	[smem:$0x7F1] =	sst s14  }
0x34: {  	s18 =	simm.s32 $0x900;
	s22 =	simm.s32 $0x4800;
	[smem:$0x7F2] =	sst s16  }
0x35: {  	s6 =	simm.s32 $0x8;
	s7 =	sor.u32 s25, s23;
	[smem:$0x7F5] =	sst s18  }
0x36: {  	s18 =	simm.s32 $0x9;
	s23 =	simm.s32 $0x1900;
	s25 =	simm.s32 $0x1980  }
0x37: {  	s10 =	simm.s32 $0xC00;
	s12 =	simm.s32 $0x1B80;
	[smem:$0x7FA] =	sst s23  }
0x38: {  	s14 =	simm.s32 $0x1C00;
	s7 =	sshrl.u32 s7, $0x3;
	[smem:$0x7FC] =	sst s25  }
0x39: {  	s25 =	simm.s32 $0x1;
	s7 =	sadd.s32 s0, s7;
	s0 =	sadd.s32 s2, s0  }
0x3a: {  	s2 =	simm.s32 $0x7;
	[smem:$0x7EE] =	sst s7;
	s0 =	sadd.s32 $0x4E000, s0  }
0x3b: {  	v0 =	vimm.f32 $0.0e+00;
	s7 =	simm.s32 $0x1A00;
	[smem:$0x7F0] =	sst s0;
	s0 =	simm.s32 $0x4  }
.LBB2_1:
0x3c: {  	s13 =	simm.s32 $0x0;
	s16 =	simm.s32 $0x200  }
.LBB2_2:
0x3d: {  	p1 =	sne.s32 s16, $0x9E00;
	[tilespmem:s13+$0x2070] =	vst v0  }
0x3e: {  	[tilespmem:s13+$0x2000] =	vst v0  }
0x3f: {  	[tilespmem:s13+$0x2010] =	vst v0  }
.Ltmp0:
0x40: {  	[tilespmem:s13+$0x2020] =	vst v0;
	(pc) =	sbr.rel @p1 .LBB2_2-.Ltmp0, $4  }
0x41: {  	[tilespmem:s13+$0x2030] =	vst v0  }
0x42: {  	[tilespmem:s13+$0x2040] =	vst v0  }
0x43: {  	[tilespmem:s13+$0x2050] =	vst v0  }
0x44: {  	[tilespmem:s13+$0x2060] =	vst v0;
	s13 =	sshra.s32 s16, $0x2;
	s16 =	sadd.s32 $0x200, s16  }
0x45: {  	[tilespmem:s13+$0x2070] =	vst v0  }
0x46: {  	[tilespmem:s13+$0x2000] =	vst v0  }
0x47: {  	[tilespmem:s13+$0x2010] =	vst v0  }
0x48: {  	[tilespmem:s13+$0x2020] =	vst v0  }
0x49: {  	[tilespmem:s13+$0x2030] =	vst v0  }
0x4a: {  	[tilespmem:s13+$0x2040] =	vst v0;
	s5 =	sld [smem:$0x7EB]  }
0x4b: {  	[tilespmem:s13+$0x2050] =	vst v0  }
0x4c: {  	[smem:$0x7E4] =	sst s15;
	[tilespmem:s13+$0x2060] =	vst v0  }
0x4d: {  	[spmem:s5] =	stream.linear.scatter [tilespmem:s17], [sflag:$0x9], $0x2800, $0x38;
	[tilespmem:$0x1F880] =	vst v63  }
0x4e: {  	_ =	swait.ge [sflag:s18], $0x2800  }
0x4f: {  	s15 =	sld [smem:$0x7E5]  }
0x50: {  	[sflag:s18] =	ssyncset.done $0x0  }
0x51: {  	[sflag:s18] =	ssyncadd.s32 $0xFFFFD800  }
0x52: {  	[spmem:s15] =	stream.linear.scatter [tilespmem:s17], [sflag:$0x9], $0x2800, $0x38;
	[tilespmem:$0x1F880] =	vst v63  }
0x53: {  	_ =	swait.ge [sflag:s18], $0x2800  }
0x54: {  	s16 =	sld [smem:$0x7E6]  }
0x55: {  	[sflag:s18] =	ssyncset.done $0x0  }
0x56: {  	[sflag:s18] =	ssyncadd.s32 $0xFFFFD800  }
0x57: {  	[spmem:s16] =	stream.linear.scatter [tilespmem:s17], [sflag:$0x9], $0x2800, $0x38;
	[tilespmem:$0x1F880] =	vst v63  }
0x58: {  	_ =	swait.ge [sflag:s18], $0x2800  }
0x59: {  	s21 =	sld [smem:$0x7E7]  }
0x5a: {  	[sflag:s18] =	ssyncset.done $0x0  }
0x5b: {  	[sflag:s18] =	ssyncadd.s32 $0xFFFFD800  }
0x5c: {  	[spmem:s21] =	stream.linear.scatter [tilespmem:s17], [sflag:$0x9], $0x2800, $0x38;
	[tilespmem:$0x1F880] =	vst v63  }
0x5d: {  	_ =	swait.ge [sflag:s18], $0x2800  }
0x5e: {  	s23 =	sld [smem:$0x7E8]  }
0x5f: {  	[sflag:s18] =	ssyncset.done $0x0  }
0x60: {  	[sflag:s18] =	ssyncadd.s32 $0xFFFFD800  }
0x61: {  	[spmem:s23] =	stream.linear.scatter [tilespmem:s17], [sflag:$0x9], $0x2800, $0x38;
	[tilespmem:$0x1F880] =	vst v63  }
0x62: {  	_ =	swait.ge [sflag:s18], $0x2800  }
0x63: {  	s13 =	sld [smem:$0x7E9]  }
0x64: {  	[sflag:s18] =	ssyncset.done $0x0  }
0x65: {  	[sflag:s18] =	ssyncadd.s32 $0xFFFFD800  }
0x66: {  	[spmem:s13] =	stream.linear.scatter [tilespmem:s17], [sflag:$0x9], $0x2800, $0x38;
	[tilespmem:$0x1F880] =	vst v63  }
0x67: {  	_ =	swait.ge [sflag:s18], $0x2800  }
0x68: {  	s15 =	sld [smem:$0x7EA]  }
0x69: {  	[sflag:s18] =	ssyncset.done $0x0  }
0x6a: {  	[sflag:s18] =	ssyncadd.s32 $0xFFFFD800  }
0x6b: {  	[spmem:s15] =	stream.linear.scatter [tilespmem:s17], [sflag:$0x9], $0x2800, $0x38;
	[tilespmem:$0x1F880] =	vst v63  }
0x6c: {  	_ =	swait.ge [sflag:s18], $0x2800  }
0x6d: {  	s16 =	sld [smem:$0x7EC]  }
0x6e: {  	[sflag:s18] =	ssyncset.done $0x0  }
0x6f: {  	[sflag:s18] =	ssyncadd.s32 $0xFFFFD800  }
0x70: {  	[spmem:s16] =	stream.linear.scatter [tilespmem:s17], [sflag:$0x9], $0x2000, $0x38;
	[tilespmem:$0x1F880] =	vst v63  }
0x71: {  	_ =	swait.ge [sflag:s18], $0x2000  }
0x72: {  	s13 =	sld [smem:$0x7ED]  }
0x73: {  	[sflag:s18] =	ssyncset.done $0x0  }
0x74: {  	s5 =	simm.s32 @!p0 $0x2000;
	[sflag:s18] =	ssyncadd.s32 $0xFFFFE000  }
0x75: {  	[spmem:s13] =	stream.linear.scatter @!p0 [tilespmem:s5], [sflag:$0x9], $0x800, $0x38;
	[tilespmem:$0x1F880] =	vst v63  }
0x76: {  	s5 =	simm.s32 @!p0 $0x9  }
0x77: {  	_ =	swait.ge @!p0 [sflag:s5], $0x800  }
0x78: {  	[sflag:s5] =	ssyncset.done @!p0 $0x0  }
0x79: {  	[sflag:s5] =	ssyncadd.s32 @!p0 $0xFFFFF800  }
0x7a: {  	[bflag:$0x0] =	sbarrier.arrive $0xFFFF  }
0x7b: {  	s21 =	rddreg [dreg:$0x5]  }
0x7c: {  	s5 =	sadd.s32 $0x0, s21  }
0x7d: {  	s23 =	sadd.s32 $0x14000, s5  }
0x7e: {  	[tilespmem:s4], [sflag:$0x9] =	stream.linear.gather [hbm4b:s23+s4], $0xC80, $0x38;
	[tilespmem:$0x1F880] =	vst v63  }
0x7f: {  	_ =	swait.ge [sflag:s18], $0xC80  }
0x80: {  	[sflag:s18] =	ssyncset.done $0x0  }
0x81: {  	[sflag:s18] =	ssyncadd.s32 $0xFFFFF380  }
0x82: {  	[tilespmem:s19], [sflag:$0x9] =	stream.linear.gather [hbm4b:s5+s4], $0xC80, $0x38;
	[tilespmem:$0x1F880] =	vst v63  }
0x83: {  	_ =	swait.ge [sflag:s18], $0xC80  }
0x84: {  	[sflag:s18] =	ssyncset.done $0x0  }
0x85: {  	[sflag:s18] =	ssyncadd.s32 $0xFFFFF380  }
0x86: {  	[tilespmem:s17], [sflag:$0x1] =	stream.indirect.gather [hbm4b:s1+s20], $0x80, s4, s20, $0xb8;
	[tilespmem:$0x1F880] =	vst v63  }
0x87: {  	s21 =	simm.s32 $0x80  }
0x88: {  	[tilespmem:s22], [sflag:$0x2] =	stream.indirect.gather [hbm4b:s1+s20], $0x80, s21, s20, $0xb8;
	[tilespmem:$0x1F880] =	vst v63  }
0x89: {  	s23 =	simm.s32 $0x100  }
0x8a: {  	[tilespmem:s24], [sflag:$0x3] =	stream.indirect.gather [hbm4b:s1+s20], $0x80, s23, s20, $0xb8;
	[tilespmem:$0x1F880] =	vst v63  }
0x8b: {  	_ =	swait.ge [sflag:s25], $0x2800  }
0x8c: {  	[sflag:s25] =	ssyncset.done $0x0  }
0x8d: {  	[sflag:s25] =	ssyncadd.s32 $0xFFFFD800  }
0x8e: {  	[spmem:s3] =	stream.indirect.scatter.add.f32 [tilespmem:s17], [sflag:$0x5], $0x80, s19, s20, $0xb8;
	[tilespmem:$0x1F880] =	vst v63  }
0x8f: {  	s13 =	rddreg [dreg:$0x6]  }
0x90: {  	[tilespmem:s26], [sflag:$0x4] =	stream.indirect.gather [hbm4b:s1+s20], $0x80, s13, s20, $0xb8;
	[tilespmem:$0x1F880] =	vst v63  }
0x91: {  	_ =	swait.ge [sflag:s28], $0x2800  }
0x92: {  	[sflag:s28] =	ssyncset.done $0x0  }
0x93: {  	s15 =	rddreg [dreg:$0x7];
	[sflag:s28] =	ssyncadd.s32 $0xFFFFD800  }
0x94: {  	[spmem:s3] =	stream.indirect.scatter.add.f32 [tilespmem:s22], [sflag:$0x6], $0x80, s15, s20, $0xb8;
	[tilespmem:$0x1F880] =	vst v63  }
0x95: {  	_ =	swait.ge [sflag:s29], $0x2800  }
0x96: {  	[sflag:s29] =	ssyncset.done $0x0  }
0x97: {  	s16 =	rddreg [dreg:$0x8];
	[sflag:s29] =	ssyncadd.s32 $0xFFFFD800  }
0x98: {  	[tilespmem:s17], [sflag:$0x1] =	stream.indirect.gather [hbm4b:s1+s20], $0x80, s16, s20, $0xb8;
	[tilespmem:$0x1F880] =	vst v63  }
0x99: {  	_ =	swait.ge [sflag:s30], $0x2800  }
0x9a: {  	[sflag:s30] =	ssyncset.done $0x0  }
0x9b: {  	s13 =	rddreg [dreg:$0x9];
	[sflag:s30] =	ssyncadd.s32 $0xFFFFD800  }
0x9c: {  	[spmem:s3] =	stream.indirect.scatter.add.f32 [tilespmem:s24], [sflag:$0x7], $0x80, s13, s20, $0xb8;
	[tilespmem:$0x1F880] =	vst v63  }
0x9d: {  	_ =	swait.ge [sflag:s31], $0x2800  }
0x9e: {  	[sflag:s31] =	ssyncset.done $0x0  }
0x9f: {  	s15 =	rddreg [dreg:$0xa];
	[sflag:s31] =	ssyncadd.s32 $0xFFFFD800  }
0xa0: {  	[tilespmem:s22], [sflag:$0x2] =	stream.indirect.gather [hbm4b:s1+s20], $0x80, s15, s20, $0xb8;
	[tilespmem:$0x1F880] =	vst v63  }
0xa1: {  	_ =	swait.ge [sflag:s0], $0x2800  }
0xa2: {  	[sflag:s0] =	ssyncset.done $0x0  }
0xa3: {  	s16 =	rddreg [dreg:$0xb];
	[sflag:s0] =	ssyncadd.s32 $0xFFFFD800  }
0xa4: {  	[spmem:s3] =	stream.indirect.scatter.add.f32 [tilespmem:s26], [sflag:$0x8], $0x80, s16, s20, $0xb8;
	[tilespmem:$0x1F880] =	vst v63  }
0xa5: {  	_ =	swait.ge [sflag:s2], $0x2800  }
0xa6: {  	[sflag:s2] =	ssyncset.done $0x0  }
0xa7: {  	s13 =	rddreg [dreg:$0xc];
	[sflag:s2] =	ssyncadd.s32 $0xFFFFD800  }
0xa8: {  	[tilespmem:s24], [sflag:$0x3] =	stream.indirect.gather [hbm4b:s1+s20], $0x80, s13, s20, $0xb8;
	[tilespmem:$0x1F880] =	vst v63  }
0xa9: {  	_ =	swait.ge [sflag:s25], $0x2800  }
0xaa: {  	[sflag:s25] =	ssyncset.done $0x0  }
0xab: {  	s15 =	rddreg [dreg:$0xd];
	[sflag:s25] =	ssyncadd.s32 $0xFFFFD800  }
0xac: {  	[spmem:s3] =	stream.indirect.scatter.add.f32 [tilespmem:s17], [sflag:$0x5], $0x80, s15, s20, $0xb8;
	[tilespmem:$0x1F880] =	vst v63  }
0xad: {  	_ =	swait.ge [sflag:s6], $0x2800  }
0xae: {  	[sflag:s6] =	ssyncset.done $0x0  }
0xaf: {  	s16 =	rddreg [dreg:$0xe];
	[sflag:s6] =	ssyncadd.s32 $0xFFFFD800  }
0xb0: {  	[tilespmem:s26], [sflag:$0x4] =	stream.indirect.gather [hbm4b:s1+s20], $0x80, s16, s20, $0xb8;
	[tilespmem:$0x1F880] =	vst v63  }
0xb1: {  	_ =	swait.ge [sflag:s28], $0x2800  }
0xb2: {  	[sflag:s28] =	ssyncset.done $0x0  }
0xb3: {  	s13 =	rddreg [dreg:$0xf];
	[sflag:s28] =	ssyncadd.s32 $0xFFFFD800  }
0xb4: {  	[spmem:s3] =	stream.indirect.scatter.add.f32 [tilespmem:s22], [sflag:$0x6], $0x80, s13, s20, $0xb8;
	[tilespmem:$0x1F880] =	vst v63  }
0xb5: {  	_ =	swait.ge [sflag:s29], $0x2800  }
0xb6: {  	[sflag:s29] =	ssyncset.done $0x0  }
0xb7: {  	s15 =	rddreg [dreg:$0x10];
	[sflag:s29] =	ssyncadd.s32 $0xFFFFD800  }
0xb8: {  	[tilespmem:s17], [sflag:$0x1] =	stream.indirect.gather [hbm4b:s1+s20], $0x80, s15, s20, $0xb8;
	[tilespmem:$0x1F880] =	vst v63  }
0xb9: {  	_ =	swait.ge [sflag:s30], $0x2800  }
0xba: {  	[sflag:s30] =	ssyncset.done $0x0  }
0xbb: {  	s16 =	rddreg [dreg:$0x11];
	[sflag:s30] =	ssyncadd.s32 $0xFFFFD800  }
0xbc: {  	[spmem:s3] =	stream.indirect.scatter.add.f32 [tilespmem:s24], [sflag:$0x7], $0x80, s16, s20, $0xb8;
	[tilespmem:$0x1F880] =	vst v63  }
0xbd: {  	_ =	swait.ge [sflag:s31], $0x2800  }
0xbe: {  	[sflag:s31] =	ssyncset.done $0x0  }
0xbf: {  	s13 =	rddreg [dreg:$0x12];
	[sflag:s31] =	ssyncadd.s32 $0xFFFFD800  }
0xc0: {  	[tilespmem:s22], [sflag:$0x2] =	stream.indirect.gather [hbm4b:s1+s20], $0x80, s13, s20, $0xb8;
	[tilespmem:$0x1F880] =	vst v63  }
0xc1: {  	_ =	swait.ge [sflag:s0], $0x2800  }
0xc2: {  	[sflag:s0] =	ssyncset.done $0x0  }
0xc3: {  	s15 =	rddreg [dreg:$0x13];
	[sflag:s0] =	ssyncadd.s32 $0xFFFFD800  }
0xc4: {  	[spmem:s3] =	stream.indirect.scatter.add.f32 [tilespmem:s26], [sflag:$0x8], $0x80, s15, s20, $0xb8;
	[tilespmem:$0x1F880] =	vst v63  }
0xc5: {  	_ =	swait.ge [sflag:s2], $0x2800  }
0xc6: {  	[sflag:s2] =	ssyncset.done $0x0  }
0xc7: {  	s16 =	rddreg [dreg:$0x14];
	[sflag:s2] =	ssyncadd.s32 $0xFFFFD800  }
0xc8: {  	[tilespmem:s24], [sflag:$0x3] =	stream.indirect.gather [hbm4b:s1+s20], $0x80, s16, s20, $0xb8;
	[tilespmem:$0x1F880] =	vst v63  }
0xc9: {  	_ =	swait.ge [sflag:s25], $0x2800  }
0xca: {  	[sflag:s25] =	ssyncset.done $0x0  }
0xcb: {  	s13 =	rddreg [dreg:$0x15];
	[sflag:s25] =	ssyncadd.s32 $0xFFFFD800  }
0xcc: {  	[spmem:s3] =	stream.indirect.scatter.add.f32 [tilespmem:s17], [sflag:$0x5], $0x80, s13, s20, $0xb8;
	[tilespmem:$0x1F880] =	vst v63  }
0xcd: {  	_ =	swait.ge [sflag:s6], $0x2800  }
0xce: {  	[sflag:s6] =	ssyncset.done $0x0  }
0xcf: {  	s15 =	rddreg [dreg:$0x16];
	[sflag:s6] =	ssyncadd.s32 $0xFFFFD800  }
0xd0: {  	[tilespmem:s26], [sflag:$0x4] =	stream.indirect.gather [hbm4b:s1+s20], $0x80, s15, s20, $0xb8;
	[tilespmem:$0x1F880] =	vst v63  }
0xd1: {  	_ =	swait.ge [sflag:s28], $0x2800  }
0xd2: {  	[sflag:s28] =	ssyncset.done $0x0  }
0xd3: {  	s16 =	rddreg [dreg:$0x17];
	[sflag:s28] =	ssyncadd.s32 $0xFFFFD800  }
0xd4: {  	[spmem:s3] =	stream.indirect.scatter.add.f32 [tilespmem:s22], [sflag:$0x6], $0x80, s16, s20, $0xb8;
	[tilespmem:$0x1F880] =	vst v63  }
0xd5: {  	_ =	swait.ge [sflag:s29], $0x2800  }
0xd6: {  	[sflag:s29] =	ssyncset.done $0x0  }
0xd7: {  	s13 =	rddreg [dreg:$0x18];
	[sflag:s29] =	ssyncadd.s32 $0xFFFFD800  }
0xd8: {  	[tilespmem:s17], [sflag:$0x1] =	stream.indirect.gather [hbm4b:s1+s20], $0x80, s13, s20, $0xb8;
	[tilespmem:$0x1F880] =	vst v63  }
0xd9: {  	_ =	swait.ge [sflag:s30], $0x2800  }
0xda: {  	[sflag:s30] =	ssyncset.done $0x0  }
0xdb: {  	s15 =	rddreg [dreg:$0x19];
	[sflag:s30] =	ssyncadd.s32 $0xFFFFD800  }
0xdc: {  	[spmem:s3] =	stream.indirect.scatter.add.f32 [tilespmem:s24], [sflag:$0x7], $0x80, s15, s20, $0xb8;
	[tilespmem:$0x1F880] =	vst v63  }
0xdd: {  	_ =	swait.ge [sflag:s31], $0x2800  }
0xde: {  	[sflag:s31] =	ssyncset.done $0x0  }
0xdf: {  	s16 =	rddreg [dreg:$0x1a];
	[sflag:s31] =	ssyncadd.s32 $0xFFFFD800  }
0xe0: {  	[tilespmem:s22], [sflag:$0x2] =	stream.indirect.gather [hbm4b:s1+s20], $0x80, s16, s20, $0xb8;
	[tilespmem:$0x1F880] =	vst v63  }
0xe1: {  	_ =	swait.ge [sflag:s0], $0x2800  }
0xe2: {  	[sflag:s0] =	ssyncset.done $0x0  }
0xe3: {  	s13 =	rddreg [dreg:$0x1b];
	[sflag:s0] =	ssyncadd.s32 $0xFFFFD800  }
0xe4: {  	[spmem:s3] =	stream.indirect.scatter.add.f32 [tilespmem:s26], [sflag:$0x8], $0x80, s13, s20, $0xb8;
	[tilespmem:$0x1F880] =	vst v63  }
0xe5: {  	_ =	swait.ge [sflag:s2], $0x2800  }
0xe6: {  	[sflag:s2] =	ssyncset.done $0x0  }
0xe7: {  	s15 =	rddreg [dreg:$0x1c];
	[sflag:s2] =	ssyncadd.s32 $0xFFFFD800  }
0xe8: {  	[tilespmem:s24], [sflag:$0x3] =	stream.indirect.gather [hbm4b:s1+s20], $0x80, s15, s20, $0xb8;
	[tilespmem:$0x1F880] =	vst v63  }
0xe9: {  	_ =	swait.ge [sflag:s25], $0x2800  }
0xea: {  	[sflag:s25] =	ssyncset.done $0x0  }
0xeb: {  	s16 =	rddreg [dreg:$0x1d];
	[sflag:s25] =	ssyncadd.s32 $0xFFFFD800  }
0xec: {  	[spmem:s3] =	stream.indirect.scatter.add.f32 [tilespmem:s17], [sflag:$0x5], $0x80, s16, s20, $0xb8;
	[tilespmem:$0x1F880] =	vst v63  }
0xed: {  	_ =	swait.ge [sflag:s6], $0x2800  }
0xee: {  	[sflag:s6] =	ssyncset.done $0x0  }
0xef: {  	s13 =	rddreg [dreg:$0x1e];
	[sflag:s6] =	ssyncadd.s32 $0xFFFFD800  }
0xf0: {  	[tilespmem:s26], [sflag:$0x4] =	stream.indirect.gather [hbm4b:s1+s20], $0x80, s13, s20, $0xb8;
	[tilespmem:$0x1F880] =	vst v63  }
0xf1: {  	_ =	swait.ge [sflag:s28], $0x2800  }
0xf2: {  	[sflag:s28] =	ssyncset.done $0x0  }
0xf3: {  	s15 =	rddreg [dreg:$0x1f];
	[sflag:s28] =	ssyncadd.s32 $0xFFFFD800  }
0xf4: {  	[spmem:s3] =	stream.indirect.scatter.add.f32 [tilespmem:s22], [sflag:$0x6], $0x80, s15, s20, $0xb8;
	[tilespmem:$0x1F880] =	vst v63  }
0xf5: {  	_ =	swait.ge [sflag:s29], $0x2800  }
0xf6: {  	s16 =	sld [smem:$0x7EF]  }
0xf7: {  	[sflag:s29] =	ssyncset.done $0x0  }
0xf8: {  	[sflag:s29] =	ssyncadd.s32 $0xFFFFD800  }
0xf9: {  	[tilespmem:s17], [sflag:$0x1] =	stream.indirect.gather [hbm4b:s1+s20], $0x80, s16, s20, $0xb8;
	[tilespmem:$0x1F880] =	vst v63  }
0xfa: {  	_ =	swait.ge [sflag:s30], $0x2800  }
0xfb: {  	s13 =	sld [smem:$0x7F1]  }
0xfc: {  	[sflag:s30] =	ssyncset.done $0x0  }
0xfd: {  	[sflag:s30] =	ssyncadd.s32 $0xFFFFD800  }
0xfe: {  	[spmem:s3] =	stream.indirect.scatter.add.f32 [tilespmem:s24], [sflag:$0x7], $0x80, s13, s20, $0xb8;
	[tilespmem:$0x1F880] =	vst v63  }
0xff: {  	_ =	swait.ge [sflag:s31], $0x2800  }
0x100: {  	s15 =	sld [smem:$0x7F3]  }
0x101: {  	[sflag:s31] =	ssyncset.done $0x0  }
0x102: {  	[sflag:s31] =	ssyncadd.s32 $0xFFFFD800  }
0x103: {  	[tilespmem:s22], [sflag:$0x2] =	stream.indirect.gather [hbm4b:s1+s20], $0x80, s15, s20, $0xb8;
	[tilespmem:$0x1F880] =	vst v63  }
0x104: {  	_ =	swait.ge [sflag:s0], $0x2800  }
0x105: {  	s16 =	sld [smem:$0x7F4]  }
0x106: {  	[sflag:s0] =	ssyncset.done $0x0  }
0x107: {  	[sflag:s0] =	ssyncadd.s32 $0xFFFFD800  }
0x108: {  	[spmem:s3] =	stream.indirect.scatter.add.f32 [tilespmem:s26], [sflag:$0x8], $0x80, s16, s20, $0xb8;
	[tilespmem:$0x1F880] =	vst v63  }
0x109: {  	_ =	swait.ge [sflag:s2], $0x2800  }
0x10a: {  	s13 =	sld [smem:$0x7F5]  }
0x10b: {  	[sflag:s2] =	ssyncset.done $0x0  }
0x10c: {  	[sflag:s2] =	ssyncadd.s32 $0xFFFFD800  }
0x10d: {  	[tilespmem:s24], [sflag:$0x3] =	stream.indirect.gather [hbm4b:s1+s20], $0x80, s13, s20, $0xb8;
	[tilespmem:$0x1F880] =	vst v63  }
0x10e: {  	_ =	swait.ge [sflag:s25], $0x2800  }
0x10f: {  	s15 =	sld [smem:$0x7F6]  }
0x110: {  	[sflag:s25] =	ssyncset.done $0x0  }
0x111: {  	[sflag:s25] =	ssyncadd.s32 $0xFFFFD800  }
0x112: {  	[spmem:s3] =	stream.indirect.scatter.add.f32 [tilespmem:s17], [sflag:$0x5], $0x80, s15, s20, $0xb8;
	[tilespmem:$0x1F880] =	vst v63  }
0x113: {  	_ =	swait.ge [sflag:s6], $0x2800  }
0x114: {  	s16 =	sld [smem:$0x7F7]  }
0x115: {  	[sflag:s6] =	ssyncset.done $0x0  }
0x116: {  	[sflag:s6] =	ssyncadd.s32 $0xFFFFD800  }
0x117: {  	[tilespmem:s26], [sflag:$0x4] =	stream.indirect.gather [hbm4b:s1+s20], $0x80, s16, s20, $0xb8;
	[tilespmem:$0x1F880] =	vst v63  }
0x118: {  	_ =	swait.ge [sflag:s28], $0x2800  }
0x119: {  	s13 =	sld [smem:$0x7F8]  }
0x11a: {  	[sflag:s28] =	ssyncset.done $0x0  }
0x11b: {  	[sflag:s28] =	ssyncadd.s32 $0xFFFFD800  }
0x11c: {  	[spmem:s3] =	stream.indirect.scatter.add.f32 [tilespmem:s22], [sflag:$0x6], $0x80, s13, s20, $0xb8;
	[tilespmem:$0x1F880] =	vst v63  }
0x11d: {  	_ =	swait.ge [sflag:s29], $0x2800  }
0x11e: {  	s15 =	sld [smem:$0x7F9]  }
0x11f: {  	[sflag:s29] =	ssyncset.done $0x0  }
0x120: {  	[sflag:s29] =	ssyncadd.s32 $0xFFFFD800  }
0x121: {  	[tilespmem:s17], [sflag:$0x1] =	stream.indirect.gather [hbm4b:s1+s20], $0x80, s15, s20, $0xb8;
	[tilespmem:$0x1F880] =	vst v63  }
0x122: {  	_ =	swait.ge [sflag:s30], $0x2800  }
0x123: {  	s16 =	sld [smem:$0x7FA]  }
0x124: {  	[sflag:s30] =	ssyncset.done $0x0  }
0x125: {  	[sflag:s30] =	ssyncadd.s32 $0xFFFFD800  }
0x126: {  	[spmem:s3] =	stream.indirect.scatter.add.f32 [tilespmem:s24], [sflag:$0x7], $0x80, s16, s20, $0xb8;
	[tilespmem:$0x1F880] =	vst v63  }
0x127: {  	_ =	swait.ge [sflag:s31], $0x2800  }
0x128: {  	s13 =	sld [smem:$0x7FB]  }
0x129: {  	[sflag:s31] =	ssyncset.done $0x0  }
0x12a: {  	[sflag:s31] =	ssyncadd.s32 $0xFFFFD800  }
0x12b: {  	[tilespmem:s22], [sflag:$0x2] =	stream.indirect.gather [hbm4b:s1+s20], $0x80, s13, s20, $0xb8;
	[tilespmem:$0x1F880] =	vst v63  }
0x12c: {  	_ =	swait.ge [sflag:s0], $0x2800  }
0x12d: {  	s15 =	sld [smem:$0x7FC]  }
0x12e: {  	[sflag:s0] =	ssyncset.done $0x0  }
0x12f: {  	[sflag:s0] =	ssyncadd.s32 $0xFFFFD800  }
0x130: {  	[spmem:s3] =	stream.indirect.scatter.add.f32 [tilespmem:s26], [sflag:$0x8], $0x80, s15, s20, $0xb8;
	[tilespmem:$0x1F880] =	vst v63  }
0x131: {  	_ =	swait.ge [sflag:s2], $0x2800  }
0x132: {  	s16 =	sld [smem:$0x7FD]  }
0x133: {  	[sflag:s2] =	ssyncset.done $0x0  }
0x134: {  	[sflag:s2] =	ssyncadd.s32 $0xFFFFD800  }
0x135: {  	[tilespmem:s24], [sflag:$0x3] =	stream.indirect.gather [hbm4b:s1+s20], $0x80, s16, s20, $0xb8;
	[tilespmem:$0x1F880] =	vst v63  }
0x136: {  	_ =	swait.ge [sflag:s25], $0x2800  }
0x137: {  	[sflag:s25] =	ssyncset.done $0x0  }
0x138: {  	[sflag:s25] =	ssyncadd.s32 $0xFFFFD800  }
0x139: {  	[spmem:s3] =	stream.indirect.scatter.add.f32 [tilespmem:s17], [sflag:$0x5], $0x80, s7, s20, $0xb8;
	[tilespmem:$0x1F880] =	vst v63  }
0x13a: {  	_ =	swait.ge [sflag:s6], $0x2800  }
0x13b: {  	[sflag:s6] =	ssyncset.done $0x0  }
0x13c: {  	[sflag:s6] =	ssyncadd.s32 $0xFFFFD800  }
0x13d: {  	[tilespmem:s26], [sflag:$0x4] =	stream.indirect.gather [hbm4b:s1+s20], $0x80, s8, s20, $0xb8;
	[tilespmem:$0x1F880] =	vst v63  }
0x13e: {  	_ =	swait.ge [sflag:s28], $0x2800  }
0x13f: {  	[sflag:s28] =	ssyncset.done $0x0  }
0x140: {  	[sflag:s28] =	ssyncadd.s32 $0xFFFFD800  }
0x141: {  	[spmem:s3] =	stream.indirect.scatter.add.f32 [tilespmem:s22], [sflag:$0x6], $0x80, s9, s20, $0xb8;
	[tilespmem:$0x1F880] =	vst v63  }
0x142: {  	_ =	swait.ge [sflag:s29], $0x2800  }
0x143: {  	[sflag:s29] =	ssyncset.done $0x0  }
0x144: {  	[sflag:s29] =	ssyncadd.s32 $0xFFFFD800  }
0x145: {  	[tilespmem:s17], [sflag:$0x1] =	stream.indirect.gather [hbm4b:s1+s20], $0x80, s10, s20, $0xb8;
	[tilespmem:$0x1F880] =	vst v63  }
0x146: {  	_ =	swait.ge [sflag:s30], $0x2800  }
0x147: {  	[sflag:s30] =	ssyncset.done $0x0  }
0x148: {  	[sflag:s30] =	ssyncadd.s32 $0xFFFFD800  }
0x149: {  	[spmem:s3] =	stream.indirect.scatter.add.f32 [tilespmem:s24], [sflag:$0x7], $0x80, s11, s20, $0xb8;
	[tilespmem:$0x1F880] =	vst v63  }
0x14a: {  	_ =	swait.ge [sflag:s0], $0x2800  }
0x14b: {  	[sflag:s0] =	ssyncset.done $0x0  }
0x14c: {  	[sflag:s0] =	ssyncadd.s32 $0xFFFFD800  }
0x14d: {  	[spmem:s3] =	stream.indirect.scatter.add.f32 [tilespmem:s26], [sflag:$0x8], $0x80, s12, s20, $0xb8;
	[tilespmem:$0x1F880] =	vst v63  }
0x14e: {  	_ =	swait.ge [sflag:s25], $0x2800  }
0x14f: {  	[sflag:s25] =	ssyncset.done $0x0  }
0x150: {  	[sflag:s25] =	ssyncadd.s32 $0xFFFFD800  }
0x151: {  	[spmem:s3] =	stream.indirect.scatter.add.f32 [tilespmem:s17], [sflag:$0x5], $0x80, s14, s20, $0xb8;
	[tilespmem:$0x1F880] =	vst v63  }
0x152: {  	_ =	swait.ge [sflag:s31], $0x2800  }
0x153: {  	[sflag:s31] =	ssyncset.done $0x0  }
0x154: {  	[sflag:s31] =	ssyncadd.s32 $0xFFFFD800  }
0x155: {  	_ =	swait.ge [sflag:s2], $0x2800  }
0x156: {  	[sflag:s2] =	ssyncset.done $0x0  }
0x157: {  	[sflag:s2] =	ssyncadd.s32 $0xFFFFD800  }
0x158: {  	_ =	swait.ge [sflag:s6], $0x2800  }
0x159: {  	[sflag:s6] =	ssyncset.done $0x0  }
0x15a: {  	[sflag:s6] =	ssyncadd.s32 $0xFFFFD800  }
0x15b: {  	s13 =	simm.s32 $0x400;
	_ =	swait.ge [sflag:s29], $0x2800  }
0x15c: {  	s16 =	simm.s32 $0x200;
	s5 =	rddreg [dreg:$0x5];
	[sflag:s29] =	ssyncset.done $0x0  }
.LBB2_4:
0x15d: {  	s15 =	smov.u32 s13;
	s5 =	sadd.s32 s16, s5  }
0x15e: {  	[sflag:s29] =	ssyncadd.s32 $0xFFFFD800;
	s16 =	smov.u32 s15;
	s15 =	sadd.s32 $0x14000, s5  }
0x15f: {  	[tilespmem:s4], [sflag:$0x9] =	stream.linear.gather [hbm4b:s15+s4], $0xC80, $0x38;
	[tilespmem:$0x1F880] =	vst v63  }
0x160: {  	_ =	swait.ge [sflag:s18], $0xC80  }
0x161: {  	[sflag:s18] =	ssyncset.done $0x0  }
0x162: {  	[sflag:s18] =	ssyncadd.s32 $0xFFFFF380  }
0x163: {  	[tilespmem:s19], [sflag:$0x9] =	stream.linear.gather [hbm4b:s5+s4], $0xC80, $0x38;
	[tilespmem:$0x1F880] =	vst v63  }
0x164: {  	_ =	swait.ge [sflag:s18], $0xC80  }
0x165: {  	[sflag:s18] =	ssyncset.done $0x0  }
0x166: {  	[sflag:s18] =	ssyncadd.s32 $0xFFFFF380  }
0x167: {  	[tilespmem:s17], [sflag:$0x1] =	stream.indirect.gather [hbm4b:s1+s20], $0x80, s4, s20, $0xb8;
	[tilespmem:$0x1F880] =	vst v63  }
0x168: {  	_ = 	snop  }
0x169: {  	[tilespmem:s22], [sflag:$0x2] =	stream.indirect.gather [hbm4b:s1+s20], $0x80, s21, s20, $0xb8;
	[tilespmem:$0x1F880] =	vst v63  }
0x16a: {  	_ = 	snop  }
0x16b: {  	[tilespmem:s24], [sflag:$0x3] =	stream.indirect.gather [hbm4b:s1+s20], $0x80, s23, s20, $0xb8;
	[tilespmem:$0x1F880] =	vst v63  }
0x16c: {  	_ =	swait.ge [sflag:s25], $0x2800  }
0x16d: {  	[sflag:s25] =	ssyncset.done $0x0  }
0x16e: {  	[sflag:s25] =	ssyncadd.s32 $0xFFFFD800  }
0x16f: {  	[spmem:s3] =	stream.indirect.scatter.add.f32 [tilespmem:s17], [sflag:$0x5], $0x80, s19, s20, $0xb8;
	[tilespmem:$0x1F880] =	vst v63  }
0x170: {  	s15 =	rddreg [dreg:$0x6]  }
0x171: {  	[tilespmem:s26], [sflag:$0x4] =	stream.indirect.gather [hbm4b:s1+s20], $0x80, s15, s20, $0xb8;
	[tilespmem:$0x1F880] =	vst v63  }
0x172: {  	_ =	swait.ge [sflag:s28], $0x2800  }
0x173: {  	[sflag:s28] =	ssyncset.done $0x0  }
0x174: {  	s15 =	rddreg [dreg:$0x7];
	[sflag:s28] =	ssyncadd.s32 $0xFFFFD800  }
0x175: {  	[spmem:s3] =	stream.indirect.scatter.add.f32 [tilespmem:s22], [sflag:$0x6], $0x80, s15, s20, $0xb8;
	[tilespmem:$0x1F880] =	vst v63  }
0x176: {  	_ =	swait.ge [sflag:s29], $0x2800  }
0x177: {  	[sflag:s29] =	ssyncset.done $0x0  }
0x178: {  	s15 =	rddreg [dreg:$0x8];
	[sflag:s29] =	ssyncadd.s32 $0xFFFFD800  }
0x179: {  	[tilespmem:s17], [sflag:$0x1] =	stream.indirect.gather [hbm4b:s1+s20], $0x80, s15, s20, $0xb8;
	[tilespmem:$0x1F880] =	vst v63  }
0x17a: {  	_ =	swait.ge [sflag:s30], $0x2800  }
0x17b: {  	[sflag:s30] =	ssyncset.done $0x0  }
0x17c: {  	s15 =	rddreg [dreg:$0x9];
	[sflag:s30] =	ssyncadd.s32 $0xFFFFD800  }
0x17d: {  	[spmem:s3] =	stream.indirect.scatter.add.f32 [tilespmem:s24], [sflag:$0x7], $0x80, s15, s20, $0xb8;
	[tilespmem:$0x1F880] =	vst v63  }
0x17e: {  	_ =	swait.ge [sflag:s31], $0x2800  }
0x17f: {  	[sflag:s31] =	ssyncset.done $0x0  }
0x180: {  	s15 =	rddreg [dreg:$0xa];
	[sflag:s31] =	ssyncadd.s32 $0xFFFFD800  }
0x181: {  	[tilespmem:s22], [sflag:$0x2] =	stream.indirect.gather [hbm4b:s1+s20], $0x80, s15, s20, $0xb8;
	[tilespmem:$0x1F880] =	vst v63  }
0x182: {  	_ =	swait.ge [sflag:s0], $0x2800  }
0x183: {  	[sflag:s0] =	ssyncset.done $0x0  }
0x184: {  	s15 =	rddreg [dreg:$0xb];
	[sflag:s0] =	ssyncadd.s32 $0xFFFFD800  }
0x185: {  	[spmem:s3] =	stream.indirect.scatter.add.f32 [tilespmem:s26], [sflag:$0x8], $0x80, s15, s20, $0xb8;
	[tilespmem:$0x1F880] =	vst v63  }
0x186: {  	_ =	swait.ge [sflag:s2], $0x2800  }
0x187: {  	[sflag:s2] =	ssyncset.done $0x0  }
0x188: {  	s15 =	rddreg [dreg:$0xc];
	[sflag:s2] =	ssyncadd.s32 $0xFFFFD800  }
0x189: {  	[tilespmem:s24], [sflag:$0x3] =	stream.indirect.gather [hbm4b:s1+s20], $0x80, s15, s20, $0xb8;
	[tilespmem:$0x1F880] =	vst v63  }
0x18a: {  	_ =	swait.ge [sflag:s25], $0x2800  }
0x18b: {  	[sflag:s25] =	ssyncset.done $0x0  }
0x18c: {  	s15 =	rddreg [dreg:$0xd];
	[sflag:s25] =	ssyncadd.s32 $0xFFFFD800  }
0x18d: {  	[spmem:s3] =	stream.indirect.scatter.add.f32 [tilespmem:s17], [sflag:$0x5], $0x80, s15, s20, $0xb8;
	[tilespmem:$0x1F880] =	vst v63  }
0x18e: {  	_ =	swait.ge [sflag:s6], $0x2800  }
0x18f: {  	[sflag:s6] =	ssyncset.done $0x0  }
0x190: {  	s15 =	rddreg [dreg:$0xe];
	[sflag:s6] =	ssyncadd.s32 $0xFFFFD800  }
0x191: {  	[tilespmem:s26], [sflag:$0x4] =	stream.indirect.gather [hbm4b:s1+s20], $0x80, s15, s20, $0xb8;
	[tilespmem:$0x1F880] =	vst v63  }
0x192: {  	_ =	swait.ge [sflag:s28], $0x2800  }
0x193: {  	[sflag:s28] =	ssyncset.done $0x0  }
0x194: {  	s15 =	rddreg [dreg:$0xf];
	[sflag:s28] =	ssyncadd.s32 $0xFFFFD800  }
0x195: {  	[spmem:s3] =	stream.indirect.scatter.add.f32 [tilespmem:s22], [sflag:$0x6], $0x80, s15, s20, $0xb8;
	[tilespmem:$0x1F880] =	vst v63  }
0x196: {  	_ =	swait.ge [sflag:s29], $0x2800  }
0x197: {  	[sflag:s29] =	ssyncset.done $0x0  }
0x198: {  	s15 =	rddreg [dreg:$0x10];
	[sflag:s29] =	ssyncadd.s32 $0xFFFFD800  }
0x199: {  	[tilespmem:s17], [sflag:$0x1] =	stream.indirect.gather [hbm4b:s1+s20], $0x80, s15, s20, $0xb8;
	[tilespmem:$0x1F880] =	vst v63  }
0x19a: {  	_ =	swait.ge [sflag:s30], $0x2800  }
0x19b: {  	[sflag:s30] =	ssyncset.done $0x0  }
0x19c: {  	s15 =	rddreg [dreg:$0x11];
	[sflag:s30] =	ssyncadd.s32 $0xFFFFD800  }
0x19d: {  	[spmem:s3] =	stream.indirect.scatter.add.f32 [tilespmem:s24], [sflag:$0x7], $0x80, s15, s20, $0xb8;
	[tilespmem:$0x1F880] =	vst v63  }
0x19e: {  	_ =	swait.ge [sflag:s31], $0x2800  }
0x19f: {  	[sflag:s31] =	ssyncset.done $0x0  }
0x1a0: {  	s15 =	rddreg [dreg:$0x12];
	[sflag:s31] =	ssyncadd.s32 $0xFFFFD800  }
0x1a1: {  	[tilespmem:s22], [sflag:$0x2] =	stream.indirect.gather [hbm4b:s1+s20], $0x80, s15, s20, $0xb8;
	[tilespmem:$0x1F880] =	vst v63  }
0x1a2: {  	_ =	swait.ge [sflag:s0], $0x2800  }
0x1a3: {  	[sflag:s0] =	ssyncset.done $0x0  }
0x1a4: {  	s15 =	rddreg [dreg:$0x13];
	[sflag:s0] =	ssyncadd.s32 $0xFFFFD800  }
0x1a5: {  	[spmem:s3] =	stream.indirect.scatter.add.f32 [tilespmem:s26], [sflag:$0x8], $0x80, s15, s20, $0xb8;
	[tilespmem:$0x1F880] =	vst v63  }
0x1a6: {  	_ =	swait.ge [sflag:s2], $0x2800  }
0x1a7: {  	[sflag:s2] =	ssyncset.done $0x0  }
0x1a8: {  	s15 =	rddreg [dreg:$0x14];
	[sflag:s2] =	ssyncadd.s32 $0xFFFFD800  }
0x1a9: {  	[tilespmem:s24], [sflag:$0x3] =	stream.indirect.gather [hbm4b:s1+s20], $0x80, s15, s20, $0xb8;
	[tilespmem:$0x1F880] =	vst v63  }
0x1aa: {  	_ =	swait.ge [sflag:s25], $0x2800  }
0x1ab: {  	[sflag:s25] =	ssyncset.done $0x0  }
0x1ac: {  	s15 =	rddreg [dreg:$0x15];
	[sflag:s25] =	ssyncadd.s32 $0xFFFFD800  }
0x1ad: {  	[spmem:s3] =	stream.indirect.scatter.add.f32 [tilespmem:s17], [sflag:$0x5], $0x80, s15, s20, $0xb8;
	[tilespmem:$0x1F880] =	vst v63  }
0x1ae: {  	_ =	swait.ge [sflag:s6], $0x2800  }
0x1af: {  	[sflag:s6] =	ssyncset.done $0x0  }
0x1b0: {  	s15 =	rddreg [dreg:$0x16];
	[sflag:s6] =	ssyncadd.s32 $0xFFFFD800  }
0x1b1: {  	[tilespmem:s26], [sflag:$0x4] =	stream.indirect.gather [hbm4b:s1+s20], $0x80, s15, s20, $0xb8;
	[tilespmem:$0x1F880] =	vst v63  }
0x1b2: {  	_ =	swait.ge [sflag:s28], $0x2800  }
0x1b3: {  	[sflag:s28] =	ssyncset.done $0x0  }
0x1b4: {  	s15 =	rddreg [dreg:$0x17];
	[sflag:s28] =	ssyncadd.s32 $0xFFFFD800  }
0x1b5: {  	[spmem:s3] =	stream.indirect.scatter.add.f32 [tilespmem:s22], [sflag:$0x6], $0x80, s15, s20, $0xb8;
	[tilespmem:$0x1F880] =	vst v63  }
0x1b6: {  	_ =	swait.ge [sflag:s29], $0x2800  }
0x1b7: {  	[sflag:s29] =	ssyncset.done $0x0  }
0x1b8: {  	s15 =	rddreg [dreg:$0x18];
	[sflag:s29] =	ssyncadd.s32 $0xFFFFD800  }
0x1b9: {  	[tilespmem:s17], [sflag:$0x1] =	stream.indirect.gather [hbm4b:s1+s20], $0x80, s15, s20, $0xb8;
	[tilespmem:$0x1F880] =	vst v63  }
0x1ba: {  	_ =	swait.ge [sflag:s30], $0x2800  }
0x1bb: {  	[sflag:s30] =	ssyncset.done $0x0  }
0x1bc: {  	s15 =	rddreg [dreg:$0x19];
	[sflag:s30] =	ssyncadd.s32 $0xFFFFD800  }
0x1bd: {  	[spmem:s3] =	stream.indirect.scatter.add.f32 [tilespmem:s24], [sflag:$0x7], $0x80, s15, s20, $0xb8;
	[tilespmem:$0x1F880] =	vst v63  }
0x1be: {  	_ =	swait.ge [sflag:s31], $0x2800  }
0x1bf: {  	[sflag:s31] =	ssyncset.done $0x0  }
0x1c0: {  	s15 =	rddreg [dreg:$0x1a];
	[sflag:s31] =	ssyncadd.s32 $0xFFFFD800  }
0x1c1: {  	[tilespmem:s22], [sflag:$0x2] =	stream.indirect.gather [hbm4b:s1+s20], $0x80, s15, s20, $0xb8;
	[tilespmem:$0x1F880] =	vst v63  }
0x1c2: {  	_ =	swait.ge [sflag:s0], $0x2800  }
0x1c3: {  	[sflag:s0] =	ssyncset.done $0x0  }
0x1c4: {  	s15 =	rddreg [dreg:$0x1b];
	[sflag:s0] =	ssyncadd.s32 $0xFFFFD800  }
0x1c5: {  	[spmem:s3] =	stream.indirect.scatter.add.f32 [tilespmem:s26], [sflag:$0x8], $0x80, s15, s20, $0xb8;
	[tilespmem:$0x1F880] =	vst v63  }
0x1c6: {  	_ =	swait.ge [sflag:s2], $0x2800  }
0x1c7: {  	[sflag:s2] =	ssyncset.done $0x0  }
0x1c8: {  	s15 =	rddreg [dreg:$0x1c];
	[sflag:s2] =	ssyncadd.s32 $0xFFFFD800  }
0x1c9: {  	[tilespmem:s24], [sflag:$0x3] =	stream.indirect.gather [hbm4b:s1+s20], $0x80, s15, s20, $0xb8;
	[tilespmem:$0x1F880] =	vst v63  }
0x1ca: {  	_ =	swait.ge [sflag:s25], $0x2800  }
0x1cb: {  	[sflag:s25] =	ssyncset.done $0x0  }
0x1cc: {  	s15 =	rddreg [dreg:$0x1d];
	[sflag:s25] =	ssyncadd.s32 $0xFFFFD800  }
0x1cd: {  	[spmem:s3] =	stream.indirect.scatter.add.f32 [tilespmem:s17], [sflag:$0x5], $0x80, s15, s20, $0xb8;
	[tilespmem:$0x1F880] =	vst v63  }
0x1ce: {  	_ =	swait.ge [sflag:s6], $0x2800  }
0x1cf: {  	[sflag:s6] =	ssyncset.done $0x0  }
0x1d0: {  	s15 =	rddreg [dreg:$0x1e];
	[sflag:s6] =	ssyncadd.s32 $0xFFFFD800  }
0x1d1: {  	[tilespmem:s26], [sflag:$0x4] =	stream.indirect.gather [hbm4b:s1+s20], $0x80, s15, s20, $0xb8;
	[tilespmem:$0x1F880] =	vst v63  }
0x1d2: {  	_ =	swait.ge [sflag:s28], $0x2800  }
0x1d3: {  	[sflag:s28] =	ssyncset.done $0x0  }
0x1d4: {  	s15 =	rddreg [dreg:$0x1f];
	[sflag:s28] =	ssyncadd.s32 $0xFFFFD800  }
0x1d5: {  	[spmem:s3] =	stream.indirect.scatter.add.f32 [tilespmem:s22], [sflag:$0x6], $0x80, s15, s20, $0xb8;
	[tilespmem:$0x1F880] =	vst v63  }
0x1d6: {  	_ =	swait.ge [sflag:s29], $0x2800  }
0x1d7: {  	s15 =	sld [smem:$0x7EF]  }
0x1d8: {  	[sflag:s29] =	ssyncset.done $0x0  }
0x1d9: {  	[sflag:s29] =	ssyncadd.s32 $0xFFFFD800  }
0x1da: {  	[tilespmem:s17], [sflag:$0x1] =	stream.indirect.gather [hbm4b:s1+s20], $0x80, s15, s20, $0xb8;
	[tilespmem:$0x1F880] =	vst v63  }
0x1db: {  	_ =	swait.ge [sflag:s30], $0x2800  }
0x1dc: {  	s15 =	sld [smem:$0x7F1]  }
0x1dd: {  	[sflag:s30] =	ssyncset.done $0x0  }
0x1de: {  	[sflag:s30] =	ssyncadd.s32 $0xFFFFD800  }
0x1df: {  	[spmem:s3] =	stream.indirect.scatter.add.f32 [tilespmem:s24], [sflag:$0x7], $0x80, s15, s20, $0xb8;
	[tilespmem:$0x1F880] =	vst v63  }
0x1e0: {  	_ =	swait.ge [sflag:s31], $0x2800  }
0x1e1: {  	s15 =	sld [smem:$0x7F3]  }
0x1e2: {  	[sflag:s31] =	ssyncset.done $0x0  }
0x1e3: {  	[sflag:s31] =	ssyncadd.s32 $0xFFFFD800  }
0x1e4: {  	[tilespmem:s22], [sflag:$0x2] =	stream.indirect.gather [hbm4b:s1+s20], $0x80, s15, s20, $0xb8;
	[tilespmem:$0x1F880] =	vst v63  }
0x1e5: {  	_ =	swait.ge [sflag:s0], $0x2800  }
0x1e6: {  	s15 =	sld [smem:$0x7F4]  }
0x1e7: {  	[sflag:s0] =	ssyncset.done $0x0  }
0x1e8: {  	[sflag:s0] =	ssyncadd.s32 $0xFFFFD800  }
0x1e9: {  	[spmem:s3] =	stream.indirect.scatter.add.f32 [tilespmem:s26], [sflag:$0x8], $0x80, s15, s20, $0xb8;
	[tilespmem:$0x1F880] =	vst v63  }
0x1ea: {  	_ =	swait.ge [sflag:s2], $0x2800  }
0x1eb: {  	s15 =	sld [smem:$0x7F5]  }
0x1ec: {  	[sflag:s2] =	ssyncset.done $0x0  }
0x1ed: {  	[sflag:s2] =	ssyncadd.s32 $0xFFFFD800  }
0x1ee: {  	[tilespmem:s24], [sflag:$0x3] =	stream.indirect.gather [hbm4b:s1+s20], $0x80, s15, s20, $0xb8;
	[tilespmem:$0x1F880] =	vst v63  }
0x1ef: {  	_ =	swait.ge [sflag:s25], $0x2800  }
0x1f0: {  	s15 =	sld [smem:$0x7F6]  }
0x1f1: {  	[sflag:s25] =	ssyncset.done $0x0  }
0x1f2: {  	[sflag:s25] =	ssyncadd.s32 $0xFFFFD800  }
0x1f3: {  	[spmem:s3] =	stream.indirect.scatter.add.f32 [tilespmem:s17], [sflag:$0x5], $0x80, s15, s20, $0xb8;
	[tilespmem:$0x1F880] =	vst v63  }
0x1f4: {  	_ =	swait.ge [sflag:s6], $0x2800  }
0x1f5: {  	s15 =	sld [smem:$0x7F7]  }
0x1f6: {  	[sflag:s6] =	ssyncset.done $0x0  }
0x1f7: {  	[sflag:s6] =	ssyncadd.s32 $0xFFFFD800  }
0x1f8: {  	[tilespmem:s26], [sflag:$0x4] =	stream.indirect.gather [hbm4b:s1+s20], $0x80, s15, s20, $0xb8;
	[tilespmem:$0x1F880] =	vst v63  }
0x1f9: {  	_ =	swait.ge [sflag:s28], $0x2800  }
0x1fa: {  	s15 =	sld [smem:$0x7F8]  }
0x1fb: {  	[sflag:s28] =	ssyncset.done $0x0  }
0x1fc: {  	[sflag:s28] =	ssyncadd.s32 $0xFFFFD800  }
0x1fd: {  	[spmem:s3] =	stream.indirect.scatter.add.f32 [tilespmem:s22], [sflag:$0x6], $0x80, s15, s20, $0xb8;
	[tilespmem:$0x1F880] =	vst v63  }
0x1fe: {  	_ =	swait.ge [sflag:s29], $0x2800  }
0x1ff: {  	s15 =	sld [smem:$0x7F9]  }
0x200: {  	[sflag:s29] =	ssyncset.done $0x0  }
0x201: {  	[sflag:s29] =	ssyncadd.s32 $0xFFFFD800  }
0x202: {  	[tilespmem:s17], [sflag:$0x1] =	stream.indirect.gather [hbm4b:s1+s20], $0x80, s15, s20, $0xb8;
	[tilespmem:$0x1F880] =	vst v63  }
0x203: {  	_ =	swait.ge [sflag:s30], $0x2800  }
0x204: {  	s15 =	sld [smem:$0x7FA]  }
0x205: {  	[sflag:s30] =	ssyncset.done $0x0  }
0x206: {  	[sflag:s30] =	ssyncadd.s32 $0xFFFFD800  }
0x207: {  	[spmem:s3] =	stream.indirect.scatter.add.f32 [tilespmem:s24], [sflag:$0x7], $0x80, s15, s20, $0xb8;
	[tilespmem:$0x1F880] =	vst v63  }
0x208: {  	_ =	swait.ge [sflag:s31], $0x2800  }
0x209: {  	s15 =	sld [smem:$0x7FB]  }
0x20a: {  	[sflag:s31] =	ssyncset.done $0x0  }
0x20b: {  	[sflag:s31] =	ssyncadd.s32 $0xFFFFD800  }
0x20c: {  	[tilespmem:s22], [sflag:$0x2] =	stream.indirect.gather [hbm4b:s1+s20], $0x80, s15, s20, $0xb8;
	[tilespmem:$0x1F880] =	vst v63  }
0x20d: {  	_ =	swait.ge [sflag:s0], $0x2800  }
0x20e: {  	s15 =	sld [smem:$0x7FC]  }
0x20f: {  	[sflag:s0] =	ssyncset.done $0x0  }
0x210: {  	[sflag:s0] =	ssyncadd.s32 $0xFFFFD800  }
0x211: {  	[spmem:s3] =	stream.indirect.scatter.add.f32 [tilespmem:s26], [sflag:$0x8], $0x80, s15, s20, $0xb8;
	[tilespmem:$0x1F880] =	vst v63  }
0x212: {  	_ =	swait.ge [sflag:s2], $0x2800  }
0x213: {  	s15 =	sld [smem:$0x7FD]  }
0x214: {  	[sflag:s2] =	ssyncset.done $0x0  }
0x215: {  	[sflag:s2] =	ssyncadd.s32 $0xFFFFD800  }
0x216: {  	[tilespmem:s24], [sflag:$0x3] =	stream.indirect.gather [hbm4b:s1+s20], $0x80, s15, s20, $0xb8;
	[tilespmem:$0x1F880] =	vst v63  }
0x217: {  	_ =	swait.ge [sflag:s25], $0x2800  }
0x218: {  	[sflag:s25] =	ssyncset.done $0x0  }
0x219: {  	[sflag:s25] =	ssyncadd.s32 $0xFFFFD800  }
0x21a: {  	[spmem:s3] =	stream.indirect.scatter.add.f32 [tilespmem:s17], [sflag:$0x5], $0x80, s7, s20, $0xb8;
	[tilespmem:$0x1F880] =	vst v63  }
0x21b: {  	_ =	swait.ge [sflag:s6], $0x2800  }
0x21c: {  	[sflag:s6] =	ssyncset.done $0x0  }
0x21d: {  	[sflag:s6] =	ssyncadd.s32 $0xFFFFD800  }
0x21e: {  	[tilespmem:s26], [sflag:$0x4] =	stream.indirect.gather [hbm4b:s1+s20], $0x80, s8, s20, $0xb8;
	[tilespmem:$0x1F880] =	vst v63  }
0x21f: {  	_ =	swait.ge [sflag:s28], $0x2800  }
0x220: {  	[sflag:s28] =	ssyncset.done $0x0  }
0x221: {  	[sflag:s28] =	ssyncadd.s32 $0xFFFFD800  }
0x222: {  	[spmem:s3] =	stream.indirect.scatter.add.f32 [tilespmem:s22], [sflag:$0x6], $0x80, s9, s20, $0xb8;
	[tilespmem:$0x1F880] =	vst v63  }
0x223: {  	_ =	swait.ge [sflag:s29], $0x2800  }
0x224: {  	[sflag:s29] =	ssyncset.done $0x0  }
0x225: {  	[sflag:s29] =	ssyncadd.s32 $0xFFFFD800  }
0x226: {  	[tilespmem:s17], [sflag:$0x1] =	stream.indirect.gather [hbm4b:s1+s20], $0x80, s10, s20, $0xb8;
	[tilespmem:$0x1F880] =	vst v63  }
0x227: {  	_ =	swait.ge [sflag:s30], $0x2800  }
0x228: {  	[sflag:s30] =	ssyncset.done $0x0  }
0x229: {  	[sflag:s30] =	ssyncadd.s32 $0xFFFFD800  }
0x22a: {  	[spmem:s3] =	stream.indirect.scatter.add.f32 [tilespmem:s24], [sflag:$0x7], $0x80, s11, s20, $0xb8;
	[tilespmem:$0x1F880] =	vst v63  }
0x22b: {  	_ =	swait.ge [sflag:s0], $0x2800  }
0x22c: {  	[sflag:s0] =	ssyncset.done $0x0  }
0x22d: {  	[sflag:s0] =	ssyncadd.s32 $0xFFFFD800  }
0x22e: {  	[spmem:s3] =	stream.indirect.scatter.add.f32 [tilespmem:s26], [sflag:$0x8], $0x80, s12, s20, $0xb8;
	[tilespmem:$0x1F880] =	vst v63  }
0x22f: {  	_ =	swait.ge [sflag:s25], $0x2800  }
0x230: {  	[sflag:s25] =	ssyncset.done $0x0  }
0x231: {  	[sflag:s25] =	ssyncadd.s32 $0xFFFFD800  }
0x232: {  	[spmem:s3] =	stream.indirect.scatter.add.f32 [tilespmem:s17], [sflag:$0x5], $0x80, s14, s20, $0xb8;
	[tilespmem:$0x1F880] =	vst v63  }
0x233: {  	_ =	swait.ge [sflag:s31], $0x2800  }
0x234: {  	[sflag:s31] =	ssyncset.done $0x0  }
0x235: {  	[sflag:s31] =	ssyncadd.s32 $0xFFFFD800  }
0x236: {  	_ =	swait.ge [sflag:s2], $0x2800  }
0x237: {  	[sflag:s2] =	ssyncset.done $0x0  }
0x238: {  	p1 =	sne.s32 s13, $0x1200;
	[sflag:s2] =	ssyncadd.s32 $0xFFFFD800  }
.Ltmp1:
0x239: {  	_ =	swait.ge [sflag:s6], $0x2800;
	(pc) =	sbr.rel @p1 .LBB2_4-.Ltmp1, $4  }
0x23a: {  	[sflag:s6] =	ssyncset.done $0x0  }
0x23b: {  	[sflag:s6] =	ssyncadd.s32 $0xFFFFD800  }
0x23c: {  	_ =	swait.ge [sflag:s29], $0x2800  }
0x23d: {  	s13 =	sadd.s32 $0x200, s13;
	s5 =	rddreg [dreg:$0x5];
	[sflag:s29] =	ssyncset.done $0x0  }
0x23e: {  	s5 =	sadd.s32 s16, s5  }
0x23f: {  	[sflag:s29] =	ssyncadd.s32 $0xFFFFD800;
	s13 =	sadd.s32 $0x14000, s5  }
0x240: {  	[tilespmem:s4], [sflag:$0x9] =	stream.linear.gather [hbm4b:s13+s4], $0xC80, $0x38;
	[tilespmem:$0x1F880] =	vst v63  }
0x241: {  	_ =	swait.ge [sflag:s18], $0xC80  }
0x242: {  	[sflag:s18] =	ssyncset.done $0x0  }
0x243: {  	[sflag:s18] =	ssyncadd.s32 $0xFFFFF380  }
0x244: {  	[tilespmem:s19], [sflag:$0x9] =	stream.linear.gather [hbm4b:s5+s4], $0xC80, $0x38;
	[tilespmem:$0x1F880] =	vst v63  }
0x245: {  	_ =	swait.ge [sflag:s18], $0xC80  }
0x246: {  	[sflag:s18] =	ssyncset.done $0x0  }
0x247: {  	[sflag:s18] =	ssyncadd.s32 $0xFFFFF380  }
0x248: {  	[tilespmem:s17], [sflag:$0x1] =	stream.indirect.gather [hbm4b:s1+s20], $0x80, s4, s20, $0xb8;
	[tilespmem:$0x1F880] =	vst v63  }
0x249: {  	_ = 	snop  }
0x24a: {  	[tilespmem:s22], [sflag:$0x2] =	stream.indirect.gather [hbm4b:s1+s20], $0x80, s21, s20, $0xb8;
	[tilespmem:$0x1F880] =	vst v63  }
0x24b: {  	_ = 	snop  }
0x24c: {  	[tilespmem:s24], [sflag:$0x3] =	stream.indirect.gather [hbm4b:s1+s20], $0x80, s23, s20, $0xb8;
	[tilespmem:$0x1F880] =	vst v63  }
0x24d: {  	_ =	swait.ge [sflag:s25], $0x2800  }
0x24e: {  	[sflag:s25] =	ssyncset.done $0x0  }
0x24f: {  	[sflag:s25] =	ssyncadd.s32 $0xFFFFD800  }
0x250: {  	[spmem:s3] =	stream.indirect.scatter.add.f32 [tilespmem:s17], [sflag:$0x5], $0x80, s19, s20, $0xb8;
	[tilespmem:$0x1F880] =	vst v63  }
0x251: {  	s15 =	rddreg [dreg:$0x6]  }
0x252: {  	[tilespmem:s26], [sflag:$0x4] =	stream.indirect.gather [hbm4b:s1+s20], $0x80, s15, s20, $0xb8;
	[tilespmem:$0x1F880] =	vst v63  }
0x253: {  	_ =	swait.ge [sflag:s28], $0x2800  }
0x254: {  	[sflag:s28] =	ssyncset.done $0x0  }
0x255: {  	s16 =	rddreg [dreg:$0x7];
	[sflag:s28] =	ssyncadd.s32 $0xFFFFD800  }
0x256: {  	[spmem:s3] =	stream.indirect.scatter.add.f32 [tilespmem:s22], [sflag:$0x6], $0x80, s16, s20, $0xb8;
	[tilespmem:$0x1F880] =	vst v63  }
0x257: {  	_ =	swait.ge [sflag:s29], $0x2800  }
0x258: {  	[sflag:s29] =	ssyncset.done $0x0  }
0x259: {  	s13 =	rddreg [dreg:$0x8];
	[sflag:s29] =	ssyncadd.s32 $0xFFFFD800  }
0x25a: {  	[tilespmem:s17], [sflag:$0x1] =	stream.indirect.gather [hbm4b:s1+s20], $0x80, s13, s20, $0xb8;
	[tilespmem:$0x1F880] =	vst v63  }
0x25b: {  	_ =	swait.ge [sflag:s30], $0x2800  }
0x25c: {  	[sflag:s30] =	ssyncset.done $0x0  }
0x25d: {  	s15 =	rddreg [dreg:$0x9];
	[sflag:s30] =	ssyncadd.s32 $0xFFFFD800  }
0x25e: {  	[spmem:s3] =	stream.indirect.scatter.add.f32 [tilespmem:s24], [sflag:$0x7], $0x80, s15, s20, $0xb8;
	[tilespmem:$0x1F880] =	vst v63  }
0x25f: {  	_ =	swait.ge [sflag:s31], $0x2800  }
0x260: {  	[sflag:s31] =	ssyncset.done $0x0  }
0x261: {  	s16 =	rddreg [dreg:$0xa];
	[sflag:s31] =	ssyncadd.s32 $0xFFFFD800  }
0x262: {  	[tilespmem:s22], [sflag:$0x2] =	stream.indirect.gather [hbm4b:s1+s20], $0x80, s16, s20, $0xb8;
	[tilespmem:$0x1F880] =	vst v63  }
0x263: {  	_ =	swait.ge [sflag:s0], $0x2800  }
0x264: {  	[sflag:s0] =	ssyncset.done $0x0  }
0x265: {  	s13 =	rddreg [dreg:$0xb];
	[sflag:s0] =	ssyncadd.s32 $0xFFFFD800  }
0x266: {  	[spmem:s3] =	stream.indirect.scatter.add.f32 [tilespmem:s26], [sflag:$0x8], $0x80, s13, s20, $0xb8;
	[tilespmem:$0x1F880] =	vst v63  }
0x267: {  	_ =	swait.ge [sflag:s2], $0x2800  }
0x268: {  	[sflag:s2] =	ssyncset.done $0x0  }
0x269: {  	s15 =	rddreg [dreg:$0xc];
	[sflag:s2] =	ssyncadd.s32 $0xFFFFD800  }
0x26a: {  	[tilespmem:s24], [sflag:$0x3] =	stream.indirect.gather [hbm4b:s1+s20], $0x80, s15, s20, $0xb8;
	[tilespmem:$0x1F880] =	vst v63  }
0x26b: {  	_ =	swait.ge [sflag:s25], $0x2800  }
0x26c: {  	[sflag:s25] =	ssyncset.done $0x0  }
0x26d: {  	s16 =	rddreg [dreg:$0xd];
	[sflag:s25] =	ssyncadd.s32 $0xFFFFD800  }
0x26e: {  	[spmem:s3] =	stream.indirect.scatter.add.f32 [tilespmem:s17], [sflag:$0x5], $0x80, s16, s20, $0xb8;
	[tilespmem:$0x1F880] =	vst v63  }
0x26f: {  	_ =	swait.ge [sflag:s6], $0x2800  }
0x270: {  	[sflag:s6] =	ssyncset.done $0x0  }
0x271: {  	s13 =	rddreg [dreg:$0xe];
	[sflag:s6] =	ssyncadd.s32 $0xFFFFD800  }
0x272: {  	[tilespmem:s26], [sflag:$0x4] =	stream.indirect.gather [hbm4b:s1+s20], $0x80, s13, s20, $0xb8;
	[tilespmem:$0x1F880] =	vst v63  }
0x273: {  	_ =	swait.ge [sflag:s28], $0x2800  }
0x274: {  	[sflag:s28] =	ssyncset.done $0x0  }
0x275: {  	s15 =	rddreg [dreg:$0xf];
	[sflag:s28] =	ssyncadd.s32 $0xFFFFD800  }
0x276: {  	[spmem:s3] =	stream.indirect.scatter.add.f32 [tilespmem:s22], [sflag:$0x6], $0x80, s15, s20, $0xb8;
	[tilespmem:$0x1F880] =	vst v63  }
0x277: {  	_ =	swait.ge [sflag:s29], $0x2800  }
0x278: {  	[sflag:s29] =	ssyncset.done $0x0  }
0x279: {  	s16 =	rddreg [dreg:$0x10];
	[sflag:s29] =	ssyncadd.s32 $0xFFFFD800  }
0x27a: {  	[tilespmem:s17], [sflag:$0x1] =	stream.indirect.gather [hbm4b:s1+s20], $0x80, s16, s20, $0xb8;
	[tilespmem:$0x1F880] =	vst v63  }
0x27b: {  	_ =	swait.ge [sflag:s30], $0x2800  }
0x27c: {  	[sflag:s30] =	ssyncset.done $0x0  }
0x27d: {  	s13 =	rddreg [dreg:$0x11];
	[sflag:s30] =	ssyncadd.s32 $0xFFFFD800  }
0x27e: {  	[spmem:s3] =	stream.indirect.scatter.add.f32 [tilespmem:s24], [sflag:$0x7], $0x80, s13, s20, $0xb8;
	[tilespmem:$0x1F880] =	vst v63  }
0x27f: {  	_ =	swait.ge [sflag:s31], $0x2800  }
0x280: {  	[sflag:s31] =	ssyncset.done $0x0  }
0x281: {  	s15 =	rddreg [dreg:$0x12];
	[sflag:s31] =	ssyncadd.s32 $0xFFFFD800  }
0x282: {  	[tilespmem:s22], [sflag:$0x2] =	stream.indirect.gather [hbm4b:s1+s20], $0x80, s15, s20, $0xb8;
	[tilespmem:$0x1F880] =	vst v63  }
0x283: {  	_ =	swait.ge [sflag:s0], $0x2800  }
0x284: {  	[sflag:s0] =	ssyncset.done $0x0  }
0x285: {  	s16 =	rddreg [dreg:$0x13];
	[sflag:s0] =	ssyncadd.s32 $0xFFFFD800  }
0x286: {  	[spmem:s3] =	stream.indirect.scatter.add.f32 [tilespmem:s26], [sflag:$0x8], $0x80, s16, s20, $0xb8;
	[tilespmem:$0x1F880] =	vst v63  }
0x287: {  	_ =	swait.ge [sflag:s2], $0x2800  }
0x288: {  	[sflag:s2] =	ssyncset.done $0x0  }
0x289: {  	s13 =	rddreg [dreg:$0x14];
	[sflag:s2] =	ssyncadd.s32 $0xFFFFD800  }
0x28a: {  	[tilespmem:s24], [sflag:$0x3] =	stream.indirect.gather [hbm4b:s1+s20], $0x80, s13, s20, $0xb8;
	[tilespmem:$0x1F880] =	vst v63  }
0x28b: {  	_ =	swait.ge [sflag:s25], $0x2800  }
0x28c: {  	[sflag:s25] =	ssyncset.done $0x0  }
0x28d: {  	s15 =	rddreg [dreg:$0x15];
	[sflag:s25] =	ssyncadd.s32 $0xFFFFD800  }
0x28e: {  	[spmem:s3] =	stream.indirect.scatter.add.f32 [tilespmem:s17], [sflag:$0x5], $0x80, s15, s20, $0xb8;
	[tilespmem:$0x1F880] =	vst v63  }
0x28f: {  	_ =	swait.ge [sflag:s6], $0x2800  }
0x290: {  	[sflag:s6] =	ssyncset.done $0x0  }
0x291: {  	s16 =	rddreg [dreg:$0x16];
	[sflag:s6] =	ssyncadd.s32 $0xFFFFD800  }
0x292: {  	[tilespmem:s26], [sflag:$0x4] =	stream.indirect.gather [hbm4b:s1+s20], $0x80, s16, s20, $0xb8;
	[tilespmem:$0x1F880] =	vst v63  }
0x293: {  	_ =	swait.ge [sflag:s28], $0x2800  }
0x294: {  	[sflag:s28] =	ssyncset.done $0x0  }
0x295: {  	s13 =	rddreg [dreg:$0x17];
	[sflag:s28] =	ssyncadd.s32 $0xFFFFD800  }
0x296: {  	[spmem:s3] =	stream.indirect.scatter.add.f32 [tilespmem:s22], [sflag:$0x6], $0x80, s13, s20, $0xb8;
	[tilespmem:$0x1F880] =	vst v63  }
0x297: {  	_ =	swait.ge [sflag:s29], $0x2800  }
0x298: {  	[sflag:s29] =	ssyncset.done $0x0  }
0x299: {  	s15 =	rddreg [dreg:$0x18];
	[sflag:s29] =	ssyncadd.s32 $0xFFFFD800  }
0x29a: {  	[tilespmem:s17], [sflag:$0x1] =	stream.indirect.gather [hbm4b:s1+s20], $0x80, s15, s20, $0xb8;
	[tilespmem:$0x1F880] =	vst v63  }
0x29b: {  	_ =	swait.ge [sflag:s30], $0x2800  }
0x29c: {  	[sflag:s30] =	ssyncset.done $0x0  }
0x29d: {  	s16 =	rddreg [dreg:$0x19];
	[sflag:s30] =	ssyncadd.s32 $0xFFFFD800  }
0x29e: {  	[spmem:s3] =	stream.indirect.scatter.add.f32 [tilespmem:s24], [sflag:$0x7], $0x80, s16, s20, $0xb8;
	[tilespmem:$0x1F880] =	vst v63  }
0x29f: {  	_ =	swait.ge [sflag:s31], $0x2800  }
0x2a0: {  	[sflag:s31] =	ssyncset.done $0x0  }
0x2a1: {  	s13 =	rddreg [dreg:$0x1a];
	[sflag:s31] =	ssyncadd.s32 $0xFFFFD800  }
0x2a2: {  	[tilespmem:s22], [sflag:$0x2] =	stream.indirect.gather [hbm4b:s1+s20], $0x80, s13, s20, $0xb8;
	[tilespmem:$0x1F880] =	vst v63  }
0x2a3: {  	_ =	swait.ge [sflag:s0], $0x2800  }
0x2a4: {  	[sflag:s0] =	ssyncset.done $0x0  }
0x2a5: {  	s15 =	rddreg [dreg:$0x1b];
	[sflag:s0] =	ssyncadd.s32 $0xFFFFD800  }
0x2a6: {  	[spmem:s3] =	stream.indirect.scatter.add.f32 [tilespmem:s26], [sflag:$0x8], $0x80, s15, s20, $0xb8;
	[tilespmem:$0x1F880] =	vst v63  }
0x2a7: {  	_ =	swait.ge [sflag:s2], $0x2800  }
0x2a8: {  	[sflag:s2] =	ssyncset.done $0x0  }
0x2a9: {  	s16 =	rddreg [dreg:$0x1c];
	[sflag:s2] =	ssyncadd.s32 $0xFFFFD800  }
0x2aa: {  	[tilespmem:s24], [sflag:$0x3] =	stream.indirect.gather [hbm4b:s1+s20], $0x80, s16, s20, $0xb8;
	[tilespmem:$0x1F880] =	vst v63  }
0x2ab: {  	_ =	swait.ge [sflag:s25], $0x2800  }
0x2ac: {  	[sflag:s25] =	ssyncset.done $0x0  }
0x2ad: {  	s13 =	rddreg [dreg:$0x1d];
	[sflag:s25] =	ssyncadd.s32 $0xFFFFD800  }
0x2ae: {  	[spmem:s3] =	stream.indirect.scatter.add.f32 [tilespmem:s17], [sflag:$0x5], $0x80, s13, s20, $0xb8;
	[tilespmem:$0x1F880] =	vst v63  }
0x2af: {  	_ =	swait.ge [sflag:s6], $0x2800  }
0x2b0: {  	[sflag:s6] =	ssyncset.done $0x0  }
0x2b1: {  	s15 =	rddreg [dreg:$0x1e];
	[sflag:s6] =	ssyncadd.s32 $0xFFFFD800  }
0x2b2: {  	[tilespmem:s26], [sflag:$0x4] =	stream.indirect.gather [hbm4b:s1+s20], $0x80, s15, s20, $0xb8;
	[tilespmem:$0x1F880] =	vst v63  }
0x2b3: {  	_ =	swait.ge [sflag:s28], $0x2800  }
0x2b4: {  	[sflag:s28] =	ssyncset.done $0x0  }
0x2b5: {  	s16 =	rddreg [dreg:$0x1f];
	[sflag:s28] =	ssyncadd.s32 $0xFFFFD800  }
0x2b6: {  	[spmem:s3] =	stream.indirect.scatter.add.f32 [tilespmem:s22], [sflag:$0x6], $0x80, s16, s20, $0xb8;
	[tilespmem:$0x1F880] =	vst v63  }
0x2b7: {  	_ =	swait.ge [sflag:s29], $0x2800  }
0x2b8: {  	s13 =	sld [smem:$0x7EF]  }
0x2b9: {  	[sflag:s29] =	ssyncset.done $0x0  }
0x2ba: {  	[sflag:s29] =	ssyncadd.s32 $0xFFFFD800  }
0x2bb: {  	[tilespmem:s17], [sflag:$0x1] =	stream.indirect.gather [hbm4b:s1+s20], $0x80, s13, s20, $0xb8;
	[tilespmem:$0x1F880] =	vst v63  }
0x2bc: {  	_ =	swait.ge [sflag:s30], $0x2800  }
0x2bd: {  	s15 =	sld [smem:$0x7F1]  }
0x2be: {  	[sflag:s30] =	ssyncset.done $0x0  }
0x2bf: {  	[sflag:s30] =	ssyncadd.s32 $0xFFFFD800  }
0x2c0: {  	[spmem:s3] =	stream.indirect.scatter.add.f32 [tilespmem:s24], [sflag:$0x7], $0x80, s15, s20, $0xb8;
	[tilespmem:$0x1F880] =	vst v63  }
0x2c1: {  	_ =	swait.ge [sflag:s31], $0x2800  }
0x2c2: {  	s16 =	sld [smem:$0x7F3]  }
0x2c3: {  	[sflag:s31] =	ssyncset.done $0x0  }
0x2c4: {  	[sflag:s31] =	ssyncadd.s32 $0xFFFFD800  }
0x2c5: {  	[tilespmem:s22], [sflag:$0x2] =	stream.indirect.gather [hbm4b:s1+s20], $0x80, s16, s20, $0xb8;
	[tilespmem:$0x1F880] =	vst v63  }
0x2c6: {  	_ =	swait.ge [sflag:s0], $0x2800  }
0x2c7: {  	s13 =	sld [smem:$0x7F4]  }
0x2c8: {  	[sflag:s0] =	ssyncset.done $0x0  }
0x2c9: {  	[sflag:s0] =	ssyncadd.s32 $0xFFFFD800  }
0x2ca: {  	[spmem:s3] =	stream.indirect.scatter.add.f32 [tilespmem:s26], [sflag:$0x8], $0x80, s13, s20, $0xb8;
	[tilespmem:$0x1F880] =	vst v63  }
0x2cb: {  	_ =	swait.ge [sflag:s2], $0x2800  }
0x2cc: {  	s15 =	sld [smem:$0x7F5]  }
0x2cd: {  	[sflag:s2] =	ssyncset.done $0x0  }
0x2ce: {  	[sflag:s2] =	ssyncadd.s32 $0xFFFFD800  }
0x2cf: {  	[tilespmem:s24], [sflag:$0x3] =	stream.indirect.gather [hbm4b:s1+s20], $0x80, s15, s20, $0xb8;
	[tilespmem:$0x1F880] =	vst v63  }
0x2d0: {  	_ =	swait.ge [sflag:s25], $0x2800  }
0x2d1: {  	s16 =	sld [smem:$0x7F6]  }
0x2d2: {  	[sflag:s25] =	ssyncset.done $0x0  }
0x2d3: {  	[sflag:s25] =	ssyncadd.s32 $0xFFFFD800  }
0x2d4: {  	[spmem:s3] =	stream.indirect.scatter.add.f32 [tilespmem:s17], [sflag:$0x5], $0x80, s16, s20, $0xb8;
	[tilespmem:$0x1F880] =	vst v63  }
0x2d5: {  	_ =	swait.ge [sflag:s6], $0x2800  }
0x2d6: {  	s13 =	sld [smem:$0x7F7]  }
0x2d7: {  	[sflag:s6] =	ssyncset.done $0x0  }
0x2d8: {  	[sflag:s6] =	ssyncadd.s32 $0xFFFFD800  }
0x2d9: {  	[tilespmem:s26], [sflag:$0x4] =	stream.indirect.gather [hbm4b:s1+s20], $0x80, s13, s20, $0xb8;
	[tilespmem:$0x1F880] =	vst v63  }
0x2da: {  	_ =	swait.ge [sflag:s28], $0x2800  }
0x2db: {  	s15 =	sld [smem:$0x7F8]  }
0x2dc: {  	[sflag:s28] =	ssyncset.done $0x0  }
0x2dd: {  	[sflag:s28] =	ssyncadd.s32 $0xFFFFD800  }
0x2de: {  	[spmem:s3] =	stream.indirect.scatter.add.f32 [tilespmem:s22], [sflag:$0x6], $0x80, s15, s20, $0xb8;
	[tilespmem:$0x1F880] =	vst v63  }
0x2df: {  	_ =	swait.ge [sflag:s29], $0x2800  }
0x2e0: {  	s16 =	sld [smem:$0x7F9]  }
0x2e1: {  	[sflag:s29] =	ssyncset.done $0x0  }
0x2e2: {  	[sflag:s29] =	ssyncadd.s32 $0xFFFFD800  }
0x2e3: {  	[tilespmem:s17], [sflag:$0x1] =	stream.indirect.gather [hbm4b:s1+s20], $0x80, s16, s20, $0xb8;
	[tilespmem:$0x1F880] =	vst v63  }
0x2e4: {  	_ =	swait.ge [sflag:s30], $0x2800  }
0x2e5: {  	s13 =	sld [smem:$0x7FA]  }
0x2e6: {  	[sflag:s30] =	ssyncset.done $0x0  }
0x2e7: {  	[sflag:s30] =	ssyncadd.s32 $0xFFFFD800  }
0x2e8: {  	[spmem:s3] =	stream.indirect.scatter.add.f32 [tilespmem:s24], [sflag:$0x7], $0x80, s13, s20, $0xb8;
	[tilespmem:$0x1F880] =	vst v63  }
0x2e9: {  	_ =	swait.ge [sflag:s31], $0x2800  }
0x2ea: {  	s15 =	sld [smem:$0x7FB]  }
0x2eb: {  	[sflag:s31] =	ssyncset.done $0x0  }
0x2ec: {  	[sflag:s31] =	ssyncadd.s32 $0xFFFFD800  }
0x2ed: {  	[tilespmem:s22], [sflag:$0x2] =	stream.indirect.gather [hbm4b:s1+s20], $0x80, s15, s20, $0xb8;
	[tilespmem:$0x1F880] =	vst v63  }
0x2ee: {  	_ =	swait.ge [sflag:s0], $0x2800  }
0x2ef: {  	s16 =	sld [smem:$0x7FC]  }
0x2f0: {  	[sflag:s0] =	ssyncset.done $0x0  }
0x2f1: {  	[sflag:s0] =	ssyncadd.s32 $0xFFFFD800  }
0x2f2: {  	[spmem:s3] =	stream.indirect.scatter.add.f32 [tilespmem:s26], [sflag:$0x8], $0x80, s16, s20, $0xb8;
	[tilespmem:$0x1F880] =	vst v63  }
0x2f3: {  	_ =	swait.ge [sflag:s2], $0x2800  }
0x2f4: {  	s13 =	sld [smem:$0x7FD]  }
0x2f5: {  	[sflag:s2] =	ssyncset.done $0x0  }
0x2f6: {  	[sflag:s2] =	ssyncadd.s32 $0xFFFFD800  }
0x2f7: {  	[tilespmem:s24], [sflag:$0x3] =	stream.indirect.gather [hbm4b:s1+s20], $0x80, s13, s20, $0xb8;
	[tilespmem:$0x1F880] =	vst v63  }
0x2f8: {  	_ =	swait.ge [sflag:s25], $0x2800  }
0x2f9: {  	[sflag:s25] =	ssyncset.done $0x0  }
0x2fa: {  	[sflag:s25] =	ssyncadd.s32 $0xFFFFD800  }
0x2fb: {  	[spmem:s3] =	stream.indirect.scatter.add.f32 [tilespmem:s17], [sflag:$0x5], $0x80, s7, s20, $0xb8;
	[tilespmem:$0x1F880] =	vst v63  }
0x2fc: {  	_ =	swait.ge [sflag:s6], $0x2800  }
0x2fd: {  	[sflag:s6] =	ssyncset.done $0x0  }
0x2fe: {  	[sflag:s6] =	ssyncadd.s32 $0xFFFFD800  }
0x2ff: {  	[tilespmem:s26], [sflag:$0x4] =	stream.indirect.gather [hbm4b:s1+s20], $0x80, s8, s20, $0xb8;
	[tilespmem:$0x1F880] =	vst v63  }
0x300: {  	_ =	swait.ge [sflag:s28], $0x2800  }
0x301: {  	[sflag:s28] =	ssyncset.done $0x0  }
0x302: {  	[sflag:s28] =	ssyncadd.s32 $0xFFFFD800  }
0x303: {  	[spmem:s3] =	stream.indirect.scatter.add.f32 [tilespmem:s22], [sflag:$0x6], $0x80, s9, s20, $0xb8;
	[tilespmem:$0x1F880] =	vst v63  }
0x304: {  	_ =	swait.ge [sflag:s29], $0x2800  }
0x305: {  	[sflag:s29] =	ssyncset.done $0x0  }
0x306: {  	[sflag:s29] =	ssyncadd.s32 $0xFFFFD800  }
0x307: {  	[tilespmem:s17], [sflag:$0x1] =	stream.indirect.gather [hbm4b:s1+s20], $0x80, s10, s20, $0xb8;
	[tilespmem:$0x1F880] =	vst v63  }
0x308: {  	_ =	swait.ge [sflag:s30], $0x2800  }
0x309: {  	[sflag:s30] =	ssyncset.done $0x0  }
0x30a: {  	[sflag:s30] =	ssyncadd.s32 $0xFFFFD800  }
0x30b: {  	[spmem:s3] =	stream.indirect.scatter.add.f32 [tilespmem:s24], [sflag:$0x7], $0x80, s11, s20, $0xb8;
	[tilespmem:$0x1F880] =	vst v63  }
0x30c: {  	_ =	swait.ge [sflag:s0], $0x2800  }
0x30d: {  	[sflag:s0] =	ssyncset.done $0x0  }
0x30e: {  	[sflag:s0] =	ssyncadd.s32 $0xFFFFD800  }
0x30f: {  	[spmem:s3] =	stream.indirect.scatter.add.f32 [tilespmem:s26], [sflag:$0x8], $0x80, s12, s20, $0xb8;
	[tilespmem:$0x1F880] =	vst v63  }
0x310: {  	_ =	swait.ge [sflag:s25], $0x2800  }
0x311: {  	[sflag:s25] =	ssyncset.done $0x0  }
0x312: {  	[sflag:s25] =	ssyncadd.s32 $0xFFFFD800  }
0x313: {  	[spmem:s3] =	stream.indirect.scatter.add.f32 [tilespmem:s17], [sflag:$0x5], $0x80, s14, s20, $0xb8;
	[tilespmem:$0x1F880] =	vst v63  }
0x314: {  	_ =	swait.ge [sflag:s31], $0x2800  }
0x315: {  	[sflag:s31] =	ssyncset.done $0x0  }
0x316: {  	[sflag:s31] =	ssyncadd.s32 $0xFFFFD800  }
0x317: {  	_ =	swait.ge [sflag:s2], $0x2800  }
0x318: {  	[sflag:s2] =	ssyncset.done $0x0  }
0x319: {  	[sflag:s2] =	ssyncadd.s32 $0xFFFFD800  }
0x31a: {  	_ =	swait.ge [sflag:s6], $0x2800  }
0x31b: {  	[sflag:s6] =	ssyncset.done $0x0  }
0x31c: {  	[sflag:s6] =	ssyncadd.s32 $0xFFFFD800  }
0x31d: {  	_ =	swait.ge [sflag:s29], $0x2800  }
0x31e: {  	[sflag:s29] =	ssyncset.done $0x0  }
0x31f: {  	[sflag:s29] =	ssyncadd.s32 $0xFFFFD800  }
0x320: {  	[bflag:$0x0] =	sbarrier.arrive $0xFFFF  }
0x321: {  	s15 =	stileid.u32;
	s16 =	sld [smem:$0x7EB]  }
0x322: {  	s5 =	sshll.u32 s15, $0x6;
	s15 =	sld [smem:$0x7EE]  }
0x323: {  	s5 =	sor.u32 $0x1C09, s5  }
0x324: {  	[smem:$0x7E3] =	sst s5;
	s13 =	sshrl.u32 s16, $0x3  }
0x325: {  	[hbm:s15@s23], [sflag:s5] =	dma.strided [spmem:s13@s21], $0x2700, s6, $0x10   }
0x326: {  	_ =	swait.ge [sflag:s18], $0x2700  }
0x327: {  	s13 =	sld [smem:$0x7ED];
	_ =	sdelay $0x1  }
0x328: {  	s16 =	sld [smem:$0x7F0]  }
0x329: {  	s21 =	sld [smem:$0x7E3];
	s13 =	sshrl.u32 @!p0 s13, $0x3  }
0x32a: {  	[smem:$0x7E2] =	sst s13  }
0x32b: {  	s5 =	sld [smem:$0x7E2]  }
0x32c: {  	s15 =	simm.s32 @!p0 $0x80;
	[sflag:s18] =	ssyncset.done $0x0  }
0x32d: {  	s23 =	simm.s32 @!p0 $0x100;
	[sflag:s18] =	ssyncadd.s32 $0xFFFFD900;
	s13 =	simm.s32 @!p0 $0x8  }
0x32e: {  	[hbm:s16@s23], [sflag:s21] =	dma.strided @!p0 [spmem:s5@s15], $0x100, s13, $0x10   }
0x32f: {  	s5 =	simm.s32 @!p0 $0x9  }
0x330: {  	_ =	swait.ge @!p0 [sflag:s5], $0x100  }
0x331: {  	s21 =	sld [smem:$0x7E4]  }
0x332: {  	s23 =	sld [smem:$0x7F2];
	_ =	sdelay $0x1  }
0x333: {  	s15 =	sadd.s32 $0x1, s21  }
0x334: {  	p1 =	sne.s32 s15, s23  }
.Ltmp2:
0x335: {  	_ = 	snop;
	(pc) =	sbr.rel @p1 .LBB2_1-.Ltmp2, $3  }
0x336: {  	_ =	sdelay $0x1  }
0x337: {  	[sflag:s5] =	ssyncset.done @!p0 $0x0  }
0x338: {  	[sflag:s5] =	ssyncadd.s32 @!p0 $0xFFFFFF00  }
0x339: {  	_ =	sfence.sel $0x180000  }
0x33a: {  	[bflag:$0x0] =	sbarrier.arrive $0xFFFF  }
0x33b: {  	_ =	strace $0x90000047  }
0x33c: {  	s0 =	stileid.u32;
	[bflag:$0x2] =	sbarrier.arrive $0xFFFF  }
0x33d: {  	p0 =	sne.s32 s0, $0x0;
	s0 =	rddreg [dreg:$0x4]  }
0x33e: {  	s0 =	sadd.s32 @!p0 $0x100000, s0  }
0x33f: {  	[sflag:s0] =	ssyncadd.tile.s32 @!p0 $0x1;
	_ =	shalt  }
.Lfunc_end2:
_tile_overlayer_lowered:
.L_overlay_start_2:
0x340: {  	(tag) =	ssettag $0x2  }
0x341: {  	s0 =	rddreg [dreg:$0x0];
	s2 =	stileid.u32  }
0x342: {  	s1 =	rddreg [dreg:$0x1];
	p0 =	sne.s32 s2, $0x0  }
0x343: {  	s3 =	rddreg [dreg:$0x2];
	[bflag:$0x3] =	sbarrier.arrive $0xFFFF;
	s2 =	simm.s32 @!p0 $0x1C09  }
0x344: {  	[timem:s3], [sflag:s2] =	dma.local @!p0 [hbm:s0], s1  }
0x345: {  	s0 =	simm.s32 @!p0 $0x9  }
0x346: {  	_ =	swait.ge @!p0 [sflag:s0], s1  }
0x347: {  	s1 =	ssub.s32 @!p0 $0x0, s1;
	[sflag:s0] =	ssyncset.done @!p0 $0x0  }
0x348: {  	[sflag:s0] =	ssyncadd.s32 @!p0 s1  }
0x349: {  	[bflag:$0x3] =	sbarrier.arrive $0xFFFF  }
0x34a: {  	_ =	shalt  }

</sc_bundles>
